<compile_context>
chip_gen: v7x
topology: tpu7x:2x2x1
jax: 0.10.2.dev20260603
libtpu: 0.0.44.dev20260713+nightly
codegen_flags: <defaults>
</compile_context>

<pallas_src>
import functools

import jax
import jax.numpy as jnp
from jax import lax
from jax.experimental import pallas as pl
from jax.experimental.pallas import tpu as pltpu
from jax.experimental.pallas import tpu_sc as plsc

NC = 2
NS = 16
LANES = 16


def _make_kernel(B, F, V, E):
    fd = V // F
    seg_len = ((fd + 127) // 128 + 1) * 128
    per_w = F * E // (NC * NS)
    mesh = plsc.VectorSubcoreMesh(core_axis_name="c", subcore_axis_name="s")

    @functools.partial(
        pl.kernel,
        out_type=jax.ShapeDtypeStruct((F, E, B), jnp.float32),
        mesh=mesh,
        scratch_types=[
            pltpu.VMEM((seg_len,), jnp.float32),
            pltpu.VMEM((seg_len,), jnp.float32),
            pltpu.VMEM((B,), jnp.int32),
            pltpu.VMEM((B,), jnp.float32),
            pltpu.VMEM((B,), jnp.float32),
            pltpu.SemaphoreType.DMA,
            pltpu.SemaphoreType.DMA,
            pltpu.SemaphoreType.DMA,
            pltpu.SemaphoreType.DMA,
        ],
        compiler_params=pltpu.CompilerParams(needs_layout_passes=False),
    )
    def k(xt_hbm, tabt_hbm, out_hbm, seg_a, seg_b, idx, row_a, row_b,
          sg0, sg1, sr0, sr1):
        wid = lax.axis_index("s") * NC + lax.axis_index("c")
        base = wid * per_w

        def params(j):
            p = base + j
            f = p // E
            e = p % E
            seg0 = f * fd
            start = seg0 // 128 * 128
            return f, e, start, seg0 - start

        sgs = (sg0, sg1)
        srs = (sr0, sr1)
        segs = (seg_a, seg_b)
        rows = (row_a, row_b)
        cp_seg = [None] * per_w
        cp_out = [None] * per_w
        f0, e0, st0, _ = params(0)
        cp_seg[0] = pltpu.async_copy(
            tabt_hbm.at[e0, pl.ds(st0, seg_len)], segs[0], sgs[0]
        )
        pltpu.sync_copy(xt_hbm.at[f0], idx)
        for j in range(per_w):
            fj, ej, stj, dj = params(j)
            b = j & 1
            if j + 1 < per_w:
                fn, en, stn, _ = params(j + 1)
                cp_seg[j + 1] = pltpu.async_copy(
                    tabt_hbm.at[en, pl.ds(stn, seg_len)],
                    segs[1 - b],
                    sgs[1 - b],
                )
            if j > 0:
                fjm = (base + j - 1) // E

                @pl.when(fj != fjm)
                def _(fj=fj):
                    pltpu.sync_copy(xt_hbm.at[fj], idx)

            cp_seg[j].wait()
            if j >= 2:
                cp_out[j - 2].wait()

            def gather_body(i, b=b, dj=dj):
                iv = idx[pl.ds(i * LANES, LANES)] + dj
                rows[b][pl.ds(i * LANES, LANES)] = plsc.load_gather(
                    segs[b], [iv]
                )

            plsc.parallel_loop(0, B // LANES, unroll=8)(gather_body)
            cp_out[j] = pltpu.async_copy(rows[b], out_hbm.at[fj, ej], srs[b])
        cp_out[per_w - 2].wait()
        cp_out[per_w - 1].wait()

    return k


def kernel(x, table):
    B, F = x.shape
    V, E = table.shape
    out = _make_kernel(B, F, V, E)(x.T.astype(jnp.int32), table.T)
    return out.transpose(2, 0, 1)

# --- scband reference (transcript-rebuilt; emitter-appended) ---
"""Pipeline reference for scband-features-embedding-21852793602468 (READ-ONLY COPY).

The authoritative reference and input builder live on the scoring server;
editing this copy changes nothing except your own understanding.
"""

import jax, jax.numpy as jnp
import numpy as np

FIELD_DIMS = [38461] * 26
EMBED_DIM = 16
BATCH = 16384
TOTAL_VOCAB = sum(FIELD_DIMS)


def setup_inputs(seed: int = 0) -> dict:
    key = jax.random.key(seed)
    k1, k2 = jax.random.split(key)
    x = jax.random.randint(k1, (BATCH, len(FIELD_DIMS)), 0, FIELD_DIMS[0])
    table = jax.random.normal(k2, (TOTAL_VOCAB, EMBED_DIM), dtype=jnp.float32) * 0.01
    return {"x": x, "table": table}


def reference(x, table):
    # offsets = (0, cumsum(field_dims)[:-1]) as in the torch module
    offsets = jnp.asarray(np.concatenate([[0], np.cumsum(FIELD_DIMS)[:-1]]), dtype=x.dtype)
    idx = x + offsets[None, :]  # [B, F]
    return jnp.take(table, idx, axis=0)  # [B, F, E]

if __name__ == "__main__":
    import jax
    _d = setup_inputs()
    print(jax.jit(kernel)(*tuple(_d.values())))

</pallas_src>

<mosaic_0001>
#map = affine_map<(d0, d1) -> (0, 0)>
#map1 = affine_map<(d0, d1) -> (0, 0, 0)>
module attributes {stable_mosaic.version = 14 : i64} {
  func.func @k(%arg0: i32, %arg1: i32, %arg2: memref<26x16384xi32, #tpu.memory_space<hbm>>, %arg3: memref<16x999986xf32, #tpu.memory_space<hbm>>, %arg4: memref<26x16x16384xf32, #tpu.memory_space<hbm>>, %arg5: memref<38656xf32, #tpu.memory_space<vmem>>, %arg6: memref<38656xf32, #tpu.memory_space<vmem>>, %arg7: memref<16384xi32, #tpu.memory_space<vmem>>, %arg8: memref<16384xf32, #tpu.memory_space<vmem>>, %arg9: memref<16384xf32, #tpu.memory_space<vmem>>, %arg10: memref<!tpu.dma_semaphore, #tpu.memory_space<semaphore_mem>>, %arg11: memref<!tpu.dma_semaphore, #tpu.memory_space<semaphore_mem>>, %arg12: memref<!tpu.dma_semaphore, #tpu.memory_space<semaphore_mem>>, %arg13: memref<!tpu.dma_semaphore, #tpu.memory_space<semaphore_mem>>) attributes {dimension_semantics = [#tpu.dimension_semantics<core_parallel>, #tpu.dimension_semantics<subcore_parallel>], iteration_bounds = array<i64: 2, 16>, scalar_prefetch = 0 : i64, scratch_operands = 9 : i64, tpu.core_type = #tpu.core_type<sc_vector_subcore>, window_params = [{transform_indices = #map}, {transform_indices = #map}, {transform_indices = #map1}]} {
    %mul3A = arith.constant 2 : i32
    %mul3A_0 = arith.muli %arg1, %mul3A : i32
    %add3A = arith.addi %mul3A_0, %arg0 : i32
    %mul3A_1 = arith.constant 13 : i32
    %mul3A_2 = arith.muli %add3A, %mul3A_1 : i32
    %add3A_3 = arith.constant 0 : i32
    %add3A_4 = arith.addi %mul3A_2, %add3A_3 : i32
    %jit3A = arith.constant 16 : i32
    %div3A = arith.divsi %add3A_4, %jit3A : i32
    %sign3A = arith.constant 0 : i32
    %sign3A_5 = arith.cmpi sgt, %add3A_4, %sign3A : i32
    %sign3A_6 = arith.extui %sign3A_5 : i1 to i32
    %sign3A_7 = arith.constant 0 : i32
    %sign3A_8 = arith.cmpi slt, %add3A_4, %sign3A_7 : i32
    %sign3A_9 = arith.extui %sign3A_8 : i1 to i32
    %sign3A_10 = arith.subi %sign3A_6, %sign3A_9 : i32
    %sign3A_11 = arith.constant 0 : i32
    %sign3A_12 = arith.cmpi sgt, %jit3A, %sign3A_11 : i32
    %sign3A_13 = arith.extui %sign3A_12 : i1 to i32
    %sign3A_14 = arith.constant 0 : i32
    %sign3A_15 = arith.cmpi slt, %jit3A, %sign3A_14 : i32
    %sign3A_16 = arith.extui %sign3A_15 : i1 to i32
    %sign3A_17 = arith.subi %sign3A_13, %sign3A_16 : i32
    %ne3A = arith.cmpi ne, %sign3A_10, %sign3A_17 : i32
    %rem3A = arith.remsi %add3A_4, %jit3A : i32
    %ne3A_18 = arith.constant 0 : i32
    %ne3A_19 = arith.cmpi ne, %rem3A, %ne3A_18 : i32
    %and3A = arith.andi %ne3A, %ne3A_19 : i1
    %sub3A = arith.constant 1 : i32
    %sub3A_20 = arith.subi %div3A, %sub3A : i32
    %select_n3A = arith.select %and3A, %sub3A_20, %div3A : i32
    %jit3A_21 = arith.constant 16 : i32
    %eq3A = arith.constant 0 : i32
    %eq3A_22 = arith.cmpi eq, %jit3A_21, %eq3A : i32
    %jit3A_23 = arith.constant 1 : i32
    %select_n3A_24 = arith.select %eq3A_22, %jit3A_23, %jit3A_21 : i32
    %rem3A_25 = arith.remsi %add3A_4, %select_n3A_24 : i32
    %ne3A_26 = arith.constant 0 : i32
    %ne3A_27 = arith.cmpi ne, %rem3A_25, %ne3A_26 : i32
    %lt3A = arith.constant 0 : i32
    %lt3A_28 = arith.cmpi slt, %rem3A_25, %lt3A : i32
    %lt3A_29 = arith.constant 0 : i32
    %lt3A_30 = arith.cmpi slt, %select_n3A_24, %lt3A_29 : i32
    %ne3A_31 = arith.xori %lt3A_28, %lt3A_30 : i1
    %and3A_32 = arith.andi %ne3A_31, %ne3A_27 : i1
    %add3A_33 = arith.addi %rem3A_25, %select_n3A_24 : i32
    %select_n3A_34 = arith.select %and3A_32, %add3A_33, %rem3A_25 : i32
    %mul3A_35 = arith.constant 38461 : i32
    %mul3A_36 = arith.muli %select_n3A, %mul3A_35 : i32
    %jit3A_37 = arith.constant 128 : i32
    %div3A_38 = arith.divsi %mul3A_36, %jit3A_37 : i32
    %sign3A_39 = arith.constant 0 : i32
    %sign3A_40 = arith.cmpi sgt, %mul3A_36, %sign3A_39 : i32
    %sign3A_41 = arith.extui %sign3A_40 : i1 to i32
    %sign3A_42 = arith.constant 0 : i32
    %sign3A_43 = arith.cmpi slt, %mul3A_36, %sign3A_42 : i32
    %sign3A_44 = arith.extui %sign3A_43 : i1 to i32
    %sign3A_45 = arith.subi %sign3A_41, %sign3A_44 : i32
    %sign3A_46 = arith.constant 0 : i32
    %sign3A_47 = arith.cmpi sgt, %jit3A_37, %sign3A_46 : i32
    %sign3A_48 = arith.extui %sign3A_47 : i1 to i32
    %sign3A_49 = arith.constant 0 : i32
    %sign3A_50 = arith.cmpi slt, %jit3A_37, %sign3A_49 : i32
    %sign3A_51 = arith.extui %sign3A_50 : i1 to i32
    %sign3A_52 = arith.subi %sign3A_48, %sign3A_51 : i32
    %ne3A_53 = arith.cmpi ne, %sign3A_45, %sign3A_52 : i32
    %rem3A_54 = arith.remsi %mul3A_36, %jit3A_37 : i32
    %ne3A_55 = arith.constant 0 : i32
    %ne3A_56 = arith.cmpi ne, %rem3A_54, %ne3A_55 : i32
    %and3A_57 = arith.andi %ne3A_53, %ne3A_56 : i1
    %sub3A_58 = arith.constant 1 : i32
    %sub3A_59 = arith.subi %div3A_38, %sub3A_58 : i32
    %select_n3A_60 = arith.select %and3A_57, %sub3A_59, %div3A_38 : i32
    %mul3A_61 = arith.constant 128 : i32
    %mul3A_62 = arith.muli %select_n3A_60, %mul3A_61 : i32
    %sub3A_63 = arith.subi %mul3A_36, %mul3A_62 : i32
    %dma_start3A = tpu.memref_slice %arg3[%select_n3A_34, %mul3A_62] : memref<16x999986xf32, #tpu.memory_space<hbm>> -> memref<1x38656xf32, #tpu.memory_space<hbm>>
    %dma_start3A_64 = tpu.memref_squeeze %dma_start3A : memref<1x38656xf32, #tpu.memory_space<hbm>> -> memref<38656xf32, #tpu.memory_space<hbm>>
    %dma_start3A_65 = tpu.memref_slice %arg3[%select_n3A_34, %mul3A_62] : memref<16x999986xf32, #tpu.memory_space<hbm>> -> memref<1x38656xf32, #tpu.memory_space<hbm>>
    %dma_start3A_66 = tpu.memref_squeeze %dma_start3A_65 : memref<1x38656xf32, #tpu.memory_space<hbm>> -> memref<38656xf32, #tpu.memory_space<hbm>>
    tpu.enqueue_dma source(%dma_start3A_66 : memref<38656xf32, #tpu.memory_space<hbm>>) target(%arg5 : memref<38656xf32, #tpu.memory_space<vmem>>) target_semaphore(%arg10 : memref<!tpu.dma_semaphore, #tpu.memory_space<semaphore_mem>>)
    "tpu.region"() ({
      %run_scoped3A = tpu.sem_alloc : memref<!tpu.dma_semaphore, #tpu.memory_space<semaphore_mem>>
      %dma_start3A_2517 = arith.constant 0 : i32
      %dma_start3A_2518 = tpu.memref_slice %arg2[%select_n3A, %dma_start3A_2517] : memref<26x16384xi32, #tpu.memory_space<hbm>> -> memref<1x16384xi32, #tpu.memory_space<hbm>>
      %dma_start3A_2519 = tpu.memref_squeeze %dma_start3A_2518 : memref<1x16384xi32, #tpu.memory_space<hbm>> -> memref<16384xi32, #tpu.memory_space<hbm>>
      %dma_start3A_2520 = arith.constant 0 : i32
      %dma_start3A_2521 = tpu.memref_slice %arg2[%select_n3A, %dma_start3A_2520] : memref<26x16384xi32, #tpu.memory_space<hbm>> -> memref<1x16384xi32, #tpu.memory_space<hbm>>
      %dma_start3A_2522 = tpu.memref_squeeze %dma_start3A_2521 : memref<1x16384xi32, #tpu.memory_space<hbm>> -> memref<16384xi32, #tpu.memory_space<hbm>>
      tpu.enqueue_dma source(%dma_start3A_2522 : memref<16384xi32, #tpu.memory_space<hbm>>) target(%arg7 : memref<16384xi32, #tpu.memory_space<vmem>>) target_semaphore(%run_scoped3A : memref<!tpu.dma_semaphore, #tpu.memory_space<semaphore_mem>>)
      %dma_wait3A_2523 = arith.constant 0 : i32
      %dma_wait3A_2524 = tpu.memref_slice %arg2[%select_n3A, %dma_wait3A_2523] : memref<26x16384xi32, #tpu.memory_space<hbm>> -> memref<1x16384xi32, #tpu.memory_space<hbm>>
      %dma_wait3A_2525 = tpu.memref_squeeze %dma_wait3A_2524 : memref<1x16384xi32, #tpu.memory_space<hbm>> -> memref<16384xi32, #tpu.memory_space<hbm>>
      %dma_wait3A_2526 = arith.constant 0 : i32
      %dma_wait3A_2527 = tpu.memref_slice %arg2[%select_n3A, %dma_wait3A_2526] : memref<26x16384xi32, #tpu.memory_space<hbm>> -> memref<1x16384xi32, #tpu.memory_space<hbm>>
      %dma_wait3A_2528 = tpu.memref_squeeze %dma_wait3A_2527 : memref<1x16384xi32, #tpu.memory_space<hbm>> -> memref<16384xi32, #tpu.memory_space<hbm>>
      tpu.wait_dma2 semaphore(%run_scoped3A : memref<!tpu.dma_semaphore, #tpu.memory_space<semaphore_mem>>) src(%dma_wait3A_2528 : memref<16384xi32, #tpu.memory_space<hbm>>) dst(%arg7 : memref<16384xi32, #tpu.memory_space<vmem>>)
      tpu.yield
    }) : () -> ()
    %add3A_67 = arith.constant 0 : i32
    %add3A_68 = arith.addi %mul3A_2, %add3A_67 : i32
    %jit3A_69 = arith.constant 16 : i32
    %div3A_70 = arith.divsi %add3A_68, %jit3A_69 : i32
    %sign3A_71 = arith.constant 0 : i32
    %sign3A_72 = arith.cmpi sgt, %add3A_68, %sign3A_71 : i32
    %sign3A_73 = arith.extui %sign3A_72 : i1 to i32
    %sign3A_74 = arith.constant 0 : i32
    %sign3A_75 = arith.cmpi slt, %add3A_68, %sign3A_74 : i32
    %sign3A_76 = arith.extui %sign3A_75 : i1 to i32
    %sign3A_77 = arith.subi %sign3A_73, %sign3A_76 : i32
    %sign3A_78 = arith.constant 0 : i32
    %sign3A_79 = arith.cmpi sgt, %jit3A_69, %sign3A_78 : i32
    %sign3A_80 = arith.extui %sign3A_79 : i1 to i32
    %sign3A_81 = arith.constant 0 : i32
    %sign3A_82 = arith.cmpi slt, %jit3A_69, %sign3A_81 : i32
    %sign3A_83 = arith.extui %sign3A_82 : i1 to i32
    %sign3A_84 = arith.subi %sign3A_80, %sign3A_83 : i32
    %ne3A_85 = arith.cmpi ne, %sign3A_77, %sign3A_84 : i32
    %rem3A_86 = arith.remsi %add3A_68, %jit3A_69 : i32
    %ne3A_87 = arith.constant 0 : i32
    %ne3A_88 = arith.cmpi ne, %rem3A_86, %ne3A_87 : i32
    %and3A_89 = arith.andi %ne3A_85, %ne3A_88 : i1
    %sub3A_90 = arith.constant 1 : i32
    %sub3A_91 = arith.subi %div3A_70, %sub3A_90 : i32
    %select_n3A_92 = arith.select %and3A_89, %sub3A_91, %div3A_70 : i32
    %jit3A_93 = arith.constant 16 : i32
    %eq3A_94 = arith.constant 0 : i32
    %eq3A_95 = arith.cmpi eq, %jit3A_93, %eq3A_94 : i32
    %jit3A_96 = arith.constant 1 : i32
    %select_n3A_97 = arith.select %eq3A_95, %jit3A_96, %jit3A_93 : i32
    %rem3A_98 = arith.remsi %add3A_68, %select_n3A_97 : i32
    %ne3A_99 = arith.constant 0 : i32
    %ne3A_100 = arith.cmpi ne, %rem3A_98, %ne3A_99 : i32
    %lt3A_101 = arith.constant 0 : i32
    %lt3A_102 = arith.cmpi slt, %rem3A_98, %lt3A_101 : i32
    %lt3A_103 = arith.constant 0 : i32
    %lt3A_104 = arith.cmpi slt, %select_n3A_97, %lt3A_103 : i32
    %ne3A_105 = arith.xori %lt3A_102, %lt3A_104 : i1
    %and3A_106 = arith.andi %ne3A_105, %ne3A_100 : i1
    %add3A_107 = arith.addi %rem3A_98, %select_n3A_97 : i32
    %select_n3A_108 = arith.select %and3A_106, %add3A_107, %rem3A_98 : i32
    %mul3A_109 = arith.constant 38461 : i32
    %mul3A_110 = arith.muli %select_n3A_92, %mul3A_109 : i32
    %jit3A_111 = arith.constant 128 : i32
    %div3A_112 = arith.divsi %mul3A_110, %jit3A_111 : i32
    %sign3A_113 = arith.constant 0 : i32
    %sign3A_114 = arith.cmpi sgt, %mul3A_110, %sign3A_113 : i32
    %sign3A_115 = arith.extui %sign3A_114 : i1 to i32
    %sign3A_116 = arith.constant 0 : i32
    %sign3A_117 = arith.cmpi slt, %mul3A_110, %sign3A_116 : i32
    %sign3A_118 = arith.extui %sign3A_117 : i1 to i32
    %sign3A_119 = arith.subi %sign3A_115, %sign3A_118 : i32
    %sign3A_120 = arith.constant 0 : i32
    %sign3A_121 = arith.cmpi sgt, %jit3A_111, %sign3A_120 : i32
    %sign3A_122 = arith.extui %sign3A_121 : i1 to i32
    %sign3A_123 = arith.constant 0 : i32
    %sign3A_124 = arith.cmpi slt, %jit3A_111, %sign3A_123 : i32
    %sign3A_125 = arith.extui %sign3A_124 : i1 to i32
    %sign3A_126 = arith.subi %sign3A_122, %sign3A_125 : i32
    %ne3A_127 = arith.cmpi ne, %sign3A_119, %sign3A_126 : i32
    %rem3A_128 = arith.remsi %mul3A_110, %jit3A_111 : i32
    %ne3A_129 = arith.constant 0 : i32
    %ne3A_130 = arith.cmpi ne, %rem3A_128, %ne3A_129 : i32
    %and3A_131 = arith.andi %ne3A_127, %ne3A_130 : i1
    %sub3A_132 = arith.constant 1 : i32
    %sub3A_133 = arith.subi %div3A_112, %sub3A_132 : i32
    %select_n3A_134 = arith.select %and3A_131, %sub3A_133, %div3A_112 : i32
    %mul3A_135 = arith.constant 128 : i32
    %mul3A_136 = arith.muli %select_n3A_134, %mul3A_135 : i32
    %sub3A_137 = arith.subi %mul3A_110, %mul3A_136 : i32
    %add3A_138 = arith.constant 1 : i32
    %add3A_139 = arith.addi %mul3A_2, %add3A_138 : i32
    %jit3A_140 = arith.constant 16 : i32
    %div3A_141 = arith.divsi %add3A_139, %jit3A_140 : i32
    %sign3A_142 = arith.constant 0 : i32
    %sign3A_143 = arith.cmpi sgt, %add3A_139, %sign3A_142 : i32
    %sign3A_144 = arith.extui %sign3A_143 : i1 to i32
    %sign3A_145 = arith.constant 0 : i32
    %sign3A_146 = arith.cmpi slt, %add3A_139, %sign3A_145 : i32
    %sign3A_147 = arith.extui %sign3A_146 : i1 to i32
    %sign3A_148 = arith.subi %sign3A_144, %sign3A_147 : i32
    %sign3A_149 = arith.constant 0 : i32
    %sign3A_150 = arith.cmpi sgt, %jit3A_140, %sign3A_149 : i32
    %sign3A_151 = arith.extui %sign3A_150 : i1 to i32
    %sign3A_152 = arith.constant 0 : i32
    %sign3A_153 = arith.cmpi slt, %jit3A_140, %sign3A_152 : i32
    %sign3A_154 = arith.extui %sign3A_153 : i1 to i32
    %sign3A_155 = arith.subi %sign3A_151, %sign3A_154 : i32
    %ne3A_156 = arith.cmpi ne, %sign3A_148, %sign3A_155 : i32
    %rem3A_157 = arith.remsi %add3A_139, %jit3A_140 : i32
    %ne3A_158 = arith.constant 0 : i32
    %ne3A_159 = arith.cmpi ne, %rem3A_157, %ne3A_158 : i32
    %and3A_160 = arith.andi %ne3A_156, %ne3A_159 : i1
    %sub3A_161 = arith.constant 1 : i32
    %sub3A_162 = arith.subi %div3A_141, %sub3A_161 : i32
    %select_n3A_163 = arith.select %and3A_160, %sub3A_162, %div3A_141 : i32
    %jit3A_164 = arith.constant 16 : i32
    %eq3A_165 = arith.constant 0 : i32
    %eq3A_166 = arith.cmpi eq, %jit3A_164, %eq3A_165 : i32
    %jit3A_167 = arith.constant 1 : i32
    %select_n3A_168 = arith.select %eq3A_166, %jit3A_167, %jit3A_164 : i32
    %rem3A_169 = arith.remsi %add3A_139, %select_n3A_168 : i32
    %ne3A_170 = arith.constant 0 : i32
    %ne3A_171 = arith.cmpi ne, %rem3A_169, %ne3A_170 : i32
    %lt3A_172 = arith.constant 0 : i32
    %lt3A_173 = arith.cmpi slt, %rem3A_169, %lt3A_172 : i32
    %lt3A_174 = arith.constant 0 : i32
    %lt3A_175 = arith.cmpi slt, %select_n3A_168, %lt3A_174 : i32
    %ne3A_176 = arith.xori %lt3A_173, %lt3A_175 : i1
    %and3A_177 = arith.andi %ne3A_176, %ne3A_171 : i1
    %add3A_178 = arith.addi %rem3A_169, %select_n3A_168 : i32
    %select_n3A_179 = arith.select %and3A_177, %add3A_178, %rem3A_169 : i32
    %mul3A_180 = arith.constant 38461 : i32
    %mul3A_181 = arith.muli %select_n3A_163, %mul3A_180 : i32
    %jit3A_182 = arith.constant 128 : i32
    %div3A_183 = arith.divsi %mul3A_181, %jit3A_182 : i32
    %sign3A_184 = arith.constant 0 : i32
    %sign3A_185 = arith.cmpi sgt, %mul3A_181, %sign3A_184 : i32
    %sign3A_186 = arith.extui %sign3A_185 : i1 to i32
    %sign3A_187 = arith.constant 0 : i32
    %sign3A_188 = arith.cmpi slt, %mul3A_181, %sign3A_187 : i32
    %sign3A_189 = arith.extui %sign3A_188 : i1 to i32
    %sign3A_190 = arith.subi %sign3A_186, %sign3A_189 : i32
    %sign3A_191 = arith.constant 0 : i32
    %sign3A_192 = arith.cmpi sgt, %jit3A_182, %sign3A_191 : i32
    %sign3A_193 = arith.extui %sign3A_192 : i1 to i32
    %sign3A_194 = arith.constant 0 : i32
    %sign3A_195 = arith.cmpi slt, %jit3A_182, %sign3A_194 : i32
    %sign3A_196 = arith.extui %sign3A_195 : i1 to i32
    %sign3A_197 = arith.subi %sign3A_193, %sign3A_196 : i32
    %ne3A_198 = arith.cmpi ne, %sign3A_190, %sign3A_197 : i32
    %rem3A_199 = arith.remsi %mul3A_181, %jit3A_182 : i32
    %ne3A_200 = arith.constant 0 : i32
    %ne3A_201 = arith.cmpi ne, %rem3A_199, %ne3A_200 : i32
    %and3A_202 = arith.andi %ne3A_198, %ne3A_201 : i1
    %sub3A_203 = arith.constant 1 : i32
    %sub3A_204 = arith.subi %div3A_183, %sub3A_203 : i32
    %select_n3A_205 = arith.select %and3A_202, %sub3A_204, %div3A_183 : i32
    %mul3A_206 = arith.constant 128 : i32
    %mul3A_207 = arith.muli %select_n3A_205, %mul3A_206 : i32
    %sub3A_208 = arith.subi %mul3A_181, %mul3A_207 : i32
    %dma_start3A_209 = tpu.memref_slice %arg3[%select_n3A_179, %mul3A_207] : memref<16x999986xf32, #tpu.memory_space<hbm>> -> memref<1x38656xf32, #tpu.memory_space<hbm>>
    %dma_start3A_210 = tpu.memref_squeeze %dma_start3A_209 : memref<1x38656xf32, #tpu.memory_space<hbm>> -> memref<38656xf32, #tpu.memory_space<hbm>>
    %dma_start3A_211 = tpu.memref_slice %arg3[%select_n3A_179, %mul3A_207] : memref<16x999986xf32, #tpu.memory_space<hbm>> -> memref<1x38656xf32, #tpu.memory_space<hbm>>
    %dma_start3A_212 = tpu.memref_squeeze %dma_start3A_211 : memref<1x38656xf32, #tpu.memory_space<hbm>> -> memref<38656xf32, #tpu.memory_space<hbm>>
    tpu.enqueue_dma source(%dma_start3A_212 : memref<38656xf32, #tpu.memory_space<hbm>>) target(%arg6 : memref<38656xf32, #tpu.memory_space<vmem>>) target_semaphore(%arg11 : memref<!tpu.dma_semaphore, #tpu.memory_space<semaphore_mem>>)
    %dma_wait3A = tpu.memref_slice %arg3[%select_n3A_34, %mul3A_62] : memref<16x999986xf32, #tpu.memory_space<hbm>> -> memref<1x38656xf32, #tpu.memory_space<hbm>>
    %dma_wait3A_213 = tpu.memref_squeeze %dma_wait3A : memref<1x38656xf32, #tpu.memory_space<hbm>> -> memref<38656xf32, #tpu.memory_space<hbm>>
    %dma_wait3A_214 = tpu.memref_slice %arg3[%select_n3A_34, %mul3A_62] : memref<16x999986xf32, #tpu.memory_space<hbm>> -> memref<1x38656xf32, #tpu.memory_space<hbm>>
    %dma_wait3A_215 = tpu.memref_squeeze %dma_wait3A_214 : memref<1x38656xf32, #tpu.memory_space<hbm>> -> memref<38656xf32, #tpu.memory_space<hbm>>
    tpu.wait_dma2 semaphore(%arg10 : memref<!tpu.dma_semaphore, #tpu.memory_space<semaphore_mem>>) src(%dma_wait3A_215 : memref<38656xf32, #tpu.memory_space<hbm>>) dst(%arg5 : memref<38656xf32, #tpu.memory_space<vmem>>)
    %parallel_loop3A = arith.constant 0 : i32
    %parallel_loop3A_216 = arith.constant 1024 : i32
    %parallel_loop3A_217 = arith.constant 1 : i32
    scf.for %parallel_loop3A_2517 = %parallel_loop3A to %parallel_loop3A_216 step %parallel_loop3A_217  : i32 {
      %parallel_loop3A_2518 = arith.constant 16 : i32
      %parallel_loop3A_2519 = arith.muli %parallel_loop3A_2517, %parallel_loop3A_2518 : i32
      %parallel_loop3A_2520 = arith.index_cast %parallel_loop3A_2519 : i32 to index
      %parallel_loop3A_2521 = tpu.vector_load %arg7[%parallel_loop3A_2520] {strides = array<i32>} : memref<16384xi32, #tpu.memory_space<vmem>>, vector<16xi32>,
      %parallel_loop3A_2522 = vector.broadcast %sub3A_137 : i32 to vector<16xi32>
      %parallel_loop3A_2523 = arith.addi %parallel_loop3A_2521, %parallel_loop3A_2522 : vector<16xi32>
      %parallel_loop3A_2524 = tpu.vector_load_idx %arg5[%parallel_loop3A_2523] : memref<38656xf32, #tpu.memory_space<vmem>>[vector<16xi32>], vector<16xf32>,
      %parallel_loop3A_2525 = arith.constant 16 : i32
      %parallel_loop3A_2526 = arith.muli %parallel_loop3A_2517, %parallel_loop3A_2525 : i32
      %parallel_loop3A_2527 = arith.index_cast %parallel_loop3A_2526 : i32 to index
      %parallel_loop3A_2528 = tpu.vector_load %arg8[%parallel_loop3A_2527] {strides = array<i32>} : memref<16384xf32, #tpu.memory_space<vmem>>, vector<16xf32>,
      tpu.vector_store %arg8[%parallel_loop3A_2527], %parallel_loop3A_2524 {strides = array<i32>} : memref<16384xf32, #tpu.memory_space<vmem>>, vector<16xf32>,
    } {sc.loop_unroll_factor = 8 : i64, sc.parallel_access}
    %dma_start3A_218 = arith.constant 0 : i32
    %dma_start3A_219 = tpu.memref_slice %arg4[%select_n3A_92, %select_n3A_108, %dma_start3A_218] : memref<26x16x16384xf32, #tpu.memory_space<hbm>> -> memref<1x1x16384xf32, #tpu.memory_space<hbm>>
    %dma_start3A_220 = tpu.memref_squeeze %dma_start3A_219 : memref<1x1x16384xf32, #tpu.memory_space<hbm>> -> memref<16384xf32, #tpu.memory_space<hbm>>
    %dma_start3A_221 = arith.constant 0 : i32
    %dma_start3A_222 = tpu.memref_slice %arg4[%select_n3A_92, %select_n3A_108, %dma_start3A_221] : memref<26x16x16384xf32, #tpu.memory_space<hbm>> -> memref<1x1x16384xf32, #tpu.memory_space<hbm>>
    %dma_start3A_223 = tpu.memref_squeeze %dma_start3A_222 : memref<1x1x16384xf32, #tpu.memory_space<hbm>> -> memref<16384xf32, #tpu.memory_space<hbm>>
    tpu.enqueue_dma source(%arg8 : memref<16384xf32, #tpu.memory_space<vmem>>) target(%dma_start3A_223 : memref<16384xf32, #tpu.memory_space<hbm>>) target_semaphore(%arg12 : memref<!tpu.dma_semaphore, #tpu.memory_space<semaphore_mem>>)
    %add3A_224 = arith.constant 1 : i32
    %add3A_225 = arith.addi %mul3A_2, %add3A_224 : i32
    %jit3A_226 = arith.constant 16 : i32
    %div3A_227 = arith.divsi %add3A_225, %jit3A_226 : i32
    %sign3A_228 = arith.constant 0 : i32
    %sign3A_229 = arith.cmpi sgt, %add3A_225, %sign3A_228 : i32
    %sign3A_230 = arith.extui %sign3A_229 : i1 to i32
    %sign3A_231 = arith.constant 0 : i32
    %sign3A_232 = arith.cmpi slt, %add3A_225, %sign3A_231 : i32
    %sign3A_233 = arith.extui %sign3A_232 : i1 to i32
    %sign3A_234 = arith.subi %sign3A_230, %sign3A_233 : i32
    %sign3A_235 = arith.constant 0 : i32
    %sign3A_236 = arith.cmpi sgt, %jit3A_226, %sign3A_235 : i32
    %sign3A_237 = arith.extui %sign3A_236 : i1 to i32
    %sign3A_238 = arith.constant 0 : i32
    %sign3A_239 = arith.cmpi slt, %jit3A_226, %sign3A_238 : i32
    %sign3A_240 = arith.extui %sign3A_239 : i1 to i32
    %sign3A_241 = arith.subi %sign3A_237, %sign3A_240 : i32
    %ne3A_242 = arith.cmpi ne, %sign3A_234, %sign3A_241 : i32
    %rem3A_243 = arith.remsi %add3A_225, %jit3A_226 : i32
    %ne3A_244 = arith.constant 0 : i32
    %ne3A_245 = arith.cmpi ne, %rem3A_243, %ne3A_244 : i32
    %and3A_246 = arith.andi %ne3A_242, %ne3A_245 : i1
    %sub3A_247 = arith.constant 1 : i32
    %sub3A_248 = arith.subi %div3A_227, %sub3A_247 : i32
    %select_n3A_249 = arith.select %and3A_246, %sub3A_248, %div3A_227 : i32
    %jit3A_250 = arith.constant 16 : i32
    %eq3A_251 = arith.constant 0 : i32
    %eq3A_252 = arith.cmpi eq, %jit3A_250, %eq3A_251 : i32
    %jit3A_253 = arith.constant 1 : i32
    %select_n3A_254 = arith.select %eq3A_252, %jit3A_253, %jit3A_250 : i32
    %rem3A_255 = arith.remsi %add3A_225, %select_n3A_254 : i32
    %ne3A_256 = arith.constant 0 : i32
    %ne3A_257 = arith.cmpi ne, %rem3A_255, %ne3A_256 : i32
    %lt3A_258 = arith.constant 0 : i32
    %lt3A_259 = arith.cmpi slt, %rem3A_255, %lt3A_258 : i32
    %lt3A_260 = arith.constant 0 : i32
    %lt3A_261 = arith.cmpi slt, %select_n3A_254, %lt3A_260 : i32
    %ne3A_262 = arith.xori %lt3A_259, %lt3A_261 : i1
    %and3A_263 = arith.andi %ne3A_262, %ne3A_257 : i1
    %add3A_264 = arith.addi %rem3A_255, %select_n3A_254 : i32
    %select_n3A_265 = arith.select %and3A_263, %add3A_264, %rem3A_255 : i32
    %mul3A_266 = arith.constant 38461 : i32
    %mul3A_267 = arith.muli %select_n3A_249, %mul3A_266 : i32
    %jit3A_268 = arith.constant 128 : i32
    %div3A_269 = arith.divsi %mul3A_267, %jit3A_268 : i32
    %sign3A_270 = arith.constant 0 : i32
    %sign3A_271 = arith.cmpi sgt, %mul3A_267, %sign3A_270 : i32
    %sign3A_272 = arith.extui %sign3A_271 : i1 to i32
    %sign3A_273 = arith.constant 0 : i32
    %sign3A_274 = arith.cmpi slt, %mul3A_267, %sign3A_273 : i32
    %sign3A_275 = arith.extui %sign3A_274 : i1 to i32
    %sign3A_276 = arith.subi %sign3A_272, %sign3A_275 : i32
    %sign3A_277 = arith.constant 0 : i32
    %sign3A_278 = arith.cmpi sgt, %jit3A_268, %sign3A_277 : i32
    %sign3A_279 = arith.extui %sign3A_278 : i1 to i32
    %sign3A_280 = arith.constant 0 : i32
    %sign3A_281 = arith.cmpi slt, %jit3A_268, %sign3A_280 : i32
    %sign3A_282 = arith.extui %sign3A_281 : i1 to i32
    %sign3A_283 = arith.subi %sign3A_279, %sign3A_282 : i32
    %ne3A_284 = arith.cmpi ne, %sign3A_276, %sign3A_283 : i32
    %rem3A_285 = arith.remsi %mul3A_267, %jit3A_268 : i32
    %ne3A_286 = arith.constant 0 : i32
    %ne3A_287 = arith.cmpi ne, %rem3A_285, %ne3A_286 : i32
    %and3A_288 = arith.andi %ne3A_284, %ne3A_287 : i1
    %sub3A_289 = arith.constant 1 : i32
    %sub3A_290 = arith.subi %div3A_269, %sub3A_289 : i32
    %select_n3A_291 = arith.select %and3A_288, %sub3A_290, %div3A_269 : i32
    %mul3A_292 = arith.constant 128 : i32
    %mul3A_293 = arith.muli %select_n3A_291, %mul3A_292 : i32
    %sub3A_294 = arith.subi %mul3A_267, %mul3A_293 : i32
    %add3A_295 = arith.constant 2 : i32
    %add3A_296 = arith.addi %mul3A_2, %add3A_295 : i32
    %jit3A_297 = arith.constant 16 : i32
    %div3A_298 = arith.divsi %add3A_296, %jit3A_297 : i32
    %sign3A_299 = arith.constant 0 : i32
    %sign3A_300 = arith.cmpi sgt, %add3A_296, %sign3A_299 : i32
    %sign3A_301 = arith.extui %sign3A_300 : i1 to i32
    %sign3A_302 = arith.constant 0 : i32
    %sign3A_303 = arith.cmpi slt, %add3A_296, %sign3A_302 : i32
    %sign3A_304 = arith.extui %sign3A_303 : i1 to i32
    %sign3A_305 = arith.subi %sign3A_301, %sign3A_304 : i32
    %sign3A_306 = arith.constant 0 : i32
    %sign3A_307 = arith.cmpi sgt, %jit3A_297, %sign3A_306 : i32
    %sign3A_308 = arith.extui %sign3A_307 : i1 to i32
    %sign3A_309 = arith.constant 0 : i32
    %sign3A_310 = arith.cmpi slt, %jit3A_297, %sign3A_309 : i32
    %sign3A_311 = arith.extui %sign3A_310 : i1 to i32
    %sign3A_312 = arith.subi %sign3A_308, %sign3A_311 : i32
    %ne3A_313 = arith.cmpi ne, %sign3A_305, %sign3A_312 : i32
    %rem3A_314 = arith.remsi %add3A_296, %jit3A_297 : i32
    %ne3A_315 = arith.constant 0 : i32
    %ne3A_316 = arith.cmpi ne, %rem3A_314, %ne3A_315 : i32
    %and3A_317 = arith.andi %ne3A_313, %ne3A_316 : i1
    %sub3A_318 = arith.constant 1 : i32
    %sub3A_319 = arith.subi %div3A_298, %sub3A_318 : i32
    %select_n3A_320 = arith.select %and3A_317, %sub3A_319, %div3A_298 : i32
    %jit3A_321 = arith.constant 16 : i32
    %eq3A_322 = arith.constant 0 : i32
    %eq3A_323 = arith.cmpi eq, %jit3A_321, %eq3A_322 : i32
    %jit3A_324 = arith.constant 1 : i32
    %select_n3A_325 = arith.select %eq3A_323, %jit3A_324, %jit3A_321 : i32
    %rem3A_326 = arith.remsi %add3A_296, %select_n3A_325 : i32
    %ne3A_327 = arith.constant 0 : i32
    %ne3A_328 = arith.cmpi ne, %rem3A_326, %ne3A_327 : i32
    %lt3A_329 = arith.constant 0 : i32
    %lt3A_330 = arith.cmpi slt, %rem3A_326, %lt3A_329 : i32
    %lt3A_331 = arith.constant 0 : i32
    %lt3A_332 = arith.cmpi slt, %select_n3A_325, %lt3A_331 : i32
    %ne3A_333 = arith.xori %lt3A_330, %lt3A_332 : i1
    %and3A_334 = arith.andi %ne3A_333, %ne3A_328 : i1
    %add3A_335 = arith.addi %rem3A_326, %select_n3A_325 : i32
    %select_n3A_336 = arith.select %and3A_334, %add3A_335, %rem3A_326 : i32
    %mul3A_337 = arith.constant 38461 : i32
    %mul3A_338 = arith.muli %select_n3A_320, %mul3A_337 : i32
    %jit3A_339 = arith.constant 128 : i32
    %div3A_340 = arith.divsi %mul3A_338, %jit3A_339 : i32
    %sign3A_341 = arith.constant 0 : i32
    %sign3A_342 = arith.cmpi sgt, %mul3A_338, %sign3A_341 : i32
    %sign3A_343 = arith.extui %sign3A_342 : i1 to i32
    %sign3A_344 = arith.constant 0 : i32
    %sign3A_345 = arith.cmpi slt, %mul3A_338, %sign3A_344 : i32
    %sign3A_346 = arith.extui %sign3A_345 : i1 to i32
    %sign3A_347 = arith.subi %sign3A_343, %sign3A_346 : i32
    %sign3A_348 = arith.constant 0 : i32
    %sign3A_349 = arith.cmpi sgt, %jit3A_339, %sign3A_348 : i32
    %sign3A_350 = arith.extui %sign3A_349 : i1 to i32
    %sign3A_351 = arith.constant 0 : i32
    %sign3A_352 = arith.cmpi slt, %jit3A_339, %sign3A_351 : i32
    %sign3A_353 = arith.extui %sign3A_352 : i1 to i32
    %sign3A_354 = arith.subi %sign3A_350, %sign3A_353 : i32
    %ne3A_355 = arith.cmpi ne, %sign3A_347, %sign3A_354 : i32
    %rem3A_356 = arith.remsi %mul3A_338, %jit3A_339 : i32
    %ne3A_357 = arith.constant 0 : i32
    %ne3A_358 = arith.cmpi ne, %rem3A_356, %ne3A_357 : i32
    %and3A_359 = arith.andi %ne3A_355, %ne3A_358 : i1
    %sub3A_360 = arith.constant 1 : i32
    %sub3A_361 = arith.subi %div3A_340, %sub3A_360 : i32
    %select_n3A_362 = arith.select %and3A_359, %sub3A_361, %div3A_340 : i32
    %mul3A_363 = arith.constant 128 : i32
    %mul3A_364 = arith.muli %select_n3A_362, %mul3A_363 : i32
    %sub3A_365 = arith.subi %mul3A_338, %mul3A_364 : i32
    %dma_start3A_366 = tpu.memref_slice %arg3[%select_n3A_336, %mul3A_364] : memref<16x999986xf32, #tpu.memory_space<hbm>> -> memref<1x38656xf32, #tpu.memory_space<hbm>>
    %dma_start3A_367 = tpu.memref_squeeze %dma_start3A_366 : memref<1x38656xf32, #tpu.memory_space<hbm>> -> memref<38656xf32, #tpu.memory_space<hbm>>
    %dma_start3A_368 = tpu.memref_slice %arg3[%select_n3A_336, %mul3A_364] : memref<16x999986xf32, #tpu.memory_space<hbm>> -> memref<1x38656xf32, #tpu.memory_space<hbm>>
    %dma_start3A_369 = tpu.memref_squeeze %dma_start3A_368 : memref<1x38656xf32, #tpu.memory_space<hbm>> -> memref<38656xf32, #tpu.memory_space<hbm>>
    tpu.enqueue_dma source(%dma_start3A_369 : memref<38656xf32, #tpu.memory_space<hbm>>) target(%arg5 : memref<38656xf32, #tpu.memory_space<vmem>>) target_semaphore(%arg10 : memref<!tpu.dma_semaphore, #tpu.memory_space<semaphore_mem>>)
    %add3A_370 = arith.constant 1 : i32
    %add3A_371 = arith.addi %mul3A_2, %add3A_370 : i32
    %sub3A_372 = arith.constant 1 : i32
    %sub3A_373 = arith.subi %add3A_371, %sub3A_372 : i32
    %jit3A_374 = arith.constant 16 : i32
    %div3A_375 = arith.divsi %sub3A_373, %jit3A_374 : i32
    %sign3A_376 = arith.constant 0 : i32
    %sign3A_377 = arith.cmpi sgt, %sub3A_373, %sign3A_376 : i32
    %sign3A_378 = arith.extui %sign3A_377 : i1 to i32
    %sign3A_379 = arith.constant 0 : i32
    %sign3A_380 = arith.cmpi slt, %sub3A_373, %sign3A_379 : i32
    %sign3A_381 = arith.extui %sign3A_380 : i1 to i32
    %sign3A_382 = arith.subi %sign3A_378, %sign3A_381 : i32
    %sign3A_383 = arith.constant 0 : i32
    %sign3A_384 = arith.cmpi sgt, %jit3A_374, %sign3A_383 : i32
    %sign3A_385 = arith.extui %sign3A_384 : i1 to i32
    %sign3A_386 = arith.constant 0 : i32
    %sign3A_387 = arith.cmpi slt, %jit3A_374, %sign3A_386 : i32
    %sign3A_388 = arith.extui %sign3A_387 : i1 to i32
    %sign3A_389 = arith.subi %sign3A_385, %sign3A_388 : i32
    %ne3A_390 = arith.cmpi ne, %sign3A_382, %sign3A_389 : i32
    %rem3A_391 = arith.remsi %sub3A_373, %jit3A_374 : i32
    %ne3A_392 = arith.constant 0 : i32
    %ne3A_393 = arith.cmpi ne, %rem3A_391, %ne3A_392 : i32
    %and3A_394 = arith.andi %ne3A_390, %ne3A_393 : i1
    %sub3A_395 = arith.constant 1 : i32
    %sub3A_396 = arith.subi %div3A_375, %sub3A_395 : i32
    %select_n3A_397 = arith.select %and3A_394, %sub3A_396, %div3A_375 : i32
    %ne3A_398 = arith.cmpi ne, %select_n3A_249, %select_n3A_397 : i32
    %convert_element_type3A = arith.extui %ne3A_398 : i1 to i32
    %cond3A = arith.constant 0 : i32
    %cond3A_399 = arith.cmpi ne, %convert_element_type3A, %cond3A : i32
    scf.if %cond3A_399 {
      "tpu.region"() ({
        %run_scoped3A = tpu.sem_alloc : memref<!tpu.dma_semaphore, #tpu.memory_space<semaphore_mem>>
        %dma_start3A_2517 = arith.constant 0 : i32
        %dma_start3A_2518 = tpu.memref_slice %arg2[%select_n3A_249, %dma_start3A_2517] : memref<26x16384xi32, #tpu.memory_space<hbm>> -> memref<1x16384xi32, #tpu.memory_space<hbm>>
        %dma_start3A_2519 = tpu.memref_squeeze %dma_start3A_2518 : memref<1x16384xi32, #tpu.memory_space<hbm>> -> memref<16384xi32, #tpu.memory_space<hbm>>
        %dma_start3A_2520 = arith.constant 0 : i32
        %dma_start3A_2521 = tpu.memref_slice %arg2[%select_n3A_249, %dma_start3A_2520] : memref<26x16384xi32, #tpu.memory_space<hbm>> -> memref<1x16384xi32, #tpu.memory_space<hbm>>
        %dma_start3A_2522 = tpu.memref_squeeze %dma_start3A_2521 : memref<1x16384xi32, #tpu.memory_space<hbm>> -> memref<16384xi32, #tpu.memory_space<hbm>>
        tpu.enqueue_dma source(%dma_start3A_2522 : memref<16384xi32, #tpu.memory_space<hbm>>) target(%arg7 : memref<16384xi32, #tpu.memory_space<vmem>>) target_semaphore(%run_scoped3A : memref<!tpu.dma_semaphore, #tpu.memory_space<semaphore_mem>>)
        %dma_wait3A_2523 = arith.constant 0 : i32
        %dma_wait3A_2524 = tpu.memref_slice %arg2[%select_n3A_249, %dma_wait3A_2523] : memref<26x16384xi32, #tpu.memory_space<hbm>> -> memref<1x16384xi32, #tpu.memory_space<hbm>>
        %dma_wait3A_2525 = tpu.memref_squeeze %dma_wait3A_2524 : memref<1x16384xi32, #tpu.memory_space<hbm>> -> memref<16384xi32, #tpu.memory_space<hbm>>
        %dma_wait3A_2526 = arith.constant 0 : i32
        %dma_wait3A_2527 = tpu.memref_slice %arg2[%select_n3A_249, %dma_wait3A_2526] : memref<26x16384xi32, #tpu.memory_space<hbm>> -> memref<1x16384xi32, #tpu.memory_space<hbm>>
        %dma_wait3A_2528 = tpu.memref_squeeze %dma_wait3A_2527 : memref<1x16384xi32, #tpu.memory_space<hbm>> -> memref<16384xi32, #tpu.memory_space<hbm>>
        tpu.wait_dma2 semaphore(%run_scoped3A : memref<!tpu.dma_semaphore, #tpu.memory_space<semaphore_mem>>) src(%dma_wait3A_2528 : memref<16384xi32, #tpu.memory_space<hbm>>) dst(%arg7 : memref<16384xi32, #tpu.memory_space<vmem>>)
        tpu.yield
      }) : () -> ()
    } else {
    }
    %dma_wait3A_400 = tpu.memref_slice %arg3[%select_n3A_179, %mul3A_207] : memref<16x999986xf32, #tpu.memory_space<hbm>> -> memref<1x38656xf32, #tpu.memory_space<hbm>>
    %dma_wait3A_401 = tpu.memref_squeeze %dma_wait3A_400 : memref<1x38656xf32, #tpu.memory_space<hbm>> -> memref<38656xf32, #tpu.memory_space<hbm>>
    %dma_wait3A_402 = tpu.memref_slice %arg3[%select_n3A_179, %mul3A_207] : memref<16x999986xf32, #tpu.memory_space<hbm>> -> memref<1x38656xf32, #tpu.memory_space<hbm>>
    %dma_wait3A_403 = tpu.memref_squeeze %dma_wait3A_402 : memref<1x38656xf32, #tpu.memory_space<hbm>> -> memref<38656xf32, #tpu.memory_space<hbm>>
    tpu.wait_dma2 semaphore(%arg11 : memref<!tpu.dma_semaphore, #tpu.memory_space<semaphore_mem>>) src(%dma_wait3A_403 : memref<38656xf32, #tpu.memory_space<hbm>>) dst(%arg6 : memref<38656xf32, #tpu.memory_space<vmem>>)
    %parallel_loop3A_404 = arith.constant 0 : i32
    %parallel_loop3A_405 = arith.constant 1024 : i32
    %parallel_loop3A_406 = arith.constant 1 : i32
    scf.for %parallel_loop3A_2517 = %parallel_loop3A_404 to %parallel_loop3A_405 step %parallel_loop3A_406  : i32 {
      %parallel_loop3A_2518 = arith.constant 16 : i32
      %parallel_loop3A_2519 = arith.muli %parallel_loop3A_2517, %parallel_loop3A_2518 : i32
      %parallel_loop3A_2520 = arith.index_cast %parallel_loop3A_2519 : i32 to index
      %parallel_loop3A_2521 = tpu.vector_load %arg7[%parallel_loop3A_2520] {strides = array<i32>} : memref<16384xi32, #tpu.memory_space<vmem>>, vector<16xi32>,
      %parallel_loop3A_2522 = vector.broadcast %sub3A_294 : i32 to vector<16xi32>
      %parallel_loop3A_2523 = arith.addi %parallel_loop3A_2521, %parallel_loop3A_2522 : vector<16xi32>
      %parallel_loop3A_2524 = tpu.vector_load_idx %arg6[%parallel_loop3A_2523] : memref<38656xf32, #tpu.memory_space<vmem>>[vector<16xi32>], vector<16xf32>,
      %parallel_loop3A_2525 = arith.constant 16 : i32
      %parallel_loop3A_2526 = arith.muli %parallel_loop3A_2517, %parallel_loop3A_2525 : i32
      %parallel_loop3A_2527 = arith.index_cast %parallel_loop3A_2526 : i32 to index
      %parallel_loop3A_2528 = tpu.vector_load %arg9[%parallel_loop3A_2527] {strides = array<i32>} : memref<16384xf32, #tpu.memory_space<vmem>>, vector<16xf32>,
      tpu.vector_store %arg9[%parallel_loop3A_2527], %parallel_loop3A_2524 {strides = array<i32>} : memref<16384xf32, #tpu.memory_space<vmem>>, vector<16xf32>,
    } {sc.loop_unroll_factor = 8 : i64, sc.parallel_access}
    %dma_start3A_407 = arith.constant 0 : i32
    %dma_start3A_408 = tpu.memref_slice %arg4[%select_n3A_249, %select_n3A_265, %dma_start3A_407] : memref<26x16x16384xf32, #tpu.memory_space<hbm>> -> memref<1x1x16384xf32, #tpu.memory_space<hbm>>
    %dma_start3A_409 = tpu.memref_squeeze %dma_start3A_408 : memref<1x1x16384xf32, #tpu.memory_space<hbm>> -> memref<16384xf32, #tpu.memory_space<hbm>>
    %dma_start3A_410 = arith.constant 0 : i32
    %dma_start3A_411 = tpu.memref_slice %arg4[%select_n3A_249, %select_n3A_265, %dma_start3A_410] : memref<26x16x16384xf32, #tpu.memory_space<hbm>> -> memref<1x1x16384xf32, #tpu.memory_space<hbm>>
    %dma_start3A_412 = tpu.memref_squeeze %dma_start3A_411 : memref<1x1x16384xf32, #tpu.memory_space<hbm>> -> memref<16384xf32, #tpu.memory_space<hbm>>
    tpu.enqueue_dma source(%arg9 : memref<16384xf32, #tpu.memory_space<vmem>>) target(%dma_start3A_412 : memref<16384xf32, #tpu.memory_space<hbm>>) target_semaphore(%arg13 : memref<!tpu.dma_semaphore, #tpu.memory_space<semaphore_mem>>)
    %add3A_413 = arith.constant 2 : i32
    %add3A_414 = arith.addi %mul3A_2, %add3A_413 : i32
    %jit3A_415 = arith.constant 16 : i32
    %div3A_416 = arith.divsi %add3A_414, %jit3A_415 : i32
    %sign3A_417 = arith.constant 0 : i32
    %sign3A_418 = arith.cmpi sgt, %add3A_414, %sign3A_417 : i32
    %sign3A_419 = arith.extui %sign3A_418 : i1 to i32
    %sign3A_420 = arith.constant 0 : i32
    %sign3A_421 = arith.cmpi slt, %add3A_414, %sign3A_420 : i32
    %sign3A_422 = arith.extui %sign3A_421 : i1 to i32
    %sign3A_423 = arith.subi %sign3A_419, %sign3A_422 : i32
    %sign3A_424 = arith.constant 0 : i32
    %sign3A_425 = arith.cmpi sgt, %jit3A_415, %sign3A_424 : i32
    %sign3A_426 = arith.extui %sign3A_425 : i1 to i32
    %sign3A_427 = arith.constant 0 : i32
    %sign3A_428 = arith.cmpi slt, %jit3A_415, %sign3A_427 : i32
    %sign3A_429 = arith.extui %sign3A_428 : i1 to i32
    %sign3A_430 = arith.subi %sign3A_426, %sign3A_429 : i32
    %ne3A_431 = arith.cmpi ne, %sign3A_423, %sign3A_430 : i32
    %rem3A_432 = arith.remsi %add3A_414, %jit3A_415 : i32
    %ne3A_433 = arith.constant 0 : i32
    %ne3A_434 = arith.cmpi ne, %rem3A_432, %ne3A_433 : i32
    %and3A_435 = arith.andi %ne3A_431, %ne3A_434 : i1
    %sub3A_436 = arith.constant 1 : i32
    %sub3A_437 = arith.subi %div3A_416, %sub3A_436 : i32
    %select_n3A_438 = arith.select %and3A_435, %sub3A_437, %div3A_416 : i32
    %jit3A_439 = arith.constant 16 : i32
    %eq3A_440 = arith.constant 0 : i32
    %eq3A_441 = arith.cmpi eq, %jit3A_439, %eq3A_440 : i32
    %jit3A_442 = arith.constant 1 : i32
    %select_n3A_443 = arith.select %eq3A_441, %jit3A_442, %jit3A_439 : i32
    %rem3A_444 = arith.remsi %add3A_414, %select_n3A_443 : i32
    %ne3A_445 = arith.constant 0 : i32
    %ne3A_446 = arith.cmpi ne, %rem3A_444, %ne3A_445 : i32
    %lt3A_447 = arith.constant 0 : i32
    %lt3A_448 = arith.cmpi slt, %rem3A_444, %lt3A_447 : i32
    %lt3A_449 = arith.constant 0 : i32
    %lt3A_450 = arith.cmpi slt, %select_n3A_443, %lt3A_449 : i32
    %ne3A_451 = arith.xori %lt3A_448, %lt3A_450 : i1
    %and3A_452 = arith.andi %ne3A_451, %ne3A_446 : i1
    %add3A_453 = arith.addi %rem3A_444, %select_n3A_443 : i32
    %select_n3A_454 = arith.select %and3A_452, %add3A_453, %rem3A_444 : i32
    %mul3A_455 = arith.constant 38461 : i32
    %mul3A_456 = arith.muli %select_n3A_438, %mul3A_455 : i32
    %jit3A_457 = arith.constant 128 : i32
    %div3A_458 = arith.divsi %mul3A_456, %jit3A_457 : i32
    %sign3A_459 = arith.constant 0 : i32
    %sign3A_460 = arith.cmpi sgt, %mul3A_456, %sign3A_459 : i32
    %sign3A_461 = arith.extui %sign3A_460 : i1 to i32
    %sign3A_462 = arith.constant 0 : i32
    %sign3A_463 = arith.cmpi slt, %mul3A_456, %sign3A_462 : i32
    %sign3A_464 = arith.extui %sign3A_463 : i1 to i32
    %sign3A_465 = arith.subi %sign3A_461, %sign3A_464 : i32
    %sign3A_466 = arith.constant 0 : i32
    %sign3A_467 = arith.cmpi sgt, %jit3A_457, %sign3A_466 : i32
    %sign3A_468 = arith.extui %sign3A_467 : i1 to i32
    %sign3A_469 = arith.constant 0 : i32
    %sign3A_470 = arith.cmpi slt, %jit3A_457, %sign3A_469 : i32
    %sign3A_471 = arith.extui %sign3A_470 : i1 to i32
    %sign3A_472 = arith.subi %sign3A_468, %sign3A_471 : i32
    %ne3A_473 = arith.cmpi ne, %sign3A_465, %sign3A_472 : i32
    %rem3A_474 = arith.remsi %mul3A_456, %jit3A_457 : i32
    %ne3A_475 = arith.constant 0 : i32
    %ne3A_476 = arith.cmpi ne, %rem3A_474, %ne3A_475 : i32
    %and3A_477 = arith.andi %ne3A_473, %ne3A_476 : i1
    %sub3A_478 = arith.constant 1 : i32
    %sub3A_479 = arith.subi %div3A_458, %sub3A_478 : i32
    %select_n3A_480 = arith.select %and3A_477, %sub3A_479, %div3A_458 : i32
    %mul3A_481 = arith.constant 128 : i32
    %mul3A_482 = arith.muli %select_n3A_480, %mul3A_481 : i32
    %sub3A_483 = arith.subi %mul3A_456, %mul3A_482 : i32
    %add3A_484 = arith.constant 3 : i32
    %add3A_485 = arith.addi %mul3A_2, %add3A_484 : i32
    %jit3A_486 = arith.constant 16 : i32
    %div3A_487 = arith.divsi %add3A_485, %jit3A_486 : i32
    %sign3A_488 = arith.constant 0 : i32
    %sign3A_489 = arith.cmpi sgt, %add3A_485, %sign3A_488 : i32
    %sign3A_490 = arith.extui %sign3A_489 : i1 to i32
    %sign3A_491 = arith.constant 0 : i32
    %sign3A_492 = arith.cmpi slt, %add3A_485, %sign3A_491 : i32
    %sign3A_493 = arith.extui %sign3A_492 : i1 to i32
    %sign3A_494 = arith.subi %sign3A_490, %sign3A_493 : i32
    %sign3A_495 = arith.constant 0 : i32
    %sign3A_496 = arith.cmpi sgt, %jit3A_486, %sign3A_495 : i32
    %sign3A_497 = arith.extui %sign3A_496 : i1 to i32
    %sign3A_498 = arith.constant 0 : i32
    %sign3A_499 = arith.cmpi slt, %jit3A_486, %sign3A_498 : i32
    %sign3A_500 = arith.extui %sign3A_499 : i1 to i32
    %sign3A_501 = arith.subi %sign3A_497, %sign3A_500 : i32
    %ne3A_502 = arith.cmpi ne, %sign3A_494, %sign3A_501 : i32
    %rem3A_503 = arith.remsi %add3A_485, %jit3A_486 : i32
    %ne3A_504 = arith.constant 0 : i32
    %ne3A_505 = arith.cmpi ne, %rem3A_503, %ne3A_504 : i32
    %and3A_506 = arith.andi %ne3A_502, %ne3A_505 : i1
    %sub3A_507 = arith.constant 1 : i32
    %sub3A_508 = arith.subi %div3A_487, %sub3A_507 : i32
    %select_n3A_509 = arith.select %and3A_506, %sub3A_508, %div3A_487 : i32
    %jit3A_510 = arith.constant 16 : i32
    %eq3A_511 = arith.constant 0 : i32
    %eq3A_512 = arith.cmpi eq, %jit3A_510, %eq3A_511 : i32
    %jit3A_513 = arith.constant 1 : i32
    %select_n3A_514 = arith.select %eq3A_512, %jit3A_513, %jit3A_510 : i32
    %rem3A_515 = arith.remsi %add3A_485, %select_n3A_514 : i32
    %ne3A_516 = arith.constant 0 : i32
    %ne3A_517 = arith.cmpi ne, %rem3A_515, %ne3A_516 : i32
    %lt3A_518 = arith.constant 0 : i32
    %lt3A_519 = arith.cmpi slt, %rem3A_515, %lt3A_518 : i32
    %lt3A_520 = arith.constant 0 : i32
    %lt3A_521 = arith.cmpi slt, %select_n3A_514, %lt3A_520 : i32
    %ne3A_522 = arith.xori %lt3A_519, %lt3A_521 : i1
    %and3A_523 = arith.andi %ne3A_522, %ne3A_517 : i1
    %add3A_524 = arith.addi %rem3A_515, %select_n3A_514 : i32
    %select_n3A_525 = arith.select %and3A_523, %add3A_524, %rem3A_515 : i32
    %mul3A_526 = arith.constant 38461 : i32
    %mul3A_527 = arith.muli %select_n3A_509, %mul3A_526 : i32
    %jit3A_528 = arith.constant 128 : i32
    %div3A_529 = arith.divsi %mul3A_527, %jit3A_528 : i32
    %sign3A_530 = arith.constant 0 : i32
    %sign3A_531 = arith.cmpi sgt, %mul3A_527, %sign3A_530 : i32
    %sign3A_532 = arith.extui %sign3A_531 : i1 to i32
    %sign3A_533 = arith.constant 0 : i32
    %sign3A_534 = arith.cmpi slt, %mul3A_527, %sign3A_533 : i32
    %sign3A_535 = arith.extui %sign3A_534 : i1 to i32
    %sign3A_536 = arith.subi %sign3A_532, %sign3A_535 : i32
    %sign3A_537 = arith.constant 0 : i32
    %sign3A_538 = arith.cmpi sgt, %jit3A_528, %sign3A_537 : i32
    %sign3A_539 = arith.extui %sign3A_538 : i1 to i32
    %sign3A_540 = arith.constant 0 : i32
    %sign3A_541 = arith.cmpi slt, %jit3A_528, %sign3A_540 : i32
    %sign3A_542 = arith.extui %sign3A_541 : i1 to i32
    %sign3A_543 = arith.subi %sign3A_539, %sign3A_542 : i32
    %ne3A_544 = arith.cmpi ne, %sign3A_536, %sign3A_543 : i32
    %rem3A_545 = arith.remsi %mul3A_527, %jit3A_528 : i32
    %ne3A_546 = arith.constant 0 : i32
    %ne3A_547 = arith.cmpi ne, %rem3A_545, %ne3A_546 : i32
    %and3A_548 = arith.andi %ne3A_544, %ne3A_547 : i1
    %sub3A_549 = arith.constant 1 : i32
    %sub3A_550 = arith.subi %div3A_529, %sub3A_549 : i32
    %select_n3A_551 = arith.select %and3A_548, %sub3A_550, %div3A_529 : i32
    %mul3A_552 = arith.constant 128 : i32
    %mul3A_553 = arith.muli %select_n3A_551, %mul3A_552 : i32
    %sub3A_554 = arith.subi %mul3A_527, %mul3A_553 : i32
    %dma_start3A_555 = tpu.memref_slice %arg3[%select_n3A_525, %mul3A_553] : memref<16x999986xf32, #tpu.memory_space<hbm>> -> memref<1x38656xf32, #tpu.memory_space<hbm>>
    %dma_start3A_556 = tpu.memref_squeeze %dma_start3A_555 : memref<1x38656xf32, #tpu.memory_space<hbm>> -> memref<38656xf32, #tpu.memory_space<hbm>>
    %dma_start3A_557 = tpu.memref_slice %arg3[%select_n3A_525, %mul3A_553] : memref<16x999986xf32, #tpu.memory_space<hbm>> -> memref<1x38656xf32, #tpu.memory_space<hbm>>
    %dma_start3A_558 = tpu.memref_squeeze %dma_start3A_557 : memref<1x38656xf32, #tpu.memory_space<hbm>> -> memref<38656xf32, #tpu.memory_space<hbm>>
    tpu.enqueue_dma source(%dma_start3A_558 : memref<38656xf32, #tpu.memory_space<hbm>>) target(%arg6 : memref<38656xf32, #tpu.memory_space<vmem>>) target_semaphore(%arg11 : memref<!tpu.dma_semaphore, #tpu.memory_space<semaphore_mem>>)
    %add3A_559 = arith.constant 2 : i32
    %add3A_560 = arith.addi %mul3A_2, %add3A_559 : i32
    %sub3A_561 = arith.constant 1 : i32
    %sub3A_562 = arith.subi %add3A_560, %sub3A_561 : i32
    %jit3A_563 = arith.constant 16 : i32
    %div3A_564 = arith.divsi %sub3A_562, %jit3A_563 : i32
    %sign3A_565 = arith.constant 0 : i32
    %sign3A_566 = arith.cmpi sgt, %sub3A_562, %sign3A_565 : i32
    %sign3A_567 = arith.extui %sign3A_566 : i1 to i32
    %sign3A_568 = arith.constant 0 : i32
    %sign3A_569 = arith.cmpi slt, %sub3A_562, %sign3A_568 : i32
    %sign3A_570 = arith.extui %sign3A_569 : i1 to i32
    %sign3A_571 = arith.subi %sign3A_567, %sign3A_570 : i32
    %sign3A_572 = arith.constant 0 : i32
    %sign3A_573 = arith.cmpi sgt, %jit3A_563, %sign3A_572 : i32
    %sign3A_574 = arith.extui %sign3A_573 : i1 to i32
    %sign3A_575 = arith.constant 0 : i32
    %sign3A_576 = arith.cmpi slt, %jit3A_563, %sign3A_575 : i32
    %sign3A_577 = arith.extui %sign3A_576 : i1 to i32
    %sign3A_578 = arith.subi %sign3A_574, %sign3A_577 : i32
    %ne3A_579 = arith.cmpi ne, %sign3A_571, %sign3A_578 : i32
    %rem3A_580 = arith.remsi %sub3A_562, %jit3A_563 : i32
    %ne3A_581 = arith.constant 0 : i32
    %ne3A_582 = arith.cmpi ne, %rem3A_580, %ne3A_581 : i32
    %and3A_583 = arith.andi %ne3A_579, %ne3A_582 : i1
    %sub3A_584 = arith.constant 1 : i32
    %sub3A_585 = arith.subi %div3A_564, %sub3A_584 : i32
    %select_n3A_586 = arith.select %and3A_583, %sub3A_585, %div3A_564 : i32
    %ne3A_587 = arith.cmpi ne, %select_n3A_438, %select_n3A_586 : i32
    %convert_element_type3A_588 = arith.extui %ne3A_587 : i1 to i32
    %cond3A_589 = arith.constant 0 : i32
    %cond3A_590 = arith.cmpi ne, %convert_element_type3A_588, %cond3A_589 : i32
    scf.if %cond3A_590 {
      "tpu.region"() ({
        %run_scoped3A = tpu.sem_alloc : memref<!tpu.dma_semaphore, #tpu.memory_space<semaphore_mem>>
        %dma_start3A_2517 = arith.constant 0 : i32
        %dma_start3A_2518 = tpu.memref_slice %arg2[%select_n3A_438, %dma_start3A_2517] : memref<26x16384xi32, #tpu.memory_space<hbm>> -> memref<1x16384xi32, #tpu.memory_space<hbm>>
        %dma_start3A_2519 = tpu.memref_squeeze %dma_start3A_2518 : memref<1x16384xi32, #tpu.memory_space<hbm>> -> memref<16384xi32, #tpu.memory_space<hbm>>
        %dma_start3A_2520 = arith.constant 0 : i32
        %dma_start3A_2521 = tpu.memref_slice %arg2[%select_n3A_438, %dma_start3A_2520] : memref<26x16384xi32, #tpu.memory_space<hbm>> -> memref<1x16384xi32, #tpu.memory_space<hbm>>
        %dma_start3A_2522 = tpu.memref_squeeze %dma_start3A_2521 : memref<1x16384xi32, #tpu.memory_space<hbm>> -> memref<16384xi32, #tpu.memory_space<hbm>>
        tpu.enqueue_dma source(%dma_start3A_2522 : memref<16384xi32, #tpu.memory_space<hbm>>) target(%arg7 : memref<16384xi32, #tpu.memory_space<vmem>>) target_semaphore(%run_scoped3A : memref<!tpu.dma_semaphore, #tpu.memory_space<semaphore_mem>>)
        %dma_wait3A_2523 = arith.constant 0 : i32
        %dma_wait3A_2524 = tpu.memref_slice %arg2[%select_n3A_438, %dma_wait3A_2523] : memref<26x16384xi32, #tpu.memory_space<hbm>> -> memref<1x16384xi32, #tpu.memory_space<hbm>>
        %dma_wait3A_2525 = tpu.memref_squeeze %dma_wait3A_2524 : memref<1x16384xi32, #tpu.memory_space<hbm>> -> memref<16384xi32, #tpu.memory_space<hbm>>
        %dma_wait3A_2526 = arith.constant 0 : i32
        %dma_wait3A_2527 = tpu.memref_slice %arg2[%select_n3A_438, %dma_wait3A_2526] : memref<26x16384xi32, #tpu.memory_space<hbm>> -> memref<1x16384xi32, #tpu.memory_space<hbm>>
        %dma_wait3A_2528 = tpu.memref_squeeze %dma_wait3A_2527 : memref<1x16384xi32, #tpu.memory_space<hbm>> -> memref<16384xi32, #tpu.memory_space<hbm>>
        tpu.wait_dma2 semaphore(%run_scoped3A : memref<!tpu.dma_semaphore, #tpu.memory_space<semaphore_mem>>) src(%dma_wait3A_2528 : memref<16384xi32, #tpu.memory_space<hbm>>) dst(%arg7 : memref<16384xi32, #tpu.memory_space<vmem>>)
        tpu.yield
      }) : () -> ()
    } else {
    }
    %dma_wait3A_591 = tpu.memref_slice %arg3[%select_n3A_336, %mul3A_364] : memref<16x999986xf32, #tpu.memory_space<hbm>> -> memref<1x38656xf32, #tpu.memory_space<hbm>>
    %dma_wait3A_592 = tpu.memref_squeeze %dma_wait3A_591 : memref<1x38656xf32, #tpu.memory_space<hbm>> -> memref<38656xf32, #tpu.memory_space<hbm>>
    %dma_wait3A_593 = tpu.memref_slice %arg3[%select_n3A_336, %mul3A_364] : memref<16x999986xf32, #tpu.memory_space<hbm>> -> memref<1x38656xf32, #tpu.memory_space<hbm>>
    %dma_wait3A_594 = tpu.memref_squeeze %dma_wait3A_593 : memref<1x38656xf32, #tpu.memory_space<hbm>> -> memref<38656xf32, #tpu.memory_space<hbm>>
    tpu.wait_dma2 semaphore(%arg10 : memref<!tpu.dma_semaphore, #tpu.memory_space<semaphore_mem>>) src(%dma_wait3A_594 : memref<38656xf32, #tpu.memory_space<hbm>>) dst(%arg5 : memref<38656xf32, #tpu.memory_space<vmem>>)
    %dma_wait3A_595 = arith.constant 0 : i32
    %dma_wait3A_596 = tpu.memref_slice %arg4[%select_n3A_92, %select_n3A_108, %dma_wait3A_595] : memref<26x16x16384xf32, #tpu.memory_space<hbm>> -> memref<1x1x16384xf32, #tpu.memory_space<hbm>>
    %dma_wait3A_597 = tpu.memref_squeeze %dma_wait3A_596 : memref<1x1x16384xf32, #tpu.memory_space<hbm>> -> memref<16384xf32, #tpu.memory_space<hbm>>
    %dma_wait3A_598 = arith.constant 0 : i32
    %dma_wait3A_599 = tpu.memref_slice %arg4[%select_n3A_92, %select_n3A_108, %dma_wait3A_598] : memref<26x16x16384xf32, #tpu.memory_space<hbm>> -> memref<1x1x16384xf32, #tpu.memory_space<hbm>>
    %dma_wait3A_600 = tpu.memref_squeeze %dma_wait3A_599 : memref<1x1x16384xf32, #tpu.memory_space<hbm>> -> memref<16384xf32, #tpu.memory_space<hbm>>
    tpu.wait_dma2 semaphore(%arg12 : memref<!tpu.dma_semaphore, #tpu.memory_space<semaphore_mem>>) src(%arg8 : memref<16384xf32, #tpu.memory_space<vmem>>) dst(%dma_wait3A_600 : memref<16384xf32, #tpu.memory_space<hbm>>)
    %parallel_loop3A_601 = arith.constant 0 : i32
    %parallel_loop3A_602 = arith.constant 1024 : i32
    %parallel_loop3A_603 = arith.constant 1 : i32
    scf.for %parallel_loop3A_2517 = %parallel_loop3A_601 to %parallel_loop3A_602 step %parallel_loop3A_603  : i32 {
      %parallel_loop3A_2518 = arith.constant 16 : i32
      %parallel_loop3A_2519 = arith.muli %parallel_loop3A_2517, %parallel_loop3A_2518 : i32
      %parallel_loop3A_2520 = arith.index_cast %parallel_loop3A_2519 : i32 to index
      %parallel_loop3A_2521 = tpu.vector_load %arg7[%parallel_loop3A_2520] {strides = array<i32>} : memref<16384xi32, #tpu.memory_space<vmem>>, vector<16xi32>,
      %parallel_loop3A_2522 = vector.broadcast %sub3A_483 : i32 to vector<16xi32>
      %parallel_loop3A_2523 = arith.addi %parallel_loop3A_2521, %parallel_loop3A_2522 : vector<16xi32>
      %parallel_loop3A_2524 = tpu.vector_load_idx %arg5[%parallel_loop3A_2523] : memref<38656xf32, #tpu.memory_space<vmem>>[vector<16xi32>], vector<16xf32>,
      %parallel_loop3A_2525 = arith.constant 16 : i32
      %parallel_loop3A_2526 = arith.muli %parallel_loop3A_2517, %parallel_loop3A_2525 : i32
      %parallel_loop3A_2527 = arith.index_cast %parallel_loop3A_2526 : i32 to index
      %parallel_loop3A_2528 = tpu.vector_load %arg8[%parallel_loop3A_2527] {strides = array<i32>} : memref<16384xf32, #tpu.memory_space<vmem>>, vector<16xf32>,
      tpu.vector_store %arg8[%parallel_loop3A_2527], %parallel_loop3A_2524 {strides = array<i32>} : memref<16384xf32, #tpu.memory_space<vmem>>, vector<16xf32>,
    } {sc.loop_unroll_factor = 8 : i64, sc.parallel_access}
    %dma_start3A_604 = arith.constant 0 : i32
    %dma_start3A_605 = tpu.memref_slice %arg4[%select_n3A_438, %select_n3A_454, %dma_start3A_604] : memref<26x16x16384xf32, #tpu.memory_space<hbm>> -> memref<1x1x16384xf32, #tpu.memory_space<hbm>>
    %dma_start3A_606 = tpu.memref_squeeze %dma_start3A_605 : memref<1x1x16384xf32, #tpu.memory_space<hbm>> -> memref<16384xf32, #tpu.memory_space<hbm>>
    %dma_start3A_607 = arith.constant 0 : i32
    %dma_start3A_608 = tpu.memref_slice %arg4[%select_n3A_438, %select_n3A_454, %dma_start3A_607] : memref<26x16x16384xf32, #tpu.memory_space<hbm>> -> memref<1x1x16384xf32, #tpu.memory_space<hbm>>
    %dma_start3A_609 = tpu.memref_squeeze %dma_start3A_608 : memref<1x1x16384xf32, #tpu.memory_space<hbm>> -> memref<16384xf32, #tpu.memory_space<hbm>>
    tpu.enqueue_dma source(%arg8 : memref<16384xf32, #tpu.memory_space<vmem>>) target(%dma_start3A_609 : memref<16384xf32, #tpu.memory_space<hbm>>) target_semaphore(%arg12 : memref<!tpu.dma_semaphore, #tpu.memory_space<semaphore_mem>>)
    %add3A_610 = arith.constant 3 : i32
    %add3A_611 = arith.addi %mul3A_2, %add3A_610 : i32
    %jit3A_612 = arith.constant 16 : i32
    %div3A_613 = arith.divsi %add3A_611, %jit3A_612 : i32
    %sign3A_614 = arith.constant 0 : i32
    %sign3A_615 = arith.cmpi sgt, %add3A_611, %sign3A_614 : i32
    %sign3A_616 = arith.extui %sign3A_615 : i1 to i32
    %sign3A_617 = arith.constant 0 : i32
    %sign3A_618 = arith.cmpi slt, %add3A_611, %sign3A_617 : i32
    %sign3A_619 = arith.extui %sign3A_618 : i1 to i32
    %sign3A_620 = arith.subi %sign3A_616, %sign3A_619 : i32
    %sign3A_621 = arith.constant 0 : i32
    %sign3A_622 = arith.cmpi sgt, %jit3A_612, %sign3A_621 : i32
    %sign3A_623 = arith.extui %sign3A_622 : i1 to i32
    %sign3A_624 = arith.constant 0 : i32
    %sign3A_625 = arith.cmpi slt, %jit3A_612, %sign3A_624 : i32
    %sign3A_626 = arith.extui %sign3A_625 : i1 to i32
    %sign3A_627 = arith.subi %sign3A_623, %sign3A_626 : i32
    %ne3A_628 = arith.cmpi ne, %sign3A_620, %sign3A_627 : i32
    %rem3A_629 = arith.remsi %add3A_611, %jit3A_612 : i32
    %ne3A_630 = arith.constant 0 : i32
    %ne3A_631 = arith.cmpi ne, %rem3A_629, %ne3A_630 : i32
    %and3A_632 = arith.andi %ne3A_628, %ne3A_631 : i1
    %sub3A_633 = arith.constant 1 : i32
    %sub3A_634 = arith.subi %div3A_613, %sub3A_633 : i32
    %select_n3A_635 = arith.select %and3A_632, %sub3A_634, %div3A_613 : i32
    %jit3A_636 = arith.constant 16 : i32
    %eq3A_637 = arith.constant 0 : i32
    %eq3A_638 = arith.cmpi eq, %jit3A_636, %eq3A_637 : i32
    %jit3A_639 = arith.constant 1 : i32
    %select_n3A_640 = arith.select %eq3A_638, %jit3A_639, %jit3A_636 : i32
    %rem3A_641 = arith.remsi %add3A_611, %select_n3A_640 : i32
    %ne3A_642 = arith.constant 0 : i32
    %ne3A_643 = arith.cmpi ne, %rem3A_641, %ne3A_642 : i32
    %lt3A_644 = arith.constant 0 : i32
    %lt3A_645 = arith.cmpi slt, %rem3A_641, %lt3A_644 : i32
    %lt3A_646 = arith.constant 0 : i32
    %lt3A_647 = arith.cmpi slt, %select_n3A_640, %lt3A_646 : i32
    %ne3A_648 = arith.xori %lt3A_645, %lt3A_647 : i1
    %and3A_649 = arith.andi %ne3A_648, %ne3A_643 : i1
    %add3A_650 = arith.addi %rem3A_641, %select_n3A_640 : i32
    %select_n3A_651 = arith.select %and3A_649, %add3A_650, %rem3A_641 : i32
    %mul3A_652 = arith.constant 38461 : i32
    %mul3A_653 = arith.muli %select_n3A_635, %mul3A_652 : i32
    %jit3A_654 = arith.constant 128 : i32
    %div3A_655 = arith.divsi %mul3A_653, %jit3A_654 : i32
    %sign3A_656 = arith.constant 0 : i32
    %sign3A_657 = arith.cmpi sgt, %mul3A_653, %sign3A_656 : i32
    %sign3A_658 = arith.extui %sign3A_657 : i1 to i32
    %sign3A_659 = arith.constant 0 : i32
    %sign3A_660 = arith.cmpi slt, %mul3A_653, %sign3A_659 : i32
    %sign3A_661 = arith.extui %sign3A_660 : i1 to i32
    %sign3A_662 = arith.subi %sign3A_658, %sign3A_661 : i32
    %sign3A_663 = arith.constant 0 : i32
    %sign3A_664 = arith.cmpi sgt, %jit3A_654, %sign3A_663 : i32
    %sign3A_665 = arith.extui %sign3A_664 : i1 to i32
    %sign3A_666 = arith.constant 0 : i32
    %sign3A_667 = arith.cmpi slt, %jit3A_654, %sign3A_666 : i32
    %sign3A_668 = arith.extui %sign3A_667 : i1 to i32
    %sign3A_669 = arith.subi %sign3A_665, %sign3A_668 : i32
    %ne3A_670 = arith.cmpi ne, %sign3A_662, %sign3A_669 : i32
    %rem3A_671 = arith.remsi %mul3A_653, %jit3A_654 : i32
    %ne3A_672 = arith.constant 0 : i32
    %ne3A_673 = arith.cmpi ne, %rem3A_671, %ne3A_672 : i32
    %and3A_674 = arith.andi %ne3A_670, %ne3A_673 : i1
    %sub3A_675 = arith.constant 1 : i32
    %sub3A_676 = arith.subi %div3A_655, %sub3A_675 : i32
    %select_n3A_677 = arith.select %and3A_674, %sub3A_676, %div3A_655 : i32
    %mul3A_678 = arith.constant 128 : i32
    %mul3A_679 = arith.muli %select_n3A_677, %mul3A_678 : i32
    %sub3A_680 = arith.subi %mul3A_653, %mul3A_679 : i32
    %add3A_681 = arith.constant 4 : i32
    %add3A_682 = arith.addi %mul3A_2, %add3A_681 : i32
    %jit3A_683 = arith.constant 16 : i32
    %div3A_684 = arith.divsi %add3A_682, %jit3A_683 : i32
    %sign3A_685 = arith.constant 0 : i32
    %sign3A_686 = arith.cmpi sgt, %add3A_682, %sign3A_685 : i32
    %sign3A_687 = arith.extui %sign3A_686 : i1 to i32
    %sign3A_688 = arith.constant 0 : i32
    %sign3A_689 = arith.cmpi slt, %add3A_682, %sign3A_688 : i32
    %sign3A_690 = arith.extui %sign3A_689 : i1 to i32
    %sign3A_691 = arith.subi %sign3A_687, %sign3A_690 : i32
    %sign3A_692 = arith.constant 0 : i32
    %sign3A_693 = arith.cmpi sgt, %jit3A_683, %sign3A_692 : i32
    %sign3A_694 = arith.extui %sign3A_693 : i1 to i32
    %sign3A_695 = arith.constant 0 : i32
    %sign3A_696 = arith.cmpi slt, %jit3A_683, %sign3A_695 : i32
    %sign3A_697 = arith.extui %sign3A_696 : i1 to i32
    %sign3A_698 = arith.subi %sign3A_694, %sign3A_697 : i32
    %ne3A_699 = arith.cmpi ne, %sign3A_691, %sign3A_698 : i32
    %rem3A_700 = arith.remsi %add3A_682, %jit3A_683 : i32
    %ne3A_701 = arith.constant 0 : i32
    %ne3A_702 = arith.cmpi ne, %rem3A_700, %ne3A_701 : i32
    %and3A_703 = arith.andi %ne3A_699, %ne3A_702 : i1
    %sub3A_704 = arith.constant 1 : i32
    %sub3A_705 = arith.subi %div3A_684, %sub3A_704 : i32
    %select_n3A_706 = arith.select %and3A_703, %sub3A_705, %div3A_684 : i32
    %jit3A_707 = arith.constant 16 : i32
    %eq3A_708 = arith.constant 0 : i32
    %eq3A_709 = arith.cmpi eq, %jit3A_707, %eq3A_708 : i32
    %jit3A_710 = arith.constant 1 : i32
    %select_n3A_711 = arith.select %eq3A_709, %jit3A_710, %jit3A_707 : i32
    %rem3A_712 = arith.remsi %add3A_682, %select_n3A_711 : i32
    %ne3A_713 = arith.constant 0 : i32
    %ne3A_714 = arith.cmpi ne, %rem3A_712, %ne3A_713 : i32
    %lt3A_715 = arith.constant 0 : i32
    %lt3A_716 = arith.cmpi slt, %rem3A_712, %lt3A_715 : i32
    %lt3A_717 = arith.constant 0 : i32
    %lt3A_718 = arith.cmpi slt, %select_n3A_711, %lt3A_717 : i32
    %ne3A_719 = arith.xori %lt3A_716, %lt3A_718 : i1
    %and3A_720 = arith.andi %ne3A_719, %ne3A_714 : i1
    %add3A_721 = arith.addi %rem3A_712, %select_n3A_711 : i32
    %select_n3A_722 = arith.select %and3A_720, %add3A_721, %rem3A_712 : i32
    %mul3A_723 = arith.constant 38461 : i32
    %mul3A_724 = arith.muli %select_n3A_706, %mul3A_723 : i32
    %jit3A_725 = arith.constant 128 : i32
    %div3A_726 = arith.divsi %mul3A_724, %jit3A_725 : i32
    %sign3A_727 = arith.constant 0 : i32
    %sign3A_728 = arith.cmpi sgt, %mul3A_724, %sign3A_727 : i32
    %sign3A_729 = arith.extui %sign3A_728 : i1 to i32
    %sign3A_730 = arith.constant 0 : i32
    %sign3A_731 = arith.cmpi slt, %mul3A_724, %sign3A_730 : i32
    %sign3A_732 = arith.extui %sign3A_731 : i1 to i32
    %sign3A_733 = arith.subi %sign3A_729, %sign3A_732 : i32
    %sign3A_734 = arith.constant 0 : i32
    %sign3A_735 = arith.cmpi sgt, %jit3A_725, %sign3A_734 : i32
    %sign3A_736 = arith.extui %sign3A_735 : i1 to i32
    %sign3A_737 = arith.constant 0 : i32
    %sign3A_738 = arith.cmpi slt, %jit3A_725, %sign3A_737 : i32
    %sign3A_739 = arith.extui %sign3A_738 : i1 to i32
    %sign3A_740 = arith.subi %sign3A_736, %sign3A_739 : i32
    %ne3A_741 = arith.cmpi ne, %sign3A_733, %sign3A_740 : i32
    %rem3A_742 = arith.remsi %mul3A_724, %jit3A_725 : i32
    %ne3A_743 = arith.constant 0 : i32
    %ne3A_744 = arith.cmpi ne, %rem3A_742, %ne3A_743 : i32
    %and3A_745 = arith.andi %ne3A_741, %ne3A_744 : i1
    %sub3A_746 = arith.constant 1 : i32
    %sub3A_747 = arith.subi %div3A_726, %sub3A_746 : i32
    %select_n3A_748 = arith.select %and3A_745, %sub3A_747, %div3A_726 : i32
    %mul3A_749 = arith.constant 128 : i32
    %mul3A_750 = arith.muli %select_n3A_748, %mul3A_749 : i32
    %sub3A_751 = arith.subi %mul3A_724, %mul3A_750 : i32
    %dma_start3A_752 = tpu.memref_slice %arg3[%select_n3A_722, %mul3A_750] : memref<16x999986xf32, #tpu.memory_space<hbm>> -> memref<1x38656xf32, #tpu.memory_space<hbm>>
    %dma_start3A_753 = tpu.memref_squeeze %dma_start3A_752 : memref<1x38656xf32, #tpu.memory_space<hbm>> -> memref<38656xf32, #tpu.memory_space<hbm>>
    %dma_start3A_754 = tpu.memref_slice %arg3[%select_n3A_722, %mul3A_750] : memref<16x999986xf32, #tpu.memory_space<hbm>> -> memref<1x38656xf32, #tpu.memory_space<hbm>>
    %dma_start3A_755 = tpu.memref_squeeze %dma_start3A_754 : memref<1x38656xf32, #tpu.memory_space<hbm>> -> memref<38656xf32, #tpu.memory_space<hbm>>
    tpu.enqueue_dma source(%dma_start3A_755 : memref<38656xf32, #tpu.memory_space<hbm>>) target(%arg5 : memref<38656xf32, #tpu.memory_space<vmem>>) target_semaphore(%arg10 : memref<!tpu.dma_semaphore, #tpu.memory_space<semaphore_mem>>)
    %add3A_756 = arith.constant 3 : i32
    %add3A_757 = arith.addi %mul3A_2, %add3A_756 : i32
    %sub3A_758 = arith.constant 1 : i32
    %sub3A_759 = arith.subi %add3A_757, %sub3A_758 : i32
    %jit3A_760 = arith.constant 16 : i32
    %div3A_761 = arith.divsi %sub3A_759, %jit3A_760 : i32
    %sign3A_762 = arith.constant 0 : i32
    %sign3A_763 = arith.cmpi sgt, %sub3A_759, %sign3A_762 : i32
    %sign3A_764 = arith.extui %sign3A_763 : i1 to i32
    %sign3A_765 = arith.constant 0 : i32
    %sign3A_766 = arith.cmpi slt, %sub3A_759, %sign3A_765 : i32
    %sign3A_767 = arith.extui %sign3A_766 : i1 to i32
    %sign3A_768 = arith.subi %sign3A_764, %sign3A_767 : i32
    %sign3A_769 = arith.constant 0 : i32
    %sign3A_770 = arith.cmpi sgt, %jit3A_760, %sign3A_769 : i32
    %sign3A_771 = arith.extui %sign3A_770 : i1 to i32
    %sign3A_772 = arith.constant 0 : i32
    %sign3A_773 = arith.cmpi slt, %jit3A_760, %sign3A_772 : i32
    %sign3A_774 = arith.extui %sign3A_773 : i1 to i32
    %sign3A_775 = arith.subi %sign3A_771, %sign3A_774 : i32
    %ne3A_776 = arith.cmpi ne, %sign3A_768, %sign3A_775 : i32
    %rem3A_777 = arith.remsi %sub3A_759, %jit3A_760 : i32
    %ne3A_778 = arith.constant 0 : i32
    %ne3A_779 = arith.cmpi ne, %rem3A_777, %ne3A_778 : i32
    %and3A_780 = arith.andi %ne3A_776, %ne3A_779 : i1
    %sub3A_781 = arith.constant 1 : i32
    %sub3A_782 = arith.subi %div3A_761, %sub3A_781 : i32
    %select_n3A_783 = arith.select %and3A_780, %sub3A_782, %div3A_761 : i32
    %ne3A_784 = arith.cmpi ne, %select_n3A_635, %select_n3A_783 : i32
    %convert_element_type3A_785 = arith.extui %ne3A_784 : i1 to i32
    %cond3A_786 = arith.constant 0 : i32
    %cond3A_787 = arith.cmpi ne, %convert_element_type3A_785, %cond3A_786 : i32
    scf.if %cond3A_787 {
      "tpu.region"() ({
        %run_scoped3A = tpu.sem_alloc : memref<!tpu.dma_semaphore, #tpu.memory_space<semaphore_mem>>
        %dma_start3A_2517 = arith.constant 0 : i32
        %dma_start3A_2518 = tpu.memref_slice %arg2[%select_n3A_635, %dma_start3A_2517] : memref<26x16384xi32, #tpu.memory_space<hbm>> -> memref<1x16384xi32, #tpu.memory_space<hbm>>
        %dma_start3A_2519 = tpu.memref_squeeze %dma_start3A_2518 : memref<1x16384xi32, #tpu.memory_space<hbm>> -> memref<16384xi32, #tpu.memory_space<hbm>>
        %dma_start3A_2520 = arith.constant 0 : i32
        %dma_start3A_2521 = tpu.memref_slice %arg2[%select_n3A_635, %dma_start3A_2520] : memref<26x16384xi32, #tpu.memory_space<hbm>> -> memref<1x16384xi32, #tpu.memory_space<hbm>>
        %dma_start3A_2522 = tpu.memref_squeeze %dma_start3A_2521 : memref<1x16384xi32, #tpu.memory_space<hbm>> -> memref<16384xi32, #tpu.memory_space<hbm>>
        tpu.enqueue_dma source(%dma_start3A_2522 : memref<16384xi32, #tpu.memory_space<hbm>>) target(%arg7 : memref<16384xi32, #tpu.memory_space<vmem>>) target_semaphore(%run_scoped3A : memref<!tpu.dma_semaphore, #tpu.memory_space<semaphore_mem>>)
        %dma_wait3A_2523 = arith.constant 0 : i32
        %dma_wait3A_2524 = tpu.memref_slice %arg2[%select_n3A_635, %dma_wait3A_2523] : memref<26x16384xi32, #tpu.memory_space<hbm>> -> memref<1x16384xi32, #tpu.memory_space<hbm>>
        %dma_wait3A_2525 = tpu.memref_squeeze %dma_wait3A_2524 : memref<1x16384xi32, #tpu.memory_space<hbm>> -> memref<16384xi32, #tpu.memory_space<hbm>>
        %dma_wait3A_2526 = arith.constant 0 : i32
        %dma_wait3A_2527 = tpu.memref_slice %arg2[%select_n3A_635, %dma_wait3A_2526] : memref<26x16384xi32, #tpu.memory_space<hbm>> -> memref<1x16384xi32, #tpu.memory_space<hbm>>
        %dma_wait3A_2528 = tpu.memref_squeeze %dma_wait3A_2527 : memref<1x16384xi32, #tpu.memory_space<hbm>> -> memref<16384xi32, #tpu.memory_space<hbm>>
        tpu.wait_dma2 semaphore(%run_scoped3A : memref<!tpu.dma_semaphore, #tpu.memory_space<semaphore_mem>>) src(%dma_wait3A_2528 : memref<16384xi32, #tpu.memory_space<hbm>>) dst(%arg7 : memref<16384xi32, #tpu.memory_space<vmem>>)
        tpu.yield
      }) : () -> ()
    } else {
    }
    %dma_wait3A_788 = tpu.memref_slice %arg3[%select_n3A_525, %mul3A_553] : memref<16x999986xf32, #tpu.memory_space<hbm>> -> memref<1x38656xf32, #tpu.memory_space<hbm>>
    %dma_wait3A_789 = tpu.memref_squeeze %dma_wait3A_788 : memref<1x38656xf32, #tpu.memory_space<hbm>> -> memref<38656xf32, #tpu.memory_space<hbm>>
    %dma_wait3A_790 = tpu.memref_slice %arg3[%select_n3A_525, %mul3A_553] : memref<16x999986xf32, #tpu.memory_space<hbm>> -> memref<1x38656xf32, #tpu.memory_space<hbm>>
    %dma_wait3A_791 = tpu.memref_squeeze %dma_wait3A_790 : memref<1x38656xf32, #tpu.memory_space<hbm>> -> memref<38656xf32, #tpu.memory_space<hbm>>
    tpu.wait_dma2 semaphore(%arg11 : memref<!tpu.dma_semaphore, #tpu.memory_space<semaphore_mem>>) src(%dma_wait3A_791 : memref<38656xf32, #tpu.memory_space<hbm>>) dst(%arg6 : memref<38656xf32, #tpu.memory_space<vmem>>)
    %dma_wait3A_792 = arith.constant 0 : i32
    %dma_wait3A_793 = tpu.memref_slice %arg4[%select_n3A_249, %select_n3A_265, %dma_wait3A_792] : memref<26x16x16384xf32, #tpu.memory_space<hbm>> -> memref<1x1x16384xf32, #tpu.memory_space<hbm>>
    %dma_wait3A_794 = tpu.memref_squeeze %dma_wait3A_793 : memref<1x1x16384xf32, #tpu.memory_space<hbm>> -> memref<16384xf32, #tpu.memory_space<hbm>>
    %dma_wait3A_795 = arith.constant 0 : i32
    %dma_wait3A_796 = tpu.memref_slice %arg4[%select_n3A_249, %select_n3A_265, %dma_wait3A_795] : memref<26x16x16384xf32, #tpu.memory_space<hbm>> -> memref<1x1x16384xf32, #tpu.memory_space<hbm>>
    %dma_wait3A_797 = tpu.memref_squeeze %dma_wait3A_796 : memref<1x1x16384xf32, #tpu.memory_space<hbm>> -> memref<16384xf32, #tpu.memory_space<hbm>>
    tpu.wait_dma2 semaphore(%arg13 : memref<!tpu.dma_semaphore, #tpu.memory_space<semaphore_mem>>) src(%arg9 : memref<16384xf32, #tpu.memory_space<vmem>>) dst(%dma_wait3A_797 : memref<16384xf32, #tpu.memory_space<hbm>>)
    %parallel_loop3A_798 = arith.constant 0 : i32
    %parallel_loop3A_799 = arith.constant 1024 : i32
    %parallel_loop3A_800 = arith.constant 1 : i32
    scf.for %parallel_loop3A_2517 = %parallel_loop3A_798 to %parallel_loop3A_799 step %parallel_loop3A_800  : i32 {
      %parallel_loop3A_2518 = arith.constant 16 : i32
      %parallel_loop3A_2519 = arith.muli %parallel_loop3A_2517, %parallel_loop3A_2518 : i32
      %parallel_loop3A_2520 = arith.index_cast %parallel_loop3A_2519 : i32 to index
      %parallel_loop3A_2521 = tpu.vector_load %arg7[%parallel_loop3A_2520] {strides = array<i32>} : memref<16384xi32, #tpu.memory_space<vmem>>, vector<16xi32>,
      %parallel_loop3A_2522 = vector.broadcast %sub3A_680 : i32 to vector<16xi32>
      %parallel_loop3A_2523 = arith.addi %parallel_loop3A_2521, %parallel_loop3A_2522 : vector<16xi32>
      %parallel_loop3A_2524 = tpu.vector_load_idx %arg6[%parallel_loop3A_2523] : memref<38656xf32, #tpu.memory_space<vmem>>[vector<16xi32>], vector<16xf32>,
      %parallel_loop3A_2525 = arith.constant 16 : i32
      %parallel_loop3A_2526 = arith.muli %parallel_loop3A_2517, %parallel_loop3A_2525 : i32
      %parallel_loop3A_2527 = arith.index_cast %parallel_loop3A_2526 : i32 to index
      %parallel_loop3A_2528 = tpu.vector_load %arg9[%parallel_loop3A_2527] {strides = array<i32>} : memref<16384xf32, #tpu.memory_space<vmem>>, vector<16xf32>,
      tpu.vector_store %arg9[%parallel_loop3A_2527], %parallel_loop3A_2524 {strides = array<i32>} : memref<16384xf32, #tpu.memory_space<vmem>>, vector<16xf32>,
    } {sc.loop_unroll_factor = 8 : i64, sc.parallel_access}
    %dma_start3A_801 = arith.constant 0 : i32
    %dma_start3A_802 = tpu.memref_slice %arg4[%select_n3A_635, %select_n3A_651, %dma_start3A_801] : memref<26x16x16384xf32, #tpu.memory_space<hbm>> -> memref<1x1x16384xf32, #tpu.memory_space<hbm>>
    %dma_start3A_803 = tpu.memref_squeeze %dma_start3A_802 : memref<1x1x16384xf32, #tpu.memory_space<hbm>> -> memref<16384xf32, #tpu.memory_space<hbm>>
    %dma_start3A_804 = arith.constant 0 : i32
    %dma_start3A_805 = tpu.memref_slice %arg4[%select_n3A_635, %select_n3A_651, %dma_start3A_804] : memref<26x16x16384xf32, #tpu.memory_space<hbm>> -> memref<1x1x16384xf32, #tpu.memory_space<hbm>>
    %dma_start3A_806 = tpu.memref_squeeze %dma_start3A_805 : memref<1x1x16384xf32, #tpu.memory_space<hbm>> -> memref<16384xf32, #tpu.memory_space<hbm>>
    tpu.enqueue_dma source(%arg9 : memref<16384xf32, #tpu.memory_space<vmem>>) target(%dma_start3A_806 : memref<16384xf32, #tpu.memory_space<hbm>>) target_semaphore(%arg13 : memref<!tpu.dma_semaphore, #tpu.memory_space<semaphore_mem>>)
    %add3A_807 = arith.constant 4 : i32
    %add3A_808 = arith.addi %mul3A_2, %add3A_807 : i32
    %jit3A_809 = arith.constant 16 : i32
    %div3A_810 = arith.divsi %add3A_808, %jit3A_809 : i32
    %sign3A_811 = arith.constant 0 : i32
    %sign3A_812 = arith.cmpi sgt, %add3A_808, %sign3A_811 : i32
    %sign3A_813 = arith.extui %sign3A_812 : i1 to i32
    %sign3A_814 = arith.constant 0 : i32
    %sign3A_815 = arith.cmpi slt, %add3A_808, %sign3A_814 : i32
    %sign3A_816 = arith.extui %sign3A_815 : i1 to i32
    %sign3A_817 = arith.subi %sign3A_813, %sign3A_816 : i32
    %sign3A_818 = arith.constant 0 : i32
    %sign3A_819 = arith.cmpi sgt, %jit3A_809, %sign3A_818 : i32
    %sign3A_820 = arith.extui %sign3A_819 : i1 to i32
    %sign3A_821 = arith.constant 0 : i32
    %sign3A_822 = arith.cmpi slt, %jit3A_809, %sign3A_821 : i32
    %sign3A_823 = arith.extui %sign3A_822 : i1 to i32
    %sign3A_824 = arith.subi %sign3A_820, %sign3A_823 : i32
    %ne3A_825 = arith.cmpi ne, %sign3A_817, %sign3A_824 : i32
    %rem3A_826 = arith.remsi %add3A_808, %jit3A_809 : i32
    %ne3A_827 = arith.constant 0 : i32
    %ne3A_828 = arith.cmpi ne, %rem3A_826, %ne3A_827 : i32
    %and3A_829 = arith.andi %ne3A_825, %ne3A_828 : i1
    %sub3A_830 = arith.constant 1 : i32
    %sub3A_831 = arith.subi %div3A_810, %sub3A_830 : i32
    %select_n3A_832 = arith.select %and3A_829, %sub3A_831, %div3A_810 : i32
    %jit3A_833 = arith.constant 16 : i32
    %eq3A_834 = arith.constant 0 : i32
    %eq3A_835 = arith.cmpi eq, %jit3A_833, %eq3A_834 : i32
    %jit3A_836 = arith.constant 1 : i32
    %select_n3A_837 = arith.select %eq3A_835, %jit3A_836, %jit3A_833 : i32
    %rem3A_838 = arith.remsi %add3A_808, %select_n3A_837 : i32
    %ne3A_839 = arith.constant 0 : i32
    %ne3A_840 = arith.cmpi ne, %rem3A_838, %ne3A_839 : i32
    %lt3A_841 = arith.constant 0 : i32
    %lt3A_842 = arith.cmpi slt, %rem3A_838, %lt3A_841 : i32
    %lt3A_843 = arith.constant 0 : i32
    %lt3A_844 = arith.cmpi slt, %select_n3A_837, %lt3A_843 : i32
    %ne3A_845 = arith.xori %lt3A_842, %lt3A_844 : i1
    %and3A_846 = arith.andi %ne3A_845, %ne3A_840 : i1
    %add3A_847 = arith.addi %rem3A_838, %select_n3A_837 : i32
    %select_n3A_848 = arith.select %and3A_846, %add3A_847, %rem3A_838 : i32
    %mul3A_849 = arith.constant 38461 : i32
    %mul3A_850 = arith.muli %select_n3A_832, %mul3A_849 : i32
    %jit3A_851 = arith.constant 128 : i32
    %div3A_852 = arith.divsi %mul3A_850, %jit3A_851 : i32
    %sign3A_853 = arith.constant 0 : i32
    %sign3A_854 = arith.cmpi sgt, %mul3A_850, %sign3A_853 : i32
    %sign3A_855 = arith.extui %sign3A_854 : i1 to i32
    %sign3A_856 = arith.constant 0 : i32
    %sign3A_857 = arith.cmpi slt, %mul3A_850, %sign3A_856 : i32
    %sign3A_858 = arith.extui %sign3A_857 : i1 to i32
    %sign3A_859 = arith.subi %sign3A_855, %sign3A_858 : i32
    %sign3A_860 = arith.constant 0 : i32
    %sign3A_861 = arith.cmpi sgt, %jit3A_851, %sign3A_860 : i32
    %sign3A_862 = arith.extui %sign3A_861 : i1 to i32
    %sign3A_863 = arith.constant 0 : i32
    %sign3A_864 = arith.cmpi slt, %jit3A_851, %sign3A_863 : i32
    %sign3A_865 = arith.extui %sign3A_864 : i1 to i32
    %sign3A_866 = arith.subi %sign3A_862, %sign3A_865 : i32
    %ne3A_867 = arith.cmpi ne, %sign3A_859, %sign3A_866 : i32
    %rem3A_868 = arith.remsi %mul3A_850, %jit3A_851 : i32
    %ne3A_869 = arith.constant 0 : i32
    %ne3A_870 = arith.cmpi ne, %rem3A_868, %ne3A_869 : i32
    %and3A_871 = arith.andi %ne3A_867, %ne3A_870 : i1
    %sub3A_872 = arith.constant 1 : i32
    %sub3A_873 = arith.subi %div3A_852, %sub3A_872 : i32
    %select_n3A_874 = arith.select %and3A_871, %sub3A_873, %div3A_852 : i32
    %mul3A_875 = arith.constant 128 : i32
    %mul3A_876 = arith.muli %select_n3A_874, %mul3A_875 : i32
    %sub3A_877 = arith.subi %mul3A_850, %mul3A_876 : i32
    %add3A_878 = arith.constant 5 : i32
    %add3A_879 = arith.addi %mul3A_2, %add3A_878 : i32
    %jit3A_880 = arith.constant 16 : i32
    %div3A_881 = arith.divsi %add3A_879, %jit3A_880 : i32
    %sign3A_882 = arith.constant 0 : i32
    %sign3A_883 = arith.cmpi sgt, %add3A_879, %sign3A_882 : i32
    %sign3A_884 = arith.extui %sign3A_883 : i1 to i32
    %sign3A_885 = arith.constant 0 : i32
    %sign3A_886 = arith.cmpi slt, %add3A_879, %sign3A_885 : i32
    %sign3A_887 = arith.extui %sign3A_886 : i1 to i32
    %sign3A_888 = arith.subi %sign3A_884, %sign3A_887 : i32
    %sign3A_889 = arith.constant 0 : i32
    %sign3A_890 = arith.cmpi sgt, %jit3A_880, %sign3A_889 : i32
    %sign3A_891 = arith.extui %sign3A_890 : i1 to i32
    %sign3A_892 = arith.constant 0 : i32
    %sign3A_893 = arith.cmpi slt, %jit3A_880, %sign3A_892 : i32
    %sign3A_894 = arith.extui %sign3A_893 : i1 to i32
    %sign3A_895 = arith.subi %sign3A_891, %sign3A_894 : i32
    %ne3A_896 = arith.cmpi ne, %sign3A_888, %sign3A_895 : i32
    %rem3A_897 = arith.remsi %add3A_879, %jit3A_880 : i32
    %ne3A_898 = arith.constant 0 : i32
    %ne3A_899 = arith.cmpi ne, %rem3A_897, %ne3A_898 : i32
    %and3A_900 = arith.andi %ne3A_896, %ne3A_899 : i1
    %sub3A_901 = arith.constant 1 : i32
    %sub3A_902 = arith.subi %div3A_881, %sub3A_901 : i32
    %select_n3A_903 = arith.select %and3A_900, %sub3A_902, %div3A_881 : i32
    %jit3A_904 = arith.constant 16 : i32
    %eq3A_905 = arith.constant 0 : i32
    %eq3A_906 = arith.cmpi eq, %jit3A_904, %eq3A_905 : i32
    %jit3A_907 = arith.constant 1 : i32
    %select_n3A_908 = arith.select %eq3A_906, %jit3A_907, %jit3A_904 : i32
    %rem3A_909 = arith.remsi %add3A_879, %select_n3A_908 : i32
    %ne3A_910 = arith.constant 0 : i32
    %ne3A_911 = arith.cmpi ne, %rem3A_909, %ne3A_910 : i32
    %lt3A_912 = arith.constant 0 : i32
    %lt3A_913 = arith.cmpi slt, %rem3A_909, %lt3A_912 : i32
    %lt3A_914 = arith.constant 0 : i32
    %lt3A_915 = arith.cmpi slt, %select_n3A_908, %lt3A_914 : i32
    %ne3A_916 = arith.xori %lt3A_913, %lt3A_915 : i1
    %and3A_917 = arith.andi %ne3A_916, %ne3A_911 : i1
    %add3A_918 = arith.addi %rem3A_909, %select_n3A_908 : i32
    %select_n3A_919 = arith.select %and3A_917, %add3A_918, %rem3A_909 : i32
    %mul3A_920 = arith.constant 38461 : i32
    %mul3A_921 = arith.muli %select_n3A_903, %mul3A_920 : i32
    %jit3A_922 = arith.constant 128 : i32
    %div3A_923 = arith.divsi %mul3A_921, %jit3A_922 : i32
    %sign3A_924 = arith.constant 0 : i32
    %sign3A_925 = arith.cmpi sgt, %mul3A_921, %sign3A_924 : i32
    %sign3A_926 = arith.extui %sign3A_925 : i1 to i32
    %sign3A_927 = arith.constant 0 : i32
    %sign3A_928 = arith.cmpi slt, %mul3A_921, %sign3A_927 : i32
    %sign3A_929 = arith.extui %sign3A_928 : i1 to i32
    %sign3A_930 = arith.subi %sign3A_926, %sign3A_929 : i32
    %sign3A_931 = arith.constant 0 : i32
    %sign3A_932 = arith.cmpi sgt, %jit3A_922, %sign3A_931 : i32
    %sign3A_933 = arith.extui %sign3A_932 : i1 to i32
    %sign3A_934 = arith.constant 0 : i32
    %sign3A_935 = arith.cmpi slt, %jit3A_922, %sign3A_934 : i32
    %sign3A_936 = arith.extui %sign3A_935 : i1 to i32
    %sign3A_937 = arith.subi %sign3A_933, %sign3A_936 : i32
    %ne3A_938 = arith.cmpi ne, %sign3A_930, %sign3A_937 : i32
    %rem3A_939 = arith.remsi %mul3A_921, %jit3A_922 : i32
    %ne3A_940 = arith.constant 0 : i32
    %ne3A_941 = arith.cmpi ne, %rem3A_939, %ne3A_940 : i32
    %and3A_942 = arith.andi %ne3A_938, %ne3A_941 : i1
    %sub3A_943 = arith.constant 1 : i32
    %sub3A_944 = arith.subi %div3A_923, %sub3A_943 : i32
    %select_n3A_945 = arith.select %and3A_942, %sub3A_944, %div3A_923 : i32
    %mul3A_946 = arith.constant 128 : i32
    %mul3A_947 = arith.muli %select_n3A_945, %mul3A_946 : i32
    %sub3A_948 = arith.subi %mul3A_921, %mul3A_947 : i32
    %dma_start3A_949 = tpu.memref_slice %arg3[%select_n3A_919, %mul3A_947] : memref<16x999986xf32, #tpu.memory_space<hbm>> -> memref<1x38656xf32, #tpu.memory_space<hbm>>
    %dma_start3A_950 = tpu.memref_squeeze %dma_start3A_949 : memref<1x38656xf32, #tpu.memory_space<hbm>> -> memref<38656xf32, #tpu.memory_space<hbm>>
    %dma_start3A_951 = tpu.memref_slice %arg3[%select_n3A_919, %mul3A_947] : memref<16x999986xf32, #tpu.memory_space<hbm>> -> memref<1x38656xf32, #tpu.memory_space<hbm>>
    %dma_start3A_952 = tpu.memref_squeeze %dma_start3A_951 : memref<1x38656xf32, #tpu.memory_space<hbm>> -> memref<38656xf32, #tpu.memory_space<hbm>>
    tpu.enqueue_dma source(%dma_start3A_952 : memref<38656xf32, #tpu.memory_space<hbm>>) target(%arg6 : memref<38656xf32, #tpu.memory_space<vmem>>) target_semaphore(%arg11 : memref<!tpu.dma_semaphore, #tpu.memory_space<semaphore_mem>>)
    %add3A_953 = arith.constant 4 : i32
    %add3A_954 = arith.addi %mul3A_2, %add3A_953 : i32
    %sub3A_955 = arith.constant 1 : i32
    %sub3A_956 = arith.subi %add3A_954, %sub3A_955 : i32
    %jit3A_957 = arith.constant 16 : i32
    %div3A_958 = arith.divsi %sub3A_956, %jit3A_957 : i32
    %sign3A_959 = arith.constant 0 : i32
    %sign3A_960 = arith.cmpi sgt, %sub3A_956, %sign3A_959 : i32
    %sign3A_961 = arith.extui %sign3A_960 : i1 to i32
    %sign3A_962 = arith.constant 0 : i32
    %sign3A_963 = arith.cmpi slt, %sub3A_956, %sign3A_962 : i32
    %sign3A_964 = arith.extui %sign3A_963 : i1 to i32
    %sign3A_965 = arith.subi %sign3A_961, %sign3A_964 : i32
    %sign3A_966 = arith.constant 0 : i32
    %sign3A_967 = arith.cmpi sgt, %jit3A_957, %sign3A_966 : i32
    %sign3A_968 = arith.extui %sign3A_967 : i1 to i32
    %sign3A_969 = arith.constant 0 : i32
    %sign3A_970 = arith.cmpi slt, %jit3A_957, %sign3A_969 : i32
    %sign3A_971 = arith.extui %sign3A_970 : i1 to i32
    %sign3A_972 = arith.subi %sign3A_968, %sign3A_971 : i32
    %ne3A_973 = arith.cmpi ne, %sign3A_965, %sign3A_972 : i32
    %rem3A_974 = arith.remsi %sub3A_956, %jit3A_957 : i32
    %ne3A_975 = arith.constant 0 : i32
    %ne3A_976 = arith.cmpi ne, %rem3A_974, %ne3A_975 : i32
    %and3A_977 = arith.andi %ne3A_973, %ne3A_976 : i1
    %sub3A_978 = arith.constant 1 : i32
    %sub3A_979 = arith.subi %div3A_958, %sub3A_978 : i32
    %select_n3A_980 = arith.select %and3A_977, %sub3A_979, %div3A_958 : i32
    %ne3A_981 = arith.cmpi ne, %select_n3A_832, %select_n3A_980 : i32
    %convert_element_type3A_982 = arith.extui %ne3A_981 : i1 to i32
    %cond3A_983 = arith.constant 0 : i32
    %cond3A_984 = arith.cmpi ne, %convert_element_type3A_982, %cond3A_983 : i32
    scf.if %cond3A_984 {
      "tpu.region"() ({
        %run_scoped3A = tpu.sem_alloc : memref<!tpu.dma_semaphore, #tpu.memory_space<semaphore_mem>>
        %dma_start3A_2517 = arith.constant 0 : i32
        %dma_start3A_2518 = tpu.memref_slice %arg2[%select_n3A_832, %dma_start3A_2517] : memref<26x16384xi32, #tpu.memory_space<hbm>> -> memref<1x16384xi32, #tpu.memory_space<hbm>>
        %dma_start3A_2519 = tpu.memref_squeeze %dma_start3A_2518 : memref<1x16384xi32, #tpu.memory_space<hbm>> -> memref<16384xi32, #tpu.memory_space<hbm>>
        %dma_start3A_2520 = arith.constant 0 : i32
        %dma_start3A_2521 = tpu.memref_slice %arg2[%select_n3A_832, %dma_start3A_2520] : memref<26x16384xi32, #tpu.memory_space<hbm>> -> memref<1x16384xi32, #tpu.memory_space<hbm>>
        %dma_start3A_2522 = tpu.memref_squeeze %dma_start3A_2521 : memref<1x16384xi32, #tpu.memory_space<hbm>> -> memref<16384xi32, #tpu.memory_space<hbm>>
        tpu.enqueue_dma source(%dma_start3A_2522 : memref<16384xi32, #tpu.memory_space<hbm>>) target(%arg7 : memref<16384xi32, #tpu.memory_space<vmem>>) target_semaphore(%run_scoped3A : memref<!tpu.dma_semaphore, #tpu.memory_space<semaphore_mem>>)
        %dma_wait3A_2523 = arith.constant 0 : i32
        %dma_wait3A_2524 = tpu.memref_slice %arg2[%select_n3A_832, %dma_wait3A_2523] : memref<26x16384xi32, #tpu.memory_space<hbm>> -> memref<1x16384xi32, #tpu.memory_space<hbm>>
        %dma_wait3A_2525 = tpu.memref_squeeze %dma_wait3A_2524 : memref<1x16384xi32, #tpu.memory_space<hbm>> -> memref<16384xi32, #tpu.memory_space<hbm>>
        %dma_wait3A_2526 = arith.constant 0 : i32
        %dma_wait3A_2527 = tpu.memref_slice %arg2[%select_n3A_832, %dma_wait3A_2526] : memref<26x16384xi32, #tpu.memory_space<hbm>> -> memref<1x16384xi32, #tpu.memory_space<hbm>>
        %dma_wait3A_2528 = tpu.memref_squeeze %dma_wait3A_2527 : memref<1x16384xi32, #tpu.memory_space<hbm>> -> memref<16384xi32, #tpu.memory_space<hbm>>
        tpu.wait_dma2 semaphore(%run_scoped3A : memref<!tpu.dma_semaphore, #tpu.memory_space<semaphore_mem>>) src(%dma_wait3A_2528 : memref<16384xi32, #tpu.memory_space<hbm>>) dst(%arg7 : memref<16384xi32, #tpu.memory_space<vmem>>)
        tpu.yield
      }) : () -> ()
    } else {
    }
    %dma_wait3A_985 = tpu.memref_slice %arg3[%select_n3A_722, %mul3A_750] : memref<16x999986xf32, #tpu.memory_space<hbm>> -> memref<1x38656xf32, #tpu.memory_space<hbm>>
    %dma_wait3A_986 = tpu.memref_squeeze %dma_wait3A_985 : memref<1x38656xf32, #tpu.memory_space<hbm>> -> memref<38656xf32, #tpu.memory_space<hbm>>
    %dma_wait3A_987 = tpu.memref_slice %arg3[%select_n3A_722, %mul3A_750] : memref<16x999986xf32, #tpu.memory_space<hbm>> -> memref<1x38656xf32, #tpu.memory_space<hbm>>
    %dma_wait3A_988 = tpu.memref_squeeze %dma_wait3A_987 : memref<1x38656xf32, #tpu.memory_space<hbm>> -> memref<38656xf32, #tpu.memory_space<hbm>>
    tpu.wait_dma2 semaphore(%arg10 : memref<!tpu.dma_semaphore, #tpu.memory_space<semaphore_mem>>) src(%dma_wait3A_988 : memref<38656xf32, #tpu.memory_space<hbm>>) dst(%arg5 : memref<38656xf32, #tpu.memory_space<vmem>>)
    %dma_wait3A_989 = arith.constant 0 : i32
    %dma_wait3A_990 = tpu.memref_slice %arg4[%select_n3A_438, %select_n3A_454, %dma_wait3A_989] : memref<26x16x16384xf32, #tpu.memory_space<hbm>> -> memref<1x1x16384xf32, #tpu.memory_space<hbm>>
    %dma_wait3A_991 = tpu.memref_squeeze %dma_wait3A_990 : memref<1x1x16384xf32, #tpu.memory_space<hbm>> -> memref<16384xf32, #tpu.memory_space<hbm>>
    %dma_wait3A_992 = arith.constant 0 : i32
    %dma_wait3A_993 = tpu.memref_slice %arg4[%select_n3A_438, %select_n3A_454, %dma_wait3A_992] : memref<26x16x16384xf32, #tpu.memory_space<hbm>> -> memref<1x1x16384xf32, #tpu.memory_space<hbm>>
    %dma_wait3A_994 = tpu.memref_squeeze %dma_wait3A_993 : memref<1x1x16384xf32, #tpu.memory_space<hbm>> -> memref<16384xf32, #tpu.memory_space<hbm>>
    tpu.wait_dma2 semaphore(%arg12 : memref<!tpu.dma_semaphore, #tpu.memory_space<semaphore_mem>>) src(%arg8 : memref<16384xf32, #tpu.memory_space<vmem>>) dst(%dma_wait3A_994 : memref<16384xf32, #tpu.memory_space<hbm>>)
    %parallel_loop3A_995 = arith.constant 0 : i32
    %parallel_loop3A_996 = arith.constant 1024 : i32
    %parallel_loop3A_997 = arith.constant 1 : i32
    scf.for %parallel_loop3A_2517 = %parallel_loop3A_995 to %parallel_loop3A_996 step %parallel_loop3A_997  : i32 {
      %parallel_loop3A_2518 = arith.constant 16 : i32
      %parallel_loop3A_2519 = arith.muli %parallel_loop3A_2517, %parallel_loop3A_2518 : i32
      %parallel_loop3A_2520 = arith.index_cast %parallel_loop3A_2519 : i32 to index
      %parallel_loop3A_2521 = tpu.vector_load %arg7[%parallel_loop3A_2520] {strides = array<i32>} : memref<16384xi32, #tpu.memory_space<vmem>>, vector<16xi32>,
      %parallel_loop3A_2522 = vector.broadcast %sub3A_877 : i32 to vector<16xi32>
      %parallel_loop3A_2523 = arith.addi %parallel_loop3A_2521, %parallel_loop3A_2522 : vector<16xi32>
      %parallel_loop3A_2524 = tpu.vector_load_idx %arg5[%parallel_loop3A_2523] : memref<38656xf32, #tpu.memory_space<vmem>>[vector<16xi32>], vector<16xf32>,
      %parallel_loop3A_2525 = arith.constant 16 : i32
      %parallel_loop3A_2526 = arith.muli %parallel_loop3A_2517, %parallel_loop3A_2525 : i32
      %parallel_loop3A_2527 = arith.index_cast %parallel_loop3A_2526 : i32 to index
      %parallel_loop3A_2528 = tpu.vector_load %arg8[%parallel_loop3A_2527] {strides = array<i32>} : memref<16384xf32, #tpu.memory_space<vmem>>, vector<16xf32>,
      tpu.vector_store %arg8[%parallel_loop3A_2527], %parallel_loop3A_2524 {strides = array<i32>} : memref<16384xf32, #tpu.memory_space<vmem>>, vector<16xf32>,
    } {sc.loop_unroll_factor = 8 : i64, sc.parallel_access}
    %dma_start3A_998 = arith.constant 0 : i32
    %dma_start3A_999 = tpu.memref_slice %arg4[%select_n3A_832, %select_n3A_848, %dma_start3A_998] : memref<26x16x16384xf32, #tpu.memory_space<hbm>> -> memref<1x1x16384xf32, #tpu.memory_space<hbm>>
    %dma_start3A_1000 = tpu.memref_squeeze %dma_start3A_999 : memref<1x1x16384xf32, #tpu.memory_space<hbm>> -> memref<16384xf32, #tpu.memory_space<hbm>>
    %dma_start3A_1001 = arith.constant 0 : i32
    %dma_start3A_1002 = tpu.memref_slice %arg4[%select_n3A_832, %select_n3A_848, %dma_start3A_1001] : memref<26x16x16384xf32, #tpu.memory_space<hbm>> -> memref<1x1x16384xf32, #tpu.memory_space<hbm>>
    %dma_start3A_1003 = tpu.memref_squeeze %dma_start3A_1002 : memref<1x1x16384xf32, #tpu.memory_space<hbm>> -> memref<16384xf32, #tpu.memory_space<hbm>>
    tpu.enqueue_dma source(%arg8 : memref<16384xf32, #tpu.memory_space<vmem>>) target(%dma_start3A_1003 : memref<16384xf32, #tpu.memory_space<hbm>>) target_semaphore(%arg12 : memref<!tpu.dma_semaphore, #tpu.memory_space<semaphore_mem>>)
    %add3A_1004 = arith.constant 5 : i32
    %add3A_1005 = arith.addi %mul3A_2, %add3A_1004 : i32
    %jit3A_1006 = arith.constant 16 : i32
    %div3A_1007 = arith.divsi %add3A_1005, %jit3A_1006 : i32
    %sign3A_1008 = arith.constant 0 : i32
    %sign3A_1009 = arith.cmpi sgt, %add3A_1005, %sign3A_1008 : i32
    %sign3A_1010 = arith.extui %sign3A_1009 : i1 to i32
    %sign3A_1011 = arith.constant 0 : i32
    %sign3A_1012 = arith.cmpi slt, %add3A_1005, %sign3A_1011 : i32
    %sign3A_1013 = arith.extui %sign3A_1012 : i1 to i32
    %sign3A_1014 = arith.subi %sign3A_1010, %sign3A_1013 : i32
    %sign3A_1015 = arith.constant 0 : i32
    %sign3A_1016 = arith.cmpi sgt, %jit3A_1006, %sign3A_1015 : i32
    %sign3A_1017 = arith.extui %sign3A_1016 : i1 to i32
    %sign3A_1018 = arith.constant 0 : i32
    %sign3A_1019 = arith.cmpi slt, %jit3A_1006, %sign3A_1018 : i32
    %sign3A_1020 = arith.extui %sign3A_1019 : i1 to i32
    %sign3A_1021 = arith.subi %sign3A_1017, %sign3A_1020 : i32
    %ne3A_1022 = arith.cmpi ne, %sign3A_1014, %sign3A_1021 : i32
    %rem3A_1023 = arith.remsi %add3A_1005, %jit3A_1006 : i32
    %ne3A_1024 = arith.constant 0 : i32
    %ne3A_1025 = arith.cmpi ne, %rem3A_1023, %ne3A_1024 : i32
    %and3A_1026 = arith.andi %ne3A_1022, %ne3A_1025 : i1
    %sub3A_1027 = arith.constant 1 : i32
    %sub3A_1028 = arith.subi %div3A_1007, %sub3A_1027 : i32
    %select_n3A_1029 = arith.select %and3A_1026, %sub3A_1028, %div3A_1007 : i32
    %jit3A_1030 = arith.constant 16 : i32
    %eq3A_1031 = arith.constant 0 : i32
    %eq3A_1032 = arith.cmpi eq, %jit3A_1030, %eq3A_1031 : i32
    %jit3A_1033 = arith.constant 1 : i32
    %select_n3A_1034 = arith.select %eq3A_1032, %jit3A_1033, %jit3A_1030 : i32
    %rem3A_1035 = arith.remsi %add3A_1005, %select_n3A_1034 : i32
    %ne3A_1036 = arith.constant 0 : i32
    %ne3A_1037 = arith.cmpi ne, %rem3A_1035, %ne3A_1036 : i32
    %lt3A_1038 = arith.constant 0 : i32
    %lt3A_1039 = arith.cmpi slt, %rem3A_1035, %lt3A_1038 : i32
    %lt3A_1040 = arith.constant 0 : i32
    %lt3A_1041 = arith.cmpi slt, %select_n3A_1034, %lt3A_1040 : i32
    %ne3A_1042 = arith.xori %lt3A_1039, %lt3A_1041 : i1
    %and3A_1043 = arith.andi %ne3A_1042, %ne3A_1037 : i1
    %add3A_1044 = arith.addi %rem3A_1035, %select_n3A_1034 : i32
    %select_n3A_1045 = arith.select %and3A_1043, %add3A_1044, %rem3A_1035 : i32
    %mul3A_1046 = arith.constant 38461 : i32
    %mul3A_1047 = arith.muli %select_n3A_1029, %mul3A_1046 : i32
    %jit3A_1048 = arith.constant 128 : i32
    %div3A_1049 = arith.divsi %mul3A_1047, %jit3A_1048 : i32
    %sign3A_1050 = arith.constant 0 : i32
    %sign3A_1051 = arith.cmpi sgt, %mul3A_1047, %sign3A_1050 : i32
    %sign3A_1052 = arith.extui %sign3A_1051 : i1 to i32
    %sign3A_1053 = arith.constant 0 : i32
    %sign3A_1054 = arith.cmpi slt, %mul3A_1047, %sign3A_1053 : i32
    %sign3A_1055 = arith.extui %sign3A_1054 : i1 to i32
    %sign3A_1056 = arith.subi %sign3A_1052, %sign3A_1055 : i32
    %sign3A_1057 = arith.constant 0 : i32
    %sign3A_1058 = arith.cmpi sgt, %jit3A_1048, %sign3A_1057 : i32
    %sign3A_1059 = arith.extui %sign3A_1058 : i1 to i32
    %sign3A_1060 = arith.constant 0 : i32
    %sign3A_1061 = arith.cmpi slt, %jit3A_1048, %sign3A_1060 : i32
    %sign3A_1062 = arith.extui %sign3A_1061 : i1 to i32
    %sign3A_1063 = arith.subi %sign3A_1059, %sign3A_1062 : i32
    %ne3A_1064 = arith.cmpi ne, %sign3A_1056, %sign3A_1063 : i32
    %rem3A_1065 = arith.remsi %mul3A_1047, %jit3A_1048 : i32
    %ne3A_1066 = arith.constant 0 : i32
    %ne3A_1067 = arith.cmpi ne, %rem3A_1065, %ne3A_1066 : i32
    %and3A_1068 = arith.andi %ne3A_1064, %ne3A_1067 : i1
    %sub3A_1069 = arith.constant 1 : i32
    %sub3A_1070 = arith.subi %div3A_1049, %sub3A_1069 : i32
    %select_n3A_1071 = arith.select %and3A_1068, %sub3A_1070, %div3A_1049 : i32
    %mul3A_1072 = arith.constant 128 : i32
    %mul3A_1073 = arith.muli %select_n3A_1071, %mul3A_1072 : i32
    %sub3A_1074 = arith.subi %mul3A_1047, %mul3A_1073 : i32
    %add3A_1075 = arith.constant 6 : i32
    %add3A_1076 = arith.addi %mul3A_2, %add3A_1075 : i32
    %jit3A_1077 = arith.constant 16 : i32
    %div3A_1078 = arith.divsi %add3A_1076, %jit3A_1077 : i32
    %sign3A_1079 = arith.constant 0 : i32
    %sign3A_1080 = arith.cmpi sgt, %add3A_1076, %sign3A_1079 : i32
    %sign3A_1081 = arith.extui %sign3A_1080 : i1 to i32
    %sign3A_1082 = arith.constant 0 : i32
    %sign3A_1083 = arith.cmpi slt, %add3A_1076, %sign3A_1082 : i32
    %sign3A_1084 = arith.extui %sign3A_1083 : i1 to i32
    %sign3A_1085 = arith.subi %sign3A_1081, %sign3A_1084 : i32
    %sign3A_1086 = arith.constant 0 : i32
    %sign3A_1087 = arith.cmpi sgt, %jit3A_1077, %sign3A_1086 : i32
    %sign3A_1088 = arith.extui %sign3A_1087 : i1 to i32
    %sign3A_1089 = arith.constant 0 : i32
    %sign3A_1090 = arith.cmpi slt, %jit3A_1077, %sign3A_1089 : i32
    %sign3A_1091 = arith.extui %sign3A_1090 : i1 to i32
    %sign3A_1092 = arith.subi %sign3A_1088, %sign3A_1091 : i32
    %ne3A_1093 = arith.cmpi ne, %sign3A_1085, %sign3A_1092 : i32
    %rem3A_1094 = arith.remsi %add3A_1076, %jit3A_1077 : i32
    %ne3A_1095 = arith.constant 0 : i32
    %ne3A_1096 = arith.cmpi ne, %rem3A_1094, %ne3A_1095 : i32
    %and3A_1097 = arith.andi %ne3A_1093, %ne3A_1096 : i1
    %sub3A_1098 = arith.constant 1 : i32
    %sub3A_1099 = arith.subi %div3A_1078, %sub3A_1098 : i32
    %select_n3A_1100 = arith.select %and3A_1097, %sub3A_1099, %div3A_1078 : i32
    %jit3A_1101 = arith.constant 16 : i32
    %eq3A_1102 = arith.constant 0 : i32
    %eq3A_1103 = arith.cmpi eq, %jit3A_1101, %eq3A_1102 : i32
    %jit3A_1104 = arith.constant 1 : i32
    %select_n3A_1105 = arith.select %eq3A_1103, %jit3A_1104, %jit3A_1101 : i32
    %rem3A_1106 = arith.remsi %add3A_1076, %select_n3A_1105 : i32
    %ne3A_1107 = arith.constant 0 : i32
    %ne3A_1108 = arith.cmpi ne, %rem3A_1106, %ne3A_1107 : i32
    %lt3A_1109 = arith.constant 0 : i32
    %lt3A_1110 = arith.cmpi slt, %rem3A_1106, %lt3A_1109 : i32
    %lt3A_1111 = arith.constant 0 : i32
    %lt3A_1112 = arith.cmpi slt, %select_n3A_1105, %lt3A_1111 : i32
    %ne3A_1113 = arith.xori %lt3A_1110, %lt3A_1112 : i1
    %and3A_1114 = arith.andi %ne3A_1113, %ne3A_1108 : i1
    %add3A_1115 = arith.addi %rem3A_1106, %select_n3A_1105 : i32
    %select_n3A_1116 = arith.select %and3A_1114, %add3A_1115, %rem3A_1106 : i32
    %mul3A_1117 = arith.constant 38461 : i32
    %mul3A_1118 = arith.muli %select_n3A_1100, %mul3A_1117 : i32
    %jit3A_1119 = arith.constant 128 : i32
    %div3A_1120 = arith.divsi %mul3A_1118, %jit3A_1119 : i32
    %sign3A_1121 = arith.constant 0 : i32
    %sign3A_1122 = arith.cmpi sgt, %mul3A_1118, %sign3A_1121 : i32
    %sign3A_1123 = arith.extui %sign3A_1122 : i1 to i32
    %sign3A_1124 = arith.constant 0 : i32
    %sign3A_1125 = arith.cmpi slt, %mul3A_1118, %sign3A_1124 : i32
    %sign3A_1126 = arith.extui %sign3A_1125 : i1 to i32
    %sign3A_1127 = arith.subi %sign3A_1123, %sign3A_1126 : i32
    %sign3A_1128 = arith.constant 0 : i32
    %sign3A_1129 = arith.cmpi sgt, %jit3A_1119, %sign3A_1128 : i32
    %sign3A_1130 = arith.extui %sign3A_1129 : i1 to i32
    %sign3A_1131 = arith.constant 0 : i32
    %sign3A_1132 = arith.cmpi slt, %jit3A_1119, %sign3A_1131 : i32
    %sign3A_1133 = arith.extui %sign3A_1132 : i1 to i32
    %sign3A_1134 = arith.subi %sign3A_1130, %sign3A_1133 : i32
    %ne3A_1135 = arith.cmpi ne, %sign3A_1127, %sign3A_1134 : i32
    %rem3A_1136 = arith.remsi %mul3A_1118, %jit3A_1119 : i32
    %ne3A_1137 = arith.constant 0 : i32
    %ne3A_1138 = arith.cmpi ne, %rem3A_1136, %ne3A_1137 : i32
    %and3A_1139 = arith.andi %ne3A_1135, %ne3A_1138 : i1
    %sub3A_1140 = arith.constant 1 : i32
    %sub3A_1141 = arith.subi %div3A_1120, %sub3A_1140 : i32
    %select_n3A_1142 = arith.select %and3A_1139, %sub3A_1141, %div3A_1120 : i32
    %mul3A_1143 = arith.constant 128 : i32
    %mul3A_1144 = arith.muli %select_n3A_1142, %mul3A_1143 : i32
    %sub3A_1145 = arith.subi %mul3A_1118, %mul3A_1144 : i32
    %dma_start3A_1146 = tpu.memref_slice %arg3[%select_n3A_1116, %mul3A_1144] : memref<16x999986xf32, #tpu.memory_space<hbm>> -> memref<1x38656xf32, #tpu.memory_space<hbm>>
    %dma_start3A_1147 = tpu.memref_squeeze %dma_start3A_1146 : memref<1x38656xf32, #tpu.memory_space<hbm>> -> memref<38656xf32, #tpu.memory_space<hbm>>
    %dma_start3A_1148 = tpu.memref_slice %arg3[%select_n3A_1116, %mul3A_1144] : memref<16x999986xf32, #tpu.memory_space<hbm>> -> memref<1x38656xf32, #tpu.memory_space<hbm>>
    %dma_start3A_1149 = tpu.memref_squeeze %dma_start3A_1148 : memref<1x38656xf32, #tpu.memory_space<hbm>> -> memref<38656xf32, #tpu.memory_space<hbm>>
    tpu.enqueue_dma source(%dma_start3A_1149 : memref<38656xf32, #tpu.memory_space<hbm>>) target(%arg5 : memref<38656xf32, #tpu.memory_space<vmem>>) target_semaphore(%arg10 : memref<!tpu.dma_semaphore, #tpu.memory_space<semaphore_mem>>)
    %add3A_1150 = arith.constant 5 : i32
    %add3A_1151 = arith.addi %mul3A_2, %add3A_1150 : i32
    %sub3A_1152 = arith.constant 1 : i32
    %sub3A_1153 = arith.subi %add3A_1151, %sub3A_1152 : i32
    %jit3A_1154 = arith.constant 16 : i32
    %div3A_1155 = arith.divsi %sub3A_1153, %jit3A_1154 : i32
    %sign3A_1156 = arith.constant 0 : i32
    %sign3A_1157 = arith.cmpi sgt, %sub3A_1153, %sign3A_1156 : i32
    %sign3A_1158 = arith.extui %sign3A_1157 : i1 to i32
    %sign3A_1159 = arith.constant 0 : i32
    %sign3A_1160 = arith.cmpi slt, %sub3A_1153, %sign3A_1159 : i32
    %sign3A_1161 = arith.extui %sign3A_1160 : i1 to i32
    %sign3A_1162 = arith.subi %sign3A_1158, %sign3A_1161 : i32
    %sign3A_1163 = arith.constant 0 : i32
    %sign3A_1164 = arith.cmpi sgt, %jit3A_1154, %sign3A_1163 : i32
    %sign3A_1165 = arith.extui %sign3A_1164 : i1 to i32
    %sign3A_1166 = arith.constant 0 : i32
    %sign3A_1167 = arith.cmpi slt, %jit3A_1154, %sign3A_1166 : i32
    %sign3A_1168 = arith.extui %sign3A_1167 : i1 to i32
    %sign3A_1169 = arith.subi %sign3A_1165, %sign3A_1168 : i32
    %ne3A_1170 = arith.cmpi ne, %sign3A_1162, %sign3A_1169 : i32
    %rem3A_1171 = arith.remsi %sub3A_1153, %jit3A_1154 : i32
    %ne3A_1172 = arith.constant 0 : i32
    %ne3A_1173 = arith.cmpi ne, %rem3A_1171, %ne3A_1172 : i32
    %and3A_1174 = arith.andi %ne3A_1170, %ne3A_1173 : i1
    %sub3A_1175 = arith.constant 1 : i32
    %sub3A_1176 = arith.subi %div3A_1155, %sub3A_1175 : i32
    %select_n3A_1177 = arith.select %and3A_1174, %sub3A_1176, %div3A_1155 : i32
    %ne3A_1178 = arith.cmpi ne, %select_n3A_1029, %select_n3A_1177 : i32
    %convert_element_type3A_1179 = arith.extui %ne3A_1178 : i1 to i32
    %cond3A_1180 = arith.constant 0 : i32
    %cond3A_1181 = arith.cmpi ne, %convert_element_type3A_1179, %cond3A_1180 : i32
    scf.if %cond3A_1181 {
      "tpu.region"() ({
        %run_scoped3A = tpu.sem_alloc : memref<!tpu.dma_semaphore, #tpu.memory_space<semaphore_mem>>
        %dma_start3A_2517 = arith.constant 0 : i32
        %dma_start3A_2518 = tpu.memref_slice %arg2[%select_n3A_1029, %dma_start3A_2517] : memref<26x16384xi32, #tpu.memory_space<hbm>> -> memref<1x16384xi32, #tpu.memory_space<hbm>>
        %dma_start3A_2519 = tpu.memref_squeeze %dma_start3A_2518 : memref<1x16384xi32, #tpu.memory_space<hbm>> -> memref<16384xi32, #tpu.memory_space<hbm>>
        %dma_start3A_2520 = arith.constant 0 : i32
        %dma_start3A_2521 = tpu.memref_slice %arg2[%select_n3A_1029, %dma_start3A_2520] : memref<26x16384xi32, #tpu.memory_space<hbm>> -> memref<1x16384xi32, #tpu.memory_space<hbm>>
        %dma_start3A_2522 = tpu.memref_squeeze %dma_start3A_2521 : memref<1x16384xi32, #tpu.memory_space<hbm>> -> memref<16384xi32, #tpu.memory_space<hbm>>
        tpu.enqueue_dma source(%dma_start3A_2522 : memref<16384xi32, #tpu.memory_space<hbm>>) target(%arg7 : memref<16384xi32, #tpu.memory_space<vmem>>) target_semaphore(%run_scoped3A : memref<!tpu.dma_semaphore, #tpu.memory_space<semaphore_mem>>)
        %dma_wait3A_2523 = arith.constant 0 : i32
        %dma_wait3A_2524 = tpu.memref_slice %arg2[%select_n3A_1029, %dma_wait3A_2523] : memref<26x16384xi32, #tpu.memory_space<hbm>> -> memref<1x16384xi32, #tpu.memory_space<hbm>>
        %dma_wait3A_2525 = tpu.memref_squeeze %dma_wait3A_2524 : memref<1x16384xi32, #tpu.memory_space<hbm>> -> memref<16384xi32, #tpu.memory_space<hbm>>
        %dma_wait3A_2526 = arith.constant 0 : i32
        %dma_wait3A_2527 = tpu.memref_slice %arg2[%select_n3A_1029, %dma_wait3A_2526] : memref<26x16384xi32, #tpu.memory_space<hbm>> -> memref<1x16384xi32, #tpu.memory_space<hbm>>
        %dma_wait3A_2528 = tpu.memref_squeeze %dma_wait3A_2527 : memref<1x16384xi32, #tpu.memory_space<hbm>> -> memref<16384xi32, #tpu.memory_space<hbm>>
        tpu.wait_dma2 semaphore(%run_scoped3A : memref<!tpu.dma_semaphore, #tpu.memory_space<semaphore_mem>>) src(%dma_wait3A_2528 : memref<16384xi32, #tpu.memory_space<hbm>>) dst(%arg7 : memref<16384xi32, #tpu.memory_space<vmem>>)
        tpu.yield
      }) : () -> ()
    } else {
    }
    %dma_wait3A_1182 = tpu.memref_slice %arg3[%select_n3A_919, %mul3A_947] : memref<16x999986xf32, #tpu.memory_space<hbm>> -> memref<1x38656xf32, #tpu.memory_space<hbm>>
    %dma_wait3A_1183 = tpu.memref_squeeze %dma_wait3A_1182 : memref<1x38656xf32, #tpu.memory_space<hbm>> -> memref<38656xf32, #tpu.memory_space<hbm>>
    %dma_wait3A_1184 = tpu.memref_slice %arg3[%select_n3A_919, %mul3A_947] : memref<16x999986xf32, #tpu.memory_space<hbm>> -> memref<1x38656xf32, #tpu.memory_space<hbm>>
    %dma_wait3A_1185 = tpu.memref_squeeze %dma_wait3A_1184 : memref<1x38656xf32, #tpu.memory_space<hbm>> -> memref<38656xf32, #tpu.memory_space<hbm>>
    tpu.wait_dma2 semaphore(%arg11 : memref<!tpu.dma_semaphore, #tpu.memory_space<semaphore_mem>>) src(%dma_wait3A_1185 : memref<38656xf32, #tpu.memory_space<hbm>>) dst(%arg6 : memref<38656xf32, #tpu.memory_space<vmem>>)
    %dma_wait3A_1186 = arith.constant 0 : i32
    %dma_wait3A_1187 = tpu.memref_slice %arg4[%select_n3A_635, %select_n3A_651, %dma_wait3A_1186] : memref<26x16x16384xf32, #tpu.memory_space<hbm>> -> memref<1x1x16384xf32, #tpu.memory_space<hbm>>
    %dma_wait3A_1188 = tpu.memref_squeeze %dma_wait3A_1187 : memref<1x1x16384xf32, #tpu.memory_space<hbm>> -> memref<16384xf32, #tpu.memory_space<hbm>>
    %dma_wait3A_1189 = arith.constant 0 : i32
    %dma_wait3A_1190 = tpu.memref_slice %arg4[%select_n3A_635, %select_n3A_651, %dma_wait3A_1189] : memref<26x16x16384xf32, #tpu.memory_space<hbm>> -> memref<1x1x16384xf32, #tpu.memory_space<hbm>>
    %dma_wait3A_1191 = tpu.memref_squeeze %dma_wait3A_1190 : memref<1x1x16384xf32, #tpu.memory_space<hbm>> -> memref<16384xf32, #tpu.memory_space<hbm>>
    tpu.wait_dma2 semaphore(%arg13 : memref<!tpu.dma_semaphore, #tpu.memory_space<semaphore_mem>>) src(%arg9 : memref<16384xf32, #tpu.memory_space<vmem>>) dst(%dma_wait3A_1191 : memref<16384xf32, #tpu.memory_space<hbm>>)
    %parallel_loop3A_1192 = arith.constant 0 : i32
    %parallel_loop3A_1193 = arith.constant 1024 : i32
    %parallel_loop3A_1194 = arith.constant 1 : i32
    scf.for %parallel_loop3A_2517 = %parallel_loop3A_1192 to %parallel_loop3A_1193 step %parallel_loop3A_1194  : i32 {
      %parallel_loop3A_2518 = arith.constant 16 : i32
      %parallel_loop3A_2519 = arith.muli %parallel_loop3A_2517, %parallel_loop3A_2518 : i32
      %parallel_loop3A_2520 = arith.index_cast %parallel_loop3A_2519 : i32 to index
      %parallel_loop3A_2521 = tpu.vector_load %arg7[%parallel_loop3A_2520] {strides = array<i32>} : memref<16384xi32, #tpu.memory_space<vmem>>, vector<16xi32>,
      %parallel_loop3A_2522 = vector.broadcast %sub3A_1074 : i32 to vector<16xi32>
      %parallel_loop3A_2523 = arith.addi %parallel_loop3A_2521, %parallel_loop3A_2522 : vector<16xi32>
      %parallel_loop3A_2524 = tpu.vector_load_idx %arg6[%parallel_loop3A_2523] : memref<38656xf32, #tpu.memory_space<vmem>>[vector<16xi32>], vector<16xf32>,
      %parallel_loop3A_2525 = arith.constant 16 : i32
      %parallel_loop3A_2526 = arith.muli %parallel_loop3A_2517, %parallel_loop3A_2525 : i32
      %parallel_loop3A_2527 = arith.index_cast %parallel_loop3A_2526 : i32 to index
      %parallel_loop3A_2528 = tpu.vector_load %arg9[%parallel_loop3A_2527] {strides = array<i32>} : memref<16384xf32, #tpu.memory_space<vmem>>, vector<16xf32>,
      tpu.vector_store %arg9[%parallel_loop3A_2527], %parallel_loop3A_2524 {strides = array<i32>} : memref<16384xf32, #tpu.memory_space<vmem>>, vector<16xf32>,
    } {sc.loop_unroll_factor = 8 : i64, sc.parallel_access}
    %dma_start3A_1195 = arith.constant 0 : i32
    %dma_start3A_1196 = tpu.memref_slice %arg4[%select_n3A_1029, %select_n3A_1045, %dma_start3A_1195] : memref<26x16x16384xf32, #tpu.memory_space<hbm>> -> memref<1x1x16384xf32, #tpu.memory_space<hbm>>
    %dma_start3A_1197 = tpu.memref_squeeze %dma_start3A_1196 : memref<1x1x16384xf32, #tpu.memory_space<hbm>> -> memref<16384xf32, #tpu.memory_space<hbm>>
    %dma_start3A_1198 = arith.constant 0 : i32
    %dma_start3A_1199 = tpu.memref_slice %arg4[%select_n3A_1029, %select_n3A_1045, %dma_start3A_1198] : memref<26x16x16384xf32, #tpu.memory_space<hbm>> -> memref<1x1x16384xf32, #tpu.memory_space<hbm>>
    %dma_start3A_1200 = tpu.memref_squeeze %dma_start3A_1199 : memref<1x1x16384xf32, #tpu.memory_space<hbm>> -> memref<16384xf32, #tpu.memory_space<hbm>>
    tpu.enqueue_dma source(%arg9 : memref<16384xf32, #tpu.memory_space<vmem>>) target(%dma_start3A_1200 : memref<16384xf32, #tpu.memory_space<hbm>>) target_semaphore(%arg13 : memref<!tpu.dma_semaphore, #tpu.memory_space<semaphore_mem>>)
    %add3A_1201 = arith.constant 6 : i32
    %add3A_1202 = arith.addi %mul3A_2, %add3A_1201 : i32
    %jit3A_1203 = arith.constant 16 : i32
    %div3A_1204 = arith.divsi %add3A_1202, %jit3A_1203 : i32
    %sign3A_1205 = arith.constant 0 : i32
    %sign3A_1206 = arith.cmpi sgt, %add3A_1202, %sign3A_1205 : i32
    %sign3A_1207 = arith.extui %sign3A_1206 : i1 to i32
    %sign3A_1208 = arith.constant 0 : i32
    %sign3A_1209 = arith.cmpi slt, %add3A_1202, %sign3A_1208 : i32
    %sign3A_1210 = arith.extui %sign3A_1209 : i1 to i32
    %sign3A_1211 = arith.subi %sign3A_1207, %sign3A_1210 : i32
    %sign3A_1212 = arith.constant 0 : i32
    %sign3A_1213 = arith.cmpi sgt, %jit3A_1203, %sign3A_1212 : i32
    %sign3A_1214 = arith.extui %sign3A_1213 : i1 to i32
    %sign3A_1215 = arith.constant 0 : i32
    %sign3A_1216 = arith.cmpi slt, %jit3A_1203, %sign3A_1215 : i32
    %sign3A_1217 = arith.extui %sign3A_1216 : i1 to i32
    %sign3A_1218 = arith.subi %sign3A_1214, %sign3A_1217 : i32
    %ne3A_1219 = arith.cmpi ne, %sign3A_1211, %sign3A_1218 : i32
    %rem3A_1220 = arith.remsi %add3A_1202, %jit3A_1203 : i32
    %ne3A_1221 = arith.constant 0 : i32
    %ne3A_1222 = arith.cmpi ne, %rem3A_1220, %ne3A_1221 : i32
    %and3A_1223 = arith.andi %ne3A_1219, %ne3A_1222 : i1
    %sub3A_1224 = arith.constant 1 : i32
    %sub3A_1225 = arith.subi %div3A_1204, %sub3A_1224 : i32
    %select_n3A_1226 = arith.select %and3A_1223, %sub3A_1225, %div3A_1204 : i32
    %jit3A_1227 = arith.constant 16 : i32
    %eq3A_1228 = arith.constant 0 : i32
    %eq3A_1229 = arith.cmpi eq, %jit3A_1227, %eq3A_1228 : i32
    %jit3A_1230 = arith.constant 1 : i32
    %select_n3A_1231 = arith.select %eq3A_1229, %jit3A_1230, %jit3A_1227 : i32
    %rem3A_1232 = arith.remsi %add3A_1202, %select_n3A_1231 : i32
    %ne3A_1233 = arith.constant 0 : i32
    %ne3A_1234 = arith.cmpi ne, %rem3A_1232, %ne3A_1233 : i32
    %lt3A_1235 = arith.constant 0 : i32
    %lt3A_1236 = arith.cmpi slt, %rem3A_1232, %lt3A_1235 : i32
    %lt3A_1237 = arith.constant 0 : i32
    %lt3A_1238 = arith.cmpi slt, %select_n3A_1231, %lt3A_1237 : i32
    %ne3A_1239 = arith.xori %lt3A_1236, %lt3A_1238 : i1
    %and3A_1240 = arith.andi %ne3A_1239, %ne3A_1234 : i1
    %add3A_1241 = arith.addi %rem3A_1232, %select_n3A_1231 : i32
    %select_n3A_1242 = arith.select %and3A_1240, %add3A_1241, %rem3A_1232 : i32
    %mul3A_1243 = arith.constant 38461 : i32
    %mul3A_1244 = arith.muli %select_n3A_1226, %mul3A_1243 : i32
    %jit3A_1245 = arith.constant 128 : i32
    %div3A_1246 = arith.divsi %mul3A_1244, %jit3A_1245 : i32
    %sign3A_1247 = arith.constant 0 : i32
    %sign3A_1248 = arith.cmpi sgt, %mul3A_1244, %sign3A_1247 : i32
    %sign3A_1249 = arith.extui %sign3A_1248 : i1 to i32
    %sign3A_1250 = arith.constant 0 : i32
    %sign3A_1251 = arith.cmpi slt, %mul3A_1244, %sign3A_1250 : i32
    %sign3A_1252 = arith.extui %sign3A_1251 : i1 to i32
    %sign3A_1253 = arith.subi %sign3A_1249, %sign3A_1252 : i32
    %sign3A_1254 = arith.constant 0 : i32
    %sign3A_1255 = arith.cmpi sgt, %jit3A_1245, %sign3A_1254 : i32
    %sign3A_1256 = arith.extui %sign3A_1255 : i1 to i32
    %sign3A_1257 = arith.constant 0 : i32
    %sign3A_1258 = arith.cmpi slt, %jit3A_1245, %sign3A_1257 : i32
    %sign3A_1259 = arith.extui %sign3A_1258 : i1 to i32
    %sign3A_1260 = arith.subi %sign3A_1256, %sign3A_1259 : i32
    %ne3A_1261 = arith.cmpi ne, %sign3A_1253, %sign3A_1260 : i32
    %rem3A_1262 = arith.remsi %mul3A_1244, %jit3A_1245 : i32
    %ne3A_1263 = arith.constant 0 : i32
    %ne3A_1264 = arith.cmpi ne, %rem3A_1262, %ne3A_1263 : i32
    %and3A_1265 = arith.andi %ne3A_1261, %ne3A_1264 : i1
    %sub3A_1266 = arith.constant 1 : i32
    %sub3A_1267 = arith.subi %div3A_1246, %sub3A_1266 : i32
    %select_n3A_1268 = arith.select %and3A_1265, %sub3A_1267, %div3A_1246 : i32
    %mul3A_1269 = arith.constant 128 : i32
    %mul3A_1270 = arith.muli %select_n3A_1268, %mul3A_1269 : i32
    %sub3A_1271 = arith.subi %mul3A_1244, %mul3A_1270 : i32
    %add3A_1272 = arith.constant 7 : i32
    %add3A_1273 = arith.addi %mul3A_2, %add3A_1272 : i32
    %jit3A_1274 = arith.constant 16 : i32
    %div3A_1275 = arith.divsi %add3A_1273, %jit3A_1274 : i32
    %sign3A_1276 = arith.constant 0 : i32
    %sign3A_1277 = arith.cmpi sgt, %add3A_1273, %sign3A_1276 : i32
    %sign3A_1278 = arith.extui %sign3A_1277 : i1 to i32
    %sign3A_1279 = arith.constant 0 : i32
    %sign3A_1280 = arith.cmpi slt, %add3A_1273, %sign3A_1279 : i32
    %sign3A_1281 = arith.extui %sign3A_1280 : i1 to i32
    %sign3A_1282 = arith.subi %sign3A_1278, %sign3A_1281 : i32
    %sign3A_1283 = arith.constant 0 : i32
    %sign3A_1284 = arith.cmpi sgt, %jit3A_1274, %sign3A_1283 : i32
    %sign3A_1285 = arith.extui %sign3A_1284 : i1 to i32
    %sign3A_1286 = arith.constant 0 : i32
    %sign3A_1287 = arith.cmpi slt, %jit3A_1274, %sign3A_1286 : i32
    %sign3A_1288 = arith.extui %sign3A_1287 : i1 to i32
    %sign3A_1289 = arith.subi %sign3A_1285, %sign3A_1288 : i32
    %ne3A_1290 = arith.cmpi ne, %sign3A_1282, %sign3A_1289 : i32
    %rem3A_1291 = arith.remsi %add3A_1273, %jit3A_1274 : i32
    %ne3A_1292 = arith.constant 0 : i32
    %ne3A_1293 = arith.cmpi ne, %rem3A_1291, %ne3A_1292 : i32
    %and3A_1294 = arith.andi %ne3A_1290, %ne3A_1293 : i1
    %sub3A_1295 = arith.constant 1 : i32
    %sub3A_1296 = arith.subi %div3A_1275, %sub3A_1295 : i32
    %select_n3A_1297 = arith.select %and3A_1294, %sub3A_1296, %div3A_1275 : i32
    %jit3A_1298 = arith.constant 16 : i32
    %eq3A_1299 = arith.constant 0 : i32
    %eq3A_1300 = arith.cmpi eq, %jit3A_1298, %eq3A_1299 : i32
    %jit3A_1301 = arith.constant 1 : i32
    %select_n3A_1302 = arith.select %eq3A_1300, %jit3A_1301, %jit3A_1298 : i32
    %rem3A_1303 = arith.remsi %add3A_1273, %select_n3A_1302 : i32
    %ne3A_1304 = arith.constant 0 : i32
    %ne3A_1305 = arith.cmpi ne, %rem3A_1303, %ne3A_1304 : i32
    %lt3A_1306 = arith.constant 0 : i32
    %lt3A_1307 = arith.cmpi slt, %rem3A_1303, %lt3A_1306 : i32
    %lt3A_1308 = arith.constant 0 : i32
    %lt3A_1309 = arith.cmpi slt, %select_n3A_1302, %lt3A_1308 : i32
    %ne3A_1310 = arith.xori %lt3A_1307, %lt3A_1309 : i1
    %and3A_1311 = arith.andi %ne3A_1310, %ne3A_1305 : i1
    %add3A_1312 = arith.addi %rem3A_1303, %select_n3A_1302 : i32
    %select_n3A_1313 = arith.select %and3A_1311, %add3A_1312, %rem3A_1303 : i32
    %mul3A_1314 = arith.constant 38461 : i32
    %mul3A_1315 = arith.muli %select_n3A_1297, %mul3A_1314 : i32
    %jit3A_1316 = arith.constant 128 : i32
    %div3A_1317 = arith.divsi %mul3A_1315, %jit3A_1316 : i32
    %sign3A_1318 = arith.constant 0 : i32
    %sign3A_1319 = arith.cmpi sgt, %mul3A_1315, %sign3A_1318 : i32
    %sign3A_1320 = arith.extui %sign3A_1319 : i1 to i32
    %sign3A_1321 = arith.constant 0 : i32
    %sign3A_1322 = arith.cmpi slt, %mul3A_1315, %sign3A_1321 : i32
    %sign3A_1323 = arith.extui %sign3A_1322 : i1 to i32
    %sign3A_1324 = arith.subi %sign3A_1320, %sign3A_1323 : i32
    %sign3A_1325 = arith.constant 0 : i32
    %sign3A_1326 = arith.cmpi sgt, %jit3A_1316, %sign3A_1325 : i32
    %sign3A_1327 = arith.extui %sign3A_1326 : i1 to i32
    %sign3A_1328 = arith.constant 0 : i32
    %sign3A_1329 = arith.cmpi slt, %jit3A_1316, %sign3A_1328 : i32
    %sign3A_1330 = arith.extui %sign3A_1329 : i1 to i32
    %sign3A_1331 = arith.subi %sign3A_1327, %sign3A_1330 : i32
    %ne3A_1332 = arith.cmpi ne, %sign3A_1324, %sign3A_1331 : i32
    %rem3A_1333 = arith.remsi %mul3A_1315, %jit3A_1316 : i32
    %ne3A_1334 = arith.constant 0 : i32
    %ne3A_1335 = arith.cmpi ne, %rem3A_1333, %ne3A_1334 : i32
    %and3A_1336 = arith.andi %ne3A_1332, %ne3A_1335 : i1
    %sub3A_1337 = arith.constant 1 : i32
    %sub3A_1338 = arith.subi %div3A_1317, %sub3A_1337 : i32
    %select_n3A_1339 = arith.select %and3A_1336, %sub3A_1338, %div3A_1317 : i32
    %mul3A_1340 = arith.constant 128 : i32
    %mul3A_1341 = arith.muli %select_n3A_1339, %mul3A_1340 : i32
    %sub3A_1342 = arith.subi %mul3A_1315, %mul3A_1341 : i32
    %dma_start3A_1343 = tpu.memref_slice %arg3[%select_n3A_1313, %mul3A_1341] : memref<16x999986xf32, #tpu.memory_space<hbm>> -> memref<1x38656xf32, #tpu.memory_space<hbm>>
    %dma_start3A_1344 = tpu.memref_squeeze %dma_start3A_1343 : memref<1x38656xf32, #tpu.memory_space<hbm>> -> memref<38656xf32, #tpu.memory_space<hbm>>
    %dma_start3A_1345 = tpu.memref_slice %arg3[%select_n3A_1313, %mul3A_1341] : memref<16x999986xf32, #tpu.memory_space<hbm>> -> memref<1x38656xf32, #tpu.memory_space<hbm>>
    %dma_start3A_1346 = tpu.memref_squeeze %dma_start3A_1345 : memref<1x38656xf32, #tpu.memory_space<hbm>> -> memref<38656xf32, #tpu.memory_space<hbm>>
    tpu.enqueue_dma source(%dma_start3A_1346 : memref<38656xf32, #tpu.memory_space<hbm>>) target(%arg6 : memref<38656xf32, #tpu.memory_space<vmem>>) target_semaphore(%arg11 : memref<!tpu.dma_semaphore, #tpu.memory_space<semaphore_mem>>)
    %add3A_1347 = arith.constant 6 : i32
    %add3A_1348 = arith.addi %mul3A_2, %add3A_1347 : i32
    %sub3A_1349 = arith.constant 1 : i32
    %sub3A_1350 = arith.subi %add3A_1348, %sub3A_1349 : i32
    %jit3A_1351 = arith.constant 16 : i32
    %div3A_1352 = arith.divsi %sub3A_1350, %jit3A_1351 : i32
    %sign3A_1353 = arith.constant 0 : i32
    %sign3A_1354 = arith.cmpi sgt, %sub3A_1350, %sign3A_1353 : i32
    %sign3A_1355 = arith.extui %sign3A_1354 : i1 to i32
    %sign3A_1356 = arith.constant 0 : i32
    %sign3A_1357 = arith.cmpi slt, %sub3A_1350, %sign3A_1356 : i32
    %sign3A_1358 = arith.extui %sign3A_1357 : i1 to i32
    %sign3A_1359 = arith.subi %sign3A_1355, %sign3A_1358 : i32
    %sign3A_1360 = arith.constant 0 : i32
    %sign3A_1361 = arith.cmpi sgt, %jit3A_1351, %sign3A_1360 : i32
    %sign3A_1362 = arith.extui %sign3A_1361 : i1 to i32
    %sign3A_1363 = arith.constant 0 : i32
    %sign3A_1364 = arith.cmpi slt, %jit3A_1351, %sign3A_1363 : i32
    %sign3A_1365 = arith.extui %sign3A_1364 : i1 to i32
    %sign3A_1366 = arith.subi %sign3A_1362, %sign3A_1365 : i32
    %ne3A_1367 = arith.cmpi ne, %sign3A_1359, %sign3A_1366 : i32
    %rem3A_1368 = arith.remsi %sub3A_1350, %jit3A_1351 : i32
    %ne3A_1369 = arith.constant 0 : i32
    %ne3A_1370 = arith.cmpi ne, %rem3A_1368, %ne3A_1369 : i32
    %and3A_1371 = arith.andi %ne3A_1367, %ne3A_1370 : i1
    %sub3A_1372 = arith.constant 1 : i32
    %sub3A_1373 = arith.subi %div3A_1352, %sub3A_1372 : i32
    %select_n3A_1374 = arith.select %and3A_1371, %sub3A_1373, %div3A_1352 : i32
    %ne3A_1375 = arith.cmpi ne, %select_n3A_1226, %select_n3A_1374 : i32
    %convert_element_type3A_1376 = arith.extui %ne3A_1375 : i1 to i32
    %cond3A_1377 = arith.constant 0 : i32
    %cond3A_1378 = arith.cmpi ne, %convert_element_type3A_1376, %cond3A_1377 : i32
    scf.if %cond3A_1378 {
      "tpu.region"() ({
        %run_scoped3A = tpu.sem_alloc : memref<!tpu.dma_semaphore, #tpu.memory_space<semaphore_mem>>
        %dma_start3A_2517 = arith.constant 0 : i32
        %dma_start3A_2518 = tpu.memref_slice %arg2[%select_n3A_1226, %dma_start3A_2517] : memref<26x16384xi32, #tpu.memory_space<hbm>> -> memref<1x16384xi32, #tpu.memory_space<hbm>>
        %dma_start3A_2519 = tpu.memref_squeeze %dma_start3A_2518 : memref<1x16384xi32, #tpu.memory_space<hbm>> -> memref<16384xi32, #tpu.memory_space<hbm>>
        %dma_start3A_2520 = arith.constant 0 : i32
        %dma_start3A_2521 = tpu.memref_slice %arg2[%select_n3A_1226, %dma_start3A_2520] : memref<26x16384xi32, #tpu.memory_space<hbm>> -> memref<1x16384xi32, #tpu.memory_space<hbm>>
        %dma_start3A_2522 = tpu.memref_squeeze %dma_start3A_2521 : memref<1x16384xi32, #tpu.memory_space<hbm>> -> memref<16384xi32, #tpu.memory_space<hbm>>
        tpu.enqueue_dma source(%dma_start3A_2522 : memref<16384xi32, #tpu.memory_space<hbm>>) target(%arg7 : memref<16384xi32, #tpu.memory_space<vmem>>) target_semaphore(%run_scoped3A : memref<!tpu.dma_semaphore, #tpu.memory_space<semaphore_mem>>)
        %dma_wait3A_2523 = arith.constant 0 : i32
        %dma_wait3A_2524 = tpu.memref_slice %arg2[%select_n3A_1226, %dma_wait3A_2523] : memref<26x16384xi32, #tpu.memory_space<hbm>> -> memref<1x16384xi32, #tpu.memory_space<hbm>>
        %dma_wait3A_2525 = tpu.memref_squeeze %dma_wait3A_2524 : memref<1x16384xi32, #tpu.memory_space<hbm>> -> memref<16384xi32, #tpu.memory_space<hbm>>
        %dma_wait3A_2526 = arith.constant 0 : i32
        %dma_wait3A_2527 = tpu.memref_slice %arg2[%select_n3A_1226, %dma_wait3A_2526] : memref<26x16384xi32, #tpu.memory_space<hbm>> -> memref<1x16384xi32, #tpu.memory_space<hbm>>
        %dma_wait3A_2528 = tpu.memref_squeeze %dma_wait3A_2527 : memref<1x16384xi32, #tpu.memory_space<hbm>> -> memref<16384xi32, #tpu.memory_space<hbm>>
        tpu.wait_dma2 semaphore(%run_scoped3A : memref<!tpu.dma_semaphore, #tpu.memory_space<semaphore_mem>>) src(%dma_wait3A_2528 : memref<16384xi32, #tpu.memory_space<hbm>>) dst(%arg7 : memref<16384xi32, #tpu.memory_space<vmem>>)
        tpu.yield
      }) : () -> ()
    } else {
    }
    %dma_wait3A_1379 = tpu.memref_slice %arg3[%select_n3A_1116, %mul3A_1144] : memref<16x999986xf32, #tpu.memory_space<hbm>> -> memref<1x38656xf32, #tpu.memory_space<hbm>>
    %dma_wait3A_1380 = tpu.memref_squeeze %dma_wait3A_1379 : memref<1x38656xf32, #tpu.memory_space<hbm>> -> memref<38656xf32, #tpu.memory_space<hbm>>
    %dma_wait3A_1381 = tpu.memref_slice %arg3[%select_n3A_1116, %mul3A_1144] : memref<16x999986xf32, #tpu.memory_space<hbm>> -> memref<1x38656xf32, #tpu.memory_space<hbm>>
    %dma_wait3A_1382 = tpu.memref_squeeze %dma_wait3A_1381 : memref<1x38656xf32, #tpu.memory_space<hbm>> -> memref<38656xf32, #tpu.memory_space<hbm>>
    tpu.wait_dma2 semaphore(%arg10 : memref<!tpu.dma_semaphore, #tpu.memory_space<semaphore_mem>>) src(%dma_wait3A_1382 : memref<38656xf32, #tpu.memory_space<hbm>>) dst(%arg5 : memref<38656xf32, #tpu.memory_space<vmem>>)
    %dma_wait3A_1383 = arith.constant 0 : i32
    %dma_wait3A_1384 = tpu.memref_slice %arg4[%select_n3A_832, %select_n3A_848, %dma_wait3A_1383] : memref<26x16x16384xf32, #tpu.memory_space<hbm>> -> memref<1x1x16384xf32, #tpu.memory_space<hbm>>
    %dma_wait3A_1385 = tpu.memref_squeeze %dma_wait3A_1384 : memref<1x1x16384xf32, #tpu.memory_space<hbm>> -> memref<16384xf32, #tpu.memory_space<hbm>>
    %dma_wait3A_1386 = arith.constant 0 : i32
    %dma_wait3A_1387 = tpu.memref_slice %arg4[%select_n3A_832, %select_n3A_848, %dma_wait3A_1386] : memref<26x16x16384xf32, #tpu.memory_space<hbm>> -> memref<1x1x16384xf32, #tpu.memory_space<hbm>>
    %dma_wait3A_1388 = tpu.memref_squeeze %dma_wait3A_1387 : memref<1x1x16384xf32, #tpu.memory_space<hbm>> -> memref<16384xf32, #tpu.memory_space<hbm>>
    tpu.wait_dma2 semaphore(%arg12 : memref<!tpu.dma_semaphore, #tpu.memory_space<semaphore_mem>>) src(%arg8 : memref<16384xf32, #tpu.memory_space<vmem>>) dst(%dma_wait3A_1388 : memref<16384xf32, #tpu.memory_space<hbm>>)
    %parallel_loop3A_1389 = arith.constant 0 : i32
    %parallel_loop3A_1390 = arith.constant 1024 : i32
    %parallel_loop3A_1391 = arith.constant 1 : i32
    scf.for %parallel_loop3A_2517 = %parallel_loop3A_1389 to %parallel_loop3A_1390 step %parallel_loop3A_1391  : i32 {
      %parallel_loop3A_2518 = arith.constant 16 : i32
      %parallel_loop3A_2519 = arith.muli %parallel_loop3A_2517, %parallel_loop3A_2518 : i32
      %parallel_loop3A_2520 = arith.index_cast %parallel_loop3A_2519 : i32 to index
      %parallel_loop3A_2521 = tpu.vector_load %arg7[%parallel_loop3A_2520] {strides = array<i32>} : memref<16384xi32, #tpu.memory_space<vmem>>, vector<16xi32>,
      %parallel_loop3A_2522 = vector.broadcast %sub3A_1271 : i32 to vector<16xi32>
      %parallel_loop3A_2523 = arith.addi %parallel_loop3A_2521, %parallel_loop3A_2522 : vector<16xi32>
      %parallel_loop3A_2524 = tpu.vector_load_idx %arg5[%parallel_loop3A_2523] : memref<38656xf32, #tpu.memory_space<vmem>>[vector<16xi32>], vector<16xf32>,
      %parallel_loop3A_2525 = arith.constant 16 : i32
      %parallel_loop3A_2526 = arith.muli %parallel_loop3A_2517, %parallel_loop3A_2525 : i32
      %parallel_loop3A_2527 = arith.index_cast %parallel_loop3A_2526 : i32 to index
      %parallel_loop3A_2528 = tpu.vector_load %arg8[%parallel_loop3A_2527] {strides = array<i32>} : memref<16384xf32, #tpu.memory_space<vmem>>, vector<16xf32>,
      tpu.vector_store %arg8[%parallel_loop3A_2527], %parallel_loop3A_2524 {strides = array<i32>} : memref<16384xf32, #tpu.memory_space<vmem>>, vector<16xf32>,
    } {sc.loop_unroll_factor = 8 : i64, sc.parallel_access}
    %dma_start3A_1392 = arith.constant 0 : i32
    %dma_start3A_1393 = tpu.memref_slice %arg4[%select_n3A_1226, %select_n3A_1242, %dma_start3A_1392] : memref<26x16x16384xf32, #tpu.memory_space<hbm>> -> memref<1x1x16384xf32, #tpu.memory_space<hbm>>
    %dma_start3A_1394 = tpu.memref_squeeze %dma_start3A_1393 : memref<1x1x16384xf32, #tpu.memory_space<hbm>> -> memref<16384xf32, #tpu.memory_space<hbm>>
    %dma_start3A_1395 = arith.constant 0 : i32
    %dma_start3A_1396 = tpu.memref_slice %arg4[%select_n3A_1226, %select_n3A_1242, %dma_start3A_1395] : memref<26x16x16384xf32, #tpu.memory_space<hbm>> -> memref<1x1x16384xf32, #tpu.memory_space<hbm>>
    %dma_start3A_1397 = tpu.memref_squeeze %dma_start3A_1396 : memref<1x1x16384xf32, #tpu.memory_space<hbm>> -> memref<16384xf32, #tpu.memory_space<hbm>>
    tpu.enqueue_dma source(%arg8 : memref<16384xf32, #tpu.memory_space<vmem>>) target(%dma_start3A_1397 : memref<16384xf32, #tpu.memory_space<hbm>>) target_semaphore(%arg12 : memref<!tpu.dma_semaphore, #tpu.memory_space<semaphore_mem>>)
    %add3A_1398 = arith.constant 7 : i32
    %add3A_1399 = arith.addi %mul3A_2, %add3A_1398 : i32
    %jit3A_1400 = arith.constant 16 : i32
    %div3A_1401 = arith.divsi %add3A_1399, %jit3A_1400 : i32
    %sign3A_1402 = arith.constant 0 : i32
    %sign3A_1403 = arith.cmpi sgt, %add3A_1399, %sign3A_1402 : i32
    %sign3A_1404 = arith.extui %sign3A_1403 : i1 to i32
    %sign3A_1405 = arith.constant 0 : i32
    %sign3A_1406 = arith.cmpi slt, %add3A_1399, %sign3A_1405 : i32
    %sign3A_1407 = arith.extui %sign3A_1406 : i1 to i32
    %sign3A_1408 = arith.subi %sign3A_1404, %sign3A_1407 : i32
    %sign3A_1409 = arith.constant 0 : i32
    %sign3A_1410 = arith.cmpi sgt, %jit3A_1400, %sign3A_1409 : i32
    %sign3A_1411 = arith.extui %sign3A_1410 : i1 to i32
    %sign3A_1412 = arith.constant 0 : i32
    %sign3A_1413 = arith.cmpi slt, %jit3A_1400, %sign3A_1412 : i32
    %sign3A_1414 = arith.extui %sign3A_1413 : i1 to i32
    %sign3A_1415 = arith.subi %sign3A_1411, %sign3A_1414 : i32
    %ne3A_1416 = arith.cmpi ne, %sign3A_1408, %sign3A_1415 : i32
    %rem3A_1417 = arith.remsi %add3A_1399, %jit3A_1400 : i32
    %ne3A_1418 = arith.constant 0 : i32
    %ne3A_1419 = arith.cmpi ne, %rem3A_1417, %ne3A_1418 : i32
    %and3A_1420 = arith.andi %ne3A_1416, %ne3A_1419 : i1
    %sub3A_1421 = arith.constant 1 : i32
    %sub3A_1422 = arith.subi %div3A_1401, %sub3A_1421 : i32
    %select_n3A_1423 = arith.select %and3A_1420, %sub3A_1422, %div3A_1401 : i32
    %jit3A_1424 = arith.constant 16 : i32
    %eq3A_1425 = arith.constant 0 : i32
    %eq3A_1426 = arith.cmpi eq, %jit3A_1424, %eq3A_1425 : i32
    %jit3A_1427 = arith.constant 1 : i32
    %select_n3A_1428 = arith.select %eq3A_1426, %jit3A_1427, %jit3A_1424 : i32
    %rem3A_1429 = arith.remsi %add3A_1399, %select_n3A_1428 : i32
    %ne3A_1430 = arith.constant 0 : i32
    %ne3A_1431 = arith.cmpi ne, %rem3A_1429, %ne3A_1430 : i32
    %lt3A_1432 = arith.constant 0 : i32
    %lt3A_1433 = arith.cmpi slt, %rem3A_1429, %lt3A_1432 : i32
    %lt3A_1434 = arith.constant 0 : i32
    %lt3A_1435 = arith.cmpi slt, %select_n3A_1428, %lt3A_1434 : i32
    %ne3A_1436 = arith.xori %lt3A_1433, %lt3A_1435 : i1
    %and3A_1437 = arith.andi %ne3A_1436, %ne3A_1431 : i1
    %add3A_1438 = arith.addi %rem3A_1429, %select_n3A_1428 : i32
    %select_n3A_1439 = arith.select %and3A_1437, %add3A_1438, %rem3A_1429 : i32
    %mul3A_1440 = arith.constant 38461 : i32
    %mul3A_1441 = arith.muli %select_n3A_1423, %mul3A_1440 : i32
    %jit3A_1442 = arith.constant 128 : i32
    %div3A_1443 = arith.divsi %mul3A_1441, %jit3A_1442 : i32
    %sign3A_1444 = arith.constant 0 : i32
    %sign3A_1445 = arith.cmpi sgt, %mul3A_1441, %sign3A_1444 : i32
    %sign3A_1446 = arith.extui %sign3A_1445 : i1 to i32
    %sign3A_1447 = arith.constant 0 : i32
    %sign3A_1448 = arith.cmpi slt, %mul3A_1441, %sign3A_1447 : i32
    %sign3A_1449 = arith.extui %sign3A_1448 : i1 to i32
    %sign3A_1450 = arith.subi %sign3A_1446, %sign3A_1449 : i32
    %sign3A_1451 = arith.constant 0 : i32
    %sign3A_1452 = arith.cmpi sgt, %jit3A_1442, %sign3A_1451 : i32
    %sign3A_1453 = arith.extui %sign3A_1452 : i1 to i32
    %sign3A_1454 = arith.constant 0 : i32
    %sign3A_1455 = arith.cmpi slt, %jit3A_1442, %sign3A_1454 : i32
    %sign3A_1456 = arith.extui %sign3A_1455 : i1 to i32
    %sign3A_1457 = arith.subi %sign3A_1453, %sign3A_1456 : i32
    %ne3A_1458 = arith.cmpi ne, %sign3A_1450, %sign3A_1457 : i32
    %rem3A_1459 = arith.remsi %mul3A_1441, %jit3A_1442 : i32
    %ne3A_1460 = arith.constant 0 : i32
    %ne3A_1461 = arith.cmpi ne, %rem3A_1459, %ne3A_1460 : i32
    %and3A_1462 = arith.andi %ne3A_1458, %ne3A_1461 : i1
    %sub3A_1463 = arith.constant 1 : i32
    %sub3A_1464 = arith.subi %div3A_1443, %sub3A_1463 : i32
    %select_n3A_1465 = arith.select %and3A_1462, %sub3A_1464, %div3A_1443 : i32
    %mul3A_1466 = arith.constant 128 : i32
    %mul3A_1467 = arith.muli %select_n3A_1465, %mul3A_1466 : i32
    %sub3A_1468 = arith.subi %mul3A_1441, %mul3A_1467 : i32
    %add3A_1469 = arith.constant 8 : i32
    %add3A_1470 = arith.addi %mul3A_2, %add3A_1469 : i32
    %jit3A_1471 = arith.constant 16 : i32
    %div3A_1472 = arith.divsi %add3A_1470, %jit3A_1471 : i32
    %sign3A_1473 = arith.constant 0 : i32
    %sign3A_1474 = arith.cmpi sgt, %add3A_1470, %sign3A_1473 : i32
    %sign3A_1475 = arith.extui %sign3A_1474 : i1 to i32
    %sign3A_1476 = arith.constant 0 : i32
    %sign3A_1477 = arith.cmpi slt, %add3A_1470, %sign3A_1476 : i32
    %sign3A_1478 = arith.extui %sign3A_1477 : i1 to i32
    %sign3A_1479 = arith.subi %sign3A_1475, %sign3A_1478 : i32
    %sign3A_1480 = arith.constant 0 : i32
    %sign3A_1481 = arith.cmpi sgt, %jit3A_1471, %sign3A_1480 : i32
    %sign3A_1482 = arith.extui %sign3A_1481 : i1 to i32
    %sign3A_1483 = arith.constant 0 : i32
    %sign3A_1484 = arith.cmpi slt, %jit3A_1471, %sign3A_1483 : i32
    %sign3A_1485 = arith.extui %sign3A_1484 : i1 to i32
    %sign3A_1486 = arith.subi %sign3A_1482, %sign3A_1485 : i32
    %ne3A_1487 = arith.cmpi ne, %sign3A_1479, %sign3A_1486 : i32
    %rem3A_1488 = arith.remsi %add3A_1470, %jit3A_1471 : i32
    %ne3A_1489 = arith.constant 0 : i32
    %ne3A_1490 = arith.cmpi ne, %rem3A_1488, %ne3A_1489 : i32
    %and3A_1491 = arith.andi %ne3A_1487, %ne3A_1490 : i1
    %sub3A_1492 = arith.constant 1 : i32
    %sub3A_1493 = arith.subi %div3A_1472, %sub3A_1492 : i32
    %select_n3A_1494 = arith.select %and3A_1491, %sub3A_1493, %div3A_1472 : i32
    %jit3A_1495 = arith.constant 16 : i32
    %eq3A_1496 = arith.constant 0 : i32
    %eq3A_1497 = arith.cmpi eq, %jit3A_1495, %eq3A_1496 : i32
    %jit3A_1498 = arith.constant 1 : i32
    %select_n3A_1499 = arith.select %eq3A_1497, %jit3A_1498, %jit3A_1495 : i32
    %rem3A_1500 = arith.remsi %add3A_1470, %select_n3A_1499 : i32
    %ne3A_1501 = arith.constant 0 : i32
    %ne3A_1502 = arith.cmpi ne, %rem3A_1500, %ne3A_1501 : i32
    %lt3A_1503 = arith.constant 0 : i32
    %lt3A_1504 = arith.cmpi slt, %rem3A_1500, %lt3A_1503 : i32
    %lt3A_1505 = arith.constant 0 : i32
    %lt3A_1506 = arith.cmpi slt, %select_n3A_1499, %lt3A_1505 : i32
    %ne3A_1507 = arith.xori %lt3A_1504, %lt3A_1506 : i1
    %and3A_1508 = arith.andi %ne3A_1507, %ne3A_1502 : i1
    %add3A_1509 = arith.addi %rem3A_1500, %select_n3A_1499 : i32
    %select_n3A_1510 = arith.select %and3A_1508, %add3A_1509, %rem3A_1500 : i32
    %mul3A_1511 = arith.constant 38461 : i32
    %mul3A_1512 = arith.muli %select_n3A_1494, %mul3A_1511 : i32
    %jit3A_1513 = arith.constant 128 : i32
    %div3A_1514 = arith.divsi %mul3A_1512, %jit3A_1513 : i32
    %sign3A_1515 = arith.constant 0 : i32
    %sign3A_1516 = arith.cmpi sgt, %mul3A_1512, %sign3A_1515 : i32
    %sign3A_1517 = arith.extui %sign3A_1516 : i1 to i32
    %sign3A_1518 = arith.constant 0 : i32
    %sign3A_1519 = arith.cmpi slt, %mul3A_1512, %sign3A_1518 : i32
    %sign3A_1520 = arith.extui %sign3A_1519 : i1 to i32
    %sign3A_1521 = arith.subi %sign3A_1517, %sign3A_1520 : i32
    %sign3A_1522 = arith.constant 0 : i32
    %sign3A_1523 = arith.cmpi sgt, %jit3A_1513, %sign3A_1522 : i32
    %sign3A_1524 = arith.extui %sign3A_1523 : i1 to i32
    %sign3A_1525 = arith.constant 0 : i32
    %sign3A_1526 = arith.cmpi slt, %jit3A_1513, %sign3A_1525 : i32
    %sign3A_1527 = arith.extui %sign3A_1526 : i1 to i32
    %sign3A_1528 = arith.subi %sign3A_1524, %sign3A_1527 : i32
    %ne3A_1529 = arith.cmpi ne, %sign3A_1521, %sign3A_1528 : i32
    %rem3A_1530 = arith.remsi %mul3A_1512, %jit3A_1513 : i32
    %ne3A_1531 = arith.constant 0 : i32
    %ne3A_1532 = arith.cmpi ne, %rem3A_1530, %ne3A_1531 : i32
    %and3A_1533 = arith.andi %ne3A_1529, %ne3A_1532 : i1
    %sub3A_1534 = arith.constant 1 : i32
    %sub3A_1535 = arith.subi %div3A_1514, %sub3A_1534 : i32
    %select_n3A_1536 = arith.select %and3A_1533, %sub3A_1535, %div3A_1514 : i32
    %mul3A_1537 = arith.constant 128 : i32
    %mul3A_1538 = arith.muli %select_n3A_1536, %mul3A_1537 : i32
    %sub3A_1539 = arith.subi %mul3A_1512, %mul3A_1538 : i32
    %dma_start3A_1540 = tpu.memref_slice %arg3[%select_n3A_1510, %mul3A_1538] : memref<16x999986xf32, #tpu.memory_space<hbm>> -> memref<1x38656xf32, #tpu.memory_space<hbm>>
    %dma_start3A_1541 = tpu.memref_squeeze %dma_start3A_1540 : memref<1x38656xf32, #tpu.memory_space<hbm>> -> memref<38656xf32, #tpu.memory_space<hbm>>
    %dma_start3A_1542 = tpu.memref_slice %arg3[%select_n3A_1510, %mul3A_1538] : memref<16x999986xf32, #tpu.memory_space<hbm>> -> memref<1x38656xf32, #tpu.memory_space<hbm>>
    %dma_start3A_1543 = tpu.memref_squeeze %dma_start3A_1542 : memref<1x38656xf32, #tpu.memory_space<hbm>> -> memref<38656xf32, #tpu.memory_space<hbm>>
    tpu.enqueue_dma source(%dma_start3A_1543 : memref<38656xf32, #tpu.memory_space<hbm>>) target(%arg5 : memref<38656xf32, #tpu.memory_space<vmem>>) target_semaphore(%arg10 : memref<!tpu.dma_semaphore, #tpu.memory_space<semaphore_mem>>)
    %add3A_1544 = arith.constant 7 : i32
    %add3A_1545 = arith.addi %mul3A_2, %add3A_1544 : i32
    %sub3A_1546 = arith.constant 1 : i32
    %sub3A_1547 = arith.subi %add3A_1545, %sub3A_1546 : i32
    %jit3A_1548 = arith.constant 16 : i32
    %div3A_1549 = arith.divsi %sub3A_1547, %jit3A_1548 : i32
    %sign3A_1550 = arith.constant 0 : i32
    %sign3A_1551 = arith.cmpi sgt, %sub3A_1547, %sign3A_1550 : i32
    %sign3A_1552 = arith.extui %sign3A_1551 : i1 to i32
    %sign3A_1553 = arith.constant 0 : i32
    %sign3A_1554 = arith.cmpi slt, %sub3A_1547, %sign3A_1553 : i32
    %sign3A_1555 = arith.extui %sign3A_1554 : i1 to i32
    %sign3A_1556 = arith.subi %sign3A_1552, %sign3A_1555 : i32
    %sign3A_1557 = arith.constant 0 : i32
    %sign3A_1558 = arith.cmpi sgt, %jit3A_1548, %sign3A_1557 : i32
    %sign3A_1559 = arith.extui %sign3A_1558 : i1 to i32
    %sign3A_1560 = arith.constant 0 : i32
    %sign3A_1561 = arith.cmpi slt, %jit3A_1548, %sign3A_1560 : i32
    %sign3A_1562 = arith.extui %sign3A_1561 : i1 to i32
    %sign3A_1563 = arith.subi %sign3A_1559, %sign3A_1562 : i32
    %ne3A_1564 = arith.cmpi ne, %sign3A_1556, %sign3A_1563 : i32
    %rem3A_1565 = arith.remsi %sub3A_1547, %jit3A_1548 : i32
    %ne3A_1566 = arith.constant 0 : i32
    %ne3A_1567 = arith.cmpi ne, %rem3A_1565, %ne3A_1566 : i32
    %and3A_1568 = arith.andi %ne3A_1564, %ne3A_1567 : i1
    %sub3A_1569 = arith.constant 1 : i32
    %sub3A_1570 = arith.subi %div3A_1549, %sub3A_1569 : i32
    %select_n3A_1571 = arith.select %and3A_1568, %sub3A_1570, %div3A_1549 : i32
    %ne3A_1572 = arith.cmpi ne, %select_n3A_1423, %select_n3A_1571 : i32
    %convert_element_type3A_1573 = arith.extui %ne3A_1572 : i1 to i32
    %cond3A_1574 = arith.constant 0 : i32
    %cond3A_1575 = arith.cmpi ne, %convert_element_type3A_1573, %cond3A_1574 : i32
    scf.if %cond3A_1575 {
      "tpu.region"() ({
        %run_scoped3A = tpu.sem_alloc : memref<!tpu.dma_semaphore, #tpu.memory_space<semaphore_mem>>
        %dma_start3A_2517 = arith.constant 0 : i32
        %dma_start3A_2518 = tpu.memref_slice %arg2[%select_n3A_1423, %dma_start3A_2517] : memref<26x16384xi32, #tpu.memory_space<hbm>> -> memref<1x16384xi32, #tpu.memory_space<hbm>>
        %dma_start3A_2519 = tpu.memref_squeeze %dma_start3A_2518 : memref<1x16384xi32, #tpu.memory_space<hbm>> -> memref<16384xi32, #tpu.memory_space<hbm>>
        %dma_start3A_2520 = arith.constant 0 : i32
        %dma_start3A_2521 = tpu.memref_slice %arg2[%select_n3A_1423, %dma_start3A_2520] : memref<26x16384xi32, #tpu.memory_space<hbm>> -> memref<1x16384xi32, #tpu.memory_space<hbm>>
        %dma_start3A_2522 = tpu.memref_squeeze %dma_start3A_2521 : memref<1x16384xi32, #tpu.memory_space<hbm>> -> memref<16384xi32, #tpu.memory_space<hbm>>
        tpu.enqueue_dma source(%dma_start3A_2522 : memref<16384xi32, #tpu.memory_space<hbm>>) target(%arg7 : memref<16384xi32, #tpu.memory_space<vmem>>) target_semaphore(%run_scoped3A : memref<!tpu.dma_semaphore, #tpu.memory_space<semaphore_mem>>)
        %dma_wait3A_2523 = arith.constant 0 : i32
        %dma_wait3A_2524 = tpu.memref_slice %arg2[%select_n3A_1423, %dma_wait3A_2523] : memref<26x16384xi32, #tpu.memory_space<hbm>> -> memref<1x16384xi32, #tpu.memory_space<hbm>>
        %dma_wait3A_2525 = tpu.memref_squeeze %dma_wait3A_2524 : memref<1x16384xi32, #tpu.memory_space<hbm>> -> memref<16384xi32, #tpu.memory_space<hbm>>
        %dma_wait3A_2526 = arith.constant 0 : i32
        %dma_wait3A_2527 = tpu.memref_slice %arg2[%select_n3A_1423, %dma_wait3A_2526] : memref<26x16384xi32, #tpu.memory_space<hbm>> -> memref<1x16384xi32, #tpu.memory_space<hbm>>
        %dma_wait3A_2528 = tpu.memref_squeeze %dma_wait3A_2527 : memref<1x16384xi32, #tpu.memory_space<hbm>> -> memref<16384xi32, #tpu.memory_space<hbm>>
        tpu.wait_dma2 semaphore(%run_scoped3A : memref<!tpu.dma_semaphore, #tpu.memory_space<semaphore_mem>>) src(%dma_wait3A_2528 : memref<16384xi32, #tpu.memory_space<hbm>>) dst(%arg7 : memref<16384xi32, #tpu.memory_space<vmem>>)
        tpu.yield
      }) : () -> ()
    } else {
    }
    %dma_wait3A_1576 = tpu.memref_slice %arg3[%select_n3A_1313, %mul3A_1341] : memref<16x999986xf32, #tpu.memory_space<hbm>> -> memref<1x38656xf32, #tpu.memory_space<hbm>>
    %dma_wait3A_1577 = tpu.memref_squeeze %dma_wait3A_1576 : memref<1x38656xf32, #tpu.memory_space<hbm>> -> memref<38656xf32, #tpu.memory_space<hbm>>
    %dma_wait3A_1578 = tpu.memref_slice %arg3[%select_n3A_1313, %mul3A_1341] : memref<16x999986xf32, #tpu.memory_space<hbm>> -> memref<1x38656xf32, #tpu.memory_space<hbm>>
    %dma_wait3A_1579 = tpu.memref_squeeze %dma_wait3A_1578 : memref<1x38656xf32, #tpu.memory_space<hbm>> -> memref<38656xf32, #tpu.memory_space<hbm>>
    tpu.wait_dma2 semaphore(%arg11 : memref<!tpu.dma_semaphore, #tpu.memory_space<semaphore_mem>>) src(%dma_wait3A_1579 : memref<38656xf32, #tpu.memory_space<hbm>>) dst(%arg6 : memref<38656xf32, #tpu.memory_space<vmem>>)
    %dma_wait3A_1580 = arith.constant 0 : i32
    %dma_wait3A_1581 = tpu.memref_slice %arg4[%select_n3A_1029, %select_n3A_1045, %dma_wait3A_1580] : memref<26x16x16384xf32, #tpu.memory_space<hbm>> -> memref<1x1x16384xf32, #tpu.memory_space<hbm>>
    %dma_wait3A_1582 = tpu.memref_squeeze %dma_wait3A_1581 : memref<1x1x16384xf32, #tpu.memory_space<hbm>> -> memref<16384xf32, #tpu.memory_space<hbm>>
    %dma_wait3A_1583 = arith.constant 0 : i32
    %dma_wait3A_1584 = tpu.memref_slice %arg4[%select_n3A_1029, %select_n3A_1045, %dma_wait3A_1583] : memref<26x16x16384xf32, #tpu.memory_space<hbm>> -> memref<1x1x16384xf32, #tpu.memory_space<hbm>>
    %dma_wait3A_1585 = tpu.memref_squeeze %dma_wait3A_1584 : memref<1x1x16384xf32, #tpu.memory_space<hbm>> -> memref<16384xf32, #tpu.memory_space<hbm>>
    tpu.wait_dma2 semaphore(%arg13 : memref<!tpu.dma_semaphore, #tpu.memory_space<semaphore_mem>>) src(%arg9 : memref<16384xf32, #tpu.memory_space<vmem>>) dst(%dma_wait3A_1585 : memref<16384xf32, #tpu.memory_space<hbm>>)
    %parallel_loop3A_1586 = arith.constant 0 : i32
    %parallel_loop3A_1587 = arith.constant 1024 : i32
    %parallel_loop3A_1588 = arith.constant 1 : i32
    scf.for %parallel_loop3A_2517 = %parallel_loop3A_1586 to %parallel_loop3A_1587 step %parallel_loop3A_1588  : i32 {
      %parallel_loop3A_2518 = arith.constant 16 : i32
      %parallel_loop3A_2519 = arith.muli %parallel_loop3A_2517, %parallel_loop3A_2518 : i32
      %parallel_loop3A_2520 = arith.index_cast %parallel_loop3A_2519 : i32 to index
      %parallel_loop3A_2521 = tpu.vector_load %arg7[%parallel_loop3A_2520] {strides = array<i32>} : memref<16384xi32, #tpu.memory_space<vmem>>, vector<16xi32>,
      %parallel_loop3A_2522 = vector.broadcast %sub3A_1468 : i32 to vector<16xi32>
      %parallel_loop3A_2523 = arith.addi %parallel_loop3A_2521, %parallel_loop3A_2522 : vector<16xi32>
      %parallel_loop3A_2524 = tpu.vector_load_idx %arg6[%parallel_loop3A_2523] : memref<38656xf32, #tpu.memory_space<vmem>>[vector<16xi32>], vector<16xf32>,
      %parallel_loop3A_2525 = arith.constant 16 : i32
      %parallel_loop3A_2526 = arith.muli %parallel_loop3A_2517, %parallel_loop3A_2525 : i32
      %parallel_loop3A_2527 = arith.index_cast %parallel_loop3A_2526 : i32 to index
      %parallel_loop3A_2528 = tpu.vector_load %arg9[%parallel_loop3A_2527] {strides = array<i32>} : memref<16384xf32, #tpu.memory_space<vmem>>, vector<16xf32>,
      tpu.vector_store %arg9[%parallel_loop3A_2527], %parallel_loop3A_2524 {strides = array<i32>} : memref<16384xf32, #tpu.memory_space<vmem>>, vector<16xf32>,
    } {sc.loop_unroll_factor = 8 : i64, sc.parallel_access}
    %dma_start3A_1589 = arith.constant 0 : i32
    %dma_start3A_1590 = tpu.memref_slice %arg4[%select_n3A_1423, %select_n3A_1439, %dma_start3A_1589] : memref<26x16x16384xf32, #tpu.memory_space<hbm>> -> memref<1x1x16384xf32, #tpu.memory_space<hbm>>
    %dma_start3A_1591 = tpu.memref_squeeze %dma_start3A_1590 : memref<1x1x16384xf32, #tpu.memory_space<hbm>> -> memref<16384xf32, #tpu.memory_space<hbm>>
    %dma_start3A_1592 = arith.constant 0 : i32
    %dma_start3A_1593 = tpu.memref_slice %arg4[%select_n3A_1423, %select_n3A_1439, %dma_start3A_1592] : memref<26x16x16384xf32, #tpu.memory_space<hbm>> -> memref<1x1x16384xf32, #tpu.memory_space<hbm>>
    %dma_start3A_1594 = tpu.memref_squeeze %dma_start3A_1593 : memref<1x1x16384xf32, #tpu.memory_space<hbm>> -> memref<16384xf32, #tpu.memory_space<hbm>>
    tpu.enqueue_dma source(%arg9 : memref<16384xf32, #tpu.memory_space<vmem>>) target(%dma_start3A_1594 : memref<16384xf32, #tpu.memory_space<hbm>>) target_semaphore(%arg13 : memref<!tpu.dma_semaphore, #tpu.memory_space<semaphore_mem>>)
    %add3A_1595 = arith.constant 8 : i32
    %add3A_1596 = arith.addi %mul3A_2, %add3A_1595 : i32
    %jit3A_1597 = arith.constant 16 : i32
    %div3A_1598 = arith.divsi %add3A_1596, %jit3A_1597 : i32
    %sign3A_1599 = arith.constant 0 : i32
    %sign3A_1600 = arith.cmpi sgt, %add3A_1596, %sign3A_1599 : i32
    %sign3A_1601 = arith.extui %sign3A_1600 : i1 to i32
    %sign3A_1602 = arith.constant 0 : i32
    %sign3A_1603 = arith.cmpi slt, %add3A_1596, %sign3A_1602 : i32
    %sign3A_1604 = arith.extui %sign3A_1603 : i1 to i32
    %sign3A_1605 = arith.subi %sign3A_1601, %sign3A_1604 : i32
    %sign3A_1606 = arith.constant 0 : i32
    %sign3A_1607 = arith.cmpi sgt, %jit3A_1597, %sign3A_1606 : i32
    %sign3A_1608 = arith.extui %sign3A_1607 : i1 to i32
    %sign3A_1609 = arith.constant 0 : i32
    %sign3A_1610 = arith.cmpi slt, %jit3A_1597, %sign3A_1609 : i32
    %sign3A_1611 = arith.extui %sign3A_1610 : i1 to i32
    %sign3A_1612 = arith.subi %sign3A_1608, %sign3A_1611 : i32
    %ne3A_1613 = arith.cmpi ne, %sign3A_1605, %sign3A_1612 : i32
    %rem3A_1614 = arith.remsi %add3A_1596, %jit3A_1597 : i32
    %ne3A_1615 = arith.constant 0 : i32
    %ne3A_1616 = arith.cmpi ne, %rem3A_1614, %ne3A_1615 : i32
    %and3A_1617 = arith.andi %ne3A_1613, %ne3A_1616 : i1
    %sub3A_1618 = arith.constant 1 : i32
    %sub3A_1619 = arith.subi %div3A_1598, %sub3A_1618 : i32
    %select_n3A_1620 = arith.select %and3A_1617, %sub3A_1619, %div3A_1598 : i32
    %jit3A_1621 = arith.constant 16 : i32
    %eq3A_1622 = arith.constant 0 : i32
    %eq3A_1623 = arith.cmpi eq, %jit3A_1621, %eq3A_1622 : i32
    %jit3A_1624 = arith.constant 1 : i32
    %select_n3A_1625 = arith.select %eq3A_1623, %jit3A_1624, %jit3A_1621 : i32
    %rem3A_1626 = arith.remsi %add3A_1596, %select_n3A_1625 : i32
    %ne3A_1627 = arith.constant 0 : i32
    %ne3A_1628 = arith.cmpi ne, %rem3A_1626, %ne3A_1627 : i32
    %lt3A_1629 = arith.constant 0 : i32
    %lt3A_1630 = arith.cmpi slt, %rem3A_1626, %lt3A_1629 : i32
    %lt3A_1631 = arith.constant 0 : i32
    %lt3A_1632 = arith.cmpi slt, %select_n3A_1625, %lt3A_1631 : i32
    %ne3A_1633 = arith.xori %lt3A_1630, %lt3A_1632 : i1
    %and3A_1634 = arith.andi %ne3A_1633, %ne3A_1628 : i1
    %add3A_1635 = arith.addi %rem3A_1626, %select_n3A_1625 : i32
    %select_n3A_1636 = arith.select %and3A_1634, %add3A_1635, %rem3A_1626 : i32
    %mul3A_1637 = arith.constant 38461 : i32
    %mul3A_1638 = arith.muli %select_n3A_1620, %mul3A_1637 : i32
    %jit3A_1639 = arith.constant 128 : i32
    %div3A_1640 = arith.divsi %mul3A_1638, %jit3A_1639 : i32
    %sign3A_1641 = arith.constant 0 : i32
    %sign3A_1642 = arith.cmpi sgt, %mul3A_1638, %sign3A_1641 : i32
    %sign3A_1643 = arith.extui %sign3A_1642 : i1 to i32
    %sign3A_1644 = arith.constant 0 : i32
    %sign3A_1645 = arith.cmpi slt, %mul3A_1638, %sign3A_1644 : i32
    %sign3A_1646 = arith.extui %sign3A_1645 : i1 to i32
    %sign3A_1647 = arith.subi %sign3A_1643, %sign3A_1646 : i32
    %sign3A_1648 = arith.constant 0 : i32
    %sign3A_1649 = arith.cmpi sgt, %jit3A_1639, %sign3A_1648 : i32
    %sign3A_1650 = arith.extui %sign3A_1649 : i1 to i32
    %sign3A_1651 = arith.constant 0 : i32
    %sign3A_1652 = arith.cmpi slt, %jit3A_1639, %sign3A_1651 : i32
    %sign3A_1653 = arith.extui %sign3A_1652 : i1 to i32
    %sign3A_1654 = arith.subi %sign3A_1650, %sign3A_1653 : i32
    %ne3A_1655 = arith.cmpi ne, %sign3A_1647, %sign3A_1654 : i32
    %rem3A_1656 = arith.remsi %mul3A_1638, %jit3A_1639 : i32
    %ne3A_1657 = arith.constant 0 : i32
    %ne3A_1658 = arith.cmpi ne, %rem3A_1656, %ne3A_1657 : i32
    %and3A_1659 = arith.andi %ne3A_1655, %ne3A_1658 : i1
    %sub3A_1660 = arith.constant 1 : i32
    %sub3A_1661 = arith.subi %div3A_1640, %sub3A_1660 : i32
    %select_n3A_1662 = arith.select %and3A_1659, %sub3A_1661, %div3A_1640 : i32
    %mul3A_1663 = arith.constant 128 : i32
    %mul3A_1664 = arith.muli %select_n3A_1662, %mul3A_1663 : i32
    %sub3A_1665 = arith.subi %mul3A_1638, %mul3A_1664 : i32
    %add3A_1666 = arith.constant 9 : i32
    %add3A_1667 = arith.addi %mul3A_2, %add3A_1666 : i32
    %jit3A_1668 = arith.constant 16 : i32
    %div3A_1669 = arith.divsi %add3A_1667, %jit3A_1668 : i32
    %sign3A_1670 = arith.constant 0 : i32
    %sign3A_1671 = arith.cmpi sgt, %add3A_1667, %sign3A_1670 : i32
    %sign3A_1672 = arith.extui %sign3A_1671 : i1 to i32
    %sign3A_1673 = arith.constant 0 : i32
    %sign3A_1674 = arith.cmpi slt, %add3A_1667, %sign3A_1673 : i32
    %sign3A_1675 = arith.extui %sign3A_1674 : i1 to i32
    %sign3A_1676 = arith.subi %sign3A_1672, %sign3A_1675 : i32
    %sign3A_1677 = arith.constant 0 : i32
    %sign3A_1678 = arith.cmpi sgt, %jit3A_1668, %sign3A_1677 : i32
    %sign3A_1679 = arith.extui %sign3A_1678 : i1 to i32
    %sign3A_1680 = arith.constant 0 : i32
    %sign3A_1681 = arith.cmpi slt, %jit3A_1668, %sign3A_1680 : i32
    %sign3A_1682 = arith.extui %sign3A_1681 : i1 to i32
    %sign3A_1683 = arith.subi %sign3A_1679, %sign3A_1682 : i32
    %ne3A_1684 = arith.cmpi ne, %sign3A_1676, %sign3A_1683 : i32
    %rem3A_1685 = arith.remsi %add3A_1667, %jit3A_1668 : i32
    %ne3A_1686 = arith.constant 0 : i32
    %ne3A_1687 = arith.cmpi ne, %rem3A_1685, %ne3A_1686 : i32
    %and3A_1688 = arith.andi %ne3A_1684, %ne3A_1687 : i1
    %sub3A_1689 = arith.constant 1 : i32
    %sub3A_1690 = arith.subi %div3A_1669, %sub3A_1689 : i32
    %select_n3A_1691 = arith.select %and3A_1688, %sub3A_1690, %div3A_1669 : i32
    %jit3A_1692 = arith.constant 16 : i32
    %eq3A_1693 = arith.constant 0 : i32
    %eq3A_1694 = arith.cmpi eq, %jit3A_1692, %eq3A_1693 : i32
    %jit3A_1695 = arith.constant 1 : i32
    %select_n3A_1696 = arith.select %eq3A_1694, %jit3A_1695, %jit3A_1692 : i32
    %rem3A_1697 = arith.remsi %add3A_1667, %select_n3A_1696 : i32
    %ne3A_1698 = arith.constant 0 : i32
    %ne3A_1699 = arith.cmpi ne, %rem3A_1697, %ne3A_1698 : i32
    %lt3A_1700 = arith.constant 0 : i32
    %lt3A_1701 = arith.cmpi slt, %rem3A_1697, %lt3A_1700 : i32
    %lt3A_1702 = arith.constant 0 : i32
    %lt3A_1703 = arith.cmpi slt, %select_n3A_1696, %lt3A_1702 : i32
    %ne3A_1704 = arith.xori %lt3A_1701, %lt3A_1703 : i1
    %and3A_1705 = arith.andi %ne3A_1704, %ne3A_1699 : i1
    %add3A_1706 = arith.addi %rem3A_1697, %select_n3A_1696 : i32
    %select_n3A_1707 = arith.select %and3A_1705, %add3A_1706, %rem3A_1697 : i32
    %mul3A_1708 = arith.constant 38461 : i32
    %mul3A_1709 = arith.muli %select_n3A_1691, %mul3A_1708 : i32
    %jit3A_1710 = arith.constant 128 : i32
    %div3A_1711 = arith.divsi %mul3A_1709, %jit3A_1710 : i32
    %sign3A_1712 = arith.constant 0 : i32
    %sign3A_1713 = arith.cmpi sgt, %mul3A_1709, %sign3A_1712 : i32
    %sign3A_1714 = arith.extui %sign3A_1713 : i1 to i32
    %sign3A_1715 = arith.constant 0 : i32
    %sign3A_1716 = arith.cmpi slt, %mul3A_1709, %sign3A_1715 : i32
    %sign3A_1717 = arith.extui %sign3A_1716 : i1 to i32
    %sign3A_1718 = arith.subi %sign3A_1714, %sign3A_1717 : i32
    %sign3A_1719 = arith.constant 0 : i32
    %sign3A_1720 = arith.cmpi sgt, %jit3A_1710, %sign3A_1719 : i32
    %sign3A_1721 = arith.extui %sign3A_1720 : i1 to i32
    %sign3A_1722 = arith.constant 0 : i32
    %sign3A_1723 = arith.cmpi slt, %jit3A_1710, %sign3A_1722 : i32
    %sign3A_1724 = arith.extui %sign3A_1723 : i1 to i32
    %sign3A_1725 = arith.subi %sign3A_1721, %sign3A_1724 : i32
    %ne3A_1726 = arith.cmpi ne, %sign3A_1718, %sign3A_1725 : i32
    %rem3A_1727 = arith.remsi %mul3A_1709, %jit3A_1710 : i32
    %ne3A_1728 = arith.constant 0 : i32
    %ne3A_1729 = arith.cmpi ne, %rem3A_1727, %ne3A_1728 : i32
    %and3A_1730 = arith.andi %ne3A_1726, %ne3A_1729 : i1
    %sub3A_1731 = arith.constant 1 : i32
    %sub3A_1732 = arith.subi %div3A_1711, %sub3A_1731 : i32
    %select_n3A_1733 = arith.select %and3A_1730, %sub3A_1732, %div3A_1711 : i32
    %mul3A_1734 = arith.constant 128 : i32
    %mul3A_1735 = arith.muli %select_n3A_1733, %mul3A_1734 : i32
    %sub3A_1736 = arith.subi %mul3A_1709, %mul3A_1735 : i32
    %dma_start3A_1737 = tpu.memref_slice %arg3[%select_n3A_1707, %mul3A_1735] : memref<16x999986xf32, #tpu.memory_space<hbm>> -> memref<1x38656xf32, #tpu.memory_space<hbm>>
    %dma_start3A_1738 = tpu.memref_squeeze %dma_start3A_1737 : memref<1x38656xf32, #tpu.memory_space<hbm>> -> memref<38656xf32, #tpu.memory_space<hbm>>
    %dma_start3A_1739 = tpu.memref_slice %arg3[%select_n3A_1707, %mul3A_1735] : memref<16x999986xf32, #tpu.memory_space<hbm>> -> memref<1x38656xf32, #tpu.memory_space<hbm>>
    %dma_start3A_1740 = tpu.memref_squeeze %dma_start3A_1739 : memref<1x38656xf32, #tpu.memory_space<hbm>> -> memref<38656xf32, #tpu.memory_space<hbm>>
    tpu.enqueue_dma source(%dma_start3A_1740 : memref<38656xf32, #tpu.memory_space<hbm>>) target(%arg6 : memref<38656xf32, #tpu.memory_space<vmem>>) target_semaphore(%arg11 : memref<!tpu.dma_semaphore, #tpu.memory_space<semaphore_mem>>)
    %add3A_1741 = arith.constant 8 : i32
    %add3A_1742 = arith.addi %mul3A_2, %add3A_1741 : i32
    %sub3A_1743 = arith.constant 1 : i32
    %sub3A_1744 = arith.subi %add3A_1742, %sub3A_1743 : i32
    %jit3A_1745 = arith.constant 16 : i32
    %div3A_1746 = arith.divsi %sub3A_1744, %jit3A_1745 : i32
    %sign3A_1747 = arith.constant 0 : i32
    %sign3A_1748 = arith.cmpi sgt, %sub3A_1744, %sign3A_1747 : i32
    %sign3A_1749 = arith.extui %sign3A_1748 : i1 to i32
    %sign3A_1750 = arith.constant 0 : i32
    %sign3A_1751 = arith.cmpi slt, %sub3A_1744, %sign3A_1750 : i32
    %sign3A_1752 = arith.extui %sign3A_1751 : i1 to i32
    %sign3A_1753 = arith.subi %sign3A_1749, %sign3A_1752 : i32
    %sign3A_1754 = arith.constant 0 : i32
    %sign3A_1755 = arith.cmpi sgt, %jit3A_1745, %sign3A_1754 : i32
    %sign3A_1756 = arith.extui %sign3A_1755 : i1 to i32
    %sign3A_1757 = arith.constant 0 : i32
    %sign3A_1758 = arith.cmpi slt, %jit3A_1745, %sign3A_1757 : i32
    %sign3A_1759 = arith.extui %sign3A_1758 : i1 to i32
    %sign3A_1760 = arith.subi %sign3A_1756, %sign3A_1759 : i32
    %ne3A_1761 = arith.cmpi ne, %sign3A_1753, %sign3A_1760 : i32
    %rem3A_1762 = arith.remsi %sub3A_1744, %jit3A_1745 : i32
    %ne3A_1763 = arith.constant 0 : i32
    %ne3A_1764 = arith.cmpi ne, %rem3A_1762, %ne3A_1763 : i32
    %and3A_1765 = arith.andi %ne3A_1761, %ne3A_1764 : i1
    %sub3A_1766 = arith.constant 1 : i32
    %sub3A_1767 = arith.subi %div3A_1746, %sub3A_1766 : i32
    %select_n3A_1768 = arith.select %and3A_1765, %sub3A_1767, %div3A_1746 : i32
    %ne3A_1769 = arith.cmpi ne, %select_n3A_1620, %select_n3A_1768 : i32
    %convert_element_type3A_1770 = arith.extui %ne3A_1769 : i1 to i32
    %cond3A_1771 = arith.constant 0 : i32
    %cond3A_1772 = arith.cmpi ne, %convert_element_type3A_1770, %cond3A_1771 : i32
    scf.if %cond3A_1772 {
      "tpu.region"() ({
        %run_scoped3A = tpu.sem_alloc : memref<!tpu.dma_semaphore, #tpu.memory_space<semaphore_mem>>
        %dma_start3A_2517 = arith.constant 0 : i32
        %dma_start3A_2518 = tpu.memref_slice %arg2[%select_n3A_1620, %dma_start3A_2517] : memref<26x16384xi32, #tpu.memory_space<hbm>> -> memref<1x16384xi32, #tpu.memory_space<hbm>>
        %dma_start3A_2519 = tpu.memref_squeeze %dma_start3A_2518 : memref<1x16384xi32, #tpu.memory_space<hbm>> -> memref<16384xi32, #tpu.memory_space<hbm>>
        %dma_start3A_2520 = arith.constant 0 : i32
        %dma_start3A_2521 = tpu.memref_slice %arg2[%select_n3A_1620, %dma_start3A_2520] : memref<26x16384xi32, #tpu.memory_space<hbm>> -> memref<1x16384xi32, #tpu.memory_space<hbm>>
        %dma_start3A_2522 = tpu.memref_squeeze %dma_start3A_2521 : memref<1x16384xi32, #tpu.memory_space<hbm>> -> memref<16384xi32, #tpu.memory_space<hbm>>
        tpu.enqueue_dma source(%dma_start3A_2522 : memref<16384xi32, #tpu.memory_space<hbm>>) target(%arg7 : memref<16384xi32, #tpu.memory_space<vmem>>) target_semaphore(%run_scoped3A : memref<!tpu.dma_semaphore, #tpu.memory_space<semaphore_mem>>)
        %dma_wait3A_2523 = arith.constant 0 : i32
        %dma_wait3A_2524 = tpu.memref_slice %arg2[%select_n3A_1620, %dma_wait3A_2523] : memref<26x16384xi32, #tpu.memory_space<hbm>> -> memref<1x16384xi32, #tpu.memory_space<hbm>>
        %dma_wait3A_2525 = tpu.memref_squeeze %dma_wait3A_2524 : memref<1x16384xi32, #tpu.memory_space<hbm>> -> memref<16384xi32, #tpu.memory_space<hbm>>
        %dma_wait3A_2526 = arith.constant 0 : i32
        %dma_wait3A_2527 = tpu.memref_slice %arg2[%select_n3A_1620, %dma_wait3A_2526] : memref<26x16384xi32, #tpu.memory_space<hbm>> -> memref<1x16384xi32, #tpu.memory_space<hbm>>
        %dma_wait3A_2528 = tpu.memref_squeeze %dma_wait3A_2527 : memref<1x16384xi32, #tpu.memory_space<hbm>> -> memref<16384xi32, #tpu.memory_space<hbm>>
        tpu.wait_dma2 semaphore(%run_scoped3A : memref<!tpu.dma_semaphore, #tpu.memory_space<semaphore_mem>>) src(%dma_wait3A_2528 : memref<16384xi32, #tpu.memory_space<hbm>>) dst(%arg7 : memref<16384xi32, #tpu.memory_space<vmem>>)
        tpu.yield
      }) : () -> ()
    } else {
    }
    %dma_wait3A_1773 = tpu.memref_slice %arg3[%select_n3A_1510, %mul3A_1538] : memref<16x999986xf32, #tpu.memory_space<hbm>> -> memref<1x38656xf32, #tpu.memory_space<hbm>>
    %dma_wait3A_1774 = tpu.memref_squeeze %dma_wait3A_1773 : memref<1x38656xf32, #tpu.memory_space<hbm>> -> memref<38656xf32, #tpu.memory_space<hbm>>
    %dma_wait3A_1775 = tpu.memref_slice %arg3[%select_n3A_1510, %mul3A_1538] : memref<16x999986xf32, #tpu.memory_space<hbm>> -> memref<1x38656xf32, #tpu.memory_space<hbm>>
    %dma_wait3A_1776 = tpu.memref_squeeze %dma_wait3A_1775 : memref<1x38656xf32, #tpu.memory_space<hbm>> -> memref<38656xf32, #tpu.memory_space<hbm>>
    tpu.wait_dma2 semaphore(%arg10 : memref<!tpu.dma_semaphore, #tpu.memory_space<semaphore_mem>>) src(%dma_wait3A_1776 : memref<38656xf32, #tpu.memory_space<hbm>>) dst(%arg5 : memref<38656xf32, #tpu.memory_space<vmem>>)
    %dma_wait3A_1777 = arith.constant 0 : i32
    %dma_wait3A_1778 = tpu.memref_slice %arg4[%select_n3A_1226, %select_n3A_1242, %dma_wait3A_1777] : memref<26x16x16384xf32, #tpu.memory_space<hbm>> -> memref<1x1x16384xf32, #tpu.memory_space<hbm>>
    %dma_wait3A_1779 = tpu.memref_squeeze %dma_wait3A_1778 : memref<1x1x16384xf32, #tpu.memory_space<hbm>> -> memref<16384xf32, #tpu.memory_space<hbm>>
    %dma_wait3A_1780 = arith.constant 0 : i32
    %dma_wait3A_1781 = tpu.memref_slice %arg4[%select_n3A_1226, %select_n3A_1242, %dma_wait3A_1780] : memref<26x16x16384xf32, #tpu.memory_space<hbm>> -> memref<1x1x16384xf32, #tpu.memory_space<hbm>>
    %dma_wait3A_1782 = tpu.memref_squeeze %dma_wait3A_1781 : memref<1x1x16384xf32, #tpu.memory_space<hbm>> -> memref<16384xf32, #tpu.memory_space<hbm>>
    tpu.wait_dma2 semaphore(%arg12 : memref<!tpu.dma_semaphore, #tpu.memory_space<semaphore_mem>>) src(%arg8 : memref<16384xf32, #tpu.memory_space<vmem>>) dst(%dma_wait3A_1782 : memref<16384xf32, #tpu.memory_space<hbm>>)
    %parallel_loop3A_1783 = arith.constant 0 : i32
    %parallel_loop3A_1784 = arith.constant 1024 : i32
    %parallel_loop3A_1785 = arith.constant 1 : i32
    scf.for %parallel_loop3A_2517 = %parallel_loop3A_1783 to %parallel_loop3A_1784 step %parallel_loop3A_1785  : i32 {
      %parallel_loop3A_2518 = arith.constant 16 : i32
      %parallel_loop3A_2519 = arith.muli %parallel_loop3A_2517, %parallel_loop3A_2518 : i32
      %parallel_loop3A_2520 = arith.index_cast %parallel_loop3A_2519 : i32 to index
      %parallel_loop3A_2521 = tpu.vector_load %arg7[%parallel_loop3A_2520] {strides = array<i32>} : memref<16384xi32, #tpu.memory_space<vmem>>, vector<16xi32>,
      %parallel_loop3A_2522 = vector.broadcast %sub3A_1665 : i32 to vector<16xi32>
      %parallel_loop3A_2523 = arith.addi %parallel_loop3A_2521, %parallel_loop3A_2522 : vector<16xi32>
      %parallel_loop3A_2524 = tpu.vector_load_idx %arg5[%parallel_loop3A_2523] : memref<38656xf32, #tpu.memory_space<vmem>>[vector<16xi32>], vector<16xf32>,
      %parallel_loop3A_2525 = arith.constant 16 : i32
      %parallel_loop3A_2526 = arith.muli %parallel_loop3A_2517, %parallel_loop3A_2525 : i32
      %parallel_loop3A_2527 = arith.index_cast %parallel_loop3A_2526 : i32 to index
      %parallel_loop3A_2528 = tpu.vector_load %arg8[%parallel_loop3A_2527] {strides = array<i32>} : memref<16384xf32, #tpu.memory_space<vmem>>, vector<16xf32>,
      tpu.vector_store %arg8[%parallel_loop3A_2527], %parallel_loop3A_2524 {strides = array<i32>} : memref<16384xf32, #tpu.memory_space<vmem>>, vector<16xf32>,
    } {sc.loop_unroll_factor = 8 : i64, sc.parallel_access}
    %dma_start3A_1786 = arith.constant 0 : i32
    %dma_start3A_1787 = tpu.memref_slice %arg4[%select_n3A_1620, %select_n3A_1636, %dma_start3A_1786] : memref<26x16x16384xf32, #tpu.memory_space<hbm>> -> memref<1x1x16384xf32, #tpu.memory_space<hbm>>
    %dma_start3A_1788 = tpu.memref_squeeze %dma_start3A_1787 : memref<1x1x16384xf32, #tpu.memory_space<hbm>> -> memref<16384xf32, #tpu.memory_space<hbm>>
    %dma_start3A_1789 = arith.constant 0 : i32
    %dma_start3A_1790 = tpu.memref_slice %arg4[%select_n3A_1620, %select_n3A_1636, %dma_start3A_1789] : memref<26x16x16384xf32, #tpu.memory_space<hbm>> -> memref<1x1x16384xf32, #tpu.memory_space<hbm>>
    %dma_start3A_1791 = tpu.memref_squeeze %dma_start3A_1790 : memref<1x1x16384xf32, #tpu.memory_space<hbm>> -> memref<16384xf32, #tpu.memory_space<hbm>>
    tpu.enqueue_dma source(%arg8 : memref<16384xf32, #tpu.memory_space<vmem>>) target(%dma_start3A_1791 : memref<16384xf32, #tpu.memory_space<hbm>>) target_semaphore(%arg12 : memref<!tpu.dma_semaphore, #tpu.memory_space<semaphore_mem>>)
    %add3A_1792 = arith.constant 9 : i32
    %add3A_1793 = arith.addi %mul3A_2, %add3A_1792 : i32
    %jit3A_1794 = arith.constant 16 : i32
    %div3A_1795 = arith.divsi %add3A_1793, %jit3A_1794 : i32
    %sign3A_1796 = arith.constant 0 : i32
    %sign3A_1797 = arith.cmpi sgt, %add3A_1793, %sign3A_1796 : i32
    %sign3A_1798 = arith.extui %sign3A_1797 : i1 to i32
    %sign3A_1799 = arith.constant 0 : i32
    %sign3A_1800 = arith.cmpi slt, %add3A_1793, %sign3A_1799 : i32
    %sign3A_1801 = arith.extui %sign3A_1800 : i1 to i32
    %sign3A_1802 = arith.subi %sign3A_1798, %sign3A_1801 : i32
    %sign3A_1803 = arith.constant 0 : i32
    %sign3A_1804 = arith.cmpi sgt, %jit3A_1794, %sign3A_1803 : i32
    %sign3A_1805 = arith.extui %sign3A_1804 : i1 to i32
    %sign3A_1806 = arith.constant 0 : i32
    %sign3A_1807 = arith.cmpi slt, %jit3A_1794, %sign3A_1806 : i32
    %sign3A_1808 = arith.extui %sign3A_1807 : i1 to i32
    %sign3A_1809 = arith.subi %sign3A_1805, %sign3A_1808 : i32
    %ne3A_1810 = arith.cmpi ne, %sign3A_1802, %sign3A_1809 : i32
    %rem3A_1811 = arith.remsi %add3A_1793, %jit3A_1794 : i32
    %ne3A_1812 = arith.constant 0 : i32
    %ne3A_1813 = arith.cmpi ne, %rem3A_1811, %ne3A_1812 : i32
    %and3A_1814 = arith.andi %ne3A_1810, %ne3A_1813 : i1
    %sub3A_1815 = arith.constant 1 : i32
    %sub3A_1816 = arith.subi %div3A_1795, %sub3A_1815 : i32
    %select_n3A_1817 = arith.select %and3A_1814, %sub3A_1816, %div3A_1795 : i32
    %jit3A_1818 = arith.constant 16 : i32
    %eq3A_1819 = arith.constant 0 : i32
    %eq3A_1820 = arith.cmpi eq, %jit3A_1818, %eq3A_1819 : i32
    %jit3A_1821 = arith.constant 1 : i32
    %select_n3A_1822 = arith.select %eq3A_1820, %jit3A_1821, %jit3A_1818 : i32
    %rem3A_1823 = arith.remsi %add3A_1793, %select_n3A_1822 : i32
    %ne3A_1824 = arith.constant 0 : i32
    %ne3A_1825 = arith.cmpi ne, %rem3A_1823, %ne3A_1824 : i32
    %lt3A_1826 = arith.constant 0 : i32
    %lt3A_1827 = arith.cmpi slt, %rem3A_1823, %lt3A_1826 : i32
    %lt3A_1828 = arith.constant 0 : i32
    %lt3A_1829 = arith.cmpi slt, %select_n3A_1822, %lt3A_1828 : i32
    %ne3A_1830 = arith.xori %lt3A_1827, %lt3A_1829 : i1
    %and3A_1831 = arith.andi %ne3A_1830, %ne3A_1825 : i1
    %add3A_1832 = arith.addi %rem3A_1823, %select_n3A_1822 : i32
    %select_n3A_1833 = arith.select %and3A_1831, %add3A_1832, %rem3A_1823 : i32
    %mul3A_1834 = arith.constant 38461 : i32
    %mul3A_1835 = arith.muli %select_n3A_1817, %mul3A_1834 : i32
    %jit3A_1836 = arith.constant 128 : i32
    %div3A_1837 = arith.divsi %mul3A_1835, %jit3A_1836 : i32
    %sign3A_1838 = arith.constant 0 : i32
    %sign3A_1839 = arith.cmpi sgt, %mul3A_1835, %sign3A_1838 : i32
    %sign3A_1840 = arith.extui %sign3A_1839 : i1 to i32
    %sign3A_1841 = arith.constant 0 : i32
    %sign3A_1842 = arith.cmpi slt, %mul3A_1835, %sign3A_1841 : i32
    %sign3A_1843 = arith.extui %sign3A_1842 : i1 to i32
    %sign3A_1844 = arith.subi %sign3A_1840, %sign3A_1843 : i32
    %sign3A_1845 = arith.constant 0 : i32
    %sign3A_1846 = arith.cmpi sgt, %jit3A_1836, %sign3A_1845 : i32
    %sign3A_1847 = arith.extui %sign3A_1846 : i1 to i32
    %sign3A_1848 = arith.constant 0 : i32
    %sign3A_1849 = arith.cmpi slt, %jit3A_1836, %sign3A_1848 : i32
    %sign3A_1850 = arith.extui %sign3A_1849 : i1 to i32
    %sign3A_1851 = arith.subi %sign3A_1847, %sign3A_1850 : i32
    %ne3A_1852 = arith.cmpi ne, %sign3A_1844, %sign3A_1851 : i32
    %rem3A_1853 = arith.remsi %mul3A_1835, %jit3A_1836 : i32
    %ne3A_1854 = arith.constant 0 : i32
    %ne3A_1855 = arith.cmpi ne, %rem3A_1853, %ne3A_1854 : i32
    %and3A_1856 = arith.andi %ne3A_1852, %ne3A_1855 : i1
    %sub3A_1857 = arith.constant 1 : i32
    %sub3A_1858 = arith.subi %div3A_1837, %sub3A_1857 : i32
    %select_n3A_1859 = arith.select %and3A_1856, %sub3A_1858, %div3A_1837 : i32
    %mul3A_1860 = arith.constant 128 : i32
    %mul3A_1861 = arith.muli %select_n3A_1859, %mul3A_1860 : i32
    %sub3A_1862 = arith.subi %mul3A_1835, %mul3A_1861 : i32
    %add3A_1863 = arith.constant 10 : i32
    %add3A_1864 = arith.addi %mul3A_2, %add3A_1863 : i32
    %jit3A_1865 = arith.constant 16 : i32
    %div3A_1866 = arith.divsi %add3A_1864, %jit3A_1865 : i32
    %sign3A_1867 = arith.constant 0 : i32
    %sign3A_1868 = arith.cmpi sgt, %add3A_1864, %sign3A_1867 : i32
    %sign3A_1869 = arith.extui %sign3A_1868 : i1 to i32
    %sign3A_1870 = arith.constant 0 : i32
    %sign3A_1871 = arith.cmpi slt, %add3A_1864, %sign3A_1870 : i32
    %sign3A_1872 = arith.extui %sign3A_1871 : i1 to i32
    %sign3A_1873 = arith.subi %sign3A_1869, %sign3A_1872 : i32
    %sign3A_1874 = arith.constant 0 : i32
    %sign3A_1875 = arith.cmpi sgt, %jit3A_1865, %sign3A_1874 : i32
    %sign3A_1876 = arith.extui %sign3A_1875 : i1 to i32
    %sign3A_1877 = arith.constant 0 : i32
    %sign3A_1878 = arith.cmpi slt, %jit3A_1865, %sign3A_1877 : i32
    %sign3A_1879 = arith.extui %sign3A_1878 : i1 to i32
    %sign3A_1880 = arith.subi %sign3A_1876, %sign3A_1879 : i32
    %ne3A_1881 = arith.cmpi ne, %sign3A_1873, %sign3A_1880 : i32
    %rem3A_1882 = arith.remsi %add3A_1864, %jit3A_1865 : i32
    %ne3A_1883 = arith.constant 0 : i32
    %ne3A_1884 = arith.cmpi ne, %rem3A_1882, %ne3A_1883 : i32
    %and3A_1885 = arith.andi %ne3A_1881, %ne3A_1884 : i1
    %sub3A_1886 = arith.constant 1 : i32
    %sub3A_1887 = arith.subi %div3A_1866, %sub3A_1886 : i32
    %select_n3A_1888 = arith.select %and3A_1885, %sub3A_1887, %div3A_1866 : i32
    %jit3A_1889 = arith.constant 16 : i32
    %eq3A_1890 = arith.constant 0 : i32
    %eq3A_1891 = arith.cmpi eq, %jit3A_1889, %eq3A_1890 : i32
    %jit3A_1892 = arith.constant 1 : i32
    %select_n3A_1893 = arith.select %eq3A_1891, %jit3A_1892, %jit3A_1889 : i32
    %rem3A_1894 = arith.remsi %add3A_1864, %select_n3A_1893 : i32
    %ne3A_1895 = arith.constant 0 : i32
    %ne3A_1896 = arith.cmpi ne, %rem3A_1894, %ne3A_1895 : i32
    %lt3A_1897 = arith.constant 0 : i32
    %lt3A_1898 = arith.cmpi slt, %rem3A_1894, %lt3A_1897 : i32
    %lt3A_1899 = arith.constant 0 : i32
    %lt3A_1900 = arith.cmpi slt, %select_n3A_1893, %lt3A_1899 : i32
    %ne3A_1901 = arith.xori %lt3A_1898, %lt3A_1900 : i1
    %and3A_1902 = arith.andi %ne3A_1901, %ne3A_1896 : i1
    %add3A_1903 = arith.addi %rem3A_1894, %select_n3A_1893 : i32
    %select_n3A_1904 = arith.select %and3A_1902, %add3A_1903, %rem3A_1894 : i32
    %mul3A_1905 = arith.constant 38461 : i32
    %mul3A_1906 = arith.muli %select_n3A_1888, %mul3A_1905 : i32
    %jit3A_1907 = arith.constant 128 : i32
    %div3A_1908 = arith.divsi %mul3A_1906, %jit3A_1907 : i32
    %sign3A_1909 = arith.constant 0 : i32
    %sign3A_1910 = arith.cmpi sgt, %mul3A_1906, %sign3A_1909 : i32
    %sign3A_1911 = arith.extui %sign3A_1910 : i1 to i32
    %sign3A_1912 = arith.constant 0 : i32
    %sign3A_1913 = arith.cmpi slt, %mul3A_1906, %sign3A_1912 : i32
    %sign3A_1914 = arith.extui %sign3A_1913 : i1 to i32
    %sign3A_1915 = arith.subi %sign3A_1911, %sign3A_1914 : i32
    %sign3A_1916 = arith.constant 0 : i32
    %sign3A_1917 = arith.cmpi sgt, %jit3A_1907, %sign3A_1916 : i32
    %sign3A_1918 = arith.extui %sign3A_1917 : i1 to i32
    %sign3A_1919 = arith.constant 0 : i32
    %sign3A_1920 = arith.cmpi slt, %jit3A_1907, %sign3A_1919 : i32
    %sign3A_1921 = arith.extui %sign3A_1920 : i1 to i32
    %sign3A_1922 = arith.subi %sign3A_1918, %sign3A_1921 : i32
    %ne3A_1923 = arith.cmpi ne, %sign3A_1915, %sign3A_1922 : i32
    %rem3A_1924 = arith.remsi %mul3A_1906, %jit3A_1907 : i32
    %ne3A_1925 = arith.constant 0 : i32
    %ne3A_1926 = arith.cmpi ne, %rem3A_1924, %ne3A_1925 : i32
    %and3A_1927 = arith.andi %ne3A_1923, %ne3A_1926 : i1
    %sub3A_1928 = arith.constant 1 : i32
    %sub3A_1929 = arith.subi %div3A_1908, %sub3A_1928 : i32
    %select_n3A_1930 = arith.select %and3A_1927, %sub3A_1929, %div3A_1908 : i32
    %mul3A_1931 = arith.constant 128 : i32
    %mul3A_1932 = arith.muli %select_n3A_1930, %mul3A_1931 : i32
    %sub3A_1933 = arith.subi %mul3A_1906, %mul3A_1932 : i32
    %dma_start3A_1934 = tpu.memref_slice %arg3[%select_n3A_1904, %mul3A_1932] : memref<16x999986xf32, #tpu.memory_space<hbm>> -> memref<1x38656xf32, #tpu.memory_space<hbm>>
    %dma_start3A_1935 = tpu.memref_squeeze %dma_start3A_1934 : memref<1x38656xf32, #tpu.memory_space<hbm>> -> memref<38656xf32, #tpu.memory_space<hbm>>
    %dma_start3A_1936 = tpu.memref_slice %arg3[%select_n3A_1904, %mul3A_1932] : memref<16x999986xf32, #tpu.memory_space<hbm>> -> memref<1x38656xf32, #tpu.memory_space<hbm>>
    %dma_start3A_1937 = tpu.memref_squeeze %dma_start3A_1936 : memref<1x38656xf32, #tpu.memory_space<hbm>> -> memref<38656xf32, #tpu.memory_space<hbm>>
    tpu.enqueue_dma source(%dma_start3A_1937 : memref<38656xf32, #tpu.memory_space<hbm>>) target(%arg5 : memref<38656xf32, #tpu.memory_space<vmem>>) target_semaphore(%arg10 : memref<!tpu.dma_semaphore, #tpu.memory_space<semaphore_mem>>)
    %add3A_1938 = arith.constant 9 : i32
    %add3A_1939 = arith.addi %mul3A_2, %add3A_1938 : i32
    %sub3A_1940 = arith.constant 1 : i32
    %sub3A_1941 = arith.subi %add3A_1939, %sub3A_1940 : i32
    %jit3A_1942 = arith.constant 16 : i32
    %div3A_1943 = arith.divsi %sub3A_1941, %jit3A_1942 : i32
    %sign3A_1944 = arith.constant 0 : i32
    %sign3A_1945 = arith.cmpi sgt, %sub3A_1941, %sign3A_1944 : i32
    %sign3A_1946 = arith.extui %sign3A_1945 : i1 to i32
    %sign3A_1947 = arith.constant 0 : i32
    %sign3A_1948 = arith.cmpi slt, %sub3A_1941, %sign3A_1947 : i32
    %sign3A_1949 = arith.extui %sign3A_1948 : i1 to i32
    %sign3A_1950 = arith.subi %sign3A_1946, %sign3A_1949 : i32
    %sign3A_1951 = arith.constant 0 : i32
    %sign3A_1952 = arith.cmpi sgt, %jit3A_1942, %sign3A_1951 : i32
    %sign3A_1953 = arith.extui %sign3A_1952 : i1 to i32
    %sign3A_1954 = arith.constant 0 : i32
    %sign3A_1955 = arith.cmpi slt, %jit3A_1942, %sign3A_1954 : i32
    %sign3A_1956 = arith.extui %sign3A_1955 : i1 to i32
    %sign3A_1957 = arith.subi %sign3A_1953, %sign3A_1956 : i32
    %ne3A_1958 = arith.cmpi ne, %sign3A_1950, %sign3A_1957 : i32
    %rem3A_1959 = arith.remsi %sub3A_1941, %jit3A_1942 : i32
    %ne3A_1960 = arith.constant 0 : i32
    %ne3A_1961 = arith.cmpi ne, %rem3A_1959, %ne3A_1960 : i32
    %and3A_1962 = arith.andi %ne3A_1958, %ne3A_1961 : i1
    %sub3A_1963 = arith.constant 1 : i32
    %sub3A_1964 = arith.subi %div3A_1943, %sub3A_1963 : i32
    %select_n3A_1965 = arith.select %and3A_1962, %sub3A_1964, %div3A_1943 : i32
    %ne3A_1966 = arith.cmpi ne, %select_n3A_1817, %select_n3A_1965 : i32
    %convert_element_type3A_1967 = arith.extui %ne3A_1966 : i1 to i32
    %cond3A_1968 = arith.constant 0 : i32
    %cond3A_1969 = arith.cmpi ne, %convert_element_type3A_1967, %cond3A_1968 : i32
    scf.if %cond3A_1969 {
      "tpu.region"() ({
        %run_scoped3A = tpu.sem_alloc : memref<!tpu.dma_semaphore, #tpu.memory_space<semaphore_mem>>
        %dma_start3A_2517 = arith.constant 0 : i32
        %dma_start3A_2518 = tpu.memref_slice %arg2[%select_n3A_1817, %dma_start3A_2517] : memref<26x16384xi32, #tpu.memory_space<hbm>> -> memref<1x16384xi32, #tpu.memory_space<hbm>>
        %dma_start3A_2519 = tpu.memref_squeeze %dma_start3A_2518 : memref<1x16384xi32, #tpu.memory_space<hbm>> -> memref<16384xi32, #tpu.memory_space<hbm>>
        %dma_start3A_2520 = arith.constant 0 : i32
        %dma_start3A_2521 = tpu.memref_slice %arg2[%select_n3A_1817, %dma_start3A_2520] : memref<26x16384xi32, #tpu.memory_space<hbm>> -> memref<1x16384xi32, #tpu.memory_space<hbm>>
        %dma_start3A_2522 = tpu.memref_squeeze %dma_start3A_2521 : memref<1x16384xi32, #tpu.memory_space<hbm>> -> memref<16384xi32, #tpu.memory_space<hbm>>
        tpu.enqueue_dma source(%dma_start3A_2522 : memref<16384xi32, #tpu.memory_space<hbm>>) target(%arg7 : memref<16384xi32, #tpu.memory_space<vmem>>) target_semaphore(%run_scoped3A : memref<!tpu.dma_semaphore, #tpu.memory_space<semaphore_mem>>)
        %dma_wait3A_2523 = arith.constant 0 : i32
        %dma_wait3A_2524 = tpu.memref_slice %arg2[%select_n3A_1817, %dma_wait3A_2523] : memref<26x16384xi32, #tpu.memory_space<hbm>> -> memref<1x16384xi32, #tpu.memory_space<hbm>>
        %dma_wait3A_2525 = tpu.memref_squeeze %dma_wait3A_2524 : memref<1x16384xi32, #tpu.memory_space<hbm>> -> memref<16384xi32, #tpu.memory_space<hbm>>
        %dma_wait3A_2526 = arith.constant 0 : i32
        %dma_wait3A_2527 = tpu.memref_slice %arg2[%select_n3A_1817, %dma_wait3A_2526] : memref<26x16384xi32, #tpu.memory_space<hbm>> -> memref<1x16384xi32, #tpu.memory_space<hbm>>
        %dma_wait3A_2528 = tpu.memref_squeeze %dma_wait3A_2527 : memref<1x16384xi32, #tpu.memory_space<hbm>> -> memref<16384xi32, #tpu.memory_space<hbm>>
        tpu.wait_dma2 semaphore(%run_scoped3A : memref<!tpu.dma_semaphore, #tpu.memory_space<semaphore_mem>>) src(%dma_wait3A_2528 : memref<16384xi32, #tpu.memory_space<hbm>>) dst(%arg7 : memref<16384xi32, #tpu.memory_space<vmem>>)
        tpu.yield
      }) : () -> ()
    } else {
    }
    %dma_wait3A_1970 = tpu.memref_slice %arg3[%select_n3A_1707, %mul3A_1735] : memref<16x999986xf32, #tpu.memory_space<hbm>> -> memref<1x38656xf32, #tpu.memory_space<hbm>>
    %dma_wait3A_1971 = tpu.memref_squeeze %dma_wait3A_1970 : memref<1x38656xf32, #tpu.memory_space<hbm>> -> memref<38656xf32, #tpu.memory_space<hbm>>
    %dma_wait3A_1972 = tpu.memref_slice %arg3[%select_n3A_1707, %mul3A_1735] : memref<16x999986xf32, #tpu.memory_space<hbm>> -> memref<1x38656xf32, #tpu.memory_space<hbm>>
    %dma_wait3A_1973 = tpu.memref_squeeze %dma_wait3A_1972 : memref<1x38656xf32, #tpu.memory_space<hbm>> -> memref<38656xf32, #tpu.memory_space<hbm>>
    tpu.wait_dma2 semaphore(%arg11 : memref<!tpu.dma_semaphore, #tpu.memory_space<semaphore_mem>>) src(%dma_wait3A_1973 : memref<38656xf32, #tpu.memory_space<hbm>>) dst(%arg6 : memref<38656xf32, #tpu.memory_space<vmem>>)
    %dma_wait3A_1974 = arith.constant 0 : i32
    %dma_wait3A_1975 = tpu.memref_slice %arg4[%select_n3A_1423, %select_n3A_1439, %dma_wait3A_1974] : memref<26x16x16384xf32, #tpu.memory_space<hbm>> -> memref<1x1x16384xf32, #tpu.memory_space<hbm>>
    %dma_wait3A_1976 = tpu.memref_squeeze %dma_wait3A_1975 : memref<1x1x16384xf32, #tpu.memory_space<hbm>> -> memref<16384xf32, #tpu.memory_space<hbm>>
    %dma_wait3A_1977 = arith.constant 0 : i32
    %dma_wait3A_1978 = tpu.memref_slice %arg4[%select_n3A_1423, %select_n3A_1439, %dma_wait3A_1977] : memref<26x16x16384xf32, #tpu.memory_space<hbm>> -> memref<1x1x16384xf32, #tpu.memory_space<hbm>>
    %dma_wait3A_1979 = tpu.memref_squeeze %dma_wait3A_1978 : memref<1x1x16384xf32, #tpu.memory_space<hbm>> -> memref<16384xf32, #tpu.memory_space<hbm>>
    tpu.wait_dma2 semaphore(%arg13 : memref<!tpu.dma_semaphore, #tpu.memory_space<semaphore_mem>>) src(%arg9 : memref<16384xf32, #tpu.memory_space<vmem>>) dst(%dma_wait3A_1979 : memref<16384xf32, #tpu.memory_space<hbm>>)
    %parallel_loop3A_1980 = arith.constant 0 : i32
    %parallel_loop3A_1981 = arith.constant 1024 : i32
    %parallel_loop3A_1982 = arith.constant 1 : i32
    scf.for %parallel_loop3A_2517 = %parallel_loop3A_1980 to %parallel_loop3A_1981 step %parallel_loop3A_1982  : i32 {
      %parallel_loop3A_2518 = arith.constant 16 : i32
      %parallel_loop3A_2519 = arith.muli %parallel_loop3A_2517, %parallel_loop3A_2518 : i32
      %parallel_loop3A_2520 = arith.index_cast %parallel_loop3A_2519 : i32 to index
      %parallel_loop3A_2521 = tpu.vector_load %arg7[%parallel_loop3A_2520] {strides = array<i32>} : memref<16384xi32, #tpu.memory_space<vmem>>, vector<16xi32>,
      %parallel_loop3A_2522 = vector.broadcast %sub3A_1862 : i32 to vector<16xi32>
      %parallel_loop3A_2523 = arith.addi %parallel_loop3A_2521, %parallel_loop3A_2522 : vector<16xi32>
      %parallel_loop3A_2524 = tpu.vector_load_idx %arg6[%parallel_loop3A_2523] : memref<38656xf32, #tpu.memory_space<vmem>>[vector<16xi32>], vector<16xf32>,
      %parallel_loop3A_2525 = arith.constant 16 : i32
      %parallel_loop3A_2526 = arith.muli %parallel_loop3A_2517, %parallel_loop3A_2525 : i32
      %parallel_loop3A_2527 = arith.index_cast %parallel_loop3A_2526 : i32 to index
      %parallel_loop3A_2528 = tpu.vector_load %arg9[%parallel_loop3A_2527] {strides = array<i32>} : memref<16384xf32, #tpu.memory_space<vmem>>, vector<16xf32>,
      tpu.vector_store %arg9[%parallel_loop3A_2527], %parallel_loop3A_2524 {strides = array<i32>} : memref<16384xf32, #tpu.memory_space<vmem>>, vector<16xf32>,
    } {sc.loop_unroll_factor = 8 : i64, sc.parallel_access}
    %dma_start3A_1983 = arith.constant 0 : i32
    %dma_start3A_1984 = tpu.memref_slice %arg4[%select_n3A_1817, %select_n3A_1833, %dma_start3A_1983] : memref<26x16x16384xf32, #tpu.memory_space<hbm>> -> memref<1x1x16384xf32, #tpu.memory_space<hbm>>
    %dma_start3A_1985 = tpu.memref_squeeze %dma_start3A_1984 : memref<1x1x16384xf32, #tpu.memory_space<hbm>> -> memref<16384xf32, #tpu.memory_space<hbm>>
    %dma_start3A_1986 = arith.constant 0 : i32
    %dma_start3A_1987 = tpu.memref_slice %arg4[%select_n3A_1817, %select_n3A_1833, %dma_start3A_1986] : memref<26x16x16384xf32, #tpu.memory_space<hbm>> -> memref<1x1x16384xf32, #tpu.memory_space<hbm>>
    %dma_start3A_1988 = tpu.memref_squeeze %dma_start3A_1987 : memref<1x1x16384xf32, #tpu.memory_space<hbm>> -> memref<16384xf32, #tpu.memory_space<hbm>>
    tpu.enqueue_dma source(%arg9 : memref<16384xf32, #tpu.memory_space<vmem>>) target(%dma_start3A_1988 : memref<16384xf32, #tpu.memory_space<hbm>>) target_semaphore(%arg13 : memref<!tpu.dma_semaphore, #tpu.memory_space<semaphore_mem>>)
    %add3A_1989 = arith.constant 10 : i32
    %add3A_1990 = arith.addi %mul3A_2, %add3A_1989 : i32
    %jit3A_1991 = arith.constant 16 : i32
    %div3A_1992 = arith.divsi %add3A_1990, %jit3A_1991 : i32
    %sign3A_1993 = arith.constant 0 : i32
    %sign3A_1994 = arith.cmpi sgt, %add3A_1990, %sign3A_1993 : i32
    %sign3A_1995 = arith.extui %sign3A_1994 : i1 to i32
    %sign3A_1996 = arith.constant 0 : i32
    %sign3A_1997 = arith.cmpi slt, %add3A_1990, %sign3A_1996 : i32
    %sign3A_1998 = arith.extui %sign3A_1997 : i1 to i32
    %sign3A_1999 = arith.subi %sign3A_1995, %sign3A_1998 : i32
    %sign3A_2000 = arith.constant 0 : i32
    %sign3A_2001 = arith.cmpi sgt, %jit3A_1991, %sign3A_2000 : i32
    %sign3A_2002 = arith.extui %sign3A_2001 : i1 to i32
    %sign3A_2003 = arith.constant 0 : i32
    %sign3A_2004 = arith.cmpi slt, %jit3A_1991, %sign3A_2003 : i32
    %sign3A_2005 = arith.extui %sign3A_2004 : i1 to i32
    %sign3A_2006 = arith.subi %sign3A_2002, %sign3A_2005 : i32
    %ne3A_2007 = arith.cmpi ne, %sign3A_1999, %sign3A_2006 : i32
    %rem3A_2008 = arith.remsi %add3A_1990, %jit3A_1991 : i32
    %ne3A_2009 = arith.constant 0 : i32
    %ne3A_2010 = arith.cmpi ne, %rem3A_2008, %ne3A_2009 : i32
    %and3A_2011 = arith.andi %ne3A_2007, %ne3A_2010 : i1
    %sub3A_2012 = arith.constant 1 : i32
    %sub3A_2013 = arith.subi %div3A_1992, %sub3A_2012 : i32
    %select_n3A_2014 = arith.select %and3A_2011, %sub3A_2013, %div3A_1992 : i32
    %jit3A_2015 = arith.constant 16 : i32
    %eq3A_2016 = arith.constant 0 : i32
    %eq3A_2017 = arith.cmpi eq, %jit3A_2015, %eq3A_2016 : i32
    %jit3A_2018 = arith.constant 1 : i32
    %select_n3A_2019 = arith.select %eq3A_2017, %jit3A_2018, %jit3A_2015 : i32
    %rem3A_2020 = arith.remsi %add3A_1990, %select_n3A_2019 : i32
    %ne3A_2021 = arith.constant 0 : i32
    %ne3A_2022 = arith.cmpi ne, %rem3A_2020, %ne3A_2021 : i32
    %lt3A_2023 = arith.constant 0 : i32
    %lt3A_2024 = arith.cmpi slt, %rem3A_2020, %lt3A_2023 : i32
    %lt3A_2025 = arith.constant 0 : i32
    %lt3A_2026 = arith.cmpi slt, %select_n3A_2019, %lt3A_2025 : i32
    %ne3A_2027 = arith.xori %lt3A_2024, %lt3A_2026 : i1
    %and3A_2028 = arith.andi %ne3A_2027, %ne3A_2022 : i1
    %add3A_2029 = arith.addi %rem3A_2020, %select_n3A_2019 : i32
    %select_n3A_2030 = arith.select %and3A_2028, %add3A_2029, %rem3A_2020 : i32
    %mul3A_2031 = arith.constant 38461 : i32
    %mul3A_2032 = arith.muli %select_n3A_2014, %mul3A_2031 : i32
    %jit3A_2033 = arith.constant 128 : i32
    %div3A_2034 = arith.divsi %mul3A_2032, %jit3A_2033 : i32
    %sign3A_2035 = arith.constant 0 : i32
    %sign3A_2036 = arith.cmpi sgt, %mul3A_2032, %sign3A_2035 : i32
    %sign3A_2037 = arith.extui %sign3A_2036 : i1 to i32
    %sign3A_2038 = arith.constant 0 : i32
    %sign3A_2039 = arith.cmpi slt, %mul3A_2032, %sign3A_2038 : i32
    %sign3A_2040 = arith.extui %sign3A_2039 : i1 to i32
    %sign3A_2041 = arith.subi %sign3A_2037, %sign3A_2040 : i32
    %sign3A_2042 = arith.constant 0 : i32
    %sign3A_2043 = arith.cmpi sgt, %jit3A_2033, %sign3A_2042 : i32
    %sign3A_2044 = arith.extui %sign3A_2043 : i1 to i32
    %sign3A_2045 = arith.constant 0 : i32
    %sign3A_2046 = arith.cmpi slt, %jit3A_2033, %sign3A_2045 : i32
    %sign3A_2047 = arith.extui %sign3A_2046 : i1 to i32
    %sign3A_2048 = arith.subi %sign3A_2044, %sign3A_2047 : i32
    %ne3A_2049 = arith.cmpi ne, %sign3A_2041, %sign3A_2048 : i32
    %rem3A_2050 = arith.remsi %mul3A_2032, %jit3A_2033 : i32
    %ne3A_2051 = arith.constant 0 : i32
    %ne3A_2052 = arith.cmpi ne, %rem3A_2050, %ne3A_2051 : i32
    %and3A_2053 = arith.andi %ne3A_2049, %ne3A_2052 : i1
    %sub3A_2054 = arith.constant 1 : i32
    %sub3A_2055 = arith.subi %div3A_2034, %sub3A_2054 : i32
    %select_n3A_2056 = arith.select %and3A_2053, %sub3A_2055, %div3A_2034 : i32
    %mul3A_2057 = arith.constant 128 : i32
    %mul3A_2058 = arith.muli %select_n3A_2056, %mul3A_2057 : i32
    %sub3A_2059 = arith.subi %mul3A_2032, %mul3A_2058 : i32
    %add3A_2060 = arith.constant 11 : i32
    %add3A_2061 = arith.addi %mul3A_2, %add3A_2060 : i32
    %jit3A_2062 = arith.constant 16 : i32
    %div3A_2063 = arith.divsi %add3A_2061, %jit3A_2062 : i32
    %sign3A_2064 = arith.constant 0 : i32
    %sign3A_2065 = arith.cmpi sgt, %add3A_2061, %sign3A_2064 : i32
    %sign3A_2066 = arith.extui %sign3A_2065 : i1 to i32
    %sign3A_2067 = arith.constant 0 : i32
    %sign3A_2068 = arith.cmpi slt, %add3A_2061, %sign3A_2067 : i32
    %sign3A_2069 = arith.extui %sign3A_2068 : i1 to i32
    %sign3A_2070 = arith.subi %sign3A_2066, %sign3A_2069 : i32
    %sign3A_2071 = arith.constant 0 : i32
    %sign3A_2072 = arith.cmpi sgt, %jit3A_2062, %sign3A_2071 : i32
    %sign3A_2073 = arith.extui %sign3A_2072 : i1 to i32
    %sign3A_2074 = arith.constant 0 : i32
    %sign3A_2075 = arith.cmpi slt, %jit3A_2062, %sign3A_2074 : i32
    %sign3A_2076 = arith.extui %sign3A_2075 : i1 to i32
    %sign3A_2077 = arith.subi %sign3A_2073, %sign3A_2076 : i32
    %ne3A_2078 = arith.cmpi ne, %sign3A_2070, %sign3A_2077 : i32
    %rem3A_2079 = arith.remsi %add3A_2061, %jit3A_2062 : i32
    %ne3A_2080 = arith.constant 0 : i32
    %ne3A_2081 = arith.cmpi ne, %rem3A_2079, %ne3A_2080 : i32
    %and3A_2082 = arith.andi %ne3A_2078, %ne3A_2081 : i1
    %sub3A_2083 = arith.constant 1 : i32
    %sub3A_2084 = arith.subi %div3A_2063, %sub3A_2083 : i32
    %select_n3A_2085 = arith.select %and3A_2082, %sub3A_2084, %div3A_2063 : i32
    %jit3A_2086 = arith.constant 16 : i32
    %eq3A_2087 = arith.constant 0 : i32
    %eq3A_2088 = arith.cmpi eq, %jit3A_2086, %eq3A_2087 : i32
    %jit3A_2089 = arith.constant 1 : i32
    %select_n3A_2090 = arith.select %eq3A_2088, %jit3A_2089, %jit3A_2086 : i32
    %rem3A_2091 = arith.remsi %add3A_2061, %select_n3A_2090 : i32
    %ne3A_2092 = arith.constant 0 : i32
    %ne3A_2093 = arith.cmpi ne, %rem3A_2091, %ne3A_2092 : i32
    %lt3A_2094 = arith.constant 0 : i32
    %lt3A_2095 = arith.cmpi slt, %rem3A_2091, %lt3A_2094 : i32
    %lt3A_2096 = arith.constant 0 : i32
    %lt3A_2097 = arith.cmpi slt, %select_n3A_2090, %lt3A_2096 : i32
    %ne3A_2098 = arith.xori %lt3A_2095, %lt3A_2097 : i1
    %and3A_2099 = arith.andi %ne3A_2098, %ne3A_2093 : i1
    %add3A_2100 = arith.addi %rem3A_2091, %select_n3A_2090 : i32
    %select_n3A_2101 = arith.select %and3A_2099, %add3A_2100, %rem3A_2091 : i32
    %mul3A_2102 = arith.constant 38461 : i32
    %mul3A_2103 = arith.muli %select_n3A_2085, %mul3A_2102 : i32
    %jit3A_2104 = arith.constant 128 : i32
    %div3A_2105 = arith.divsi %mul3A_2103, %jit3A_2104 : i32
    %sign3A_2106 = arith.constant 0 : i32
    %sign3A_2107 = arith.cmpi sgt, %mul3A_2103, %sign3A_2106 : i32
    %sign3A_2108 = arith.extui %sign3A_2107 : i1 to i32
    %sign3A_2109 = arith.constant 0 : i32
    %sign3A_2110 = arith.cmpi slt, %mul3A_2103, %sign3A_2109 : i32
    %sign3A_2111 = arith.extui %sign3A_2110 : i1 to i32
    %sign3A_2112 = arith.subi %sign3A_2108, %sign3A_2111 : i32
    %sign3A_2113 = arith.constant 0 : i32
    %sign3A_2114 = arith.cmpi sgt, %jit3A_2104, %sign3A_2113 : i32
    %sign3A_2115 = arith.extui %sign3A_2114 : i1 to i32
    %sign3A_2116 = arith.constant 0 : i32
    %sign3A_2117 = arith.cmpi slt, %jit3A_2104, %sign3A_2116 : i32
    %sign3A_2118 = arith.extui %sign3A_2117 : i1 to i32
    %sign3A_2119 = arith.subi %sign3A_2115, %sign3A_2118 : i32
    %ne3A_2120 = arith.cmpi ne, %sign3A_2112, %sign3A_2119 : i32
    %rem3A_2121 = arith.remsi %mul3A_2103, %jit3A_2104 : i32
    %ne3A_2122 = arith.constant 0 : i32
    %ne3A_2123 = arith.cmpi ne, %rem3A_2121, %ne3A_2122 : i32
    %and3A_2124 = arith.andi %ne3A_2120, %ne3A_2123 : i1
    %sub3A_2125 = arith.constant 1 : i32
    %sub3A_2126 = arith.subi %div3A_2105, %sub3A_2125 : i32
    %select_n3A_2127 = arith.select %and3A_2124, %sub3A_2126, %div3A_2105 : i32
    %mul3A_2128 = arith.constant 128 : i32
    %mul3A_2129 = arith.muli %select_n3A_2127, %mul3A_2128 : i32
    %sub3A_2130 = arith.subi %mul3A_2103, %mul3A_2129 : i32
    %dma_start3A_2131 = tpu.memref_slice %arg3[%select_n3A_2101, %mul3A_2129] : memref<16x999986xf32, #tpu.memory_space<hbm>> -> memref<1x38656xf32, #tpu.memory_space<hbm>>
    %dma_start3A_2132 = tpu.memref_squeeze %dma_start3A_2131 : memref<1x38656xf32, #tpu.memory_space<hbm>> -> memref<38656xf32, #tpu.memory_space<hbm>>
    %dma_start3A_2133 = tpu.memref_slice %arg3[%select_n3A_2101, %mul3A_2129] : memref<16x999986xf32, #tpu.memory_space<hbm>> -> memref<1x38656xf32, #tpu.memory_space<hbm>>
    %dma_start3A_2134 = tpu.memref_squeeze %dma_start3A_2133 : memref<1x38656xf32, #tpu.memory_space<hbm>> -> memref<38656xf32, #tpu.memory_space<hbm>>
    tpu.enqueue_dma source(%dma_start3A_2134 : memref<38656xf32, #tpu.memory_space<hbm>>) target(%arg6 : memref<38656xf32, #tpu.memory_space<vmem>>) target_semaphore(%arg11 : memref<!tpu.dma_semaphore, #tpu.memory_space<semaphore_mem>>)
    %add3A_2135 = arith.constant 10 : i32
    %add3A_2136 = arith.addi %mul3A_2, %add3A_2135 : i32
    %sub3A_2137 = arith.constant 1 : i32
    %sub3A_2138 = arith.subi %add3A_2136, %sub3A_2137 : i32
    %jit3A_2139 = arith.constant 16 : i32
    %div3A_2140 = arith.divsi %sub3A_2138, %jit3A_2139 : i32
    %sign3A_2141 = arith.constant 0 : i32
    %sign3A_2142 = arith.cmpi sgt, %sub3A_2138, %sign3A_2141 : i32
    %sign3A_2143 = arith.extui %sign3A_2142 : i1 to i32
    %sign3A_2144 = arith.constant 0 : i32
    %sign3A_2145 = arith.cmpi slt, %sub3A_2138, %sign3A_2144 : i32
    %sign3A_2146 = arith.extui %sign3A_2145 : i1 to i32
    %sign3A_2147 = arith.subi %sign3A_2143, %sign3A_2146 : i32
    %sign3A_2148 = arith.constant 0 : i32
    %sign3A_2149 = arith.cmpi sgt, %jit3A_2139, %sign3A_2148 : i32
    %sign3A_2150 = arith.extui %sign3A_2149 : i1 to i32
    %sign3A_2151 = arith.constant 0 : i32
    %sign3A_2152 = arith.cmpi slt, %jit3A_2139, %sign3A_2151 : i32
    %sign3A_2153 = arith.extui %sign3A_2152 : i1 to i32
    %sign3A_2154 = arith.subi %sign3A_2150, %sign3A_2153 : i32
    %ne3A_2155 = arith.cmpi ne, %sign3A_2147, %sign3A_2154 : i32
    %rem3A_2156 = arith.remsi %sub3A_2138, %jit3A_2139 : i32
    %ne3A_2157 = arith.constant 0 : i32
    %ne3A_2158 = arith.cmpi ne, %rem3A_2156, %ne3A_2157 : i32
    %and3A_2159 = arith.andi %ne3A_2155, %ne3A_2158 : i1
    %sub3A_2160 = arith.constant 1 : i32
    %sub3A_2161 = arith.subi %div3A_2140, %sub3A_2160 : i32
    %select_n3A_2162 = arith.select %and3A_2159, %sub3A_2161, %div3A_2140 : i32
    %ne3A_2163 = arith.cmpi ne, %select_n3A_2014, %select_n3A_2162 : i32
    %convert_element_type3A_2164 = arith.extui %ne3A_2163 : i1 to i32
    %cond3A_2165 = arith.constant 0 : i32
    %cond3A_2166 = arith.cmpi ne, %convert_element_type3A_2164, %cond3A_2165 : i32
    scf.if %cond3A_2166 {
      "tpu.region"() ({
        %run_scoped3A = tpu.sem_alloc : memref<!tpu.dma_semaphore, #tpu.memory_space<semaphore_mem>>
        %dma_start3A_2517 = arith.constant 0 : i32
        %dma_start3A_2518 = tpu.memref_slice %arg2[%select_n3A_2014, %dma_start3A_2517] : memref<26x16384xi32, #tpu.memory_space<hbm>> -> memref<1x16384xi32, #tpu.memory_space<hbm>>
        %dma_start3A_2519 = tpu.memref_squeeze %dma_start3A_2518 : memref<1x16384xi32, #tpu.memory_space<hbm>> -> memref<16384xi32, #tpu.memory_space<hbm>>
        %dma_start3A_2520 = arith.constant 0 : i32
        %dma_start3A_2521 = tpu.memref_slice %arg2[%select_n3A_2014, %dma_start3A_2520] : memref<26x16384xi32, #tpu.memory_space<hbm>> -> memref<1x16384xi32, #tpu.memory_space<hbm>>
        %dma_start3A_2522 = tpu.memref_squeeze %dma_start3A_2521 : memref<1x16384xi32, #tpu.memory_space<hbm>> -> memref<16384xi32, #tpu.memory_space<hbm>>
        tpu.enqueue_dma source(%dma_start3A_2522 : memref<16384xi32, #tpu.memory_space<hbm>>) target(%arg7 : memref<16384xi32, #tpu.memory_space<vmem>>) target_semaphore(%run_scoped3A : memref<!tpu.dma_semaphore, #tpu.memory_space<semaphore_mem>>)
        %dma_wait3A_2523 = arith.constant 0 : i32
        %dma_wait3A_2524 = tpu.memref_slice %arg2[%select_n3A_2014, %dma_wait3A_2523] : memref<26x16384xi32, #tpu.memory_space<hbm>> -> memref<1x16384xi32, #tpu.memory_space<hbm>>
        %dma_wait3A_2525 = tpu.memref_squeeze %dma_wait3A_2524 : memref<1x16384xi32, #tpu.memory_space<hbm>> -> memref<16384xi32, #tpu.memory_space<hbm>>
        %dma_wait3A_2526 = arith.constant 0 : i32
        %dma_wait3A_2527 = tpu.memref_slice %arg2[%select_n3A_2014, %dma_wait3A_2526] : memref<26x16384xi32, #tpu.memory_space<hbm>> -> memref<1x16384xi32, #tpu.memory_space<hbm>>
        %dma_wait3A_2528 = tpu.memref_squeeze %dma_wait3A_2527 : memref<1x16384xi32, #tpu.memory_space<hbm>> -> memref<16384xi32, #tpu.memory_space<hbm>>
        tpu.wait_dma2 semaphore(%run_scoped3A : memref<!tpu.dma_semaphore, #tpu.memory_space<semaphore_mem>>) src(%dma_wait3A_2528 : memref<16384xi32, #tpu.memory_space<hbm>>) dst(%arg7 : memref<16384xi32, #tpu.memory_space<vmem>>)
        tpu.yield
      }) : () -> ()
    } else {
    }
    %dma_wait3A_2167 = tpu.memref_slice %arg3[%select_n3A_1904, %mul3A_1932] : memref<16x999986xf32, #tpu.memory_space<hbm>> -> memref<1x38656xf32, #tpu.memory_space<hbm>>
    %dma_wait3A_2168 = tpu.memref_squeeze %dma_wait3A_2167 : memref<1x38656xf32, #tpu.memory_space<hbm>> -> memref<38656xf32, #tpu.memory_space<hbm>>
    %dma_wait3A_2169 = tpu.memref_slice %arg3[%select_n3A_1904, %mul3A_1932] : memref<16x999986xf32, #tpu.memory_space<hbm>> -> memref<1x38656xf32, #tpu.memory_space<hbm>>
    %dma_wait3A_2170 = tpu.memref_squeeze %dma_wait3A_2169 : memref<1x38656xf32, #tpu.memory_space<hbm>> -> memref<38656xf32, #tpu.memory_space<hbm>>
    tpu.wait_dma2 semaphore(%arg10 : memref<!tpu.dma_semaphore, #tpu.memory_space<semaphore_mem>>) src(%dma_wait3A_2170 : memref<38656xf32, #tpu.memory_space<hbm>>) dst(%arg5 : memref<38656xf32, #tpu.memory_space<vmem>>)
    %dma_wait3A_2171 = arith.constant 0 : i32
    %dma_wait3A_2172 = tpu.memref_slice %arg4[%select_n3A_1620, %select_n3A_1636, %dma_wait3A_2171] : memref<26x16x16384xf32, #tpu.memory_space<hbm>> -> memref<1x1x16384xf32, #tpu.memory_space<hbm>>
    %dma_wait3A_2173 = tpu.memref_squeeze %dma_wait3A_2172 : memref<1x1x16384xf32, #tpu.memory_space<hbm>> -> memref<16384xf32, #tpu.memory_space<hbm>>
    %dma_wait3A_2174 = arith.constant 0 : i32
    %dma_wait3A_2175 = tpu.memref_slice %arg4[%select_n3A_1620, %select_n3A_1636, %dma_wait3A_2174] : memref<26x16x16384xf32, #tpu.memory_space<hbm>> -> memref<1x1x16384xf32, #tpu.memory_space<hbm>>
    %dma_wait3A_2176 = tpu.memref_squeeze %dma_wait3A_2175 : memref<1x1x16384xf32, #tpu.memory_space<hbm>> -> memref<16384xf32, #tpu.memory_space<hbm>>
    tpu.wait_dma2 semaphore(%arg12 : memref<!tpu.dma_semaphore, #tpu.memory_space<semaphore_mem>>) src(%arg8 : memref<16384xf32, #tpu.memory_space<vmem>>) dst(%dma_wait3A_2176 : memref<16384xf32, #tpu.memory_space<hbm>>)
    %parallel_loop3A_2177 = arith.constant 0 : i32
    %parallel_loop3A_2178 = arith.constant 1024 : i32
    %parallel_loop3A_2179 = arith.constant 1 : i32
    scf.for %parallel_loop3A_2517 = %parallel_loop3A_2177 to %parallel_loop3A_2178 step %parallel_loop3A_2179  : i32 {
      %parallel_loop3A_2518 = arith.constant 16 : i32
      %parallel_loop3A_2519 = arith.muli %parallel_loop3A_2517, %parallel_loop3A_2518 : i32
      %parallel_loop3A_2520 = arith.index_cast %parallel_loop3A_2519 : i32 to index
      %parallel_loop3A_2521 = tpu.vector_load %arg7[%parallel_loop3A_2520] {strides = array<i32>} : memref<16384xi32, #tpu.memory_space<vmem>>, vector<16xi32>,
      %parallel_loop3A_2522 = vector.broadcast %sub3A_2059 : i32 to vector<16xi32>
      %parallel_loop3A_2523 = arith.addi %parallel_loop3A_2521, %parallel_loop3A_2522 : vector<16xi32>
      %parallel_loop3A_2524 = tpu.vector_load_idx %arg5[%parallel_loop3A_2523] : memref<38656xf32, #tpu.memory_space<vmem>>[vector<16xi32>], vector<16xf32>,
      %parallel_loop3A_2525 = arith.constant 16 : i32
      %parallel_loop3A_2526 = arith.muli %parallel_loop3A_2517, %parallel_loop3A_2525 : i32
      %parallel_loop3A_2527 = arith.index_cast %parallel_loop3A_2526 : i32 to index
      %parallel_loop3A_2528 = tpu.vector_load %arg8[%parallel_loop3A_2527] {strides = array<i32>} : memref<16384xf32, #tpu.memory_space<vmem>>, vector<16xf32>,
      tpu.vector_store %arg8[%parallel_loop3A_2527], %parallel_loop3A_2524 {strides = array<i32>} : memref<16384xf32, #tpu.memory_space<vmem>>, vector<16xf32>,
    } {sc.loop_unroll_factor = 8 : i64, sc.parallel_access}
    %dma_start3A_2180 = arith.constant 0 : i32
    %dma_start3A_2181 = tpu.memref_slice %arg4[%select_n3A_2014, %select_n3A_2030, %dma_start3A_2180] : memref<26x16x16384xf32, #tpu.memory_space<hbm>> -> memref<1x1x16384xf32, #tpu.memory_space<hbm>>
    %dma_start3A_2182 = tpu.memref_squeeze %dma_start3A_2181 : memref<1x1x16384xf32, #tpu.memory_space<hbm>> -> memref<16384xf32, #tpu.memory_space<hbm>>
    %dma_start3A_2183 = arith.constant 0 : i32
    %dma_start3A_2184 = tpu.memref_slice %arg4[%select_n3A_2014, %select_n3A_2030, %dma_start3A_2183] : memref<26x16x16384xf32, #tpu.memory_space<hbm>> -> memref<1x1x16384xf32, #tpu.memory_space<hbm>>
    %dma_start3A_2185 = tpu.memref_squeeze %dma_start3A_2184 : memref<1x1x16384xf32, #tpu.memory_space<hbm>> -> memref<16384xf32, #tpu.memory_space<hbm>>
    tpu.enqueue_dma source(%arg8 : memref<16384xf32, #tpu.memory_space<vmem>>) target(%dma_start3A_2185 : memref<16384xf32, #tpu.memory_space<hbm>>) target_semaphore(%arg12 : memref<!tpu.dma_semaphore, #tpu.memory_space<semaphore_mem>>)
    %add3A_2186 = arith.constant 11 : i32
    %add3A_2187 = arith.addi %mul3A_2, %add3A_2186 : i32
    %jit3A_2188 = arith.constant 16 : i32
    %div3A_2189 = arith.divsi %add3A_2187, %jit3A_2188 : i32
    %sign3A_2190 = arith.constant 0 : i32
    %sign3A_2191 = arith.cmpi sgt, %add3A_2187, %sign3A_2190 : i32
    %sign3A_2192 = arith.extui %sign3A_2191 : i1 to i32
    %sign3A_2193 = arith.constant 0 : i32
    %sign3A_2194 = arith.cmpi slt, %add3A_2187, %sign3A_2193 : i32
    %sign3A_2195 = arith.extui %sign3A_2194 : i1 to i32
    %sign3A_2196 = arith.subi %sign3A_2192, %sign3A_2195 : i32
    %sign3A_2197 = arith.constant 0 : i32
    %sign3A_2198 = arith.cmpi sgt, %jit3A_2188, %sign3A_2197 : i32
    %sign3A_2199 = arith.extui %sign3A_2198 : i1 to i32
    %sign3A_2200 = arith.constant 0 : i32
    %sign3A_2201 = arith.cmpi slt, %jit3A_2188, %sign3A_2200 : i32
    %sign3A_2202 = arith.extui %sign3A_2201 : i1 to i32
    %sign3A_2203 = arith.subi %sign3A_2199, %sign3A_2202 : i32
    %ne3A_2204 = arith.cmpi ne, %sign3A_2196, %sign3A_2203 : i32
    %rem3A_2205 = arith.remsi %add3A_2187, %jit3A_2188 : i32
    %ne3A_2206 = arith.constant 0 : i32
    %ne3A_2207 = arith.cmpi ne, %rem3A_2205, %ne3A_2206 : i32
    %and3A_2208 = arith.andi %ne3A_2204, %ne3A_2207 : i1
    %sub3A_2209 = arith.constant 1 : i32
    %sub3A_2210 = arith.subi %div3A_2189, %sub3A_2209 : i32
    %select_n3A_2211 = arith.select %and3A_2208, %sub3A_2210, %div3A_2189 : i32
    %jit3A_2212 = arith.constant 16 : i32
    %eq3A_2213 = arith.constant 0 : i32
    %eq3A_2214 = arith.cmpi eq, %jit3A_2212, %eq3A_2213 : i32
    %jit3A_2215 = arith.constant 1 : i32
    %select_n3A_2216 = arith.select %eq3A_2214, %jit3A_2215, %jit3A_2212 : i32
    %rem3A_2217 = arith.remsi %add3A_2187, %select_n3A_2216 : i32
    %ne3A_2218 = arith.constant 0 : i32
    %ne3A_2219 = arith.cmpi ne, %rem3A_2217, %ne3A_2218 : i32
    %lt3A_2220 = arith.constant 0 : i32
    %lt3A_2221 = arith.cmpi slt, %rem3A_2217, %lt3A_2220 : i32
    %lt3A_2222 = arith.constant 0 : i32
    %lt3A_2223 = arith.cmpi slt, %select_n3A_2216, %lt3A_2222 : i32
    %ne3A_2224 = arith.xori %lt3A_2221, %lt3A_2223 : i1
    %and3A_2225 = arith.andi %ne3A_2224, %ne3A_2219 : i1
    %add3A_2226 = arith.addi %rem3A_2217, %select_n3A_2216 : i32
    %select_n3A_2227 = arith.select %and3A_2225, %add3A_2226, %rem3A_2217 : i32
    %mul3A_2228 = arith.constant 38461 : i32
    %mul3A_2229 = arith.muli %select_n3A_2211, %mul3A_2228 : i32
    %jit3A_2230 = arith.constant 128 : i32
    %div3A_2231 = arith.divsi %mul3A_2229, %jit3A_2230 : i32
    %sign3A_2232 = arith.constant 0 : i32
    %sign3A_2233 = arith.cmpi sgt, %mul3A_2229, %sign3A_2232 : i32
    %sign3A_2234 = arith.extui %sign3A_2233 : i1 to i32
    %sign3A_2235 = arith.constant 0 : i32
    %sign3A_2236 = arith.cmpi slt, %mul3A_2229, %sign3A_2235 : i32
    %sign3A_2237 = arith.extui %sign3A_2236 : i1 to i32
    %sign3A_2238 = arith.subi %sign3A_2234, %sign3A_2237 : i32
    %sign3A_2239 = arith.constant 0 : i32
    %sign3A_2240 = arith.cmpi sgt, %jit3A_2230, %sign3A_2239 : i32
    %sign3A_2241 = arith.extui %sign3A_2240 : i1 to i32
    %sign3A_2242 = arith.constant 0 : i32
    %sign3A_2243 = arith.cmpi slt, %jit3A_2230, %sign3A_2242 : i32
    %sign3A_2244 = arith.extui %sign3A_2243 : i1 to i32
    %sign3A_2245 = arith.subi %sign3A_2241, %sign3A_2244 : i32
    %ne3A_2246 = arith.cmpi ne, %sign3A_2238, %sign3A_2245 : i32
    %rem3A_2247 = arith.remsi %mul3A_2229, %jit3A_2230 : i32
    %ne3A_2248 = arith.constant 0 : i32
    %ne3A_2249 = arith.cmpi ne, %rem3A_2247, %ne3A_2248 : i32
    %and3A_2250 = arith.andi %ne3A_2246, %ne3A_2249 : i1
    %sub3A_2251 = arith.constant 1 : i32
    %sub3A_2252 = arith.subi %div3A_2231, %sub3A_2251 : i32
    %select_n3A_2253 = arith.select %and3A_2250, %sub3A_2252, %div3A_2231 : i32
    %mul3A_2254 = arith.constant 128 : i32
    %mul3A_2255 = arith.muli %select_n3A_2253, %mul3A_2254 : i32
    %sub3A_2256 = arith.subi %mul3A_2229, %mul3A_2255 : i32
    %add3A_2257 = arith.constant 12 : i32
    %add3A_2258 = arith.addi %mul3A_2, %add3A_2257 : i32
    %jit3A_2259 = arith.constant 16 : i32
    %div3A_2260 = arith.divsi %add3A_2258, %jit3A_2259 : i32
    %sign3A_2261 = arith.constant 0 : i32
    %sign3A_2262 = arith.cmpi sgt, %add3A_2258, %sign3A_2261 : i32
    %sign3A_2263 = arith.extui %sign3A_2262 : i1 to i32
    %sign3A_2264 = arith.constant 0 : i32
    %sign3A_2265 = arith.cmpi slt, %add3A_2258, %sign3A_2264 : i32
    %sign3A_2266 = arith.extui %sign3A_2265 : i1 to i32
    %sign3A_2267 = arith.subi %sign3A_2263, %sign3A_2266 : i32
    %sign3A_2268 = arith.constant 0 : i32
    %sign3A_2269 = arith.cmpi sgt, %jit3A_2259, %sign3A_2268 : i32
    %sign3A_2270 = arith.extui %sign3A_2269 : i1 to i32
    %sign3A_2271 = arith.constant 0 : i32
    %sign3A_2272 = arith.cmpi slt, %jit3A_2259, %sign3A_2271 : i32
    %sign3A_2273 = arith.extui %sign3A_2272 : i1 to i32
    %sign3A_2274 = arith.subi %sign3A_2270, %sign3A_2273 : i32
    %ne3A_2275 = arith.cmpi ne, %sign3A_2267, %sign3A_2274 : i32
    %rem3A_2276 = arith.remsi %add3A_2258, %jit3A_2259 : i32
    %ne3A_2277 = arith.constant 0 : i32
    %ne3A_2278 = arith.cmpi ne, %rem3A_2276, %ne3A_2277 : i32
    %and3A_2279 = arith.andi %ne3A_2275, %ne3A_2278 : i1
    %sub3A_2280 = arith.constant 1 : i32
    %sub3A_2281 = arith.subi %div3A_2260, %sub3A_2280 : i32
    %select_n3A_2282 = arith.select %and3A_2279, %sub3A_2281, %div3A_2260 : i32
    %jit3A_2283 = arith.constant 16 : i32
    %eq3A_2284 = arith.constant 0 : i32
    %eq3A_2285 = arith.cmpi eq, %jit3A_2283, %eq3A_2284 : i32
    %jit3A_2286 = arith.constant 1 : i32
    %select_n3A_2287 = arith.select %eq3A_2285, %jit3A_2286, %jit3A_2283 : i32
    %rem3A_2288 = arith.remsi %add3A_2258, %select_n3A_2287 : i32
    %ne3A_2289 = arith.constant 0 : i32
    %ne3A_2290 = arith.cmpi ne, %rem3A_2288, %ne3A_2289 : i32
    %lt3A_2291 = arith.constant 0 : i32
    %lt3A_2292 = arith.cmpi slt, %rem3A_2288, %lt3A_2291 : i32
    %lt3A_2293 = arith.constant 0 : i32
    %lt3A_2294 = arith.cmpi slt, %select_n3A_2287, %lt3A_2293 : i32
    %ne3A_2295 = arith.xori %lt3A_2292, %lt3A_2294 : i1
    %and3A_2296 = arith.andi %ne3A_2295, %ne3A_2290 : i1
    %add3A_2297 = arith.addi %rem3A_2288, %select_n3A_2287 : i32
    %select_n3A_2298 = arith.select %and3A_2296, %add3A_2297, %rem3A_2288 : i32
    %mul3A_2299 = arith.constant 38461 : i32
    %mul3A_2300 = arith.muli %select_n3A_2282, %mul3A_2299 : i32
    %jit3A_2301 = arith.constant 128 : i32
    %div3A_2302 = arith.divsi %mul3A_2300, %jit3A_2301 : i32
    %sign3A_2303 = arith.constant 0 : i32
    %sign3A_2304 = arith.cmpi sgt, %mul3A_2300, %sign3A_2303 : i32
    %sign3A_2305 = arith.extui %sign3A_2304 : i1 to i32
    %sign3A_2306 = arith.constant 0 : i32
    %sign3A_2307 = arith.cmpi slt, %mul3A_2300, %sign3A_2306 : i32
    %sign3A_2308 = arith.extui %sign3A_2307 : i1 to i32
    %sign3A_2309 = arith.subi %sign3A_2305, %sign3A_2308 : i32
    %sign3A_2310 = arith.constant 0 : i32
    %sign3A_2311 = arith.cmpi sgt, %jit3A_2301, %sign3A_2310 : i32
    %sign3A_2312 = arith.extui %sign3A_2311 : i1 to i32
    %sign3A_2313 = arith.constant 0 : i32
    %sign3A_2314 = arith.cmpi slt, %jit3A_2301, %sign3A_2313 : i32
    %sign3A_2315 = arith.extui %sign3A_2314 : i1 to i32
    %sign3A_2316 = arith.subi %sign3A_2312, %sign3A_2315 : i32
    %ne3A_2317 = arith.cmpi ne, %sign3A_2309, %sign3A_2316 : i32
    %rem3A_2318 = arith.remsi %mul3A_2300, %jit3A_2301 : i32
    %ne3A_2319 = arith.constant 0 : i32
    %ne3A_2320 = arith.cmpi ne, %rem3A_2318, %ne3A_2319 : i32
    %and3A_2321 = arith.andi %ne3A_2317, %ne3A_2320 : i1
    %sub3A_2322 = arith.constant 1 : i32
    %sub3A_2323 = arith.subi %div3A_2302, %sub3A_2322 : i32
    %select_n3A_2324 = arith.select %and3A_2321, %sub3A_2323, %div3A_2302 : i32
    %mul3A_2325 = arith.constant 128 : i32
    %mul3A_2326 = arith.muli %select_n3A_2324, %mul3A_2325 : i32
    %sub3A_2327 = arith.subi %mul3A_2300, %mul3A_2326 : i32
    %dma_start3A_2328 = tpu.memref_slice %arg3[%select_n3A_2298, %mul3A_2326] : memref<16x999986xf32, #tpu.memory_space<hbm>> -> memref<1x38656xf32, #tpu.memory_space<hbm>>
    %dma_start3A_2329 = tpu.memref_squeeze %dma_start3A_2328 : memref<1x38656xf32, #tpu.memory_space<hbm>> -> memref<38656xf32, #tpu.memory_space<hbm>>
    %dma_start3A_2330 = tpu.memref_slice %arg3[%select_n3A_2298, %mul3A_2326] : memref<16x999986xf32, #tpu.memory_space<hbm>> -> memref<1x38656xf32, #tpu.memory_space<hbm>>
    %dma_start3A_2331 = tpu.memref_squeeze %dma_start3A_2330 : memref<1x38656xf32, #tpu.memory_space<hbm>> -> memref<38656xf32, #tpu.memory_space<hbm>>
    tpu.enqueue_dma source(%dma_start3A_2331 : memref<38656xf32, #tpu.memory_space<hbm>>) target(%arg5 : memref<38656xf32, #tpu.memory_space<vmem>>) target_semaphore(%arg10 : memref<!tpu.dma_semaphore, #tpu.memory_space<semaphore_mem>>)
    %add3A_2332 = arith.constant 11 : i32
    %add3A_2333 = arith.addi %mul3A_2, %add3A_2332 : i32
    %sub3A_2334 = arith.constant 1 : i32
    %sub3A_2335 = arith.subi %add3A_2333, %sub3A_2334 : i32
    %jit3A_2336 = arith.constant 16 : i32
    %div3A_2337 = arith.divsi %sub3A_2335, %jit3A_2336 : i32
    %sign3A_2338 = arith.constant 0 : i32
    %sign3A_2339 = arith.cmpi sgt, %sub3A_2335, %sign3A_2338 : i32
    %sign3A_2340 = arith.extui %sign3A_2339 : i1 to i32
    %sign3A_2341 = arith.constant 0 : i32
    %sign3A_2342 = arith.cmpi slt, %sub3A_2335, %sign3A_2341 : i32
    %sign3A_2343 = arith.extui %sign3A_2342 : i1 to i32
    %sign3A_2344 = arith.subi %sign3A_2340, %sign3A_2343 : i32
    %sign3A_2345 = arith.constant 0 : i32
    %sign3A_2346 = arith.cmpi sgt, %jit3A_2336, %sign3A_2345 : i32
    %sign3A_2347 = arith.extui %sign3A_2346 : i1 to i32
    %sign3A_2348 = arith.constant 0 : i32
    %sign3A_2349 = arith.cmpi slt, %jit3A_2336, %sign3A_2348 : i32
    %sign3A_2350 = arith.extui %sign3A_2349 : i1 to i32
    %sign3A_2351 = arith.subi %sign3A_2347, %sign3A_2350 : i32
    %ne3A_2352 = arith.cmpi ne, %sign3A_2344, %sign3A_2351 : i32
    %rem3A_2353 = arith.remsi %sub3A_2335, %jit3A_2336 : i32
    %ne3A_2354 = arith.constant 0 : i32
    %ne3A_2355 = arith.cmpi ne, %rem3A_2353, %ne3A_2354 : i32
    %and3A_2356 = arith.andi %ne3A_2352, %ne3A_2355 : i1
    %sub3A_2357 = arith.constant 1 : i32
    %sub3A_2358 = arith.subi %div3A_2337, %sub3A_2357 : i32
    %select_n3A_2359 = arith.select %and3A_2356, %sub3A_2358, %div3A_2337 : i32
    %ne3A_2360 = arith.cmpi ne, %select_n3A_2211, %select_n3A_2359 : i32
    %convert_element_type3A_2361 = arith.extui %ne3A_2360 : i1 to i32
    %cond3A_2362 = arith.constant 0 : i32
    %cond3A_2363 = arith.cmpi ne, %convert_element_type3A_2361, %cond3A_2362 : i32
    scf.if %cond3A_2363 {
      "tpu.region"() ({
        %run_scoped3A = tpu.sem_alloc : memref<!tpu.dma_semaphore, #tpu.memory_space<semaphore_mem>>
        %dma_start3A_2517 = arith.constant 0 : i32
        %dma_start3A_2518 = tpu.memref_slice %arg2[%select_n3A_2211, %dma_start3A_2517] : memref<26x16384xi32, #tpu.memory_space<hbm>> -> memref<1x16384xi32, #tpu.memory_space<hbm>>
        %dma_start3A_2519 = tpu.memref_squeeze %dma_start3A_2518 : memref<1x16384xi32, #tpu.memory_space<hbm>> -> memref<16384xi32, #tpu.memory_space<hbm>>
        %dma_start3A_2520 = arith.constant 0 : i32
        %dma_start3A_2521 = tpu.memref_slice %arg2[%select_n3A_2211, %dma_start3A_2520] : memref<26x16384xi32, #tpu.memory_space<hbm>> -> memref<1x16384xi32, #tpu.memory_space<hbm>>
        %dma_start3A_2522 = tpu.memref_squeeze %dma_start3A_2521 : memref<1x16384xi32, #tpu.memory_space<hbm>> -> memref<16384xi32, #tpu.memory_space<hbm>>
        tpu.enqueue_dma source(%dma_start3A_2522 : memref<16384xi32, #tpu.memory_space<hbm>>) target(%arg7 : memref<16384xi32, #tpu.memory_space<vmem>>) target_semaphore(%run_scoped3A : memref<!tpu.dma_semaphore, #tpu.memory_space<semaphore_mem>>)
        %dma_wait3A_2523 = arith.constant 0 : i32
        %dma_wait3A_2524 = tpu.memref_slice %arg2[%select_n3A_2211, %dma_wait3A_2523] : memref<26x16384xi32, #tpu.memory_space<hbm>> -> memref<1x16384xi32, #tpu.memory_space<hbm>>
        %dma_wait3A_2525 = tpu.memref_squeeze %dma_wait3A_2524 : memref<1x16384xi32, #tpu.memory_space<hbm>> -> memref<16384xi32, #tpu.memory_space<hbm>>
        %dma_wait3A_2526 = arith.constant 0 : i32
        %dma_wait3A_2527 = tpu.memref_slice %arg2[%select_n3A_2211, %dma_wait3A_2526] : memref<26x16384xi32, #tpu.memory_space<hbm>> -> memref<1x16384xi32, #tpu.memory_space<hbm>>
        %dma_wait3A_2528 = tpu.memref_squeeze %dma_wait3A_2527 : memref<1x16384xi32, #tpu.memory_space<hbm>> -> memref<16384xi32, #tpu.memory_space<hbm>>
        tpu.wait_dma2 semaphore(%run_scoped3A : memref<!tpu.dma_semaphore, #tpu.memory_space<semaphore_mem>>) src(%dma_wait3A_2528 : memref<16384xi32, #tpu.memory_space<hbm>>) dst(%arg7 : memref<16384xi32, #tpu.memory_space<vmem>>)
        tpu.yield
      }) : () -> ()
    } else {
    }
    %dma_wait3A_2364 = tpu.memref_slice %arg3[%select_n3A_2101, %mul3A_2129] : memref<16x999986xf32, #tpu.memory_space<hbm>> -> memref<1x38656xf32, #tpu.memory_space<hbm>>
    %dma_wait3A_2365 = tpu.memref_squeeze %dma_wait3A_2364 : memref<1x38656xf32, #tpu.memory_space<hbm>> -> memref<38656xf32, #tpu.memory_space<hbm>>
    %dma_wait3A_2366 = tpu.memref_slice %arg3[%select_n3A_2101, %mul3A_2129] : memref<16x999986xf32, #tpu.memory_space<hbm>> -> memref<1x38656xf32, #tpu.memory_space<hbm>>
    %dma_wait3A_2367 = tpu.memref_squeeze %dma_wait3A_2366 : memref<1x38656xf32, #tpu.memory_space<hbm>> -> memref<38656xf32, #tpu.memory_space<hbm>>
    tpu.wait_dma2 semaphore(%arg11 : memref<!tpu.dma_semaphore, #tpu.memory_space<semaphore_mem>>) src(%dma_wait3A_2367 : memref<38656xf32, #tpu.memory_space<hbm>>) dst(%arg6 : memref<38656xf32, #tpu.memory_space<vmem>>)
    %dma_wait3A_2368 = arith.constant 0 : i32
    %dma_wait3A_2369 = tpu.memref_slice %arg4[%select_n3A_1817, %select_n3A_1833, %dma_wait3A_2368] : memref<26x16x16384xf32, #tpu.memory_space<hbm>> -> memref<1x1x16384xf32, #tpu.memory_space<hbm>>
    %dma_wait3A_2370 = tpu.memref_squeeze %dma_wait3A_2369 : memref<1x1x16384xf32, #tpu.memory_space<hbm>> -> memref<16384xf32, #tpu.memory_space<hbm>>
    %dma_wait3A_2371 = arith.constant 0 : i32
    %dma_wait3A_2372 = tpu.memref_slice %arg4[%select_n3A_1817, %select_n3A_1833, %dma_wait3A_2371] : memref<26x16x16384xf32, #tpu.memory_space<hbm>> -> memref<1x1x16384xf32, #tpu.memory_space<hbm>>
    %dma_wait3A_2373 = tpu.memref_squeeze %dma_wait3A_2372 : memref<1x1x16384xf32, #tpu.memory_space<hbm>> -> memref<16384xf32, #tpu.memory_space<hbm>>
    tpu.wait_dma2 semaphore(%arg13 : memref<!tpu.dma_semaphore, #tpu.memory_space<semaphore_mem>>) src(%arg9 : memref<16384xf32, #tpu.memory_space<vmem>>) dst(%dma_wait3A_2373 : memref<16384xf32, #tpu.memory_space<hbm>>)
    %parallel_loop3A_2374 = arith.constant 0 : i32
    %parallel_loop3A_2375 = arith.constant 1024 : i32
    %parallel_loop3A_2376 = arith.constant 1 : i32
    scf.for %parallel_loop3A_2517 = %parallel_loop3A_2374 to %parallel_loop3A_2375 step %parallel_loop3A_2376  : i32 {
      %parallel_loop3A_2518 = arith.constant 16 : i32
      %parallel_loop3A_2519 = arith.muli %parallel_loop3A_2517, %parallel_loop3A_2518 : i32
      %parallel_loop3A_2520 = arith.index_cast %parallel_loop3A_2519 : i32 to index
      %parallel_loop3A_2521 = tpu.vector_load %arg7[%parallel_loop3A_2520] {strides = array<i32>} : memref<16384xi32, #tpu.memory_space<vmem>>, vector<16xi32>,
      %parallel_loop3A_2522 = vector.broadcast %sub3A_2256 : i32 to vector<16xi32>
      %parallel_loop3A_2523 = arith.addi %parallel_loop3A_2521, %parallel_loop3A_2522 : vector<16xi32>
      %parallel_loop3A_2524 = tpu.vector_load_idx %arg6[%parallel_loop3A_2523] : memref<38656xf32, #tpu.memory_space<vmem>>[vector<16xi32>], vector<16xf32>,
      %parallel_loop3A_2525 = arith.constant 16 : i32
      %parallel_loop3A_2526 = arith.muli %parallel_loop3A_2517, %parallel_loop3A_2525 : i32
      %parallel_loop3A_2527 = arith.index_cast %parallel_loop3A_2526 : i32 to index
      %parallel_loop3A_2528 = tpu.vector_load %arg9[%parallel_loop3A_2527] {strides = array<i32>} : memref<16384xf32, #tpu.memory_space<vmem>>, vector<16xf32>,
      tpu.vector_store %arg9[%parallel_loop3A_2527], %parallel_loop3A_2524 {strides = array<i32>} : memref<16384xf32, #tpu.memory_space<vmem>>, vector<16xf32>,
    } {sc.loop_unroll_factor = 8 : i64, sc.parallel_access}
    %dma_start3A_2377 = arith.constant 0 : i32
    %dma_start3A_2378 = tpu.memref_slice %arg4[%select_n3A_2211, %select_n3A_2227, %dma_start3A_2377] : memref<26x16x16384xf32, #tpu.memory_space<hbm>> -> memref<1x1x16384xf32, #tpu.memory_space<hbm>>
    %dma_start3A_2379 = tpu.memref_squeeze %dma_start3A_2378 : memref<1x1x16384xf32, #tpu.memory_space<hbm>> -> memref<16384xf32, #tpu.memory_space<hbm>>
    %dma_start3A_2380 = arith.constant 0 : i32
    %dma_start3A_2381 = tpu.memref_slice %arg4[%select_n3A_2211, %select_n3A_2227, %dma_start3A_2380] : memref<26x16x16384xf32, #tpu.memory_space<hbm>> -> memref<1x1x16384xf32, #tpu.memory_space<hbm>>
    %dma_start3A_2382 = tpu.memref_squeeze %dma_start3A_2381 : memref<1x1x16384xf32, #tpu.memory_space<hbm>> -> memref<16384xf32, #tpu.memory_space<hbm>>
    tpu.enqueue_dma source(%arg9 : memref<16384xf32, #tpu.memory_space<vmem>>) target(%dma_start3A_2382 : memref<16384xf32, #tpu.memory_space<hbm>>) target_semaphore(%arg13 : memref<!tpu.dma_semaphore, #tpu.memory_space<semaphore_mem>>)
    %add3A_2383 = arith.constant 12 : i32
    %add3A_2384 = arith.addi %mul3A_2, %add3A_2383 : i32
    %jit3A_2385 = arith.constant 16 : i32
    %div3A_2386 = arith.divsi %add3A_2384, %jit3A_2385 : i32
    %sign3A_2387 = arith.constant 0 : i32
    %sign3A_2388 = arith.cmpi sgt, %add3A_2384, %sign3A_2387 : i32
    %sign3A_2389 = arith.extui %sign3A_2388 : i1 to i32
    %sign3A_2390 = arith.constant 0 : i32
    %sign3A_2391 = arith.cmpi slt, %add3A_2384, %sign3A_2390 : i32
    %sign3A_2392 = arith.extui %sign3A_2391 : i1 to i32
    %sign3A_2393 = arith.subi %sign3A_2389, %sign3A_2392 : i32
    %sign3A_2394 = arith.constant 0 : i32
    %sign3A_2395 = arith.cmpi sgt, %jit3A_2385, %sign3A_2394 : i32
    %sign3A_2396 = arith.extui %sign3A_2395 : i1 to i32
    %sign3A_2397 = arith.constant 0 : i32
    %sign3A_2398 = arith.cmpi slt, %jit3A_2385, %sign3A_2397 : i32
    %sign3A_2399 = arith.extui %sign3A_2398 : i1 to i32
    %sign3A_2400 = arith.subi %sign3A_2396, %sign3A_2399 : i32
    %ne3A_2401 = arith.cmpi ne, %sign3A_2393, %sign3A_2400 : i32
    %rem3A_2402 = arith.remsi %add3A_2384, %jit3A_2385 : i32
    %ne3A_2403 = arith.constant 0 : i32
    %ne3A_2404 = arith.cmpi ne, %rem3A_2402, %ne3A_2403 : i32
    %and3A_2405 = arith.andi %ne3A_2401, %ne3A_2404 : i1
    %sub3A_2406 = arith.constant 1 : i32
    %sub3A_2407 = arith.subi %div3A_2386, %sub3A_2406 : i32
    %select_n3A_2408 = arith.select %and3A_2405, %sub3A_2407, %div3A_2386 : i32
    %jit3A_2409 = arith.constant 16 : i32
    %eq3A_2410 = arith.constant 0 : i32
    %eq3A_2411 = arith.cmpi eq, %jit3A_2409, %eq3A_2410 : i32
    %jit3A_2412 = arith.constant 1 : i32
    %select_n3A_2413 = arith.select %eq3A_2411, %jit3A_2412, %jit3A_2409 : i32
    %rem3A_2414 = arith.remsi %add3A_2384, %select_n3A_2413 : i32
    %ne3A_2415 = arith.constant 0 : i32
    %ne3A_2416 = arith.cmpi ne, %rem3A_2414, %ne3A_2415 : i32
    %lt3A_2417 = arith.constant 0 : i32
    %lt3A_2418 = arith.cmpi slt, %rem3A_2414, %lt3A_2417 : i32
    %lt3A_2419 = arith.constant 0 : i32
    %lt3A_2420 = arith.cmpi slt, %select_n3A_2413, %lt3A_2419 : i32
    %ne3A_2421 = arith.xori %lt3A_2418, %lt3A_2420 : i1
    %and3A_2422 = arith.andi %ne3A_2421, %ne3A_2416 : i1
    %add3A_2423 = arith.addi %rem3A_2414, %select_n3A_2413 : i32
    %select_n3A_2424 = arith.select %and3A_2422, %add3A_2423, %rem3A_2414 : i32
    %mul3A_2425 = arith.constant 38461 : i32
    %mul3A_2426 = arith.muli %select_n3A_2408, %mul3A_2425 : i32
    %jit3A_2427 = arith.constant 128 : i32
    %div3A_2428 = arith.divsi %mul3A_2426, %jit3A_2427 : i32
    %sign3A_2429 = arith.constant 0 : i32
    %sign3A_2430 = arith.cmpi sgt, %mul3A_2426, %sign3A_2429 : i32
    %sign3A_2431 = arith.extui %sign3A_2430 : i1 to i32
    %sign3A_2432 = arith.constant 0 : i32
    %sign3A_2433 = arith.cmpi slt, %mul3A_2426, %sign3A_2432 : i32
    %sign3A_2434 = arith.extui %sign3A_2433 : i1 to i32
    %sign3A_2435 = arith.subi %sign3A_2431, %sign3A_2434 : i32
    %sign3A_2436 = arith.constant 0 : i32
    %sign3A_2437 = arith.cmpi sgt, %jit3A_2427, %sign3A_2436 : i32
    %sign3A_2438 = arith.extui %sign3A_2437 : i1 to i32
    %sign3A_2439 = arith.constant 0 : i32
    %sign3A_2440 = arith.cmpi slt, %jit3A_2427, %sign3A_2439 : i32
    %sign3A_2441 = arith.extui %sign3A_2440 : i1 to i32
    %sign3A_2442 = arith.subi %sign3A_2438, %sign3A_2441 : i32
    %ne3A_2443 = arith.cmpi ne, %sign3A_2435, %sign3A_2442 : i32
    %rem3A_2444 = arith.remsi %mul3A_2426, %jit3A_2427 : i32
    %ne3A_2445 = arith.constant 0 : i32
    %ne3A_2446 = arith.cmpi ne, %rem3A_2444, %ne3A_2445 : i32
    %and3A_2447 = arith.andi %ne3A_2443, %ne3A_2446 : i1
    %sub3A_2448 = arith.constant 1 : i32
    %sub3A_2449 = arith.subi %div3A_2428, %sub3A_2448 : i32
    %select_n3A_2450 = arith.select %and3A_2447, %sub3A_2449, %div3A_2428 : i32
    %mul3A_2451 = arith.constant 128 : i32
    %mul3A_2452 = arith.muli %select_n3A_2450, %mul3A_2451 : i32
    %sub3A_2453 = arith.subi %mul3A_2426, %mul3A_2452 : i32
    %add3A_2454 = arith.constant 12 : i32
    %add3A_2455 = arith.addi %mul3A_2, %add3A_2454 : i32
    %sub3A_2456 = arith.constant 1 : i32
    %sub3A_2457 = arith.subi %add3A_2455, %sub3A_2456 : i32
    %jit3A_2458 = arith.constant 16 : i32
    %div3A_2459 = arith.divsi %sub3A_2457, %jit3A_2458 : i32
    %sign3A_2460 = arith.constant 0 : i32
    %sign3A_2461 = arith.cmpi sgt, %sub3A_2457, %sign3A_2460 : i32
    %sign3A_2462 = arith.extui %sign3A_2461 : i1 to i32
    %sign3A_2463 = arith.constant 0 : i32
    %sign3A_2464 = arith.cmpi slt, %sub3A_2457, %sign3A_2463 : i32
    %sign3A_2465 = arith.extui %sign3A_2464 : i1 to i32
    %sign3A_2466 = arith.subi %sign3A_2462, %sign3A_2465 : i32
    %sign3A_2467 = arith.constant 0 : i32
    %sign3A_2468 = arith.cmpi sgt, %jit3A_2458, %sign3A_2467 : i32
    %sign3A_2469 = arith.extui %sign3A_2468 : i1 to i32
    %sign3A_2470 = arith.constant 0 : i32
    %sign3A_2471 = arith.cmpi slt, %jit3A_2458, %sign3A_2470 : i32
    %sign3A_2472 = arith.extui %sign3A_2471 : i1 to i32
    %sign3A_2473 = arith.subi %sign3A_2469, %sign3A_2472 : i32
    %ne3A_2474 = arith.cmpi ne, %sign3A_2466, %sign3A_2473 : i32
    %rem3A_2475 = arith.remsi %sub3A_2457, %jit3A_2458 : i32
    %ne3A_2476 = arith.constant 0 : i32
    %ne3A_2477 = arith.cmpi ne, %rem3A_2475, %ne3A_2476 : i32
    %and3A_2478 = arith.andi %ne3A_2474, %ne3A_2477 : i1
    %sub3A_2479 = arith.constant 1 : i32
    %sub3A_2480 = arith.subi %div3A_2459, %sub3A_2479 : i32
    %select_n3A_2481 = arith.select %and3A_2478, %sub3A_2480, %div3A_2459 : i32
    %ne3A_2482 = arith.cmpi ne, %select_n3A_2408, %select_n3A_2481 : i32
    %convert_element_type3A_2483 = arith.extui %ne3A_2482 : i1 to i32
    %cond3A_2484 = arith.constant 0 : i32
    %cond3A_2485 = arith.cmpi ne, %convert_element_type3A_2483, %cond3A_2484 : i32
    scf.if %cond3A_2485 {
      "tpu.region"() ({
        %run_scoped3A = tpu.sem_alloc : memref<!tpu.dma_semaphore, #tpu.memory_space<semaphore_mem>>
        %dma_start3A_2517 = arith.constant 0 : i32
        %dma_start3A_2518 = tpu.memref_slice %arg2[%select_n3A_2408, %dma_start3A_2517] : memref<26x16384xi32, #tpu.memory_space<hbm>> -> memref<1x16384xi32, #tpu.memory_space<hbm>>
        %dma_start3A_2519 = tpu.memref_squeeze %dma_start3A_2518 : memref<1x16384xi32, #tpu.memory_space<hbm>> -> memref<16384xi32, #tpu.memory_space<hbm>>
        %dma_start3A_2520 = arith.constant 0 : i32
        %dma_start3A_2521 = tpu.memref_slice %arg2[%select_n3A_2408, %dma_start3A_2520] : memref<26x16384xi32, #tpu.memory_space<hbm>> -> memref<1x16384xi32, #tpu.memory_space<hbm>>
        %dma_start3A_2522 = tpu.memref_squeeze %dma_start3A_2521 : memref<1x16384xi32, #tpu.memory_space<hbm>> -> memref<16384xi32, #tpu.memory_space<hbm>>
        tpu.enqueue_dma source(%dma_start3A_2522 : memref<16384xi32, #tpu.memory_space<hbm>>) target(%arg7 : memref<16384xi32, #tpu.memory_space<vmem>>) target_semaphore(%run_scoped3A : memref<!tpu.dma_semaphore, #tpu.memory_space<semaphore_mem>>)
        %dma_wait3A_2523 = arith.constant 0 : i32
        %dma_wait3A_2524 = tpu.memref_slice %arg2[%select_n3A_2408, %dma_wait3A_2523] : memref<26x16384xi32, #tpu.memory_space<hbm>> -> memref<1x16384xi32, #tpu.memory_space<hbm>>
        %dma_wait3A_2525 = tpu.memref_squeeze %dma_wait3A_2524 : memref<1x16384xi32, #tpu.memory_space<hbm>> -> memref<16384xi32, #tpu.memory_space<hbm>>
        %dma_wait3A_2526 = arith.constant 0 : i32
        %dma_wait3A_2527 = tpu.memref_slice %arg2[%select_n3A_2408, %dma_wait3A_2526] : memref<26x16384xi32, #tpu.memory_space<hbm>> -> memref<1x16384xi32, #tpu.memory_space<hbm>>
        %dma_wait3A_2528 = tpu.memref_squeeze %dma_wait3A_2527 : memref<1x16384xi32, #tpu.memory_space<hbm>> -> memref<16384xi32, #tpu.memory_space<hbm>>
        tpu.wait_dma2 semaphore(%run_scoped3A : memref<!tpu.dma_semaphore, #tpu.memory_space<semaphore_mem>>) src(%dma_wait3A_2528 : memref<16384xi32, #tpu.memory_space<hbm>>) dst(%arg7 : memref<16384xi32, #tpu.memory_space<vmem>>)
        tpu.yield
      }) : () -> ()
    } else {
    }
    %dma_wait3A_2486 = tpu.memref_slice %arg3[%select_n3A_2298, %mul3A_2326] : memref<16x999986xf32, #tpu.memory_space<hbm>> -> memref<1x38656xf32, #tpu.memory_space<hbm>>
    %dma_wait3A_2487 = tpu.memref_squeeze %dma_wait3A_2486 : memref<1x38656xf32, #tpu.memory_space<hbm>> -> memref<38656xf32, #tpu.memory_space<hbm>>
    %dma_wait3A_2488 = tpu.memref_slice %arg3[%select_n3A_2298, %mul3A_2326] : memref<16x999986xf32, #tpu.memory_space<hbm>> -> memref<1x38656xf32, #tpu.memory_space<hbm>>
    %dma_wait3A_2489 = tpu.memref_squeeze %dma_wait3A_2488 : memref<1x38656xf32, #tpu.memory_space<hbm>> -> memref<38656xf32, #tpu.memory_space<hbm>>
    tpu.wait_dma2 semaphore(%arg10 : memref<!tpu.dma_semaphore, #tpu.memory_space<semaphore_mem>>) src(%dma_wait3A_2489 : memref<38656xf32, #tpu.memory_space<hbm>>) dst(%arg5 : memref<38656xf32, #tpu.memory_space<vmem>>)
    %dma_wait3A_2490 = arith.constant 0 : i32
    %dma_wait3A_2491 = tpu.memref_slice %arg4[%select_n3A_2014, %select_n3A_2030, %dma_wait3A_2490] : memref<26x16x16384xf32, #tpu.memory_space<hbm>> -> memref<1x1x16384xf32, #tpu.memory_space<hbm>>
    %dma_wait3A_2492 = tpu.memref_squeeze %dma_wait3A_2491 : memref<1x1x16384xf32, #tpu.memory_space<hbm>> -> memref<16384xf32, #tpu.memory_space<hbm>>
    %dma_wait3A_2493 = arith.constant 0 : i32
    %dma_wait3A_2494 = tpu.memref_slice %arg4[%select_n3A_2014, %select_n3A_2030, %dma_wait3A_2493] : memref<26x16x16384xf32, #tpu.memory_space<hbm>> -> memref<1x1x16384xf32, #tpu.memory_space<hbm>>
    %dma_wait3A_2495 = tpu.memref_squeeze %dma_wait3A_2494 : memref<1x1x16384xf32, #tpu.memory_space<hbm>> -> memref<16384xf32, #tpu.memory_space<hbm>>
    tpu.wait_dma2 semaphore(%arg12 : memref<!tpu.dma_semaphore, #tpu.memory_space<semaphore_mem>>) src(%arg8 : memref<16384xf32, #tpu.memory_space<vmem>>) dst(%dma_wait3A_2495 : memref<16384xf32, #tpu.memory_space<hbm>>)
    %parallel_loop3A_2496 = arith.constant 0 : i32
    %parallel_loop3A_2497 = arith.constant 1024 : i32
    %parallel_loop3A_2498 = arith.constant 1 : i32
    scf.for %parallel_loop3A_2517 = %parallel_loop3A_2496 to %parallel_loop3A_2497 step %parallel_loop3A_2498  : i32 {
      %parallel_loop3A_2518 = arith.constant 16 : i32
      %parallel_loop3A_2519 = arith.muli %parallel_loop3A_2517, %parallel_loop3A_2518 : i32
      %parallel_loop3A_2520 = arith.index_cast %parallel_loop3A_2519 : i32 to index
      %parallel_loop3A_2521 = tpu.vector_load %arg7[%parallel_loop3A_2520] {strides = array<i32>} : memref<16384xi32, #tpu.memory_space<vmem>>, vector<16xi32>,
      %parallel_loop3A_2522 = vector.broadcast %sub3A_2453 : i32 to vector<16xi32>
      %parallel_loop3A_2523 = arith.addi %parallel_loop3A_2521, %parallel_loop3A_2522 : vector<16xi32>
      %parallel_loop3A_2524 = tpu.vector_load_idx %arg5[%parallel_loop3A_2523] : memref<38656xf32, #tpu.memory_space<vmem>>[vector<16xi32>], vector<16xf32>,
      %parallel_loop3A_2525 = arith.constant 16 : i32
      %parallel_loop3A_2526 = arith.muli %parallel_loop3A_2517, %parallel_loop3A_2525 : i32
      %parallel_loop3A_2527 = arith.index_cast %parallel_loop3A_2526 : i32 to index
      %parallel_loop3A_2528 = tpu.vector_load %arg8[%parallel_loop3A_2527] {strides = array<i32>} : memref<16384xf32, #tpu.memory_space<vmem>>, vector<16xf32>,
      tpu.vector_store %arg8[%parallel_loop3A_2527], %parallel_loop3A_2524 {strides = array<i32>} : memref<16384xf32, #tpu.memory_space<vmem>>, vector<16xf32>,
    } {sc.loop_unroll_factor = 8 : i64, sc.parallel_access}
    %dma_start3A_2499 = arith.constant 0 : i32
    %dma_start3A_2500 = tpu.memref_slice %arg4[%select_n3A_2408, %select_n3A_2424, %dma_start3A_2499] : memref<26x16x16384xf32, #tpu.memory_space<hbm>> -> memref<1x1x16384xf32, #tpu.memory_space<hbm>>
    %dma_start3A_2501 = tpu.memref_squeeze %dma_start3A_2500 : memref<1x1x16384xf32, #tpu.memory_space<hbm>> -> memref<16384xf32, #tpu.memory_space<hbm>>
    %dma_start3A_2502 = arith.constant 0 : i32
    %dma_start3A_2503 = tpu.memref_slice %arg4[%select_n3A_2408, %select_n3A_2424, %dma_start3A_2502] : memref<26x16x16384xf32, #tpu.memory_space<hbm>> -> memref<1x1x16384xf32, #tpu.memory_space<hbm>>
    %dma_start3A_2504 = tpu.memref_squeeze %dma_start3A_2503 : memref<1x1x16384xf32, #tpu.memory_space<hbm>> -> memref<16384xf32, #tpu.memory_space<hbm>>
    tpu.enqueue_dma source(%arg8 : memref<16384xf32, #tpu.memory_space<vmem>>) target(%dma_start3A_2504 : memref<16384xf32, #tpu.memory_space<hbm>>) target_semaphore(%arg12 : memref<!tpu.dma_semaphore, #tpu.memory_space<semaphore_mem>>)
    %dma_wait3A_2505 = arith.constant 0 : i32
    %dma_wait3A_2506 = tpu.memref_slice %arg4[%select_n3A_2211, %select_n3A_2227, %dma_wait3A_2505] : memref<26x16x16384xf32, #tpu.memory_space<hbm>> -> memref<1x1x16384xf32, #tpu.memory_space<hbm>>
    %dma_wait3A_2507 = tpu.memref_squeeze %dma_wait3A_2506 : memref<1x1x16384xf32, #tpu.memory_space<hbm>> -> memref<16384xf32, #tpu.memory_space<hbm>>
    %dma_wait3A_2508 = arith.constant 0 : i32
    %dma_wait3A_2509 = tpu.memref_slice %arg4[%select_n3A_2211, %select_n3A_2227, %dma_wait3A_2508] : memref<26x16x16384xf32, #tpu.memory_space<hbm>> -> memref<1x1x16384xf32, #tpu.memory_space<hbm>>
    %dma_wait3A_2510 = tpu.memref_squeeze %dma_wait3A_2509 : memref<1x1x16384xf32, #tpu.memory_space<hbm>> -> memref<16384xf32, #tpu.memory_space<hbm>>
    tpu.wait_dma2 semaphore(%arg13 : memref<!tpu.dma_semaphore, #tpu.memory_space<semaphore_mem>>) src(%arg9 : memref<16384xf32, #tpu.memory_space<vmem>>) dst(%dma_wait3A_2510 : memref<16384xf32, #tpu.memory_space<hbm>>)
    %dma_wait3A_2511 = arith.constant 0 : i32
    %dma_wait3A_2512 = tpu.memref_slice %arg4[%select_n3A_2408, %select_n3A_2424, %dma_wait3A_2511] : memref<26x16x16384xf32, #tpu.memory_space<hbm>> -> memref<1x1x16384xf32, #tpu.memory_space<hbm>>
    %dma_wait3A_2513 = tpu.memref_squeeze %dma_wait3A_2512 : memref<1x1x16384xf32, #tpu.memory_space<hbm>> -> memref<16384xf32, #tpu.memory_space<hbm>>
    %dma_wait3A_2514 = arith.constant 0 : i32
    %dma_wait3A_2515 = tpu.memref_slice %arg4[%select_n3A_2408, %select_n3A_2424, %dma_wait3A_2514] : memref<26x16x16384xf32, #tpu.memory_space<hbm>> -> memref<1x1x16384xf32, #tpu.memory_space<hbm>>
    %dma_wait3A_2516 = tpu.memref_squeeze %dma_wait3A_2515 : memref<1x1x16384xf32, #tpu.memory_space<hbm>> -> memref<16384xf32, #tpu.memory_space<hbm>>
    tpu.wait_dma2 semaphore(%arg12 : memref<!tpu.dma_semaphore, #tpu.memory_space<semaphore_mem>>) src(%arg8 : memref<16384xf32, #tpu.memory_space<vmem>>) dst(%dma_wait3A_2516 : memref<16384xf32, #tpu.memory_space<hbm>>)
    return
  }
}

</mosaic_0001>

<sc_bundles>
// kernel: kernel.3.cloned.1.call-start
scs
__scs_entry_jumppad:
0x0: {  	(pc) =	sbr.rel $0x88, $3  }
0x1: {  	(tag) =	ssettag $0x0;
	lr =	simm.s32 $0x1  }
0x2: {  	[smem:$0x3F9F] =	sst lr;
	_ =	strace $0xD0000000  }
0x3: {  	_ = 	snop  }
0x4: {  	_ = 	snop  }
0x5: {  	_ = 	snop  }
0x6: {  	_ = 	snop  }
0x7: {  	_ = 	snop  }
__scs_overlays_trampoline_lowered:
0x8: {  	[smem:$0x3FAE] =	sst s0  }
0x9: {  	[smem:$0x3FAF] =	sst s1  }
0xa: {  	[smem:$0x3FB0] =	sst s2  }
0xb: {  	[smem:$0x3FB1] =	sst s3  }
0xc: {  	[smem:$0x3FB2] =	sst s4  }
0xd: {  	[smem:$0x3FB3] =	sst s5  }
0xe: {  	[smem:$0x3FB4] =	sst s6  }
0xf: {  	[smem:$0x3FB5] =	sst s7  }
0x10: {  	[smem:$0x3FB6] =	sst s8  }
0x11: {  	[smem:$0x3FB7] =	sst s9;
	s0 =	simm.s32 @!p0 $0x0  }
0x12: {  	s1 =	sld [smem:$0x3F9D];
	s0 =	simm.s32 @p0 $0x1  }
0x13: {  	[smem:$0x3FB8] =	sst s0;
	s0 =	simm.s32 @!p1 $0x0  }
0x14: {  	s2 =	sld [smem:$0x3F9C];
	s0 =	simm.s32 @p1 $0x1  }
0x15: {  	[smem:$0x3FB9] =	sst s0;
	s0 =	simm.s32 @!p2 $0x0  }
0x16: {  	s3 =	sld [smem:$0x3FDB];
	s0 =	simm.s32 @p2 $0x1  }
0x17: {  	s4 =	simm.s32 $0x1BF5;
	[smem:$0x3FBB] =	sst s0  }
0x18: {  	s0 =	sld [smem:$0x3F9E];
	_ =	swait.ge [sflag:s4], $0x0  }
0x19: {  	s7 =	sld [smem:$0x3F9F]  }
0x1a: {  	s8 =	sadd.s32 $0xFFFFE003, lr  }
0x1b: {  	s9 =	sadd.s32 $0xFFFFFEF7, lr;
	s5 =	simm.s32 $0xFFFFFFFF;
	p2 =	slt.u32 s8, $0xFFFFF086  }
0x1c: {  	p1 =	slt.u32 s9, $0xF7A;
	s5 =	simm.s32 @!p2 $0x0  }
0x1d: {  	s5 =	simm.s32 @p1 $0x1;
	p0 =	seq.s32 s7, s2  }
0x1e: {  	s7 =	smul.u32 @!p0 $0xF7A, s2;
	p2 =	seq.s32 @!p0 s5, $0x0  }
0x1f: {  	s9 =	smul.u32 $0xF7A, s1;
	s8 =	simm.s32 @!p0 $0x1BF5;
	p2 =	por !p2, p0  }
0x20: {  	[sflag:s8] =	ssyncset.s32 @!p0 $0xFFFFF086;
	s6 =	sadd.s32 @!p0 s3, s7;
	s7 =	simm.s32 @!p0 $0x108  }
0x21: {  	s3 =	sadd.s32 s3, s9;
	s6 =	sadd.s32 @!p0 $0x88, s6;
	s7 =	simm.s32 @p2 $0x1082  }
0x22: {  	[simem:s7], [sflag:s8] =	dma.local @!p0 [hbm:s6], $0xF7A  }
0x23: {  	s9 =	sor.u32 $0xD0000000, s2;
	s6 =	simm.s32 $0x108;
	_ =	swait.ge @!p0 [sflag:s8], $0x0  }
0x24: {  	s3 =	sadd.s32 $0x88, s3;
	s6 =	simm.s32 @!p1 $0x1082;
	[sflag:s4] =	ssyncset.s32 $0xFFFFF086  }
0x25: {  	[simem:s6], [sflag:s4] =	dma.local [hbm:s3], $0xF7A  }
0x26: {  	[smem:$0x3F9F] =	sst s1;
	(tag) =	ssettag s2;
	_ =	strace s9  }
0x27: {  	s1 =	sld [smem:$0x3FAF]  }
0x28: {  	s2 =	sld [smem:$0x3FB0]  }
0x29: {  	s4 =	sld [smem:$0x3FB2]  }
0x2a: {  	p0 =	seq.s32 s5, $0x0;
	s5 =	sld [smem:$0x3FB3]  }
0x2b: {  	s6 =	sld [smem:$0x3FB4]  }
0x2c: {  	s7 =	sld [smem:$0x3FB5]  }
0x2d: {  	s3 =	simm.s32 $0x108;
	s8 =	sld [smem:$0x3FB6]  }
0x2e: {  	s3 =	simm.s32 @!p0 $0x1082;
	s9 =	sld [smem:$0x3FB7]  }
0x2f: {  	lr =	sadd.s32 s0, s3;
	s0 =	sld [smem:$0x3FAE]  }
0x30: {  	s3 =	sld [smem:$0x3FB1]  }
0x31: {  	[smem:$0x3FBA] =	sst s10  }
0x32: {  	s10 =	sld [smem:$0x3FB8];
	_ =	sdelay $0x3  }
0x33: {  	p0 =	seq.s32 s10, $0x1;
	s10 =	sld [smem:$0x3FBA];
	_ =	sdelay $0x3  }
0x34: {  	[smem:$0x3FBA] =	sst s10  }
0x35: {  	s10 =	sld [smem:$0x3FB9];
	_ =	sdelay $0x3  }
0x36: {  	p1 =	seq.s32 s10, $0x1;
	s10 =	sld [smem:$0x3FBA];
	_ =	sdelay $0x3  }
0x37: {  	[smem:$0x3FBA] =	sst s10  }
0x38: {  	s10 =	sld [smem:$0x3FBB]  }
0x39: {  	_ = 	snop;
	(pc) =	sbr.ind lr, $3  }
0x3a: {  	_ = 	snop  }
0x3b: {  	_ = 	snop  }
0x3c: {  	p2 =	seq.s32 s10, $0x1;
	s10 =	sld [smem:$0x3FBA]  }
0x3d: {  	_ =	shalt  }
0x3e: {  	_ =	shalt  }
0x3f: {  	_ =	shalt  }
0x40: {  	_ =	shalt  }
0x41: {  	_ =	shalt  }
0x42: {  	_ =	shalt  }
0x43: {  	_ =	shalt  }
0x44: {  	_ =	shalt  }
0x45: {  	_ =	shalt  }
0x46: {  	_ =	shalt  }
0x47: {  	_ =	shalt  }
0x48: {  	_ =	shalt  }
0x49: {  	_ =	shalt  }
0x4a: {  	_ =	shalt  }
0x4b: {  	_ =	shalt  }
0x4c: {  	_ =	shalt  }
0x4d: {  	_ =	shalt  }
0x4e: {  	_ =	shalt  }
0x4f: {  	_ =	shalt  }
0x50: {  	_ =	shalt  }
0x51: {  	_ =	shalt  }
0x52: {  	_ =	shalt  }
0x53: {  	_ =	shalt  }
0x54: {  	_ =	shalt  }
0x55: {  	_ =	shalt  }
0x56: {  	_ =	shalt  }
0x57: {  	_ =	shalt  }
0x58: {  	_ =	shalt  }
0x59: {  	_ =	shalt  }
0x5a: {  	_ =	shalt  }
0x5b: {  	_ =	shalt  }
0x5c: {  	_ =	shalt  }
0x5d: {  	_ =	shalt  }
0x5e: {  	_ =	shalt  }
0x5f: {  	_ =	shalt  }
0x60: {  	_ =	shalt  }
0x61: {  	_ =	shalt  }
0x62: {  	_ =	shalt  }
0x63: {  	_ =	shalt  }
0x64: {  	_ =	shalt  }
0x65: {  	_ =	shalt  }
0x66: {  	_ =	shalt  }
0x67: {  	_ =	shalt  }
0x68: {  	_ =	shalt  }
0x69: {  	_ =	shalt  }
0x6a: {  	_ =	shalt  }
0x6b: {  	_ =	shalt  }
0x6c: {  	_ =	shalt  }
0x6d: {  	_ =	shalt  }
0x6e: {  	_ =	shalt  }
0x6f: {  	_ =	shalt  }
0x70: {  	_ =	shalt  }
0x71: {  	_ =	shalt  }
0x72: {  	_ =	shalt  }
0x73: {  	_ =	shalt  }
0x74: {  	_ =	shalt  }
0x75: {  	_ =	shalt  }
0x76: {  	_ =	shalt  }
0x77: {  	_ =	shalt  }
0x78: {  	_ =	shalt  }
0x79: {  	_ =	shalt  }
0x7a: {  	_ =	shalt  }
0x7b: {  	_ =	shalt  }
0x7c: {  	_ =	shalt  }
0x7d: {  	_ =	shalt  }
0x7e: {  	_ =	shalt  }
0x7f: {  	_ =	shalt  }
0x80: {  	_ =	shalt  }
0x81: {  	_ =	shalt  }
0x82: {  	_ =	shalt  }
0x83: {  	_ =	shalt  }
0x84: {  	_ =	shalt  }
0x85: {  	_ =	shalt  }
0x86: {  	_ =	shalt  }
0x87: {  	_ =	shalt  }
.Lfunc_end0:
.L_simem_size_0:
called_computation_lowered:
.L_overlay_start_0:
0x88: {  	s2 =	sld [smem:$0x3FD9]  }
0x89: {  	s3 =	sld [smem:$0x3FFE];
	_ =	sdelay $0x1  }
0x8a: {  	s1 =	srdreg.scid  }
0x8b: {  	s0 =	sand.u32 $0x1, s1  }
0x8c: {  	s18 =	sshll.u32 s0, $0xA;
	s2 =	sadd.s32 s3, s2  }
0x8d: {  	s2 =	sadd.s32 s2, s18  }
0x8e: {  	[smem:$0x3FC6] =	sst s2  }
0x8f: {  	_ = 	snop  }
0x90: {  	s2 =	sld [smem:$0x3FC9]  }
0x91: {  	s19 =	sld [smem:$0x3FC8]  }
0x92: {  	s4 =	sld [smem:$0x3FD0];
	(tm) =	ssettm $0x1  }
0x93: {  	s5 =	sld [smem:$0x3FFB];
	_ =	sdelay $0x3  }
0x94: {  	_ =	strace s5  }
0x95: {  	s5 =	sld [smem:$0x3FFC];
	_ =	sdelay $0x3  }
0x96: {  	_ =	strace s5  }
0x97: {  	s5 =	sld [smem:$0x3FFD];
	_ =	sdelay $0x3  }
0x98: {  	_ =	strace s5  }
0x99: {  	_ =	strace $0x8FFFFFFF  }
0x9a: {  	s20 =	sld [smem:$0x3FDB];
	_ =	sdelay $0x1  }
0x9b: {  	s6 =	simm.s32 $_scs_section_size  }
0x9c: {  	s7 =	simm.s32 $_size__tile_overlayer_lowered;
	s8 =	simm.s32 $_tile_overlayer_lowered  }
0x9d: {  	s23 =	simm.s32 $0x1BFF;
	s22 =	sshll.u32 s8, $0x1;
	s5 =	sadd.s32 s6, s20  }
0x9e: {  	s9 =	simm.s32 $0x0;
	s21 =	sshll.u32 s7, $0x1;
	s7 =	sadd.s32 s22, s5  }
0x9f: {  	[timem:s9], [sflag:s23] =	dma.local [hbm:s7], s21  }
0xa0: {  	_ =	swait.ge [sflag:s23], s21  }
0xa1: {  	s6 =	ssub.s32 $0x0, s21;
	[sflag:s23] =	ssyncset.done $0x0  }
0xa2: {  	[sflag:s23] =	ssyncadd.s32 s6;
	_ =	sdelay $0x1  }
0xa3: {  	s24 =	simm.s32 $0x1B8B  }
0xa4: {  	_ =	swait.ge [sflag:s24], $0x1  }
0xa5: {  	[sflag:s24] =	ssyncset.done $0x0  }
0xa6: {  	s25 =	simm.s32 $0x1B8E;
	[sflag:s24] =	ssyncadd.s32 $0xFFFFFFFF  }
0xa7: {  	s26 =	simm.s32 $execute0_lowered;
	[smem:$0x3FD2] =	sst s25  }
0xa8: {  	s6 =	sshll.u32 s26, $0x1;
	_ =	strace $0x80000046;
	[dreg:$0x1] =	wrdreg $0xFFFFFFFF  }
0xa9: {  	s28 =	simm.s32 $_size_execute0_lowered;
	s5 =	sadd.s32 s5, s6;
	[dreg:$0x0] =	wrdreg $0x0  }
0xaa: {  	s6 =	sshll.u32 s28, $0x1;
	[dreg:$0x2] =	wrdreg s5  }
0xab: {  	[dreg:$0x3] =	wrdreg s6  }
0xac: {  	[dreg:$0x4] =	wrdreg $0xC0  }
0xad: {  	_ =	task [dreg:s9], $0x5FFFF  }
0xae: {  	[dreg:$0x1] =	wrdreg $0xFFFFFFFF  }
0xaf: {  	[dreg:$0x0] =	wrdreg $0x60  }
0xb0: {  	[dreg:$0x2] =	wrdreg s2  }
0xb1: {  	[dreg:$0x3] =	wrdreg s19  }
0xb2: {  	[dreg:$0x4] =	wrdreg s4  }
0xb3: {  	[dreg:$0x5] =	wrdreg $0x9  }
0xb4: {  	_ =	task.clear_ibuf [dreg:s9], $0x6FFFF;
	_ =	strace $0x90000046  }
0xb5: {  	s29 =	simm.s32 $0x9;
	_ =	strace $0x80000048  }
0xb6: {  	_ =	swait.ge [sflag:s29], $0x1  }
0xb7: {  	[sflag:s29] =	ssyncadd.s32 $0xFFFFFFFF  }
0xb8: {  	_ =	strace $0x90000048  }
0xb9: {  	_ =	sfence  }
0xba: {  	s30 =	sld [smem:$0x0];
	_ =	sdelay $0x2  }
0xbb: {  	s31 =	sshll.u32 s1, $0xD;
	s1 =	sshrl.u32 s1, $0x2  }
0xbc: {  	s3 =	sand.u32 $0x4000, s31;
	s1 =	sadd.s32 s1, s30  }
0xbd: {  	s0 =	sor.u32 s3, s0;
	s1 =	sshll.u32 s1, $0x11  }
0xbe: {  	s0 =	sor.u32 s1, s0  }
0xbf: {  	s0 =	sadd.s32 $0x8F2B, s0  }
0xc0: {  	[sflag:s0] =	ssyncadd.remote.s32 $0x1  }
0xc1: {  	_ =	sfence.sel $0xFFFF  }
0xc2: {  	[dreg:$0x0] =	wrdreg $0xFFFFFFFF;
	(pc) =	sbr.abs _section_cstart, $3  }
0xc3: {  	[dreg:$0x1] =	wrdreg $0xFFFFFFFF  }
0xc4: {  	_ =	task.clear_ibuf [dreg:s9], $0x2FFFF;
	_ =	strace $0x9FFFFFFF  }
0xc5: {  	(tm) =	ssettm $0x7FFFFFFF  }
tec
execute0_lowered:
.L_overlay_start_1:
0x0: {  	(tag) =	ssettag $0x1  }
0x1: {  	s0 =	srdreg.scid;
	s1 =	stileid.u32  }
0x2: {  	s0 =	sand.u32 $0x1, s0;
	s1 =	sshll.u32 s1, $0x1  }
0x3: {  	s1 =	sor.u32 s0, s1  }
0x4: {  	s0 =	ssub.s32 $0x2, s0;
	s3 =	smul.u32 $0xD, s1  }
0x5: {  	s24 =	sshrl.u32 s0, $0x1  }
0x6: {  	s12 =	rddreg [dreg:$0x0];
	s0 =	ssub.s32 s0, s24;
	s5 =	sshrl.u32 s3, $0x4  }
0x7: {  	s1 =	sand.u32 $0x8, s3;
	[dreg:$0x1d] =	wrdreg s0;
	s25 =	sshll.u32 s3, $0x7  }
0x8: {  	s9 =	sand.u32 $0x70, s3;
	s7 =	sadd.s32 $0x1, s3;
	s2 =	sshrl.u32 s1, $0x3  }
0x9: {  	s4 =	smul.u32 $0x4B1E8, s5;
	s23 =	smov.u32 s5;
	s26 =	sand.u32 $0x380, s25  }
0xa: {  	s0 =	sand.u32 $0xC000, s25;
	s10 =	sand.u32 $0x8, s7;
	s11 =	sshll.u32 s7, $0x7  }
0xb: {  	s25 =	sand.u32 $0x70, s7;
	s5 =	sadd.s32 $0x3, s3;
	[dreg:$0x1e] =	wrdreg s23  }
0xc: {  	s6 =	smul.u32 $0x7A1400, s2;
	s19 =	sshll.u32 s23, $0x12;
	s2 =	sshll.u32 s2, $0x11  }
0xd: {  	s24 =	sand.u32 $0x1C000, s11;
	s1 =	sand.u32 $0x8, s5;
	s4 =	sand.u32 $0xFFFC00, s4  }
0xe: {  	s2 =	sor.u32 s19, s2;
	s19 =	sshrl.u32 s5, $0x4;
	s4 =	sadd.s32 s4, s6  }
0xf: {  	s6 =	sadd.s32 s12, s9;
	s9 =	sshrl.u32 s7, $0x4;
	s23 =	sor.u32 s26, s2  }
0x10: {  	s7 =	sadd.s32 $0x4, s3;
	s4 =	sor.u32 s26, s4;
	[dreg:$0x1f] =	wrdreg s9  }
0x11: {  	s0 =	sadd.s32 s0, s6;
	s6 =	sand.u32 $0x380, s11;
	[smem:$0x7EE] =	sst s23  }
0x12: {  	s8 =	smul.u32 $0x4B1E8, s9;
	s26 =	sshll.u32 s9, $0x12;
	[smem:$0x7EC] =	sst s4  }
0x13: {  	s9 =	smul.u32 $0x4B1E8, s19;
	[dreg:$0x4] =	wrdreg s0;
	s0 =	sshrl.u32 s10, $0x3  }
0x14: {  	s10 =	sadd.s32 $0x2, s3;
	s4 =	sadd.s32 s12, s25;
	s25 =	sand.u32 $0x8, s7  }
0x15: {  	s13 =	smul.u32 $0x7A1400, s0;
	s21 =	sshrl.u32 s10, $0x4;
	s14 =	sand.u32 $0x8, s10  }
0x16: {  	s8 =	sand.u32 $0x7FFFFC00, s8;
	s17 =	sshll.u32 s10, $0x7;
	s0 =	sshll.u32 s0, $0x11  }
0x17: {  	s14 =	sshrl.u32 s14, $0x3;
	s15 =	smul.u32 $0x4B1E8, s21;
	s18 =	sand.u32 $0x380, s17  }
0x18: {  	s0 =	sor.u32 s26, s0;
	s23 =	sshll.u32 s21, $0x12;
	s8 =	sadd.s32 s8, s13  }
0x19: {  	s16 =	smul.u32 $0x7A1400, s14;
	s13 =	sadd.s32 s24, s4;
	s0 =	sor.u32 s6, s0  }
0x1a: {  	s24 =	sshll.u32 s14, $0x11;
	s14 =	sshrl.u32 s7, $0x4;
	s15 =	sand.u32 $0x7FFFFC00, s15  }
0x1b: {  	s22 =	sor.u32 s6, s8;
	s8 =	sshrl.u32 s1, $0x3;
	[dreg:$0x5] =	wrdreg s13  }
0x1c: {  	[smem:$0x7EF] =	sst s0;
	s6 =	sor.u32 s23, s24;
	s26 =	smul.u32 $0x4B1E8, s14  }
0x1d: {  	s24 =	sshll.u32 s19, $0x12;
	s20 =	sadd.s32 s15, s16;
	s11 =	smul.u32 $0x7A1400, s8  }
0x1e: {  	[smem:$0x7ED] =	sst s22;
	s16 =	sand.u32 $0x7FFFFC00, s9;
	s22 =	sand.u32 $0x70, s10  }
0x1f: {  	s10 =	sshrl.u32 s25, $0x3;
	s31 =	sor.u32 s18, s20;
	s20 =	sand.u32 $0x1C000, s17  }
0x20: {  	s4 =	sadd.s32 s12, s22;
	s13 =	smul.u32 $0x7A1400, s10;
	s17 =	sand.u32 $0x7FFFFC00, s26  }
0x21: {  	s22 =	sshll.u32 s8, $0x11;
	s0 =	sadd.s32 s16, s11;
	s9 =	sadd.s32 s20, s4  }
0x22: {  	s11 =	sor.u32 s18, s6;
	s16 =	sshll.u32 s5, $0x7;
	[dreg:$0x6] =	wrdreg s9  }
0x23: {  	s5 =	sand.u32 $0x70, s5;
	s6 =	sor.u32 s24, s22;
	[smem:$0x7F0] =	sst s11  }
0x24: {  	s2 =	sadd.s32 s17, s13;
	s18 =	sand.u32 $0x1C000, s16;
	s5 =	sadd.s32 s12, s5  }
0x25: {  	s4 =	sand.u32 $0x380, s16;
	s11 =	sand.u32 $0x70, s7;
	s13 =	sshll.u32 s7, $0x7  }
0x26: {  	s17 =	sshll.u32 s10, $0x11;
	s7 =	sadd.s32 $0x6, s3;
	s20 =	sadd.s32 s18, s5  }
0x27: {  	s5 =	sadd.s32 $0x5, s3;
	s29 =	sor.u32 s4, s0;
	s6 =	sor.u32 s4, s6  }
0x28: {  	s18 =	sand.u32 $0x1C000, s13;
	s4 =	sand.u32 $0x380, s13;
	s16 =	sshrl.u32 s7, $0x4  }
0x29: {  	s24 =	sand.u32 $0x8, s7;
	[dreg:$0x7] =	wrdreg s20;
	s15 =	sshrl.u32 s5, $0x4  }
0x2a: {  	s23 =	sand.u32 $0x8, s5;
	[smem:$0x7F1] =	sst s6;
	s6 =	sadd.s32 s12, s11  }
0x2b: {  	s20 =	sshll.u32 s14, $0x12;
	s28 =	sor.u32 s4, s2;
	s2 =	sshrl.u32 s24, $0x3  }
0x2c: {  	s8 =	sshrl.u32 s23, $0x3;
	s25 =	smul.u32 $0x4B1E8, s15;
	s22 =	sadd.s32 s18, s6  }
0x2d: {  	s23 =	sor.u32 s20, s17;
	s26 =	smul.u32 $0x7A1400, s8;
	[dreg:$0x8] =	wrdreg s22  }
0x2e: {  	s11 =	sor.u32 s4, s23;
	s17 =	sshll.u32 s8, $0x11;
	s8 =	sadd.s32 $0x7, s3  }
0x2f: {  	s9 =	sand.u32 $0x7FFFFC00, s25;
	s25 =	smul.u32 $0x4B1E8, s16;
	[smem:$0x7F2] =	sst s11  }
0x30: {  	s22 =	sand.u32 $0x8, s8;
	s0 =	sadd.s32 s9, s26;
	s26 =	sshll.u32 s5, $0x7  }
0x31: {  	s5 =	sand.u32 $0x70, s5;
	s9 =	smul.u32 $0x7A1400, s2;
	s6 =	sshrl.u32 s22, $0x3  }
0x32: {  	s22 =	sadd.s32 $0x8, s3;
	s2 =	sshll.u32 s2, $0x11;
	s10 =	sand.u32 $0x7FFFFC00, s25  }
0x33: {  	s5 =	sadd.s32 s12, s5;
	s20 =	sand.u32 $0x1C000, s26;
	s23 =	sand.u32 $0x380, s26  }
0x34: {  	s26 =	smul.u32 $0x7A1400, s6;
	s6 =	sshll.u32 s6, $0x11;
	s4 =	sadd.s32 s10, s9  }
0x35: {  	s13 =	sadd.s32 s20, s5;
	s20 =	sshll.u32 s15, $0x12;
	s30 =	sor.u32 s23, s0  }
0x36: {  	s9 =	sshll.u32 s7, $0x7;
	s7 =	sand.u32 $0x70, s7;
	[dreg:$0x9] =	wrdreg s13  }
0x37: {  	s5 =	sor.u32 s20, s17;
	s17 =	sshrl.u32 s8, $0x4;
	s11 =	sadd.s32 s12, s7  }
0x38: {  	s13 =	sand.u32 $0x1C000, s9;
	s20 =	sand.u32 $0x380, s9;
	s24 =	smul.u32 $0x4B1E8, s17  }
0x39: {  	s25 =	sor.u32 s23, s5;
	s18 =	sadd.s32 s13, s11;
	s23 =	sand.u32 $0x8, s22  }
0x3a: {  	s11 =	sand.u32 $0x70, s8;
	s13 =	sshll.u32 s8, $0x7;
	[smem:$0x7F3] =	sst s25  }
0x3b: {  	[dreg:$0xa] =	wrdreg s18;
	s18 =	sshrl.u32 s22, $0x4;
	s23 =	sshrl.u32 s23, $0x3  }
0x3c: {  	s7 =	sadd.s32 s12, s11;
	s1 =	sand.u32 $0x7FFFFC00, s24;
	s25 =	smul.u32 $0x4B1E8, s18  }
0x3d: {  	s8 =	sand.u32 $0x1C000, s13;
	s24 =	sshll.u32 s16, $0x12;
	s5 =	smul.u32 $0x7A1400, s23  }
0x3e: {  	s0 =	sadd.s32 s1, s26;
	s2 =	sor.u32 s24, s2;
	s26 =	sor.u32 s20, s4  }
0x3f: {  	s24 =	sshll.u32 s17, $0x12;
	s1 =	sand.u32 $0x380, s13;
	s9 =	sor.u32 s20, s2  }
0x40: {  	s10 =	sand.u32 $0x7FFFFC00, s25;
	s25 =	sadd.s32 s8, s7;
	s6 =	sor.u32 s24, s6  }
0x41: {  	s24 =	sadd.s32 $0x9, s3;
	s7 =	sshll.u32 s18, $0x12;
	[smem:$0x7F4] =	sst s9  }
0x42: {  	s9 =	sadd.s32 s10, s5;
	[dreg:$0xb] =	wrdreg s25;
	s20 =	sshrl.u32 s24, $0x4  }
0x43: {  	s2 =	sand.u32 $0x8, s24;
	s25 =	sor.u32 s1, s0;
	s0 =	sshll.u32 s22, $0x7  }
0x44: {  	s22 =	sand.u32 $0x70, s22;
	s6 =	sor.u32 s1, s6;
	s5 =	sshrl.u32 s2, $0x3  }
0x45: {  	s4 =	smul.u32 $0x4B1E8, s20;
	s22 =	sadd.s32 s12, s22;
	s13 =	sand.u32 $0x1C000, s0  }
0x46: {  	[smem:$0x7F5] =	sst s6;
	s6 =	sadd.s32 $0xA, s3;
	s0 =	sand.u32 $0x380, s0  }
0x47: {  	s10 =	smul.u32 $0x7A1400, s5;
	s1 =	sadd.s32 s13, s22;
	s22 =	sshrl.u32 s6, $0x4  }
0x48: {  	s8 =	sand.u32 $0x8, s6;
	s13 =	sor.u32 s0, s9;
	s11 =	sand.u32 $0x7FFFFC00, s4  }
0x49: {  	[dreg:$0xc] =	wrdreg s1;
	s4 =	sshll.u32 s23, $0x11;
	s8 =	sshrl.u32 s8, $0x3  }
0x4a: {  	s2 =	sadd.s32 s11, s10;
	s1 =	sor.u32 s7, s4;
	s10 =	smul.u32 $0x4B1E8, s22  }
0x4b: {  	s11 =	smul.u32 $0x7A1400, s8;
	s4 =	sshll.u32 s24, $0x7;
	s7 =	sand.u32 $0x70, s24  }
0x4c: {  	s24 =	sshll.u32 s5, $0x11;
	s0 =	sor.u32 s0, s1;
	s1 =	sshll.u32 s20, $0x12  }
0x4d: {  	[smem:$0x7F6] =	sst s0;
	s23 =	sand.u32 $0x7FFFFC00, s10;
	s10 =	sadd.s32 s12, s7  }
0x4e: {  	s5 =	sor.u32 s1, s24;
	s7 =	sadd.s32 $0xB, s3;
	s1 =	sshll.u32 s6, $0x7  }
0x4f: {  	s6 =	sand.u32 $0x70, s6;
	s9 =	sadd.s32 s23, s11;
	s11 =	sand.u32 $0x1C000, s4  }
0x50: {  	s4 =	sand.u32 $0x380, s4;
	s23 =	sshrl.u32 s7, $0x4;
	s0 =	sadd.s32 s11, s10  }
0x51: {  	s11 =	sor.u32 s4, s2;
	s2 =	sand.u32 $0x8, s7;
	s10 =	smul.u32 $0x4B1E8, s23  }
0x52: {  	[dreg:$0xd] =	wrdreg s0;
	s0 =	sor.u32 s4, s5;
	s5 =	sshrl.u32 s2, $0x3  }
0x53: {  	s6 =	sadd.s32 s12, s6;
	[smem:$0x7F7] =	sst s0;
	s0 =	smul.u32 $0x7A1400, s5  }
0x54: {  	s4 =	sand.u32 $0x1C000, s1;
	s2 =	sadd.s32 $0xC, s3;
	s24 =	sand.u32 $0x7FFFFC00, s10  }
0x55: {  	s3 =	sshll.u32 s8, $0x11;
	s1 =	sand.u32 $0x380, s1;
	s10 =	sadd.s32 s24, s0  }
0x56: {  	s0 =	sadd.s32 s4, s6;
	s24 =	sshrl.u32 s2, $0x4;
	s4 =	sshll.u32 s22, $0x12  }
0x57: {  	[dreg:$0xe] =	wrdreg s0;
	s0 =	sand.u32 $0x8, s2;
	s3 =	sor.u32 s4, s3  }
0x58: {  	s4 =	sor.u32 s1, s9;
	s8 =	sshrl.u32 s0, $0x3;
	s0 =	smul.u32 $0x4B1E8, s24  }
0x59: {  	s9 =	sor.u32 s1, s3;
	s3 =	sld [smem:$0x7EC];
	s6 =	smul.u32 $0x7A1400, s8  }
0x5a: {  	s0 =	sand.u32 $0x7FFFFC00, s0  }
0x5b: {  	s0 =	sadd.s32 s0, s6;
	s6 =	sld [smem:$0x7ED]  }
0x5c: {  	s4 =	sshrl.u32 s4, $0x3;
	s1 =	sshrl.u32 s3, $0x3;
	s3 =	rddreg [dreg:$0x1]  }
0x5d: {  	s1 =	sadd.s32 s3, s1;
	s4 =	sadd.s32 s3, s4  }
0x5e: {  	[dreg:$0xf] =	wrdreg s1;
	s1 =	sshrl.u32 s6, $0x3;
	s6 =	sshrl.u32 s31, $0x3  }
0x5f: {  	s26 =	sshrl.u32 s26, $0x3;
	[dreg:$0x19] =	wrdreg s4;
	s6 =	sadd.s32 s3, s6  }
0x60: {  	s1 =	sadd.s32 s3, s1;
	[dreg:$0x11] =	wrdreg s6;
	s6 =	sshrl.u32 s29, $0x3  }
0x61: {  	[dreg:$0x10] =	wrdreg s1;
	s1 =	sadd.s32 s3, s6;
	s6 =	sshrl.u32 s30, $0x3  }
0x62: {  	[dreg:$0x12] =	wrdreg s1;
	s1 =	sshrl.u32 s28, $0x3;
	s6 =	sadd.s32 s3, s6  }
0x63: {  	s13 =	sshrl.u32 s13, $0x3;
	s1 =	sadd.s32 s3, s1;
	[dreg:$0x14] =	wrdreg s6  }
0x64: {  	s6 =	sshrl.u32 s25, $0x3;
	s25 =	sadd.s32 s3, s13;
	[dreg:$0x13] =	wrdreg s1  }
0x65: {  	s13 =	sshll.u32 s2, $0x7;
	s1 =	sadd.s32 s3, s26;
	[dreg:$0x17] =	wrdreg s25  }
0x66: {  	s2 =	sand.u32 $0x70, s2;
	[dreg:$0x15] =	wrdreg s1;
	s1 =	sadd.s32 s3, s6  }
0x67: {  	s26 =	sshrl.u32 s11, $0x3;
	[dreg:$0x16] =	wrdreg s1;
	s1 =	sshll.u32 s7, $0x7  }
0x68: {  	s4 =	sand.u32 $0x1C000, s13;
	s6 =	sadd.s32 s3, s26;
	s11 =	sand.u32 $0x380, s1  }
0x69: {  	[dreg:$0x18] =	wrdreg s6;
	s7 =	sand.u32 $0x70, s7;
	s25 =	sor.u32 s11, s10  }
0x6a: {  	s10 =	sand.u32 $0x380, s13;
	s13 =	sld [smem:$0x7F0];
	s6 =	sshrl.u32 s25, $0x3  }
0x6b: {  	s0 =	sor.u32 s10, s0;
	s25 =	sshll.u32 s5, $0x11;
	s5 =	sshll.u32 s8, $0x11  }
0x6c: {  	s8 =	sld [smem:$0x7EE];
	s26 =	sadd.s32 s3, s6;
	s0 =	sshrl.u32 s0, $0x3  }
0x6d: {  	s6 =	sand.u32 $0x1C000, s1;
	s1 =	sadd.s32 s12, s7;
	[dreg:$0x1a] =	wrdreg s26  }
0x6e: {  	s0 =	sadd.s32 s3, s0;
	s3 =	sadd.s32 s12, s2;
	s12 =	sld [smem:$0x7EF]  }
0x6f: {  	s2 =	sld [smem:$0x7F3]  }
0x70: {  	p2 =	seq.s32 s22, s20;
	s26 =	sshll.u32 s23, $0x12;
	[dreg:$0x1b] =	wrdreg s0  }
0x71: {  	s0 =	sadd.s32 s6, s1;
	s1 =	sor.u32 s26, s25;
	s25 =	sld [smem:$0x7F1]  }
0x72: {  	p3 =	seq.s32 s23, s22;
	s26 =	sadd.s32 s4, s3;
	s3 =	sld [smem:$0x7F4]  }
0x73: {  	s22 =	smul.u32 $0x3D, s22;
	p4 =	seq.s32 s24, s23;
	s4 =	sld [smem:$0x7F5]  }
0x74: {  	s9 =	sshrl.u32 s9, $0x3;
	s23 =	smul.u32 $0x3D, s23;
	[dreg:$0x1c] =	wrdreg s0  }
0x75: {  	s6 =	sshll.u32 s24, $0x12;
	s7 =	sor.u32 s11, s1;
	s11 =	rddreg [dreg:$0x2]  }
0x76: {  	s24 =	smul.u32 $0x3D, s24;
	s0 =	sor.u32 s6, s5;
	s5 =	sld [smem:$0x7F6]  }
0x77: {  	s1 =	sshrl.u32 s8, $0x3;
	s6 =	sld [smem:$0x7F7];
	s10 =	sor.u32 s10, s0  }
0x78: {  	s28 =	sadd.s32 s11, s1;
	s0 =	sshrl.u32 s12, $0x3;
	s1 =	sshrl.u32 s25, $0x3  }
0x79: {  	s7 =	sshrl.u32 s7, $0x3;
	s31 =	sadd.s32 s11, s1;
	s1 =	sld [smem:$0x7F2]  }
0x7a: {  	s29 =	sadd.s32 s11, s0;
	s0 =	sshrl.u32 s13, $0x3;
	s10 =	sshrl.u32 s10, $0x3  }
0x7b: {  	s7 =	sadd.s32 s11, s7;
	s13 =	rddreg [dreg:$0x1f];
	s30 =	sadd.s32 s11, s0  }
0x7c: {  	s8 =	sadd.s32 s11, s10;
	s0 =	sshrl.u32 s1, $0x3;
	s1 =	sshrl.u32 s2, $0x3  }
0x7d: {  	s2 =	sshrl.u32 s3, $0x3;
	s3 =	sshrl.u32 s4, $0x3;
	s4 =	sshrl.u32 s5, $0x3  }
0x7e: {  	s5 =	sshrl.u32 s6, $0x3;
	s6 =	sadd.s32 s11, s9;
	s0 =	sadd.s32 s11, s0  }
0x7f: {  	s1 =	sadd.s32 s11, s1;
	s2 =	sadd.s32 s11, s2;
	s3 =	sadd.s32 s11, s3  }
0x80: {  	s4 =	sadd.s32 s11, s4;
	s5 =	sadd.s32 s11, s5;
	s11 =	rddreg [dreg:$0x1e]  }
0x81: {  	p6 =	seq.s32 s17, s16;
	s25 =	smul.u32 $0x3D, s19;
	p0 =	seq.s32 s13, s11  }
0x82: {  	p1 =	seq.s32 s20, s18;
	s12 =	smul.u32 $0x3D, s11;
	s9 =	simm.s32 @!p0 $0x0  }
0x83: {  	s11 =	smul.u32 $0x3D, s13;
	s9 =	simm.s32 @p0 $0x1;
	p0 =	seq.s32 s21, s13  }
0x84: {  	s10 =	sand.u32 $0x7F, s12;
	[smem:$0x7F8] =	sst s9;
	s9 =	simm.s32 @!p0 $0x0  }
0x85: {  	s11 =	sand.u32 $0x7F, s11;
	s9 =	simm.s32 @p0 $0x1;
	p0 =	seq.s32 s19, s21  }
0x86: {  	s21 =	smul.u32 $0x3D, s21;
	[smem:$0x7F9] =	sst s9;
	s9 =	simm.s32 @!p0 $0x0  }
0x87: {  	v1 =	vmov s11;
	s11 =	simm.s32 $0x80;
	s9 =	simm.s32 @p0 $0x1;
	p0 =	seq.s32 s14, s19  }
0x88: {  	s12 =	sand.u32 $0x7F, s21;
	s21 =	smul.u32 $0x3D, s20;
	s20 =	sand.u32 $0x7F, s22  }
0x89: {  	s22 =	sand.u32 $0x7F, s24;
	[smem:$0x7FA] =	sst s9;
	s9 =	simm.s32 $0x0  }
0x8a: {  	s13 =	simm.s32 @!p0 $0x0;
	v2 =	vmov s12;
	s12 =	simm.s32 $0x400;
	v10 =	vmov s20;
	s20 =	simm.s32 $0x4  }
0x8b: {  	[smem:$0x7FF] =	sst s9;
	s13 =	simm.s32 @p0 $0x1;
	p0 =	seq.s32 s15, s14  }
0x8c: {  	s14 =	smul.u32 $0x3D, s14;
	[smem:$0x7FB] =	sst s13;
	s19 =	simm.s32 @!p0 $0x0  }
0x8d: {  	s19 =	simm.s32 @p0 $0x1;
	p0 =	seq.s32 s16, s15;
	s15 =	smul.u32 $0x3D, s15  }
0x8e: {  	s13 =	sand.u32 $0x7F, s25;
	s16 =	smul.u32 $0x3D, s16;
	s14 =	sand.u32 $0x7F, s14  }
0x8f: {  	v3 =	vmov s13;
	s13 =	simm.s32 $0x5;
	[smem:$0x7FC] =	sst s19;
	s19 =	simm.s32 @!p0 $0x0  }
0x90: {  	s19 =	simm.s32 @p0 $0x1;
	p0 =	seq.s32 s18, s17;
	s17 =	smul.u32 $0x3D, s17  }
0x91: {  	v4 =	vmov s14;
	s14 =	simm.s32 $0x9700;
	_ =	strace $0x80000047;
	s18 =	smul.u32 $0x3D, s18  }
0x92: {  	s15 =	sand.u32 $0x7F, s15;
	s16 =	sand.u32 $0x7F, s16;
	[smem:$0x7FD] =	sst s19  }
0x93: {  	s19 =	sand.u32 $0x7F, s21;
	s21 =	sand.u32 $0x7F, s23;
	s25 =	rddreg [dreg:$0x1d]  }
0x94: {  	v5 =	vmov s15;
	v6 =	vmov s16;
	s15 =	simm.s32 $0x1;
	s16 =	simm.s32 $0x16E00;
	s17 =	sand.u32 $0x7F, s17  }
0x95: {  	v0 =	vmov s10;
	v12 =	vmov s22;
	s18 =	sand.u32 $0x7F, s18;
	s10 =	smax.u32 s25, $0x1;
	v9 =	vmov s19;
	s19 =	simm.s32 $0x3  }
0x96: {  	v11 =	vmov s21;
	s21 =	simm.s32 $0x0;
	v7 =	vmov s17;
	v8 =	vmov s18;
	s17 =	simm.s32 $0x2;
	s18 =	simm.s32 $0x1AE00  }
.LBB2_1:
0x97: {  	s22 =	rddreg [dreg:$0xf]  }
0x98: {  	[tilespmem:s9], [sflag:$0x1] =	stream.strided.gather [hbm4b:s22+s11], $0x9700, s12, s11, $0x38;
	[tilespmem:$0x1EE00] =	vst v63  }
0x99: {  	s25 =	rddreg [dreg:$0x4];
	s23 =	simm.s32 $0x12E00  }
0x9a: {  	[tilespmem:s23], [sflag:$0x5] =	stream.strided.gather [hbm4b:s25+s11], $0x4000, s12, s11, $0x38;
	[tilespmem:$0x1EE00] =	vst v63  }
0x9b: {  	_ =	swait.ge [sflag:s13], $0x4000  }
0x9c: {  	[sflag:s13] =	ssyncset.done $0x0  }
0x9d: {  	s24 =	rddreg [dreg:$0x10];
	[sflag:s13] =	ssyncadd.s32 $0xFFFFC000  }
0x9e: {  	[tilespmem:s14], [sflag:$0x2] =	stream.strided.gather [hbm4b:s24+s11], $0x9700, s12, s11, $0x38;
	[tilespmem:$0x1EE00] =	vst v63  }
0x9f: {  	_ =	swait.ge [sflag:s15], $0x9700  }
0xa0: {  	[sflag:s15] =	ssyncset.done $0x0  }
0xa1: {  	s25 =	simm.s32 $0x12E40;
	[sflag:s15] =	ssyncadd.s32 $0xFFFF6900  }
0xa2: {  	v13 =	vld [tilespmem:s25+$0x30]  }
0xa3: {  	v14 =	vld [tilespmem:s25+$0xFFFFFFD0]  }
0xa4: {  	v15 =	vld [tilespmem:s25+$0xFFFFFFE0]  }
0xa5: {  	v16 =	vld [tilespmem:s25+$0xFFFFFFF0]  }
0xa6: {  	v17 =	vld [tilespmem:s25+$0x0]  }
0xa7: {  	v18 =	vld [tilespmem:s25+$0x10];
	v13 =	vadd.s32 v0, v13  }
0xa8: {  	v14 =	vadd.s32 v0, v14  }
0xa9: {  	v15 =	vadd.s32 v0, v15  }
0xaa: {  	v19 =	vld [tilespmem:s25+$0x20];
	v16 =	vadd.s32 v0, v16  }
0xab: {  	v21 =	vld [tilespmem:s25+$0xFFFFFFC0];
	v22 =	vadd.s32 v0, v17  }
0xac: {  	v23 =	vadd.s32 v0, v18;
	v20 =	vld.idx.msk [tilespmem:v13+s9+$0x0], $0xffff  }
0xad: {  	v17 =	vld.idx.msk [tilespmem:v14+s9+$0x0], $0xffff  }
0xae: {  	v18 =	vld.idx.msk [tilespmem:v15+s9+$0x0], $0xffff  }
0xaf: {  	v16 =	vld.idx.msk [tilespmem:v16+s9+$0x0], $0xffff  }
0xb0: {  	v15 =	vld.idx.msk [tilespmem:v22+s9+$0x0], $0xffff  }
0xb1: {  	s22 =	simm.s32 $0x16E40;
	s23 =	simm.s32 $0x0;
	s24 =	simm.s32 $0x12EC0;
	v13 =	vadd.s32 v0, v19;
	v14 =	vadd.s32 v0, v21;
	v19 =	vld.idx.msk [tilespmem:v23+s9+$0x0], $0xffff  }
.LBB2_2:
0xb2: {  	v21 =	vld [tilespmem:s24+$0x30];
	s23 =	sadd.s32 $0x8, s23;
	[tilespmem:s22+$0x30] =	vst v20  }
0xb3: {  	v20 =	vld [tilespmem:s24+$0xFFFFFFD0];
	p5 =	slt.u32 s23, $0x3F8;
	[tilespmem:s22+$0xFFFFFFD0] =	vst v17  }
0xb4: {  	v17 =	vld [tilespmem:s24+$0xFFFFFFE0];
	[tilespmem:s22+$0xFFFFFFE0] =	vst v18  }
0xb5: {  	v18 =	vld [tilespmem:s24+$0xFFFFFFF0];
	[tilespmem:s22+$0xFFFFFFF0] =	vst v16  }
0xb6: {  	v16 =	vld [tilespmem:s24+$0x0];
	[tilespmem:s22+$0x0] =	vst v15  }
0xb7: {  	v15 =	vld [tilespmem:s24+$0x10];
	v21 =	vadd.s32 v0, v21;
	[tilespmem:s22+$0x10] =	vst v19  }
0xb8: {  	v19 =	vadd.s32 v0, v20;
	v22 =	vld [tilespmem:s24+$0x20]  }
0xb9: {  	v23 =	vld [tilespmem:s24+$0xFFFFFFC0];
	v24 =	vadd.s32 v0, v17  }
0xba: {  	v25 =	vadd.s32 v0, v18;
	v26 =	vld.idx.msk [tilespmem:v14+s9+$0x0], $0xffff  }
0xbb: {  	v27 =	vadd.s32 v0, v16;
	v28 =	vld.idx.msk [tilespmem:v13+s9+$0x0], $0xffff  }
0xbc: {  	v29 =	vadd.s32 v0, v15;
	v20 =	vld.idx.msk [tilespmem:v21+s9+$0x0], $0xffff  }
.Ltmp0:
0xbd: {  	v17 =	vld.idx.msk [tilespmem:v19+s9+$0x0], $0xffff;
	v13 =	vadd.s32 v0, v22;
	(pc) =	sbr.rel @p5 .LBB2_2-.Ltmp0, $4  }
0xbe: {  	v14 =	vadd.s32 v0, v23;
	v18 =	vld.idx.msk [tilespmem:v24+s9+$0x0], $0xffff  }
0xbf: {  	v16 =	vld.idx.msk [tilespmem:v25+s9+$0x0], $0xffff  }
0xc0: {  	v15 =	vld.idx.msk [tilespmem:v27+s9+$0x0], $0xffff;
	[tilespmem:s22+$0xFFFFFFC0] =	vst v26  }
0xc1: {  	s24 =	sadd.s32 $0x80, s24;
	v19 =	vld.idx.msk [tilespmem:v29+s9+$0x0], $0xffff;
	[tilespmem:s22+$0x20] =	vst v28;
	s22 =	sadd.s32 $0x80, s22  }
0xc2: {  	_ =	sdelay $0x2  }
0xc3: {  	[tilespmem:s22+$0x30] =	vst v20  }
0xc4: {  	[tilespmem:s22+$0xFFFFFFD0] =	vst v17;
	v14 =	vld.idx.msk [tilespmem:v14+s9+$0x0], $0xffff  }
0xc5: {  	v13 =	vld.idx.msk [tilespmem:v13+s9+$0x0], $0xffff;
	[tilespmem:s22+$0xFFFFFFE0] =	vst v18  }
0xc6: {  	[tilespmem:s22+$0xFFFFFFF0] =	vst v16  }
0xc7: {  	[tilespmem:s22+$0x0] =	vst v15  }
0xc8: {  	[tilespmem:s22+$0x10] =	vst v19  }
0xc9: {  	[tilespmem:s22+$0xFFFFFFC0] =	vst v14  }
0xca: {  	[tilespmem:s22+$0x20] =	vst v13  }
0xcb: {  	[hbm4b:s28+s11] =	stream.strided.scatter [tilespmem:s16], [sflag:$0x3], $0x4000, s12, s11, $0x38;
	[tilespmem:$0x1EE00] =	vst v63  }
0xcc: {  	s24 =	sld [smem:$0x7F8]  }
0xcd: {  	s22 =	rddreg [dreg:$0x11]  }
0xce: {  	[tilespmem:s9], [sflag:$0x1] =	stream.strided.gather [hbm4b:s22+s11], $0x9700, s12, s11, $0x38;
	[tilespmem:$0x1EE00] =	vst v63  }
0xcf: {  	s25 =	rddreg [dreg:$0x5];
	p5 =	seq.s32 s24, $0x1  }
0xd0: {  	s22 =	simm.s32 @!p5 $0x80;
	s23 =	simm.s32 @!p5 $0x400;
	s24 =	simm.s32 @!p5 $0x12E00  }
0xd1: {  	[tilespmem:s24], [sflag:$0x5] =	stream.strided.gather @!p5 [hbm4b:s25+s22], $0x4000, s23, s22, $0x38;
	[tilespmem:$0x1EE00] =	vst v63  }
0xd2: {  	s22 =	simm.s32 @!p5 $0x5  }
0xd3: {  	_ =	swait.ge @!p5 [sflag:s22], $0x4000  }
0xd4: {  	[sflag:s22] =	ssyncset.done @!p5 $0x0  }
0xd5: {  	[sflag:s22] =	ssyncadd.s32 @!p5 $0xFFFFC000  }
0xd6: {  	_ =	swait.ge [sflag:s17], $0x9700  }
0xd7: {  	[sflag:s17] =	ssyncset.done $0x0  }
0xd8: {  	s25 =	simm.s32 $0x12E40;
	[sflag:s17] =	ssyncadd.s32 $0xFFFF6900  }
0xd9: {  	v13 =	vld [tilespmem:s25+$0x30]  }
0xda: {  	v14 =	vld [tilespmem:s25+$0xFFFFFFD0]  }
0xdb: {  	v15 =	vld [tilespmem:s25+$0xFFFFFFE0]  }
0xdc: {  	v16 =	vld [tilespmem:s25+$0xFFFFFFF0]  }
0xdd: {  	v17 =	vld [tilespmem:s25+$0x0]  }
0xde: {  	v18 =	vld [tilespmem:s25+$0x10];
	v13 =	vadd.s32 v1, v13  }
0xdf: {  	v14 =	vadd.s32 v1, v14  }
0xe0: {  	v15 =	vadd.s32 v1, v15  }
0xe1: {  	v19 =	vld [tilespmem:s25+$0x20];
	v16 =	vadd.s32 v1, v16  }
0xe2: {  	v21 =	vld [tilespmem:s25+$0xFFFFFFC0];
	v22 =	vadd.s32 v1, v17  }
0xe3: {  	v23 =	vadd.s32 v1, v18;
	v20 =	vld.idx.msk [tilespmem:v13+s14+$0x0], $0xffff  }
0xe4: {  	v17 =	vld.idx.msk [tilespmem:v14+s14+$0x0], $0xffff  }
0xe5: {  	v18 =	vld.idx.msk [tilespmem:v15+s14+$0x0], $0xffff  }
0xe6: {  	v16 =	vld.idx.msk [tilespmem:v16+s14+$0x0], $0xffff  }
0xe7: {  	v15 =	vld.idx.msk [tilespmem:v22+s14+$0x0], $0xffff  }
0xe8: {  	s23 =	simm.s32 $0x0;
	s24 =	simm.s32 $0x12EC0;
	s22 =	simm.s32 $0x1AE40;
	v13 =	vadd.s32 v1, v19;
	v14 =	vadd.s32 v1, v21;
	v19 =	vld.idx.msk [tilespmem:v23+s14+$0x0], $0xffff  }
.LBB2_4:
0xe9: {  	v21 =	vld [tilespmem:s24+$0x30];
	s23 =	sadd.s32 $0x8, s23;
	[tilespmem:s22+$0x30] =	vst v20  }
0xea: {  	v20 =	vld [tilespmem:s24+$0xFFFFFFD0];
	p5 =	slt.u32 s23, $0x3F8;
	[tilespmem:s22+$0xFFFFFFD0] =	vst v17  }
0xeb: {  	v17 =	vld [tilespmem:s24+$0xFFFFFFE0];
	[tilespmem:s22+$0xFFFFFFE0] =	vst v18  }
0xec: {  	v18 =	vld [tilespmem:s24+$0xFFFFFFF0];
	[tilespmem:s22+$0xFFFFFFF0] =	vst v16  }
0xed: {  	v16 =	vld [tilespmem:s24+$0x0];
	[tilespmem:s22+$0x0] =	vst v15  }
0xee: {  	v15 =	vld [tilespmem:s24+$0x10];
	v21 =	vadd.s32 v1, v21;
	[tilespmem:s22+$0x10] =	vst v19  }
0xef: {  	v19 =	vadd.s32 v1, v20;
	v22 =	vld [tilespmem:s24+$0x20]  }
0xf0: {  	v23 =	vld [tilespmem:s24+$0xFFFFFFC0];
	v24 =	vadd.s32 v1, v17  }
0xf1: {  	v25 =	vadd.s32 v1, v18;
	v26 =	vld.idx.msk [tilespmem:v14+s14+$0x0], $0xffff  }
0xf2: {  	v27 =	vadd.s32 v1, v16;
	v28 =	vld.idx.msk [tilespmem:v13+s14+$0x0], $0xffff  }
0xf3: {  	v29 =	vadd.s32 v1, v15;
	v20 =	vld.idx.msk [tilespmem:v21+s14+$0x0], $0xffff  }
.Ltmp1:
0xf4: {  	v17 =	vld.idx.msk [tilespmem:v19+s14+$0x0], $0xffff;
	v13 =	vadd.s32 v1, v22;
	(pc) =	sbr.rel @p5 .LBB2_4-.Ltmp1, $4  }
0xf5: {  	v14 =	vadd.s32 v1, v23;
	v18 =	vld.idx.msk [tilespmem:v24+s14+$0x0], $0xffff  }
0xf6: {  	v16 =	vld.idx.msk [tilespmem:v25+s14+$0x0], $0xffff  }
0xf7: {  	v15 =	vld.idx.msk [tilespmem:v27+s14+$0x0], $0xffff;
	[tilespmem:s22+$0xFFFFFFC0] =	vst v26  }
0xf8: {  	s24 =	sadd.s32 $0x80, s24;
	v19 =	vld.idx.msk [tilespmem:v29+s14+$0x0], $0xffff;
	[tilespmem:s22+$0x20] =	vst v28;
	s22 =	sadd.s32 $0x80, s22  }
0xf9: {  	_ =	sdelay $0x2  }
0xfa: {  	[tilespmem:s22+$0x30] =	vst v20  }
0xfb: {  	[tilespmem:s22+$0xFFFFFFD0] =	vst v17;
	v14 =	vld.idx.msk [tilespmem:v14+s14+$0x0], $0xffff  }
0xfc: {  	v13 =	vld.idx.msk [tilespmem:v13+s14+$0x0], $0xffff;
	[tilespmem:s22+$0xFFFFFFE0] =	vst v18  }
0xfd: {  	[tilespmem:s22+$0xFFFFFFF0] =	vst v16  }
0xfe: {  	[tilespmem:s22+$0x0] =	vst v15  }
0xff: {  	[tilespmem:s22+$0x10] =	vst v19  }
0x100: {  	[tilespmem:s22+$0xFFFFFFC0] =	vst v14  }
0x101: {  	[tilespmem:s22+$0x20] =	vst v13  }
0x102: {  	[hbm4b:s29+s11] =	stream.strided.scatter [tilespmem:s18], [sflag:$0x4], $0x4000, s12, s11, $0x38;
	[tilespmem:$0x1EE00] =	vst v63  }
0x103: {  	s24 =	sld [smem:$0x7F9]  }
0x104: {  	s22 =	rddreg [dreg:$0x12]  }
0x105: {  	[tilespmem:s14], [sflag:$0x2] =	stream.strided.gather [hbm4b:s22+s11], $0x9700, s12, s11, $0x38;
	[tilespmem:$0x1EE00] =	vst v63  }
0x106: {  	s25 =	rddreg [dreg:$0x6];
	p5 =	seq.s32 s24, $0x1  }
0x107: {  	s22 =	simm.s32 @!p5 $0x80;
	s23 =	simm.s32 @!p5 $0x400;
	s24 =	simm.s32 @!p5 $0x12E00  }
0x108: {  	[tilespmem:s24], [sflag:$0x5] =	stream.strided.gather @!p5 [hbm4b:s25+s22], $0x4000, s23, s22, $0x38;
	[tilespmem:$0x1EE00] =	vst v63  }
0x109: {  	s22 =	simm.s32 @!p5 $0x5  }
0x10a: {  	_ =	swait.ge @!p5 [sflag:s22], $0x4000  }
0x10b: {  	[sflag:s22] =	ssyncset.done @!p5 $0x0  }
0x10c: {  	[sflag:s22] =	ssyncadd.s32 @!p5 $0xFFFFC000  }
0x10d: {  	_ =	swait.ge [sflag:s15], $0x9700  }
0x10e: {  	[sflag:s15] =	ssyncset.done $0x0  }
0x10f: {  	[sflag:s15] =	ssyncadd.s32 $0xFFFF6900  }
0x110: {  	_ =	swait.ge [sflag:s19], $0x4000  }
0x111: {  	[sflag:s19] =	ssyncset.done $0x0  }
0x112: {  	s25 =	simm.s32 $0x12E40;
	[sflag:s19] =	ssyncadd.s32 $0xFFFFC000  }
0x113: {  	v13 =	vld [tilespmem:s25+$0x30]  }
0x114: {  	v14 =	vld [tilespmem:s25+$0xFFFFFFD0]  }
0x115: {  	v15 =	vld [tilespmem:s25+$0xFFFFFFE0]  }
0x116: {  	v16 =	vld [tilespmem:s25+$0xFFFFFFF0]  }
0x117: {  	v17 =	vld [tilespmem:s25+$0x0]  }
0x118: {  	v18 =	vld [tilespmem:s25+$0x10];
	v13 =	vadd.s32 v2, v13  }
0x119: {  	v14 =	vadd.s32 v2, v14  }
0x11a: {  	v15 =	vadd.s32 v2, v15  }
0x11b: {  	v19 =	vld [tilespmem:s25+$0x20];
	v16 =	vadd.s32 v2, v16  }
0x11c: {  	v21 =	vld [tilespmem:s25+$0xFFFFFFC0];
	v22 =	vadd.s32 v2, v17  }
0x11d: {  	v23 =	vadd.s32 v2, v18;
	v20 =	vld.idx.msk [tilespmem:v13+s9+$0x0], $0xffff  }
0x11e: {  	v17 =	vld.idx.msk [tilespmem:v14+s9+$0x0], $0xffff  }
0x11f: {  	v18 =	vld.idx.msk [tilespmem:v15+s9+$0x0], $0xffff  }
0x120: {  	v16 =	vld.idx.msk [tilespmem:v16+s9+$0x0], $0xffff  }
0x121: {  	v15 =	vld.idx.msk [tilespmem:v22+s9+$0x0], $0xffff  }
0x122: {  	s23 =	simm.s32 $0x0;
	s24 =	simm.s32 $0x12EC0;
	s22 =	simm.s32 $0x16E40;
	v13 =	vadd.s32 v2, v19;
	v14 =	vadd.s32 v2, v21;
	v19 =	vld.idx.msk [tilespmem:v23+s9+$0x0], $0xffff  }
.LBB2_6:
0x123: {  	v21 =	vld [tilespmem:s24+$0x30];
	s23 =	sadd.s32 $0x8, s23;
	[tilespmem:s22+$0x30] =	vst v20  }
0x124: {  	v20 =	vld [tilespmem:s24+$0xFFFFFFD0];
	p5 =	slt.u32 s23, $0x3F8;
	[tilespmem:s22+$0xFFFFFFD0] =	vst v17  }
0x125: {  	v17 =	vld [tilespmem:s24+$0xFFFFFFE0];
	[tilespmem:s22+$0xFFFFFFE0] =	vst v18  }
0x126: {  	v18 =	vld [tilespmem:s24+$0xFFFFFFF0];
	[tilespmem:s22+$0xFFFFFFF0] =	vst v16  }
0x127: {  	v16 =	vld [tilespmem:s24+$0x0];
	[tilespmem:s22+$0x0] =	vst v15  }
0x128: {  	v15 =	vld [tilespmem:s24+$0x10];
	v21 =	vadd.s32 v2, v21;
	[tilespmem:s22+$0x10] =	vst v19  }
0x129: {  	v19 =	vadd.s32 v2, v20;
	v22 =	vld [tilespmem:s24+$0x20]  }
0x12a: {  	v23 =	vld [tilespmem:s24+$0xFFFFFFC0];
	v24 =	vadd.s32 v2, v17  }
0x12b: {  	v25 =	vadd.s32 v2, v18;
	v26 =	vld.idx.msk [tilespmem:v14+s9+$0x0], $0xffff  }
0x12c: {  	v27 =	vadd.s32 v2, v16;
	v28 =	vld.idx.msk [tilespmem:v13+s9+$0x0], $0xffff  }
0x12d: {  	v29 =	vadd.s32 v2, v15;
	v20 =	vld.idx.msk [tilespmem:v21+s9+$0x0], $0xffff  }
.Ltmp2:
0x12e: {  	v17 =	vld.idx.msk [tilespmem:v19+s9+$0x0], $0xffff;
	v13 =	vadd.s32 v2, v22;
	(pc) =	sbr.rel @p5 .LBB2_6-.Ltmp2, $4  }
0x12f: {  	v14 =	vadd.s32 v2, v23;
	v18 =	vld.idx.msk [tilespmem:v24+s9+$0x0], $0xffff  }
0x130: {  	v16 =	vld.idx.msk [tilespmem:v25+s9+$0x0], $0xffff  }
0x131: {  	v15 =	vld.idx.msk [tilespmem:v27+s9+$0x0], $0xffff;
	[tilespmem:s22+$0xFFFFFFC0] =	vst v26  }
0x132: {  	s24 =	sadd.s32 $0x80, s24;
	v19 =	vld.idx.msk [tilespmem:v29+s9+$0x0], $0xffff;
	[tilespmem:s22+$0x20] =	vst v28;
	s22 =	sadd.s32 $0x80, s22  }
0x133: {  	_ =	sdelay $0x2  }
0x134: {  	[tilespmem:s22+$0x30] =	vst v20  }
0x135: {  	[tilespmem:s22+$0xFFFFFFD0] =	vst v17;
	v14 =	vld.idx.msk [tilespmem:v14+s9+$0x0], $0xffff  }
0x136: {  	v13 =	vld.idx.msk [tilespmem:v13+s9+$0x0], $0xffff;
	[tilespmem:s22+$0xFFFFFFE0] =	vst v18  }
0x137: {  	[tilespmem:s22+$0xFFFFFFF0] =	vst v16  }
0x138: {  	[tilespmem:s22+$0x0] =	vst v15  }
0x139: {  	[tilespmem:s22+$0x10] =	vst v19  }
0x13a: {  	[tilespmem:s22+$0xFFFFFFC0] =	vst v14  }
0x13b: {  	[tilespmem:s22+$0x20] =	vst v13  }
0x13c: {  	[hbm4b:s30+s11] =	stream.strided.scatter [tilespmem:s16], [sflag:$0x3], $0x4000, s12, s11, $0x38;
	[tilespmem:$0x1EE00] =	vst v63  }
0x13d: {  	s24 =	sld [smem:$0x7FA]  }
0x13e: {  	s22 =	rddreg [dreg:$0x13]  }
0x13f: {  	[tilespmem:s9], [sflag:$0x1] =	stream.strided.gather [hbm4b:s22+s11], $0x9700, s12, s11, $0x38;
	[tilespmem:$0x1EE00] =	vst v63  }
0x140: {  	s25 =	rddreg [dreg:$0x7];
	p5 =	seq.s32 s24, $0x1  }
0x141: {  	s22 =	simm.s32 @!p5 $0x80;
	s23 =	simm.s32 @!p5 $0x400;
	s24 =	simm.s32 @!p5 $0x12E00  }
0x142: {  	[tilespmem:s24], [sflag:$0x5] =	stream.strided.gather @!p5 [hbm4b:s25+s22], $0x4000, s23, s22, $0x38;
	[tilespmem:$0x1EE00] =	vst v63  }
0x143: {  	s22 =	simm.s32 @!p5 $0x5  }
0x144: {  	_ =	swait.ge @!p5 [sflag:s22], $0x4000  }
0x145: {  	[sflag:s22] =	ssyncset.done @!p5 $0x0  }
0x146: {  	[sflag:s22] =	ssyncadd.s32 @!p5 $0xFFFFC000  }
0x147: {  	_ =	swait.ge [sflag:s17], $0x9700  }
0x148: {  	[sflag:s17] =	ssyncset.done $0x0  }
0x149: {  	[sflag:s17] =	ssyncadd.s32 $0xFFFF6900  }
0x14a: {  	_ =	swait.ge [sflag:s20], $0x4000  }
0x14b: {  	[sflag:s20] =	ssyncset.done $0x0  }
0x14c: {  	s25 =	simm.s32 $0x12E40;
	[sflag:s20] =	ssyncadd.s32 $0xFFFFC000  }
0x14d: {  	v13 =	vld [tilespmem:s25+$0x30]  }
0x14e: {  	v14 =	vld [tilespmem:s25+$0xFFFFFFD0]  }
0x14f: {  	v15 =	vld [tilespmem:s25+$0xFFFFFFE0]  }
0x150: {  	v16 =	vld [tilespmem:s25+$0xFFFFFFF0]  }
0x151: {  	v17 =	vld [tilespmem:s25+$0x0]  }
0x152: {  	v18 =	vld [tilespmem:s25+$0x10];
	v13 =	vadd.s32 v3, v13  }
0x153: {  	v14 =	vadd.s32 v3, v14  }
0x154: {  	v15 =	vadd.s32 v3, v15  }
0x155: {  	v19 =	vld [tilespmem:s25+$0x20];
	v16 =	vadd.s32 v3, v16  }
0x156: {  	v21 =	vld [tilespmem:s25+$0xFFFFFFC0];
	v22 =	vadd.s32 v3, v17  }
0x157: {  	v23 =	vadd.s32 v3, v18;
	v20 =	vld.idx.msk [tilespmem:v13+s14+$0x0], $0xffff  }
0x158: {  	v17 =	vld.idx.msk [tilespmem:v14+s14+$0x0], $0xffff  }
0x159: {  	v18 =	vld.idx.msk [tilespmem:v15+s14+$0x0], $0xffff  }
0x15a: {  	v16 =	vld.idx.msk [tilespmem:v16+s14+$0x0], $0xffff  }
0x15b: {  	v15 =	vld.idx.msk [tilespmem:v22+s14+$0x0], $0xffff  }
0x15c: {  	s23 =	simm.s32 $0x0;
	s24 =	simm.s32 $0x12EC0;
	s22 =	simm.s32 $0x1AE40;
	v13 =	vadd.s32 v3, v19;
	v14 =	vadd.s32 v3, v21;
	v19 =	vld.idx.msk [tilespmem:v23+s14+$0x0], $0xffff  }
.LBB2_8:
0x15d: {  	v21 =	vld [tilespmem:s24+$0x30];
	s23 =	sadd.s32 $0x8, s23;
	[tilespmem:s22+$0x30] =	vst v20  }
0x15e: {  	v20 =	vld [tilespmem:s24+$0xFFFFFFD0];
	p5 =	slt.u32 s23, $0x3F8;
	[tilespmem:s22+$0xFFFFFFD0] =	vst v17  }
0x15f: {  	v17 =	vld [tilespmem:s24+$0xFFFFFFE0];
	[tilespmem:s22+$0xFFFFFFE0] =	vst v18  }
0x160: {  	v18 =	vld [tilespmem:s24+$0xFFFFFFF0];
	[tilespmem:s22+$0xFFFFFFF0] =	vst v16  }
0x161: {  	v16 =	vld [tilespmem:s24+$0x0];
	[tilespmem:s22+$0x0] =	vst v15  }
0x162: {  	v15 =	vld [tilespmem:s24+$0x10];
	v21 =	vadd.s32 v3, v21;
	[tilespmem:s22+$0x10] =	vst v19  }
0x163: {  	v19 =	vadd.s32 v3, v20;
	v22 =	vld [tilespmem:s24+$0x20]  }
0x164: {  	v23 =	vld [tilespmem:s24+$0xFFFFFFC0];
	v24 =	vadd.s32 v3, v17  }
0x165: {  	v25 =	vadd.s32 v3, v18;
	v26 =	vld.idx.msk [tilespmem:v14+s14+$0x0], $0xffff  }
0x166: {  	v27 =	vadd.s32 v3, v16;
	v28 =	vld.idx.msk [tilespmem:v13+s14+$0x0], $0xffff  }
0x167: {  	v29 =	vadd.s32 v3, v15;
	v20 =	vld.idx.msk [tilespmem:v21+s14+$0x0], $0xffff  }
.Ltmp3:
0x168: {  	v17 =	vld.idx.msk [tilespmem:v19+s14+$0x0], $0xffff;
	v13 =	vadd.s32 v3, v22;
	(pc) =	sbr.rel @p5 .LBB2_8-.Ltmp3, $4  }
0x169: {  	v14 =	vadd.s32 v3, v23;
	v18 =	vld.idx.msk [tilespmem:v24+s14+$0x0], $0xffff  }
0x16a: {  	v16 =	vld.idx.msk [tilespmem:v25+s14+$0x0], $0xffff  }
0x16b: {  	v15 =	vld.idx.msk [tilespmem:v27+s14+$0x0], $0xffff;
	[tilespmem:s22+$0xFFFFFFC0] =	vst v26  }
0x16c: {  	s24 =	sadd.s32 $0x80, s24;
	v19 =	vld.idx.msk [tilespmem:v29+s14+$0x0], $0xffff;
	[tilespmem:s22+$0x20] =	vst v28;
	s22 =	sadd.s32 $0x80, s22  }
0x16d: {  	_ =	sdelay $0x2  }
0x16e: {  	[tilespmem:s22+$0x30] =	vst v20  }
0x16f: {  	[tilespmem:s22+$0xFFFFFFD0] =	vst v17;
	v14 =	vld.idx.msk [tilespmem:v14+s14+$0x0], $0xffff  }
0x170: {  	v13 =	vld.idx.msk [tilespmem:v13+s14+$0x0], $0xffff;
	[tilespmem:s22+$0xFFFFFFE0] =	vst v18  }
0x171: {  	[tilespmem:s22+$0xFFFFFFF0] =	vst v16  }
0x172: {  	[tilespmem:s22+$0x0] =	vst v15  }
0x173: {  	[tilespmem:s22+$0x10] =	vst v19  }
0x174: {  	[tilespmem:s22+$0xFFFFFFC0] =	vst v14  }
0x175: {  	[tilespmem:s22+$0x20] =	vst v13  }
0x176: {  	[hbm4b:s31+s11] =	stream.strided.scatter [tilespmem:s18], [sflag:$0x4], $0x4000, s12, s11, $0x38;
	[tilespmem:$0x1EE00] =	vst v63  }
0x177: {  	s24 =	sld [smem:$0x7FB]  }
0x178: {  	s22 =	rddreg [dreg:$0x14]  }
0x179: {  	[tilespmem:s14], [sflag:$0x2] =	stream.strided.gather [hbm4b:s22+s11], $0x9700, s12, s11, $0x38;
	[tilespmem:$0x1EE00] =	vst v63  }
0x17a: {  	s25 =	rddreg [dreg:$0x8];
	p5 =	seq.s32 s24, $0x1  }
0x17b: {  	s22 =	simm.s32 @!p5 $0x80;
	s23 =	simm.s32 @!p5 $0x400;
	s24 =	simm.s32 @!p5 $0x12E00  }
0x17c: {  	[tilespmem:s24], [sflag:$0x5] =	stream.strided.gather @!p5 [hbm4b:s25+s22], $0x4000, s23, s22, $0x38;
	[tilespmem:$0x1EE00] =	vst v63  }
0x17d: {  	s22 =	simm.s32 @!p5 $0x5  }
0x17e: {  	_ =	swait.ge @!p5 [sflag:s22], $0x4000  }
0x17f: {  	[sflag:s22] =	ssyncset.done @!p5 $0x0  }
0x180: {  	[sflag:s22] =	ssyncadd.s32 @!p5 $0xFFFFC000  }
0x181: {  	_ =	swait.ge [sflag:s15], $0x9700  }
0x182: {  	[sflag:s15] =	ssyncset.done $0x0  }
0x183: {  	[sflag:s15] =	ssyncadd.s32 $0xFFFF6900  }
0x184: {  	_ =	swait.ge [sflag:s19], $0x4000  }
0x185: {  	[sflag:s19] =	ssyncset.done $0x0  }
0x186: {  	s25 =	simm.s32 $0x12E40;
	[sflag:s19] =	ssyncadd.s32 $0xFFFFC000  }
0x187: {  	v13 =	vld [tilespmem:s25+$0x30]  }
0x188: {  	v14 =	vld [tilespmem:s25+$0xFFFFFFD0]  }
0x189: {  	v15 =	vld [tilespmem:s25+$0xFFFFFFE0]  }
0x18a: {  	v16 =	vld [tilespmem:s25+$0xFFFFFFF0]  }
0x18b: {  	v17 =	vld [tilespmem:s25+$0x0]  }
0x18c: {  	v18 =	vld [tilespmem:s25+$0x10];
	v13 =	vadd.s32 v4, v13  }
0x18d: {  	v14 =	vadd.s32 v4, v14  }
0x18e: {  	v15 =	vadd.s32 v4, v15  }
0x18f: {  	v19 =	vld [tilespmem:s25+$0x20];
	v16 =	vadd.s32 v4, v16  }
0x190: {  	v21 =	vld [tilespmem:s25+$0xFFFFFFC0];
	v22 =	vadd.s32 v4, v17  }
0x191: {  	v23 =	vadd.s32 v4, v18;
	v20 =	vld.idx.msk [tilespmem:v13+s9+$0x0], $0xffff  }
0x192: {  	v17 =	vld.idx.msk [tilespmem:v14+s9+$0x0], $0xffff  }
0x193: {  	v18 =	vld.idx.msk [tilespmem:v15+s9+$0x0], $0xffff  }
0x194: {  	v16 =	vld.idx.msk [tilespmem:v16+s9+$0x0], $0xffff  }
0x195: {  	v15 =	vld.idx.msk [tilespmem:v22+s9+$0x0], $0xffff  }
0x196: {  	s23 =	simm.s32 $0x0;
	s24 =	simm.s32 $0x12EC0;
	s22 =	simm.s32 $0x16E40;
	v13 =	vadd.s32 v4, v19;
	v14 =	vadd.s32 v4, v21;
	v19 =	vld.idx.msk [tilespmem:v23+s9+$0x0], $0xffff  }
.LBB2_10:
0x197: {  	v21 =	vld [tilespmem:s24+$0x30];
	s23 =	sadd.s32 $0x8, s23;
	[tilespmem:s22+$0x30] =	vst v20  }
0x198: {  	v20 =	vld [tilespmem:s24+$0xFFFFFFD0];
	p5 =	slt.u32 s23, $0x3F8;
	[tilespmem:s22+$0xFFFFFFD0] =	vst v17  }
0x199: {  	v17 =	vld [tilespmem:s24+$0xFFFFFFE0];
	[tilespmem:s22+$0xFFFFFFE0] =	vst v18  }
0x19a: {  	v18 =	vld [tilespmem:s24+$0xFFFFFFF0];
	[tilespmem:s22+$0xFFFFFFF0] =	vst v16  }
0x19b: {  	v16 =	vld [tilespmem:s24+$0x0];
	[tilespmem:s22+$0x0] =	vst v15  }
0x19c: {  	v15 =	vld [tilespmem:s24+$0x10];
	v21 =	vadd.s32 v4, v21;
	[tilespmem:s22+$0x10] =	vst v19  }
0x19d: {  	v19 =	vadd.s32 v4, v20;
	v22 =	vld [tilespmem:s24+$0x20]  }
0x19e: {  	v23 =	vld [tilespmem:s24+$0xFFFFFFC0];
	v24 =	vadd.s32 v4, v17  }
0x19f: {  	v25 =	vadd.s32 v4, v18;
	v26 =	vld.idx.msk [tilespmem:v14+s9+$0x0], $0xffff  }
0x1a0: {  	v27 =	vadd.s32 v4, v16;
	v28 =	vld.idx.msk [tilespmem:v13+s9+$0x0], $0xffff  }
0x1a1: {  	v29 =	vadd.s32 v4, v15;
	v20 =	vld.idx.msk [tilespmem:v21+s9+$0x0], $0xffff  }
.Ltmp4:
0x1a2: {  	v17 =	vld.idx.msk [tilespmem:v19+s9+$0x0], $0xffff;
	v13 =	vadd.s32 v4, v22;
	(pc) =	sbr.rel @p5 .LBB2_10-.Ltmp4, $4  }
0x1a3: {  	v14 =	vadd.s32 v4, v23;
	v18 =	vld.idx.msk [tilespmem:v24+s9+$0x0], $0xffff  }
0x1a4: {  	v16 =	vld.idx.msk [tilespmem:v25+s9+$0x0], $0xffff  }
0x1a5: {  	v15 =	vld.idx.msk [tilespmem:v27+s9+$0x0], $0xffff;
	[tilespmem:s22+$0xFFFFFFC0] =	vst v26  }
0x1a6: {  	s24 =	sadd.s32 $0x80, s24;
	v19 =	vld.idx.msk [tilespmem:v29+s9+$0x0], $0xffff;
	[tilespmem:s22+$0x20] =	vst v28;
	s22 =	sadd.s32 $0x80, s22  }
0x1a7: {  	_ =	sdelay $0x2  }
0x1a8: {  	[tilespmem:s22+$0x30] =	vst v20  }
0x1a9: {  	[tilespmem:s22+$0xFFFFFFD0] =	vst v17;
	v14 =	vld.idx.msk [tilespmem:v14+s9+$0x0], $0xffff  }
0x1aa: {  	v13 =	vld.idx.msk [tilespmem:v13+s9+$0x0], $0xffff;
	[tilespmem:s22+$0xFFFFFFE0] =	vst v18  }
0x1ab: {  	[tilespmem:s22+$0xFFFFFFF0] =	vst v16  }
0x1ac: {  	[tilespmem:s22+$0x0] =	vst v15  }
0x1ad: {  	[tilespmem:s22+$0x10] =	vst v19  }
0x1ae: {  	[tilespmem:s22+$0xFFFFFFC0] =	vst v14  }
0x1af: {  	[tilespmem:s22+$0x20] =	vst v13  }
0x1b0: {  	[hbm4b:s0+s11] =	stream.strided.scatter [tilespmem:s16], [sflag:$0x3], $0x4000, s12, s11, $0x38;
	[tilespmem:$0x1EE00] =	vst v63  }
0x1b1: {  	s24 =	sld [smem:$0x7FC]  }
0x1b2: {  	s22 =	rddreg [dreg:$0x15]  }
0x1b3: {  	[tilespmem:s9], [sflag:$0x1] =	stream.strided.gather [hbm4b:s22+s11], $0x9700, s12, s11, $0x38;
	[tilespmem:$0x1EE00] =	vst v63  }
0x1b4: {  	s25 =	rddreg [dreg:$0x9];
	p5 =	seq.s32 s24, $0x1  }
0x1b5: {  	s22 =	simm.s32 @!p5 $0x80;
	s23 =	simm.s32 @!p5 $0x400;
	s24 =	simm.s32 @!p5 $0x12E00  }
0x1b6: {  	[tilespmem:s24], [sflag:$0x5] =	stream.strided.gather @!p5 [hbm4b:s25+s22], $0x4000, s23, s22, $0x38;
	[tilespmem:$0x1EE00] =	vst v63  }
0x1b7: {  	s22 =	simm.s32 @!p5 $0x5  }
0x1b8: {  	_ =	swait.ge @!p5 [sflag:s22], $0x4000  }
0x1b9: {  	[sflag:s22] =	ssyncset.done @!p5 $0x0  }
0x1ba: {  	[sflag:s22] =	ssyncadd.s32 @!p5 $0xFFFFC000  }
0x1bb: {  	_ =	swait.ge [sflag:s17], $0x9700  }
0x1bc: {  	[sflag:s17] =	ssyncset.done $0x0  }
0x1bd: {  	[sflag:s17] =	ssyncadd.s32 $0xFFFF6900  }
0x1be: {  	_ =	swait.ge [sflag:s20], $0x4000  }
0x1bf: {  	[sflag:s20] =	ssyncset.done $0x0  }
0x1c0: {  	s25 =	simm.s32 $0x12E40;
	[sflag:s20] =	ssyncadd.s32 $0xFFFFC000  }
0x1c1: {  	v13 =	vld [tilespmem:s25+$0x30]  }
0x1c2: {  	v14 =	vld [tilespmem:s25+$0xFFFFFFD0]  }
0x1c3: {  	v15 =	vld [tilespmem:s25+$0xFFFFFFE0]  }
0x1c4: {  	v16 =	vld [tilespmem:s25+$0xFFFFFFF0]  }
0x1c5: {  	v17 =	vld [tilespmem:s25+$0x0]  }
0x1c6: {  	v18 =	vld [tilespmem:s25+$0x10];
	v13 =	vadd.s32 v5, v13  }
0x1c7: {  	v14 =	vadd.s32 v5, v14  }
0x1c8: {  	v15 =	vadd.s32 v5, v15  }
0x1c9: {  	v19 =	vld [tilespmem:s25+$0x20];
	v16 =	vadd.s32 v5, v16  }
0x1ca: {  	v21 =	vld [tilespmem:s25+$0xFFFFFFC0];
	v22 =	vadd.s32 v5, v17  }
0x1cb: {  	v23 =	vadd.s32 v5, v18;
	v20 =	vld.idx.msk [tilespmem:v13+s14+$0x0], $0xffff  }
0x1cc: {  	v17 =	vld.idx.msk [tilespmem:v14+s14+$0x0], $0xffff  }
0x1cd: {  	v18 =	vld.idx.msk [tilespmem:v15+s14+$0x0], $0xffff  }
0x1ce: {  	v16 =	vld.idx.msk [tilespmem:v16+s14+$0x0], $0xffff  }
0x1cf: {  	v15 =	vld.idx.msk [tilespmem:v22+s14+$0x0], $0xffff  }
0x1d0: {  	s23 =	simm.s32 $0x0;
	s24 =	simm.s32 $0x12EC0;
	s22 =	simm.s32 $0x1AE40;
	v13 =	vadd.s32 v5, v19;
	v14 =	vadd.s32 v5, v21;
	v19 =	vld.idx.msk [tilespmem:v23+s14+$0x0], $0xffff  }
.LBB2_12:
0x1d1: {  	v21 =	vld [tilespmem:s24+$0x30];
	s23 =	sadd.s32 $0x8, s23;
	[tilespmem:s22+$0x30] =	vst v20  }
0x1d2: {  	v20 =	vld [tilespmem:s24+$0xFFFFFFD0];
	p5 =	slt.u32 s23, $0x3F8;
	[tilespmem:s22+$0xFFFFFFD0] =	vst v17  }
0x1d3: {  	v17 =	vld [tilespmem:s24+$0xFFFFFFE0];
	[tilespmem:s22+$0xFFFFFFE0] =	vst v18  }
0x1d4: {  	v18 =	vld [tilespmem:s24+$0xFFFFFFF0];
	[tilespmem:s22+$0xFFFFFFF0] =	vst v16  }
0x1d5: {  	v16 =	vld [tilespmem:s24+$0x0];
	[tilespmem:s22+$0x0] =	vst v15  }
0x1d6: {  	v15 =	vld [tilespmem:s24+$0x10];
	v21 =	vadd.s32 v5, v21;
	[tilespmem:s22+$0x10] =	vst v19  }
0x1d7: {  	v19 =	vadd.s32 v5, v20;
	v22 =	vld [tilespmem:s24+$0x20]  }
0x1d8: {  	v23 =	vld [tilespmem:s24+$0xFFFFFFC0];
	v24 =	vadd.s32 v5, v17  }
0x1d9: {  	v25 =	vadd.s32 v5, v18;
	v26 =	vld.idx.msk [tilespmem:v14+s14+$0x0], $0xffff  }
0x1da: {  	v27 =	vadd.s32 v5, v16;
	v28 =	vld.idx.msk [tilespmem:v13+s14+$0x0], $0xffff  }
0x1db: {  	v29 =	vadd.s32 v5, v15;
	v20 =	vld.idx.msk [tilespmem:v21+s14+$0x0], $0xffff  }
.Ltmp5:
0x1dc: {  	v17 =	vld.idx.msk [tilespmem:v19+s14+$0x0], $0xffff;
	v13 =	vadd.s32 v5, v22;
	(pc) =	sbr.rel @p5 .LBB2_12-.Ltmp5, $4  }
0x1dd: {  	v14 =	vadd.s32 v5, v23;
	v18 =	vld.idx.msk [tilespmem:v24+s14+$0x0], $0xffff  }
0x1de: {  	v16 =	vld.idx.msk [tilespmem:v25+s14+$0x0], $0xffff  }
0x1df: {  	v15 =	vld.idx.msk [tilespmem:v27+s14+$0x0], $0xffff;
	[tilespmem:s22+$0xFFFFFFC0] =	vst v26  }
0x1e0: {  	s24 =	sadd.s32 $0x80, s24;
	v19 =	vld.idx.msk [tilespmem:v29+s14+$0x0], $0xffff;
	[tilespmem:s22+$0x20] =	vst v28;
	s22 =	sadd.s32 $0x80, s22  }
0x1e1: {  	_ =	sdelay $0x2  }
0x1e2: {  	[tilespmem:s22+$0x30] =	vst v20  }
0x1e3: {  	[tilespmem:s22+$0xFFFFFFD0] =	vst v17;
	v14 =	vld.idx.msk [tilespmem:v14+s14+$0x0], $0xffff  }
0x1e4: {  	v13 =	vld.idx.msk [tilespmem:v13+s14+$0x0], $0xffff;
	[tilespmem:s22+$0xFFFFFFE0] =	vst v18  }
0x1e5: {  	[tilespmem:s22+$0xFFFFFFF0] =	vst v16  }
0x1e6: {  	[tilespmem:s22+$0x0] =	vst v15  }
0x1e7: {  	[tilespmem:s22+$0x10] =	vst v19  }
0x1e8: {  	[tilespmem:s22+$0xFFFFFFC0] =	vst v14  }
0x1e9: {  	[tilespmem:s22+$0x20] =	vst v13  }
0x1ea: {  	[hbm4b:s1+s11] =	stream.strided.scatter [tilespmem:s18], [sflag:$0x4], $0x4000, s12, s11, $0x38;
	[tilespmem:$0x1EE00] =	vst v63  }
0x1eb: {  	s24 =	sld [smem:$0x7FD]  }
0x1ec: {  	s22 =	rddreg [dreg:$0x16]  }
0x1ed: {  	[tilespmem:s14], [sflag:$0x2] =	stream.strided.gather [hbm4b:s22+s11], $0x9700, s12, s11, $0x38;
	[tilespmem:$0x1EE00] =	vst v63  }
0x1ee: {  	s25 =	rddreg [dreg:$0xa];
	p5 =	seq.s32 s24, $0x1  }
0x1ef: {  	s22 =	simm.s32 @!p5 $0x80;
	s23 =	simm.s32 @!p5 $0x400;
	s24 =	simm.s32 @!p5 $0x12E00  }
0x1f0: {  	[tilespmem:s24], [sflag:$0x5] =	stream.strided.gather @!p5 [hbm4b:s25+s22], $0x4000, s23, s22, $0x38;
	[tilespmem:$0x1EE00] =	vst v63  }
0x1f1: {  	s22 =	simm.s32 @!p5 $0x5  }
0x1f2: {  	_ =	swait.ge @!p5 [sflag:s22], $0x4000  }
0x1f3: {  	[sflag:s22] =	ssyncset.done @!p5 $0x0  }
0x1f4: {  	[sflag:s22] =	ssyncadd.s32 @!p5 $0xFFFFC000  }
0x1f5: {  	_ =	swait.ge [sflag:s15], $0x9700  }
0x1f6: {  	[sflag:s15] =	ssyncset.done $0x0  }
0x1f7: {  	[sflag:s15] =	ssyncadd.s32 $0xFFFF6900  }
0x1f8: {  	_ =	swait.ge [sflag:s19], $0x4000  }
0x1f9: {  	[sflag:s19] =	ssyncset.done $0x0  }
0x1fa: {  	s25 =	simm.s32 $0x12E40;
	[sflag:s19] =	ssyncadd.s32 $0xFFFFC000  }
0x1fb: {  	v13 =	vld [tilespmem:s25+$0x30]  }
0x1fc: {  	v14 =	vld [tilespmem:s25+$0xFFFFFFD0]  }
0x1fd: {  	v15 =	vld [tilespmem:s25+$0xFFFFFFE0]  }
0x1fe: {  	v16 =	vld [tilespmem:s25+$0xFFFFFFF0]  }
0x1ff: {  	v17 =	vld [tilespmem:s25+$0x0]  }
0x200: {  	v18 =	vld [tilespmem:s25+$0x10];
	v13 =	vadd.s32 v6, v13  }
0x201: {  	v14 =	vadd.s32 v6, v14  }
0x202: {  	v15 =	vadd.s32 v6, v15  }
0x203: {  	v19 =	vld [tilespmem:s25+$0x20];
	v16 =	vadd.s32 v6, v16  }
0x204: {  	v21 =	vld [tilespmem:s25+$0xFFFFFFC0];
	v22 =	vadd.s32 v6, v17  }
0x205: {  	v23 =	vadd.s32 v6, v18;
	v20 =	vld.idx.msk [tilespmem:v13+s9+$0x0], $0xffff  }
0x206: {  	v17 =	vld.idx.msk [tilespmem:v14+s9+$0x0], $0xffff  }
0x207: {  	v18 =	vld.idx.msk [tilespmem:v15+s9+$0x0], $0xffff  }
0x208: {  	v16 =	vld.idx.msk [tilespmem:v16+s9+$0x0], $0xffff  }
0x209: {  	v15 =	vld.idx.msk [tilespmem:v22+s9+$0x0], $0xffff  }
0x20a: {  	s23 =	simm.s32 $0x0;
	s24 =	simm.s32 $0x12EC0;
	s22 =	simm.s32 $0x16E40;
	v13 =	vadd.s32 v6, v19;
	v14 =	vadd.s32 v6, v21;
	v19 =	vld.idx.msk [tilespmem:v23+s9+$0x0], $0xffff  }
.LBB2_14:
0x20b: {  	v21 =	vld [tilespmem:s24+$0x30];
	s23 =	sadd.s32 $0x8, s23;
	[tilespmem:s22+$0x30] =	vst v20  }
0x20c: {  	v20 =	vld [tilespmem:s24+$0xFFFFFFD0];
	p5 =	slt.u32 s23, $0x3F8;
	[tilespmem:s22+$0xFFFFFFD0] =	vst v17  }
0x20d: {  	v17 =	vld [tilespmem:s24+$0xFFFFFFE0];
	[tilespmem:s22+$0xFFFFFFE0] =	vst v18  }
0x20e: {  	v18 =	vld [tilespmem:s24+$0xFFFFFFF0];
	[tilespmem:s22+$0xFFFFFFF0] =	vst v16  }
0x20f: {  	v16 =	vld [tilespmem:s24+$0x0];
	[tilespmem:s22+$0x0] =	vst v15  }
0x210: {  	v15 =	vld [tilespmem:s24+$0x10];
	v21 =	vadd.s32 v6, v21;
	[tilespmem:s22+$0x10] =	vst v19  }
0x211: {  	v19 =	vadd.s32 v6, v20;
	v22 =	vld [tilespmem:s24+$0x20]  }
0x212: {  	v23 =	vld [tilespmem:s24+$0xFFFFFFC0];
	v24 =	vadd.s32 v6, v17  }
0x213: {  	v25 =	vadd.s32 v6, v18;
	v26 =	vld.idx.msk [tilespmem:v14+s9+$0x0], $0xffff  }
0x214: {  	v27 =	vadd.s32 v6, v16;
	v28 =	vld.idx.msk [tilespmem:v13+s9+$0x0], $0xffff  }
0x215: {  	v29 =	vadd.s32 v6, v15;
	v20 =	vld.idx.msk [tilespmem:v21+s9+$0x0], $0xffff  }
.Ltmp6:
0x216: {  	v17 =	vld.idx.msk [tilespmem:v19+s9+$0x0], $0xffff;
	v13 =	vadd.s32 v6, v22;
	(pc) =	sbr.rel @p5 .LBB2_14-.Ltmp6, $4  }
0x217: {  	v14 =	vadd.s32 v6, v23;
	v18 =	vld.idx.msk [tilespmem:v24+s9+$0x0], $0xffff  }
0x218: {  	v16 =	vld.idx.msk [tilespmem:v25+s9+$0x0], $0xffff  }
0x219: {  	v15 =	vld.idx.msk [tilespmem:v27+s9+$0x0], $0xffff;
	[tilespmem:s22+$0xFFFFFFC0] =	vst v26  }
0x21a: {  	s24 =	sadd.s32 $0x80, s24;
	v19 =	vld.idx.msk [tilespmem:v29+s9+$0x0], $0xffff;
	[tilespmem:s22+$0x20] =	vst v28;
	s22 =	sadd.s32 $0x80, s22  }
0x21b: {  	_ =	sdelay $0x2  }
0x21c: {  	[tilespmem:s22+$0x30] =	vst v20  }
0x21d: {  	[tilespmem:s22+$0xFFFFFFD0] =	vst v17;
	v14 =	vld.idx.msk [tilespmem:v14+s9+$0x0], $0xffff  }
0x21e: {  	v13 =	vld.idx.msk [tilespmem:v13+s9+$0x0], $0xffff;
	[tilespmem:s22+$0xFFFFFFE0] =	vst v18  }
0x21f: {  	[tilespmem:s22+$0xFFFFFFF0] =	vst v16  }
0x220: {  	[tilespmem:s22+$0x0] =	vst v15  }
0x221: {  	[tilespmem:s22+$0x10] =	vst v19  }
0x222: {  	[tilespmem:s22+$0xFFFFFFC0] =	vst v14  }
0x223: {  	[tilespmem:s22+$0x20] =	vst v13  }
0x224: {  	[hbm4b:s2+s11] =	stream.strided.scatter [tilespmem:s16], [sflag:$0x3], $0x4000, s12, s11, $0x38;
	[tilespmem:$0x1EE00] =	vst v63  }
0x225: {  	s23 =	simm.s32 @!p6 $0x400;
	s22 =	rddreg [dreg:$0x17]  }
0x226: {  	[tilespmem:s9], [sflag:$0x1] =	stream.strided.gather [hbm4b:s22+s11], $0x9700, s12, s11, $0x38;
	[tilespmem:$0x1EE00] =	vst v63  }
0x227: {  	s24 =	simm.s32 @!p6 $0x12E00;
	s25 =	rddreg [dreg:$0xb];
	s22 =	simm.s32 @!p6 $0x80  }
0x228: {  	[tilespmem:s24], [sflag:$0x5] =	stream.strided.gather @!p6 [hbm4b:s25+s22], $0x4000, s23, s22, $0x38;
	[tilespmem:$0x1EE00] =	vst v63  }
0x229: {  	s22 =	simm.s32 @!p6 $0x5  }
0x22a: {  	_ =	swait.ge @!p6 [sflag:s22], $0x4000  }
0x22b: {  	[sflag:s22] =	ssyncset.done @!p6 $0x0  }
0x22c: {  	[sflag:s22] =	ssyncadd.s32 @!p6 $0xFFFFC000  }
0x22d: {  	_ =	swait.ge [sflag:s17], $0x9700  }
0x22e: {  	[sflag:s17] =	ssyncset.done $0x0  }
0x22f: {  	[sflag:s17] =	ssyncadd.s32 $0xFFFF6900  }
0x230: {  	_ =	swait.ge [sflag:s20], $0x4000  }
0x231: {  	[sflag:s20] =	ssyncset.done $0x0  }
0x232: {  	s25 =	simm.s32 $0x12E40;
	[sflag:s20] =	ssyncadd.s32 $0xFFFFC000  }
0x233: {  	v13 =	vld [tilespmem:s25+$0x30]  }
0x234: {  	v14 =	vld [tilespmem:s25+$0xFFFFFFD0]  }
0x235: {  	v15 =	vld [tilespmem:s25+$0xFFFFFFE0]  }
0x236: {  	v16 =	vld [tilespmem:s25+$0xFFFFFFF0]  }
0x237: {  	v17 =	vld [tilespmem:s25+$0x0]  }
0x238: {  	v18 =	vld [tilespmem:s25+$0x10];
	v13 =	vadd.s32 v7, v13  }
0x239: {  	v14 =	vadd.s32 v7, v14  }
0x23a: {  	v15 =	vadd.s32 v7, v15  }
0x23b: {  	v19 =	vld [tilespmem:s25+$0x20];
	v16 =	vadd.s32 v7, v16  }
0x23c: {  	v21 =	vld [tilespmem:s25+$0xFFFFFFC0];
	v22 =	vadd.s32 v7, v17  }
0x23d: {  	v23 =	vadd.s32 v7, v18;
	v20 =	vld.idx.msk [tilespmem:v13+s14+$0x0], $0xffff  }
0x23e: {  	v17 =	vld.idx.msk [tilespmem:v14+s14+$0x0], $0xffff  }
0x23f: {  	v18 =	vld.idx.msk [tilespmem:v15+s14+$0x0], $0xffff  }
0x240: {  	v16 =	vld.idx.msk [tilespmem:v16+s14+$0x0], $0xffff  }
0x241: {  	v15 =	vld.idx.msk [tilespmem:v22+s14+$0x0], $0xffff  }
0x242: {  	s23 =	simm.s32 $0x0;
	s24 =	simm.s32 $0x12EC0;
	s22 =	simm.s32 $0x1AE40;
	v13 =	vadd.s32 v7, v19;
	v14 =	vadd.s32 v7, v21;
	v19 =	vld.idx.msk [tilespmem:v23+s14+$0x0], $0xffff  }
.LBB2_16:
0x243: {  	v21 =	vld [tilespmem:s24+$0x30];
	s23 =	sadd.s32 $0x8, s23;
	[tilespmem:s22+$0x30] =	vst v20  }
0x244: {  	v20 =	vld [tilespmem:s24+$0xFFFFFFD0];
	p5 =	slt.u32 s23, $0x3F8;
	[tilespmem:s22+$0xFFFFFFD0] =	vst v17  }
0x245: {  	v17 =	vld [tilespmem:s24+$0xFFFFFFE0];
	[tilespmem:s22+$0xFFFFFFE0] =	vst v18  }
0x246: {  	v18 =	vld [tilespmem:s24+$0xFFFFFFF0];
	[tilespmem:s22+$0xFFFFFFF0] =	vst v16  }
0x247: {  	v16 =	vld [tilespmem:s24+$0x0];
	[tilespmem:s22+$0x0] =	vst v15  }
0x248: {  	v15 =	vld [tilespmem:s24+$0x10];
	v21 =	vadd.s32 v7, v21;
	[tilespmem:s22+$0x10] =	vst v19  }
0x249: {  	v19 =	vadd.s32 v7, v20;
	v22 =	vld [tilespmem:s24+$0x20]  }
0x24a: {  	v23 =	vld [tilespmem:s24+$0xFFFFFFC0];
	v24 =	vadd.s32 v7, v17  }
0x24b: {  	v25 =	vadd.s32 v7, v18;
	v26 =	vld.idx.msk [tilespmem:v14+s14+$0x0], $0xffff  }
0x24c: {  	v27 =	vadd.s32 v7, v16;
	v28 =	vld.idx.msk [tilespmem:v13+s14+$0x0], $0xffff  }
0x24d: {  	v29 =	vadd.s32 v7, v15;
	v20 =	vld.idx.msk [tilespmem:v21+s14+$0x0], $0xffff  }
.Ltmp7:
0x24e: {  	v17 =	vld.idx.msk [tilespmem:v19+s14+$0x0], $0xffff;
	v13 =	vadd.s32 v7, v22;
	(pc) =	sbr.rel @p5 .LBB2_16-.Ltmp7, $4  }
0x24f: {  	v14 =	vadd.s32 v7, v23;
	v18 =	vld.idx.msk [tilespmem:v24+s14+$0x0], $0xffff  }
0x250: {  	v16 =	vld.idx.msk [tilespmem:v25+s14+$0x0], $0xffff  }
0x251: {  	v15 =	vld.idx.msk [tilespmem:v27+s14+$0x0], $0xffff;
	[tilespmem:s22+$0xFFFFFFC0] =	vst v26  }
0x252: {  	s24 =	sadd.s32 $0x80, s24;
	v19 =	vld.idx.msk [tilespmem:v29+s14+$0x0], $0xffff;
	[tilespmem:s22+$0x20] =	vst v28;
	s22 =	sadd.s32 $0x80, s22  }
0x253: {  	_ =	sdelay $0x2  }
0x254: {  	[tilespmem:s22+$0x30] =	vst v20  }
0x255: {  	[tilespmem:s22+$0xFFFFFFD0] =	vst v17;
	v14 =	vld.idx.msk [tilespmem:v14+s14+$0x0], $0xffff  }
0x256: {  	v13 =	vld.idx.msk [tilespmem:v13+s14+$0x0], $0xffff;
	[tilespmem:s22+$0xFFFFFFE0] =	vst v18  }
0x257: {  	[tilespmem:s22+$0xFFFFFFF0] =	vst v16  }
0x258: {  	[tilespmem:s22+$0x0] =	vst v15  }
0x259: {  	[tilespmem:s22+$0x10] =	vst v19  }
0x25a: {  	[tilespmem:s22+$0xFFFFFFC0] =	vst v14  }
0x25b: {  	[tilespmem:s22+$0x20] =	vst v13  }
0x25c: {  	[hbm4b:s3+s11] =	stream.strided.scatter [tilespmem:s18], [sflag:$0x4], $0x4000, s12, s11, $0x38;
	[tilespmem:$0x1EE00] =	vst v63  }
0x25d: {  	s23 =	simm.s32 @!p0 $0x400;
	s22 =	rddreg [dreg:$0x18]  }
0x25e: {  	[tilespmem:s14], [sflag:$0x2] =	stream.strided.gather [hbm4b:s22+s11], $0x9700, s12, s11, $0x38;
	[tilespmem:$0x1EE00] =	vst v63  }
0x25f: {  	s24 =	simm.s32 @!p0 $0x12E00;
	s25 =	rddreg [dreg:$0xc];
	s22 =	simm.s32 @!p0 $0x80  }
0x260: {  	[tilespmem:s24], [sflag:$0x5] =	stream.strided.gather @!p0 [hbm4b:s25+s22], $0x4000, s23, s22, $0x38;
	[tilespmem:$0x1EE00] =	vst v63  }
0x261: {  	s22 =	simm.s32 @!p0 $0x5  }
0x262: {  	_ =	swait.ge @!p0 [sflag:s22], $0x4000  }
0x263: {  	[sflag:s22] =	ssyncset.done @!p0 $0x0  }
0x264: {  	[sflag:s22] =	ssyncadd.s32 @!p0 $0xFFFFC000  }
0x265: {  	_ =	swait.ge [sflag:s15], $0x9700  }
0x266: {  	[sflag:s15] =	ssyncset.done $0x0  }
0x267: {  	[sflag:s15] =	ssyncadd.s32 $0xFFFF6900  }
0x268: {  	_ =	swait.ge [sflag:s19], $0x4000  }
0x269: {  	[sflag:s19] =	ssyncset.done $0x0  }
0x26a: {  	s25 =	simm.s32 $0x12E40;
	[sflag:s19] =	ssyncadd.s32 $0xFFFFC000  }
0x26b: {  	v13 =	vld [tilespmem:s25+$0x30]  }
0x26c: {  	v14 =	vld [tilespmem:s25+$0xFFFFFFD0]  }
0x26d: {  	v15 =	vld [tilespmem:s25+$0xFFFFFFE0]  }
0x26e: {  	v16 =	vld [tilespmem:s25+$0xFFFFFFF0]  }
0x26f: {  	v17 =	vld [tilespmem:s25+$0x0]  }
0x270: {  	v18 =	vld [tilespmem:s25+$0x10];
	v13 =	vadd.s32 v8, v13  }
0x271: {  	v14 =	vadd.s32 v8, v14  }
0x272: {  	v15 =	vadd.s32 v8, v15  }
0x273: {  	v19 =	vld [tilespmem:s25+$0x20];
	v16 =	vadd.s32 v8, v16  }
0x274: {  	v21 =	vld [tilespmem:s25+$0xFFFFFFC0];
	v22 =	vadd.s32 v8, v17  }
0x275: {  	v23 =	vadd.s32 v8, v18;
	v20 =	vld.idx.msk [tilespmem:v13+s9+$0x0], $0xffff  }
0x276: {  	v17 =	vld.idx.msk [tilespmem:v14+s9+$0x0], $0xffff  }
0x277: {  	v18 =	vld.idx.msk [tilespmem:v15+s9+$0x0], $0xffff  }
0x278: {  	v16 =	vld.idx.msk [tilespmem:v16+s9+$0x0], $0xffff  }
0x279: {  	v15 =	vld.idx.msk [tilespmem:v22+s9+$0x0], $0xffff  }
0x27a: {  	s23 =	simm.s32 $0x0;
	s24 =	simm.s32 $0x12EC0;
	s22 =	simm.s32 $0x16E40;
	v13 =	vadd.s32 v8, v19;
	v14 =	vadd.s32 v8, v21;
	v19 =	vld.idx.msk [tilespmem:v23+s9+$0x0], $0xffff  }
.LBB2_18:
0x27b: {  	v21 =	vld [tilespmem:s24+$0x30];
	s23 =	sadd.s32 $0x8, s23;
	[tilespmem:s22+$0x30] =	vst v20  }
0x27c: {  	v20 =	vld [tilespmem:s24+$0xFFFFFFD0];
	p5 =	slt.u32 s23, $0x3F8;
	[tilespmem:s22+$0xFFFFFFD0] =	vst v17  }
0x27d: {  	v17 =	vld [tilespmem:s24+$0xFFFFFFE0];
	[tilespmem:s22+$0xFFFFFFE0] =	vst v18  }
0x27e: {  	v18 =	vld [tilespmem:s24+$0xFFFFFFF0];
	[tilespmem:s22+$0xFFFFFFF0] =	vst v16  }
0x27f: {  	v16 =	vld [tilespmem:s24+$0x0];
	[tilespmem:s22+$0x0] =	vst v15  }
0x280: {  	v15 =	vld [tilespmem:s24+$0x10];
	v21 =	vadd.s32 v8, v21;
	[tilespmem:s22+$0x10] =	vst v19  }
0x281: {  	v19 =	vadd.s32 v8, v20;
	v22 =	vld [tilespmem:s24+$0x20]  }
0x282: {  	v23 =	vld [tilespmem:s24+$0xFFFFFFC0];
	v24 =	vadd.s32 v8, v17  }
0x283: {  	v25 =	vadd.s32 v8, v18;
	v26 =	vld.idx.msk [tilespmem:v14+s9+$0x0], $0xffff  }
0x284: {  	v27 =	vadd.s32 v8, v16;
	v28 =	vld.idx.msk [tilespmem:v13+s9+$0x0], $0xffff  }
0x285: {  	v29 =	vadd.s32 v8, v15;
	v20 =	vld.idx.msk [tilespmem:v21+s9+$0x0], $0xffff  }
.Ltmp8:
0x286: {  	v17 =	vld.idx.msk [tilespmem:v19+s9+$0x0], $0xffff;
	v13 =	vadd.s32 v8, v22;
	(pc) =	sbr.rel @p5 .LBB2_18-.Ltmp8, $4  }
0x287: {  	v14 =	vadd.s32 v8, v23;
	v18 =	vld.idx.msk [tilespmem:v24+s9+$0x0], $0xffff  }
0x288: {  	v16 =	vld.idx.msk [tilespmem:v25+s9+$0x0], $0xffff  }
0x289: {  	v15 =	vld.idx.msk [tilespmem:v27+s9+$0x0], $0xffff;
	[tilespmem:s22+$0xFFFFFFC0] =	vst v26  }
0x28a: {  	s24 =	sadd.s32 $0x80, s24;
	v19 =	vld.idx.msk [tilespmem:v29+s9+$0x0], $0xffff;
	[tilespmem:s22+$0x20] =	vst v28;
	s22 =	sadd.s32 $0x80, s22  }
0x28b: {  	_ =	sdelay $0x2  }
0x28c: {  	[tilespmem:s22+$0x30] =	vst v20  }
0x28d: {  	[tilespmem:s22+$0xFFFFFFD0] =	vst v17;
	v14 =	vld.idx.msk [tilespmem:v14+s9+$0x0], $0xffff  }
0x28e: {  	v13 =	vld.idx.msk [tilespmem:v13+s9+$0x0], $0xffff;
	[tilespmem:s22+$0xFFFFFFE0] =	vst v18  }
0x28f: {  	[tilespmem:s22+$0xFFFFFFF0] =	vst v16  }
0x290: {  	[tilespmem:s22+$0x0] =	vst v15  }
0x291: {  	[tilespmem:s22+$0x10] =	vst v19  }
0x292: {  	[tilespmem:s22+$0xFFFFFFC0] =	vst v14  }
0x293: {  	[tilespmem:s22+$0x20] =	vst v13  }
0x294: {  	[hbm4b:s4+s11] =	stream.strided.scatter [tilespmem:s16], [sflag:$0x3], $0x4000, s12, s11, $0x38;
	[tilespmem:$0x1EE00] =	vst v63  }
0x295: {  	s23 =	simm.s32 @!p1 $0x400;
	s22 =	rddreg [dreg:$0x19]  }
0x296: {  	[tilespmem:s9], [sflag:$0x1] =	stream.strided.gather [hbm4b:s22+s11], $0x9700, s12, s11, $0x38;
	[tilespmem:$0x1EE00] =	vst v63  }
0x297: {  	s24 =	simm.s32 @!p1 $0x12E00;
	s25 =	rddreg [dreg:$0xd];
	s22 =	simm.s32 @!p1 $0x80  }
0x298: {  	[tilespmem:s24], [sflag:$0x5] =	stream.strided.gather @!p1 [hbm4b:s25+s22], $0x4000, s23, s22, $0x38;
	[tilespmem:$0x1EE00] =	vst v63  }
0x299: {  	s22 =	simm.s32 @!p1 $0x5  }
0x29a: {  	_ =	swait.ge @!p1 [sflag:s22], $0x4000  }
0x29b: {  	[sflag:s22] =	ssyncset.done @!p1 $0x0  }
0x29c: {  	[sflag:s22] =	ssyncadd.s32 @!p1 $0xFFFFC000  }
0x29d: {  	_ =	swait.ge [sflag:s17], $0x9700  }
0x29e: {  	[sflag:s17] =	ssyncset.done $0x0  }
0x29f: {  	[sflag:s17] =	ssyncadd.s32 $0xFFFF6900  }
0x2a0: {  	_ =	swait.ge [sflag:s20], $0x4000  }
0x2a1: {  	[sflag:s20] =	ssyncset.done $0x0  }
0x2a2: {  	s25 =	simm.s32 $0x12E40;
	[sflag:s20] =	ssyncadd.s32 $0xFFFFC000  }
0x2a3: {  	v13 =	vld [tilespmem:s25+$0x30]  }
0x2a4: {  	v14 =	vld [tilespmem:s25+$0xFFFFFFD0]  }
0x2a5: {  	v15 =	vld [tilespmem:s25+$0xFFFFFFE0]  }
0x2a6: {  	v16 =	vld [tilespmem:s25+$0xFFFFFFF0]  }
0x2a7: {  	v17 =	vld [tilespmem:s25+$0x0]  }
0x2a8: {  	v18 =	vld [tilespmem:s25+$0x10];
	v13 =	vadd.s32 v9, v13  }
0x2a9: {  	v14 =	vadd.s32 v9, v14  }
0x2aa: {  	v15 =	vadd.s32 v9, v15  }
0x2ab: {  	v19 =	vld [tilespmem:s25+$0x20];
	v16 =	vadd.s32 v9, v16  }
0x2ac: {  	v21 =	vld [tilespmem:s25+$0xFFFFFFC0];
	v22 =	vadd.s32 v9, v17  }
0x2ad: {  	v23 =	vadd.s32 v9, v18;
	v20 =	vld.idx.msk [tilespmem:v13+s14+$0x0], $0xffff  }
0x2ae: {  	v17 =	vld.idx.msk [tilespmem:v14+s14+$0x0], $0xffff  }
0x2af: {  	v18 =	vld.idx.msk [tilespmem:v15+s14+$0x0], $0xffff  }
0x2b0: {  	v16 =	vld.idx.msk [tilespmem:v16+s14+$0x0], $0xffff  }
0x2b1: {  	v15 =	vld.idx.msk [tilespmem:v22+s14+$0x0], $0xffff  }
0x2b2: {  	s23 =	simm.s32 $0x0;
	s24 =	simm.s32 $0x12EC0;
	s22 =	simm.s32 $0x1AE40;
	v13 =	vadd.s32 v9, v19;
	v14 =	vadd.s32 v9, v21;
	v19 =	vld.idx.msk [tilespmem:v23+s14+$0x0], $0xffff  }
.LBB2_20:
0x2b3: {  	v21 =	vld [tilespmem:s24+$0x30];
	s23 =	sadd.s32 $0x8, s23;
	[tilespmem:s22+$0x30] =	vst v20  }
0x2b4: {  	v20 =	vld [tilespmem:s24+$0xFFFFFFD0];
	p5 =	slt.u32 s23, $0x3F8;
	[tilespmem:s22+$0xFFFFFFD0] =	vst v17  }
0x2b5: {  	v17 =	vld [tilespmem:s24+$0xFFFFFFE0];
	[tilespmem:s22+$0xFFFFFFE0] =	vst v18  }
0x2b6: {  	v18 =	vld [tilespmem:s24+$0xFFFFFFF0];
	[tilespmem:s22+$0xFFFFFFF0] =	vst v16  }
0x2b7: {  	v16 =	vld [tilespmem:s24+$0x0];
	[tilespmem:s22+$0x0] =	vst v15  }
0x2b8: {  	v15 =	vld [tilespmem:s24+$0x10];
	v21 =	vadd.s32 v9, v21;
	[tilespmem:s22+$0x10] =	vst v19  }
0x2b9: {  	v19 =	vadd.s32 v9, v20;
	v22 =	vld [tilespmem:s24+$0x20]  }
0x2ba: {  	v23 =	vld [tilespmem:s24+$0xFFFFFFC0];
	v24 =	vadd.s32 v9, v17  }
0x2bb: {  	v25 =	vadd.s32 v9, v18;
	v26 =	vld.idx.msk [tilespmem:v14+s14+$0x0], $0xffff  }
0x2bc: {  	v27 =	vadd.s32 v9, v16;
	v28 =	vld.idx.msk [tilespmem:v13+s14+$0x0], $0xffff  }
0x2bd: {  	v29 =	vadd.s32 v9, v15;
	v20 =	vld.idx.msk [tilespmem:v21+s14+$0x0], $0xffff  }
.Ltmp9:
0x2be: {  	v17 =	vld.idx.msk [tilespmem:v19+s14+$0x0], $0xffff;
	v13 =	vadd.s32 v9, v22;
	(pc) =	sbr.rel @p5 .LBB2_20-.Ltmp9, $4  }
0x2bf: {  	v14 =	vadd.s32 v9, v23;
	v18 =	vld.idx.msk [tilespmem:v24+s14+$0x0], $0xffff  }
0x2c0: {  	v16 =	vld.idx.msk [tilespmem:v25+s14+$0x0], $0xffff  }
0x2c1: {  	v15 =	vld.idx.msk [tilespmem:v27+s14+$0x0], $0xffff;
	[tilespmem:s22+$0xFFFFFFC0] =	vst v26  }
0x2c2: {  	s24 =	sadd.s32 $0x80, s24;
	v19 =	vld.idx.msk [tilespmem:v29+s14+$0x0], $0xffff;
	[tilespmem:s22+$0x20] =	vst v28;
	s22 =	sadd.s32 $0x80, s22  }
0x2c3: {  	_ =	sdelay $0x2  }
0x2c4: {  	[tilespmem:s22+$0x30] =	vst v20  }
0x2c5: {  	[tilespmem:s22+$0xFFFFFFD0] =	vst v17;
	v14 =	vld.idx.msk [tilespmem:v14+s14+$0x0], $0xffff  }
0x2c6: {  	v13 =	vld.idx.msk [tilespmem:v13+s14+$0x0], $0xffff;
	[tilespmem:s22+$0xFFFFFFE0] =	vst v18  }
0x2c7: {  	[tilespmem:s22+$0xFFFFFFF0] =	vst v16  }
0x2c8: {  	[tilespmem:s22+$0x0] =	vst v15  }
0x2c9: {  	[tilespmem:s22+$0x10] =	vst v19  }
0x2ca: {  	[tilespmem:s22+$0xFFFFFFC0] =	vst v14  }
0x2cb: {  	[tilespmem:s22+$0x20] =	vst v13  }
0x2cc: {  	[hbm4b:s5+s11] =	stream.strided.scatter [tilespmem:s18], [sflag:$0x4], $0x4000, s12, s11, $0x38;
	[tilespmem:$0x1EE00] =	vst v63  }
0x2cd: {  	s23 =	simm.s32 @!p2 $0x400;
	s22 =	rddreg [dreg:$0x1a]  }
0x2ce: {  	[tilespmem:s14], [sflag:$0x2] =	stream.strided.gather [hbm4b:s22+s11], $0x9700, s12, s11, $0x38;
	[tilespmem:$0x1EE00] =	vst v63  }
0x2cf: {  	s24 =	simm.s32 @!p2 $0x12E00;
	s25 =	rddreg [dreg:$0xe];
	s22 =	simm.s32 @!p2 $0x80  }
0x2d0: {  	[tilespmem:s24], [sflag:$0x5] =	stream.strided.gather @!p2 [hbm4b:s25+s22], $0x4000, s23, s22, $0x38;
	[tilespmem:$0x1EE00] =	vst v63  }
0x2d1: {  	s22 =	simm.s32 @!p2 $0x5  }
0x2d2: {  	_ =	swait.ge @!p2 [sflag:s22], $0x4000  }
0x2d3: {  	[sflag:s22] =	ssyncset.done @!p2 $0x0  }
0x2d4: {  	[sflag:s22] =	ssyncadd.s32 @!p2 $0xFFFFC000  }
0x2d5: {  	_ =	swait.ge [sflag:s15], $0x9700  }
0x2d6: {  	[sflag:s15] =	ssyncset.done $0x0  }
0x2d7: {  	[sflag:s15] =	ssyncadd.s32 $0xFFFF6900  }
0x2d8: {  	_ =	swait.ge [sflag:s19], $0x4000  }
0x2d9: {  	[sflag:s19] =	ssyncset.done $0x0  }
0x2da: {  	s25 =	simm.s32 $0x12E40;
	[sflag:s19] =	ssyncadd.s32 $0xFFFFC000  }
0x2db: {  	v13 =	vld [tilespmem:s25+$0x30]  }
0x2dc: {  	v14 =	vld [tilespmem:s25+$0xFFFFFFD0]  }
0x2dd: {  	v15 =	vld [tilespmem:s25+$0xFFFFFFE0]  }
0x2de: {  	v16 =	vld [tilespmem:s25+$0xFFFFFFF0]  }
0x2df: {  	v17 =	vld [tilespmem:s25+$0x0]  }
0x2e0: {  	v18 =	vld [tilespmem:s25+$0x10];
	v13 =	vadd.s32 v10, v13  }
0x2e1: {  	v14 =	vadd.s32 v10, v14  }
0x2e2: {  	v15 =	vadd.s32 v10, v15  }
0x2e3: {  	v19 =	vld [tilespmem:s25+$0x20];
	v16 =	vadd.s32 v10, v16  }
0x2e4: {  	v21 =	vld [tilespmem:s25+$0xFFFFFFC0];
	v22 =	vadd.s32 v10, v17  }
0x2e5: {  	v23 =	vadd.s32 v10, v18;
	v20 =	vld.idx.msk [tilespmem:v13+s9+$0x0], $0xffff  }
0x2e6: {  	v17 =	vld.idx.msk [tilespmem:v14+s9+$0x0], $0xffff  }
0x2e7: {  	v18 =	vld.idx.msk [tilespmem:v15+s9+$0x0], $0xffff  }
0x2e8: {  	v16 =	vld.idx.msk [tilespmem:v16+s9+$0x0], $0xffff  }
0x2e9: {  	v15 =	vld.idx.msk [tilespmem:v22+s9+$0x0], $0xffff  }
0x2ea: {  	s23 =	simm.s32 $0x0;
	s24 =	simm.s32 $0x12EC0;
	s22 =	simm.s32 $0x16E40;
	v13 =	vadd.s32 v10, v19;
	v14 =	vadd.s32 v10, v21;
	v19 =	vld.idx.msk [tilespmem:v23+s9+$0x0], $0xffff  }
.LBB2_22:
0x2eb: {  	v21 =	vld [tilespmem:s24+$0x30];
	s23 =	sadd.s32 $0x8, s23;
	[tilespmem:s22+$0x30] =	vst v20  }
0x2ec: {  	v20 =	vld [tilespmem:s24+$0xFFFFFFD0];
	p5 =	slt.u32 s23, $0x3F8;
	[tilespmem:s22+$0xFFFFFFD0] =	vst v17  }
0x2ed: {  	v17 =	vld [tilespmem:s24+$0xFFFFFFE0];
	[tilespmem:s22+$0xFFFFFFE0] =	vst v18  }
0x2ee: {  	v18 =	vld [tilespmem:s24+$0xFFFFFFF0];
	[tilespmem:s22+$0xFFFFFFF0] =	vst v16  }
0x2ef: {  	v16 =	vld [tilespmem:s24+$0x0];
	[tilespmem:s22+$0x0] =	vst v15  }
0x2f0: {  	v15 =	vld [tilespmem:s24+$0x10];
	v21 =	vadd.s32 v10, v21;
	[tilespmem:s22+$0x10] =	vst v19  }
0x2f1: {  	v19 =	vadd.s32 v10, v20;
	v22 =	vld [tilespmem:s24+$0x20]  }
0x2f2: {  	v23 =	vld [tilespmem:s24+$0xFFFFFFC0];
	v24 =	vadd.s32 v10, v17  }
0x2f3: {  	v25 =	vadd.s32 v10, v18;
	v26 =	vld.idx.msk [tilespmem:v14+s9+$0x0], $0xffff  }
0x2f4: {  	v27 =	vadd.s32 v10, v16;
	v28 =	vld.idx.msk [tilespmem:v13+s9+$0x0], $0xffff  }
0x2f5: {  	v29 =	vadd.s32 v10, v15;
	v20 =	vld.idx.msk [tilespmem:v21+s9+$0x0], $0xffff  }
.Ltmp10:
0x2f6: {  	v17 =	vld.idx.msk [tilespmem:v19+s9+$0x0], $0xffff;
	v13 =	vadd.s32 v10, v22;
	(pc) =	sbr.rel @p5 .LBB2_22-.Ltmp10, $4  }
0x2f7: {  	v14 =	vadd.s32 v10, v23;
	v18 =	vld.idx.msk [tilespmem:v24+s9+$0x0], $0xffff  }
0x2f8: {  	v16 =	vld.idx.msk [tilespmem:v25+s9+$0x0], $0xffff  }
0x2f9: {  	v15 =	vld.idx.msk [tilespmem:v27+s9+$0x0], $0xffff;
	[tilespmem:s22+$0xFFFFFFC0] =	vst v26  }
0x2fa: {  	s24 =	sadd.s32 $0x80, s24;
	v19 =	vld.idx.msk [tilespmem:v29+s9+$0x0], $0xffff;
	[tilespmem:s22+$0x20] =	vst v28;
	s22 =	sadd.s32 $0x80, s22  }
0x2fb: {  	_ =	sdelay $0x2  }
0x2fc: {  	[tilespmem:s22+$0x30] =	vst v20  }
0x2fd: {  	[tilespmem:s22+$0xFFFFFFD0] =	vst v17;
	v14 =	vld.idx.msk [tilespmem:v14+s9+$0x0], $0xffff  }
0x2fe: {  	v13 =	vld.idx.msk [tilespmem:v13+s9+$0x0], $0xffff;
	[tilespmem:s22+$0xFFFFFFE0] =	vst v18  }
0x2ff: {  	[tilespmem:s22+$0xFFFFFFF0] =	vst v16  }
0x300: {  	[tilespmem:s22+$0x0] =	vst v15  }
0x301: {  	[tilespmem:s22+$0x10] =	vst v19  }
0x302: {  	[tilespmem:s22+$0xFFFFFFC0] =	vst v14  }
0x303: {  	[tilespmem:s22+$0x20] =	vst v13  }
0x304: {  	[hbm4b:s6+s11] =	stream.strided.scatter [tilespmem:s16], [sflag:$0x3], $0x4000, s12, s11, $0x38;
	[tilespmem:$0x1EE00] =	vst v63  }
0x305: {  	s23 =	simm.s32 @!p3 $0x400;
	s22 =	rddreg [dreg:$0x1b]  }
0x306: {  	[tilespmem:s9], [sflag:$0x1] =	stream.strided.gather [hbm4b:s22+s11], $0x9700, s12, s11, $0x38;
	[tilespmem:$0x1EE00] =	vst v63  }
0x307: {  	s24 =	simm.s32 @!p3 $0x12E00;
	s25 =	rddreg [dreg:$0x1c];
	s22 =	simm.s32 @!p3 $0x80  }
0x308: {  	[tilespmem:s24], [sflag:$0x5] =	stream.strided.gather @!p3 [hbm4b:s25+s22], $0x4000, s23, s22, $0x38;
	[tilespmem:$0x1EE00] =	vst v63  }
0x309: {  	s22 =	simm.s32 @!p3 $0x5  }
0x30a: {  	_ =	swait.ge @!p3 [sflag:s22], $0x4000  }
0x30b: {  	[sflag:s22] =	ssyncset.done @!p3 $0x0  }
0x30c: {  	[sflag:s22] =	ssyncadd.s32 @!p3 $0xFFFFC000  }
0x30d: {  	_ =	swait.ge [sflag:s17], $0x9700  }
0x30e: {  	[sflag:s17] =	ssyncset.done $0x0  }
0x30f: {  	[sflag:s17] =	ssyncadd.s32 $0xFFFF6900  }
0x310: {  	_ =	swait.ge [sflag:s20], $0x4000  }
0x311: {  	[sflag:s20] =	ssyncset.done $0x0  }
0x312: {  	s25 =	simm.s32 $0x12E40;
	[sflag:s20] =	ssyncadd.s32 $0xFFFFC000  }
0x313: {  	v13 =	vld [tilespmem:s25+$0x30]  }
0x314: {  	v14 =	vld [tilespmem:s25+$0xFFFFFFD0]  }
0x315: {  	v15 =	vld [tilespmem:s25+$0xFFFFFFE0]  }
0x316: {  	v16 =	vld [tilespmem:s25+$0xFFFFFFF0]  }
0x317: {  	v17 =	vld [tilespmem:s25+$0x0]  }
0x318: {  	v18 =	vld [tilespmem:s25+$0x10];
	v13 =	vadd.s32 v11, v13  }
0x319: {  	v14 =	vadd.s32 v11, v14  }
0x31a: {  	v15 =	vadd.s32 v11, v15  }
0x31b: {  	v19 =	vld [tilespmem:s25+$0x20];
	v16 =	vadd.s32 v11, v16  }
0x31c: {  	v21 =	vld [tilespmem:s25+$0xFFFFFFC0];
	v22 =	vadd.s32 v11, v17  }
0x31d: {  	v23 =	vadd.s32 v11, v18;
	v20 =	vld.idx.msk [tilespmem:v13+s14+$0x0], $0xffff  }
0x31e: {  	v17 =	vld.idx.msk [tilespmem:v14+s14+$0x0], $0xffff  }
0x31f: {  	v18 =	vld.idx.msk [tilespmem:v15+s14+$0x0], $0xffff  }
0x320: {  	v16 =	vld.idx.msk [tilespmem:v16+s14+$0x0], $0xffff  }
0x321: {  	v15 =	vld.idx.msk [tilespmem:v22+s14+$0x0], $0xffff  }
0x322: {  	s23 =	simm.s32 $0x0;
	s24 =	simm.s32 $0x12EC0;
	s22 =	simm.s32 $0x1AE40;
	v13 =	vadd.s32 v11, v19;
	v14 =	vadd.s32 v11, v21;
	v19 =	vld.idx.msk [tilespmem:v23+s14+$0x0], $0xffff  }
.LBB2_24:
0x323: {  	v21 =	vld [tilespmem:s24+$0x30];
	s23 =	sadd.s32 $0x8, s23;
	[tilespmem:s22+$0x30] =	vst v20  }
0x324: {  	v20 =	vld [tilespmem:s24+$0xFFFFFFD0];
	p5 =	slt.u32 s23, $0x3F8;
	[tilespmem:s22+$0xFFFFFFD0] =	vst v17  }
0x325: {  	v17 =	vld [tilespmem:s24+$0xFFFFFFE0];
	[tilespmem:s22+$0xFFFFFFE0] =	vst v18  }
0x326: {  	v18 =	vld [tilespmem:s24+$0xFFFFFFF0];
	[tilespmem:s22+$0xFFFFFFF0] =	vst v16  }
0x327: {  	v16 =	vld [tilespmem:s24+$0x0];
	[tilespmem:s22+$0x0] =	vst v15  }
0x328: {  	v15 =	vld [tilespmem:s24+$0x10];
	v21 =	vadd.s32 v11, v21;
	[tilespmem:s22+$0x10] =	vst v19  }
0x329: {  	v19 =	vadd.s32 v11, v20;
	v22 =	vld [tilespmem:s24+$0x20]  }
0x32a: {  	v23 =	vld [tilespmem:s24+$0xFFFFFFC0];
	v24 =	vadd.s32 v11, v17  }
0x32b: {  	v25 =	vadd.s32 v11, v18;
	v26 =	vld.idx.msk [tilespmem:v14+s14+$0x0], $0xffff  }
0x32c: {  	v27 =	vadd.s32 v11, v16;
	v28 =	vld.idx.msk [tilespmem:v13+s14+$0x0], $0xffff  }
0x32d: {  	v29 =	vadd.s32 v11, v15;
	v20 =	vld.idx.msk [tilespmem:v21+s14+$0x0], $0xffff  }
.Ltmp11:
0x32e: {  	v17 =	vld.idx.msk [tilespmem:v19+s14+$0x0], $0xffff;
	v13 =	vadd.s32 v11, v22;
	(pc) =	sbr.rel @p5 .LBB2_24-.Ltmp11, $4  }
0x32f: {  	v14 =	vadd.s32 v11, v23;
	v18 =	vld.idx.msk [tilespmem:v24+s14+$0x0], $0xffff  }
0x330: {  	v16 =	vld.idx.msk [tilespmem:v25+s14+$0x0], $0xffff  }
0x331: {  	v15 =	vld.idx.msk [tilespmem:v27+s14+$0x0], $0xffff;
	[tilespmem:s22+$0xFFFFFFC0] =	vst v26  }
0x332: {  	s24 =	sadd.s32 $0x80, s24;
	v19 =	vld.idx.msk [tilespmem:v29+s14+$0x0], $0xffff;
	[tilespmem:s22+$0x20] =	vst v28;
	s22 =	sadd.s32 $0x80, s22  }
0x333: {  	_ =	sdelay $0x2  }
0x334: {  	[tilespmem:s22+$0x30] =	vst v20  }
0x335: {  	[tilespmem:s22+$0xFFFFFFD0] =	vst v17;
	v14 =	vld.idx.msk [tilespmem:v14+s14+$0x0], $0xffff  }
0x336: {  	v13 =	vld.idx.msk [tilespmem:v13+s14+$0x0], $0xffff;
	[tilespmem:s22+$0xFFFFFFE0] =	vst v18  }
0x337: {  	[tilespmem:s22+$0xFFFFFFF0] =	vst v16  }
0x338: {  	[tilespmem:s22+$0x0] =	vst v15  }
0x339: {  	[tilespmem:s22+$0x10] =	vst v19  }
0x33a: {  	[tilespmem:s22+$0xFFFFFFC0] =	vst v14  }
0x33b: {  	[tilespmem:s22+$0x20] =	vst v13  }
0x33c: {  	[hbm4b:s7+s11] =	stream.strided.scatter [tilespmem:s18], [sflag:$0x4], $0x4000, s12, s11, $0x38;
	[tilespmem:$0x1EE00] =	vst v63  }
0x33d: {  	s23 =	simm.s32 @!p4 $0x400;
	s24 =	simm.s32 @!p4 $0x12E00;
	s22 =	simm.s32 @!p4 $0x80  }
0x33e: {  	[tilespmem:s24], [sflag:$0x5] =	stream.strided.gather @!p4 [hbm4b:s26+s22], $0x4000, s23, s22, $0x38;
	[tilespmem:$0x1EE00] =	vst v63  }
0x33f: {  	s22 =	simm.s32 @!p4 $0x5  }
0x340: {  	_ =	swait.ge @!p4 [sflag:s22], $0x4000  }
0x341: {  	[sflag:s22] =	ssyncset.done @!p4 $0x0  }
0x342: {  	[sflag:s22] =	ssyncadd.s32 @!p4 $0xFFFFC000  }
0x343: {  	_ =	swait.ge [sflag:s15], $0x9700  }
0x344: {  	[sflag:s15] =	ssyncset.done $0x0  }
0x345: {  	[sflag:s15] =	ssyncadd.s32 $0xFFFF6900  }
0x346: {  	_ =	swait.ge [sflag:s19], $0x4000  }
0x347: {  	[sflag:s19] =	ssyncset.done $0x0  }
0x348: {  	s25 =	simm.s32 $0x12E40;
	[sflag:s19] =	ssyncadd.s32 $0xFFFFC000  }
0x349: {  	v13 =	vld [tilespmem:s25+$0x30]  }
0x34a: {  	v14 =	vld [tilespmem:s25+$0xFFFFFFD0]  }
0x34b: {  	v15 =	vld [tilespmem:s25+$0xFFFFFFE0]  }
0x34c: {  	v16 =	vld [tilespmem:s25+$0xFFFFFFF0]  }
0x34d: {  	v17 =	vld [tilespmem:s25+$0x0]  }
0x34e: {  	v18 =	vld [tilespmem:s25+$0x10];
	v13 =	vadd.s32 v12, v13  }
0x34f: {  	v14 =	vadd.s32 v12, v14  }
0x350: {  	v15 =	vadd.s32 v12, v15  }
0x351: {  	v19 =	vld [tilespmem:s25+$0x20];
	v16 =	vadd.s32 v12, v16  }
0x352: {  	v21 =	vld [tilespmem:s25+$0xFFFFFFC0];
	v22 =	vadd.s32 v12, v17  }
0x353: {  	v23 =	vadd.s32 v12, v18;
	v20 =	vld.idx.msk [tilespmem:v13+s9+$0x0], $0xffff  }
0x354: {  	v17 =	vld.idx.msk [tilespmem:v14+s9+$0x0], $0xffff  }
0x355: {  	v18 =	vld.idx.msk [tilespmem:v15+s9+$0x0], $0xffff  }
0x356: {  	v16 =	vld.idx.msk [tilespmem:v16+s9+$0x0], $0xffff  }
0x357: {  	v15 =	vld.idx.msk [tilespmem:v22+s9+$0x0], $0xffff  }
0x358: {  	s23 =	simm.s32 $0x0;
	s24 =	simm.s32 $0x12EC0;
	s22 =	simm.s32 $0x16E40;
	v13 =	vadd.s32 v12, v19;
	v14 =	vadd.s32 v12, v21;
	v19 =	vld.idx.msk [tilespmem:v23+s9+$0x0], $0xffff  }
.LBB2_26:
0x359: {  	v21 =	vld [tilespmem:s24+$0x30];
	s23 =	sadd.s32 $0x8, s23;
	[tilespmem:s22+$0x30] =	vst v20  }
0x35a: {  	v20 =	vld [tilespmem:s24+$0xFFFFFFD0];
	p5 =	slt.u32 s23, $0x3F8;
	[tilespmem:s22+$0xFFFFFFD0] =	vst v17  }
0x35b: {  	v17 =	vld [tilespmem:s24+$0xFFFFFFE0];
	[tilespmem:s22+$0xFFFFFFE0] =	vst v18  }
0x35c: {  	v18 =	vld [tilespmem:s24+$0xFFFFFFF0];
	[tilespmem:s22+$0xFFFFFFF0] =	vst v16  }
0x35d: {  	v16 =	vld [tilespmem:s24+$0x0];
	[tilespmem:s22+$0x0] =	vst v15  }
0x35e: {  	v15 =	vld [tilespmem:s24+$0x10];
	v21 =	vadd.s32 v12, v21;
	[tilespmem:s22+$0x10] =	vst v19  }
0x35f: {  	v19 =	vadd.s32 v12, v20;
	v22 =	vld [tilespmem:s24+$0x20]  }
0x360: {  	v23 =	vld [tilespmem:s24+$0xFFFFFFC0];
	v24 =	vadd.s32 v12, v17  }
0x361: {  	v25 =	vadd.s32 v12, v18;
	v26 =	vld.idx.msk [tilespmem:v14+s9+$0x0], $0xffff  }
0x362: {  	v27 =	vadd.s32 v12, v16;
	v28 =	vld.idx.msk [tilespmem:v13+s9+$0x0], $0xffff  }
0x363: {  	v29 =	vadd.s32 v12, v15;
	v20 =	vld.idx.msk [tilespmem:v21+s9+$0x0], $0xffff  }
.Ltmp12:
0x364: {  	v17 =	vld.idx.msk [tilespmem:v19+s9+$0x0], $0xffff;
	v13 =	vadd.s32 v12, v22;
	(pc) =	sbr.rel @p5 .LBB2_26-.Ltmp12, $4  }
0x365: {  	v14 =	vadd.s32 v12, v23;
	v18 =	vld.idx.msk [tilespmem:v24+s9+$0x0], $0xffff  }
0x366: {  	v16 =	vld.idx.msk [tilespmem:v25+s9+$0x0], $0xffff  }
0x367: {  	v15 =	vld.idx.msk [tilespmem:v27+s9+$0x0], $0xffff;
	[tilespmem:s22+$0xFFFFFFC0] =	vst v26  }
0x368: {  	s24 =	sadd.s32 $0x80, s24;
	v19 =	vld.idx.msk [tilespmem:v29+s9+$0x0], $0xffff;
	[tilespmem:s22+$0x20] =	vst v28;
	s22 =	sadd.s32 $0x80, s22  }
0x369: {  	_ =	sdelay $0x2  }
0x36a: {  	[tilespmem:s22+$0x30] =	vst v20  }
0x36b: {  	[tilespmem:s22+$0xFFFFFFD0] =	vst v17;
	v14 =	vld.idx.msk [tilespmem:v14+s9+$0x0], $0xffff  }
0x36c: {  	v13 =	vld.idx.msk [tilespmem:v13+s9+$0x0], $0xffff;
	[tilespmem:s22+$0xFFFFFFE0] =	vst v18  }
0x36d: {  	[tilespmem:s22+$0xFFFFFFF0] =	vst v16  }
0x36e: {  	[tilespmem:s22+$0x0] =	vst v15  }
0x36f: {  	[tilespmem:s22+$0x10] =	vst v19  }
0x370: {  	[tilespmem:s22+$0xFFFFFFC0] =	vst v14  }
0x371: {  	s21 =	sadd.s32 $0x1, s21;
	[tilespmem:s22+$0x20] =	vst v13  }
0x372: {  	[hbm4b:s8+s11] =	stream.strided.scatter [tilespmem:s16], [sflag:$0x3], $0x4000, s12, s11, $0x38;
	[tilespmem:$0x1EE00] =	vst v63  }
0x373: {  	p5 =	sne.s32 s21, s10;
	_ =	swait.ge [sflag:s20], $0x4000  }
.Ltmp13:
0x374: {  	[sflag:s20] =	ssyncset.done $0x0;
	(pc) =	sbr.rel @p5 .LBB2_1-.Ltmp13, $4  }
0x375: {  	[sflag:s20] =	ssyncadd.s32 $0xFFFFC000  }
0x376: {  	_ =	swait.ge [sflag:s19], $0x4000  }
0x377: {  	[sflag:s19] =	ssyncset.done $0x0  }
0x378: {  	[sflag:s19] =	ssyncadd.s32 $0xFFFFC000  }
0x379: {  	_ =	sfence.sel $0x180000  }
0x37a: {  	[bflag:$0x0] =	sbarrier.arrive $0xFFFF  }
0x37b: {  	_ =	strace $0x90000047  }
0x37c: {  	s0 =	stileid.u32;
	[bflag:$0x2] =	sbarrier.arrive $0xFFFF  }
0x37d: {  	p0 =	sne.s32 s0, $0x0;
	s0 =	rddreg [dreg:$0x3]  }
0x37e: {  	s0 =	sadd.s32 @!p0 $0x100000, s0  }
0x37f: {  	[sflag:s0] =	ssyncadd.tile.s32 @!p0 $0x1;
	_ =	shalt  }
.Lfunc_end2:
_tile_overlayer_lowered:
.L_overlay_start_2:
0x380: {  	(tag) =	ssettag $0x2  }
0x381: {  	s0 =	rddreg [dreg:$0x0];
	s2 =	stileid.u32  }
0x382: {  	s1 =	rddreg [dreg:$0x1];
	p0 =	sne.s32 s2, $0x0  }
0x383: {  	s3 =	rddreg [dreg:$0x2];
	[bflag:$0x3] =	sbarrier.arrive $0xFFFF;
	s2 =	simm.s32 @!p0 $0x1C05  }
0x384: {  	[timem:s3], [sflag:s2] =	dma.local @!p0 [hbm:s0], s1  }
0x385: {  	s0 =	simm.s32 @!p0 $0x5  }
0x386: {  	_ =	swait.ge @!p0 [sflag:s0], s1  }
0x387: {  	s1 =	ssub.s32 @!p0 $0x0, s1;
	[sflag:s0] =	ssyncset.done @!p0 $0x0  }
0x388: {  	[sflag:s0] =	ssyncadd.s32 @!p0 s1  }
0x389: {  	[bflag:$0x3] =	sbarrier.arrive $0xFFFF  }
0x38a: {  	_ =	shalt  }

</sc_bundles>
